<compile_context>
chip_gen: v7x
topology: tpu7x:2x2x1
jax: 0.10.2.dev20260603
libtpu: 0.0.44.dev20260713+nightly
codegen_flags: <defaults>
</compile_context>

<pallas_src>
import functools
import jax
import jax.numpy as jnp
from jax import lax
from jax.experimental import pallas as pl
from jax.experimental.pallas import tpu as pltpu
from jax.experimental.pallas import tpu_sc as plsc

_B, _T, _D = 4, 2048, 4096
_NC, _NS = 2, 16
_NW = _NC * _NS
_ROWS_W = _T // _NW
_CS = 1
_NCH = _ROWS_W // _CS
_L = 16
_K = 6
_PF = 5

_mesh = plsc.VectorSubcoreMesh(core_axis_name="c", subcore_axis_name="s")


@functools.partial(
    pl.kernel,
    out_type=jax.ShapeDtypeStruct((_B, _T, _D), jnp.float32),
    mesh=_mesh,
    scratch_types=[
        pltpu.VMEM((_K, _CS, _D), jnp.float32),
        pltpu.VMEM((_K, _B, _CS, _D), jnp.float32),
    ] + [pltpu.SemaphoreType.DMA] * (2 * _K),
)
def _sc_add(x_hbm, pe_hbm, out_hbm, pe_v, x_v, *sems):
    sin = sems[:_K]
    sout = sems[_K:]
    wid = lax.axis_index("s") * _NC + lax.axis_index("c")
    base = wid * _ROWS_W

    def fire_in(c, k):
        row0 = base + c * _CS
        pltpu.async_copy(pe_hbm.at[pl.ds(row0, _CS)], pe_v.at[k], sin[k])
        pltpu.async_copy(x_hbm.at[:, pl.ds(row0, _CS)], x_v.at[k], sin[k])

    def wait_in(k):
        pltpu.make_async_copy(pe_hbm.at[pl.ds(0, _CS)], pe_v.at[k],
                              sin[k]).wait()
        pltpu.make_async_copy(x_hbm.at[:, pl.ds(0, _CS)], x_v.at[k],
                              sin[k]).wait()

    def fire_out(c, k):
        row0 = base + c * _CS
        pltpu.async_copy(x_v.at[k], out_hbm.at[:, pl.ds(row0, _CS)], sout[k])

    def wait_out(k):
        pltpu.make_async_copy(x_v.at[k], out_hbm.at[:, pl.ds(0, _CS)],
                              sout[k]).wait()

    def compute(k):
        for r in range(_CS):
            @plsc.parallel_loop(0, _D // _L, unroll=16)
            def _(i, r=r, k=k):
                sl = pl.ds(i * _L, _L)
                pv = pe_v[k, r, sl]
                for b in range(_B):
                    x_v[k, b, r, sl] = x_v[k, b, r, sl] + pv

    for c0 in range(_PF):
        fire_in(c0, c0 % _K)

    @pl.loop(0, _NCH)
    def _(c):
        k = lax.rem(c, _K)
        kp = lax.rem(c + _PF, _K)
        for kk in range(_K):
            @pl.when(k == kk)
            def _(kk=kk):
                wait_in(kk)

        @pl.when(c + _PF < _NCH)
        def _():
            for kk in range(_K):
                @pl.when(kp == kk)
                def _(kk=kk):
                    @pl.when(c + _PF >= _K)
                    def _():
                        wait_out(kk)
                    fire_in(c + _PF, kk)

        for kk in range(_K):
            @pl.when(k == kk)
            def _(kk=kk):
                compute(kk)
                fire_out(c, kk)

    for kk in range(_K):
        wait_out(kk)


def kernel(x, pe):
    B, T, D = x.shape
    return _sc_add(x, pe[:T])

# --- scband reference (transcript-rebuilt; emitter-appended) ---
"""Pipeline reference for scband-relative-positional-encoding-3212635538162 (READ-ONLY COPY).

The authoritative reference and input builder live on the scoring server;
editing this copy changes nothing except your own understanding.
"""

import jax, jax.numpy as jnp
import numpy as np

D_MODEL = 4096
MAX_LEN = 2048
BATCH = 4
SEQ = 2048

def setup_inputs(seed: int = 0) -> dict:
    key = jax.random.key(seed)
    k1, k2 = jax.random.split(key)
    x = jax.random.normal(k1, (BATCH, SEQ, D_MODEL), dtype=jnp.float32)
    # learned positional embedding table, nn.Embedding default init ~ N(0,1)
    pe = jax.random.normal(k2, (MAX_LEN, D_MODEL), dtype=jnp.float32)
    return {"x": x, "pe": pe}

def reference(x, pe):
    T = x.shape[1]
    positions = jnp.arange(T)
    pos_emb = jnp.take(pe, positions, axis=0)  # [T, d_model]
    return x + pos_emb[None, :, :]

if __name__ == "__main__":
    import jax
    _d = setup_inputs()
    print(jax.jit(kernel)(*tuple(_d.values())))

</pallas_src>

<mosaic_0001>
#map = affine_map<(d0, d1) -> (0, 0, 0)>
#map1 = affine_map<(d0, d1) -> (0, 0)>
module attributes {stable_mosaic.version = 14 : i64} {
  func.func @_sc_add(%arg0: i32, %arg1: i32, %arg2: memref<4x2048x4096xf32, #tpu.memory_space<hbm>>, %arg3: memref<2048x4096xf32, #tpu.memory_space<hbm>>, %arg4: memref<4x2048x4096xf32, #tpu.memory_space<hbm>>, %arg5: memref<6x1x4096xf32, #tpu.memory_space<vmem>>, %arg6: memref<6x4x1x4096xf32, #tpu.memory_space<vmem>>, %arg7: memref<!tpu.dma_semaphore, #tpu.memory_space<semaphore_mem>>, %arg8: memref<!tpu.dma_semaphore, #tpu.memory_space<semaphore_mem>>, %arg9: memref<!tpu.dma_semaphore, #tpu.memory_space<semaphore_mem>>, %arg10: memref<!tpu.dma_semaphore, #tpu.memory_space<semaphore_mem>>, %arg11: memref<!tpu.dma_semaphore, #tpu.memory_space<semaphore_mem>>, %arg12: memref<!tpu.dma_semaphore, #tpu.memory_space<semaphore_mem>>, %arg13: memref<!tpu.dma_semaphore, #tpu.memory_space<semaphore_mem>>, %arg14: memref<!tpu.dma_semaphore, #tpu.memory_space<semaphore_mem>>, %arg15: memref<!tpu.dma_semaphore, #tpu.memory_space<semaphore_mem>>, %arg16: memref<!tpu.dma_semaphore, #tpu.memory_space<semaphore_mem>>, %arg17: memref<!tpu.dma_semaphore, #tpu.memory_space<semaphore_mem>>, %arg18: memref<!tpu.dma_semaphore, #tpu.memory_space<semaphore_mem>>) attributes {dimension_semantics = [#tpu.dimension_semantics<core_parallel>, #tpu.dimension_semantics<subcore_parallel>], iteration_bounds = array<i64: 2, 16>, scalar_prefetch = 0 : i64, scratch_operands = 14 : i64, tpu.core_type = #tpu.core_type<sc_vector_subcore>, window_params = [{transform_indices = #map}, {transform_indices = #map1}, {transform_indices = #map}]} {
    %mul3A = arith.constant 2 : i32
    %mul3A_0 = arith.muli %arg1, %mul3A : i32
    %add3A = arith.addi %mul3A_0, %arg0 : i32
    %mul3A_1 = arith.constant 64 : i32
    %mul3A_2 = arith.muli %add3A, %mul3A_1 : i32
    %add3A_3 = arith.constant 0 : i32
    %add3A_4 = arith.addi %mul3A_2, %add3A_3 : i32
    %dma_start3A = arith.constant 0 : i32
    %dma_start3A_5 = arith.constant 0 : i32
    %dma_start3A_6 = arith.constant 0 : i32
    %dma_start3A_7 = tpu.memref_slice %arg5[%dma_start3A, %dma_start3A_5, %dma_start3A_6] : memref<6x1x4096xf32, #tpu.memory_space<vmem>> -> memref<1x1x4096xf32, #tpu.memory_space<vmem>>
    %dma_start3A_8 = tpu.memref_squeeze %dma_start3A_7 : memref<1x1x4096xf32, #tpu.memory_space<vmem>> -> memref<1x4096xf32, #tpu.memory_space<vmem>>
    %dma_start3A_9 = arith.constant 0 : i32
    %dma_start3A_10 = tpu.memref_slice %arg3[%add3A_4, %dma_start3A_9] : memref<2048x4096xf32, #tpu.memory_space<hbm>> -> memref<1x4096xf32, #tpu.memory_space<hbm>>
    %dma_start3A_11 = arith.constant 0 : i32
    %dma_start3A_12 = arith.constant 0 : i32
    %dma_start3A_13 = tpu.memref_slice %arg5[%dma_start3A, %dma_start3A_11, %dma_start3A_12] : memref<6x1x4096xf32, #tpu.memory_space<vmem>> -> memref<1x1x4096xf32, #tpu.memory_space<vmem>>
    %dma_start3A_14 = tpu.memref_squeeze %dma_start3A_13 : memref<1x1x4096xf32, #tpu.memory_space<vmem>> -> memref<1x4096xf32, #tpu.memory_space<vmem>>
    %dma_start3A_15 = arith.constant 0 : i32
    %dma_start3A_16 = tpu.memref_slice %arg3[%add3A_4, %dma_start3A_15] : memref<2048x4096xf32, #tpu.memory_space<hbm>> -> memref<1x4096xf32, #tpu.memory_space<hbm>>
    tpu.enqueue_dma source(%dma_start3A_16 : memref<1x4096xf32, #tpu.memory_space<hbm>>) target(%dma_start3A_14 : memref<1x4096xf32, #tpu.memory_space<vmem>>) target_semaphore(%arg7 : memref<!tpu.dma_semaphore, #tpu.memory_space<semaphore_mem>>)
    %dma_start3A_17 = arith.constant 0 : i32
    %dma_start3A_18 = arith.constant 0 : i32
    %dma_start3A_19 = arith.constant 0 : i32
    %dma_start3A_20 = arith.constant 0 : i32
    %dma_start3A_21 = tpu.memref_slice %arg6[%dma_start3A_17, %dma_start3A_18, %dma_start3A_19, %dma_start3A_20] : memref<6x4x1x4096xf32, #tpu.memory_space<vmem>> -> memref<1x4x1x4096xf32, #tpu.memory_space<vmem>>
    %dma_start3A_22 = tpu.memref_squeeze %dma_start3A_21 : memref<1x4x1x4096xf32, #tpu.memory_space<vmem>> -> memref<4x1x4096xf32, #tpu.memory_space<vmem>>
    %dma_start3A_23 = arith.constant 0 : i32
    %dma_start3A_24 = arith.constant 0 : i32
    %dma_start3A_25 = tpu.memref_slice %arg2[%dma_start3A_23, %add3A_4, %dma_start3A_24] : memref<4x2048x4096xf32, #tpu.memory_space<hbm>> -> memref<4x1x4096xf32, #tpu.memory_space<hbm>>
    %dma_start3A_26 = arith.constant 0 : i32
    %dma_start3A_27 = arith.constant 0 : i32
    %dma_start3A_28 = arith.constant 0 : i32
    %dma_start3A_29 = tpu.memref_slice %arg6[%dma_start3A_17, %dma_start3A_26, %dma_start3A_27, %dma_start3A_28] : memref<6x4x1x4096xf32, #tpu.memory_space<vmem>> -> memref<1x4x1x4096xf32, #tpu.memory_space<vmem>>
    %dma_start3A_30 = tpu.memref_squeeze %dma_start3A_29 : memref<1x4x1x4096xf32, #tpu.memory_space<vmem>> -> memref<4x1x4096xf32, #tpu.memory_space<vmem>>
    %dma_start3A_31 = arith.constant 0 : i32
    %dma_start3A_32 = arith.constant 0 : i32
    %dma_start3A_33 = tpu.memref_slice %arg2[%dma_start3A_31, %add3A_4, %dma_start3A_32] : memref<4x2048x4096xf32, #tpu.memory_space<hbm>> -> memref<4x1x4096xf32, #tpu.memory_space<hbm>>
    tpu.enqueue_dma source(%dma_start3A_33 : memref<4x1x4096xf32, #tpu.memory_space<hbm>>) target(%dma_start3A_30 : memref<4x1x4096xf32, #tpu.memory_space<vmem>>) target_semaphore(%arg7 : memref<!tpu.dma_semaphore, #tpu.memory_space<semaphore_mem>>)
    %add3A_34 = arith.constant 1 : i32
    %add3A_35 = arith.addi %mul3A_2, %add3A_34 : i32
    %dma_start3A_36 = arith.constant 1 : i32
    %dma_start3A_37 = arith.constant 0 : i32
    %dma_start3A_38 = arith.constant 0 : i32
    %dma_start3A_39 = tpu.memref_slice %arg5[%dma_start3A_36, %dma_start3A_37, %dma_start3A_38] : memref<6x1x4096xf32, #tpu.memory_space<vmem>> -> memref<1x1x4096xf32, #tpu.memory_space<vmem>>
    %dma_start3A_40 = tpu.memref_squeeze %dma_start3A_39 : memref<1x1x4096xf32, #tpu.memory_space<vmem>> -> memref<1x4096xf32, #tpu.memory_space<vmem>>
    %dma_start3A_41 = arith.constant 0 : i32
    %dma_start3A_42 = tpu.memref_slice %arg3[%add3A_35, %dma_start3A_41] : memref<2048x4096xf32, #tpu.memory_space<hbm>> -> memref<1x4096xf32, #tpu.memory_space<hbm>>
    %dma_start3A_43 = arith.constant 0 : i32
    %dma_start3A_44 = arith.constant 0 : i32
    %dma_start3A_45 = tpu.memref_slice %arg5[%dma_start3A_36, %dma_start3A_43, %dma_start3A_44] : memref<6x1x4096xf32, #tpu.memory_space<vmem>> -> memref<1x1x4096xf32, #tpu.memory_space<vmem>>
    %dma_start3A_46 = tpu.memref_squeeze %dma_start3A_45 : memref<1x1x4096xf32, #tpu.memory_space<vmem>> -> memref<1x4096xf32, #tpu.memory_space<vmem>>
    %dma_start3A_47 = arith.constant 0 : i32
    %dma_start3A_48 = tpu.memref_slice %arg3[%add3A_35, %dma_start3A_47] : memref<2048x4096xf32, #tpu.memory_space<hbm>> -> memref<1x4096xf32, #tpu.memory_space<hbm>>
    tpu.enqueue_dma source(%dma_start3A_48 : memref<1x4096xf32, #tpu.memory_space<hbm>>) target(%dma_start3A_46 : memref<1x4096xf32, #tpu.memory_space<vmem>>) target_semaphore(%arg8 : memref<!tpu.dma_semaphore, #tpu.memory_space<semaphore_mem>>)
    %dma_start3A_49 = arith.constant 1 : i32
    %dma_start3A_50 = arith.constant 0 : i32
    %dma_start3A_51 = arith.constant 0 : i32
    %dma_start3A_52 = arith.constant 0 : i32
    %dma_start3A_53 = tpu.memref_slice %arg6[%dma_start3A_49, %dma_start3A_50, %dma_start3A_51, %dma_start3A_52] : memref<6x4x1x4096xf32, #tpu.memory_space<vmem>> -> memref<1x4x1x4096xf32, #tpu.memory_space<vmem>>
    %dma_start3A_54 = tpu.memref_squeeze %dma_start3A_53 : memref<1x4x1x4096xf32, #tpu.memory_space<vmem>> -> memref<4x1x4096xf32, #tpu.memory_space<vmem>>
    %dma_start3A_55 = arith.constant 0 : i32
    %dma_start3A_56 = arith.constant 0 : i32
    %dma_start3A_57 = tpu.memref_slice %arg2[%dma_start3A_55, %add3A_35, %dma_start3A_56] : memref<4x2048x4096xf32, #tpu.memory_space<hbm>> -> memref<4x1x4096xf32, #tpu.memory_space<hbm>>
    %dma_start3A_58 = arith.constant 0 : i32
    %dma_start3A_59 = arith.constant 0 : i32
    %dma_start3A_60 = arith.constant 0 : i32
    %dma_start3A_61 = tpu.memref_slice %arg6[%dma_start3A_49, %dma_start3A_58, %dma_start3A_59, %dma_start3A_60] : memref<6x4x1x4096xf32, #tpu.memory_space<vmem>> -> memref<1x4x1x4096xf32, #tpu.memory_space<vmem>>
    %dma_start3A_62 = tpu.memref_squeeze %dma_start3A_61 : memref<1x4x1x4096xf32, #tpu.memory_space<vmem>> -> memref<4x1x4096xf32, #tpu.memory_space<vmem>>
    %dma_start3A_63 = arith.constant 0 : i32
    %dma_start3A_64 = arith.constant 0 : i32
    %dma_start3A_65 = tpu.memref_slice %arg2[%dma_start3A_63, %add3A_35, %dma_start3A_64] : memref<4x2048x4096xf32, #tpu.memory_space<hbm>> -> memref<4x1x4096xf32, #tpu.memory_space<hbm>>
    tpu.enqueue_dma source(%dma_start3A_65 : memref<4x1x4096xf32, #tpu.memory_space<hbm>>) target(%dma_start3A_62 : memref<4x1x4096xf32, #tpu.memory_space<vmem>>) target_semaphore(%arg8 : memref<!tpu.dma_semaphore, #tpu.memory_space<semaphore_mem>>)
    %add3A_66 = arith.constant 2 : i32
    %add3A_67 = arith.addi %mul3A_2, %add3A_66 : i32
    %dma_start3A_68 = arith.constant 2 : i32
    %dma_start3A_69 = arith.constant 0 : i32
    %dma_start3A_70 = arith.constant 0 : i32
    %dma_start3A_71 = tpu.memref_slice %arg5[%dma_start3A_68, %dma_start3A_69, %dma_start3A_70] : memref<6x1x4096xf32, #tpu.memory_space<vmem>> -> memref<1x1x4096xf32, #tpu.memory_space<vmem>>
    %dma_start3A_72 = tpu.memref_squeeze %dma_start3A_71 : memref<1x1x4096xf32, #tpu.memory_space<vmem>> -> memref<1x4096xf32, #tpu.memory_space<vmem>>
    %dma_start3A_73 = arith.constant 0 : i32
    %dma_start3A_74 = tpu.memref_slice %arg3[%add3A_67, %dma_start3A_73] : memref<2048x4096xf32, #tpu.memory_space<hbm>> -> memref<1x4096xf32, #tpu.memory_space<hbm>>
    %dma_start3A_75 = arith.constant 0 : i32
    %dma_start3A_76 = arith.constant 0 : i32
    %dma_start3A_77 = tpu.memref_slice %arg5[%dma_start3A_68, %dma_start3A_75, %dma_start3A_76] : memref<6x1x4096xf32, #tpu.memory_space<vmem>> -> memref<1x1x4096xf32, #tpu.memory_space<vmem>>
    %dma_start3A_78 = tpu.memref_squeeze %dma_start3A_77 : memref<1x1x4096xf32, #tpu.memory_space<vmem>> -> memref<1x4096xf32, #tpu.memory_space<vmem>>
    %dma_start3A_79 = arith.constant 0 : i32
    %dma_start3A_80 = tpu.memref_slice %arg3[%add3A_67, %dma_start3A_79] : memref<2048x4096xf32, #tpu.memory_space<hbm>> -> memref<1x4096xf32, #tpu.memory_space<hbm>>
    tpu.enqueue_dma source(%dma_start3A_80 : memref<1x4096xf32, #tpu.memory_space<hbm>>) target(%dma_start3A_78 : memref<1x4096xf32, #tpu.memory_space<vmem>>) target_semaphore(%arg9 : memref<!tpu.dma_semaphore, #tpu.memory_space<semaphore_mem>>)
    %dma_start3A_81 = arith.constant 2 : i32
    %dma_start3A_82 = arith.constant 0 : i32
    %dma_start3A_83 = arith.constant 0 : i32
    %dma_start3A_84 = arith.constant 0 : i32
    %dma_start3A_85 = tpu.memref_slice %arg6[%dma_start3A_81, %dma_start3A_82, %dma_start3A_83, %dma_start3A_84] : memref<6x4x1x4096xf32, #tpu.memory_space<vmem>> -> memref<1x4x1x4096xf32, #tpu.memory_space<vmem>>
    %dma_start3A_86 = tpu.memref_squeeze %dma_start3A_85 : memref<1x4x1x4096xf32, #tpu.memory_space<vmem>> -> memref<4x1x4096xf32, #tpu.memory_space<vmem>>
    %dma_start3A_87 = arith.constant 0 : i32
    %dma_start3A_88 = arith.constant 0 : i32
    %dma_start3A_89 = tpu.memref_slice %arg2[%dma_start3A_87, %add3A_67, %dma_start3A_88] : memref<4x2048x4096xf32, #tpu.memory_space<hbm>> -> memref<4x1x4096xf32, #tpu.memory_space<hbm>>
    %dma_start3A_90 = arith.constant 0 : i32
    %dma_start3A_91 = arith.constant 0 : i32
    %dma_start3A_92 = arith.constant 0 : i32
    %dma_start3A_93 = tpu.memref_slice %arg6[%dma_start3A_81, %dma_start3A_90, %dma_start3A_91, %dma_start3A_92] : memref<6x4x1x4096xf32, #tpu.memory_space<vmem>> -> memref<1x4x1x4096xf32, #tpu.memory_space<vmem>>
    %dma_start3A_94 = tpu.memref_squeeze %dma_start3A_93 : memref<1x4x1x4096xf32, #tpu.memory_space<vmem>> -> memref<4x1x4096xf32, #tpu.memory_space<vmem>>
    %dma_start3A_95 = arith.constant 0 : i32
    %dma_start3A_96 = arith.constant 0 : i32
    %dma_start3A_97 = tpu.memref_slice %arg2[%dma_start3A_95, %add3A_67, %dma_start3A_96] : memref<4x2048x4096xf32, #tpu.memory_space<hbm>> -> memref<4x1x4096xf32, #tpu.memory_space<hbm>>
    tpu.enqueue_dma source(%dma_start3A_97 : memref<4x1x4096xf32, #tpu.memory_space<hbm>>) target(%dma_start3A_94 : memref<4x1x4096xf32, #tpu.memory_space<vmem>>) target_semaphore(%arg9 : memref<!tpu.dma_semaphore, #tpu.memory_space<semaphore_mem>>)
    %add3A_98 = arith.constant 3 : i32
    %add3A_99 = arith.addi %mul3A_2, %add3A_98 : i32
    %dma_start3A_100 = arith.constant 3 : i32
    %dma_start3A_101 = arith.constant 0 : i32
    %dma_start3A_102 = arith.constant 0 : i32
    %dma_start3A_103 = tpu.memref_slice %arg5[%dma_start3A_100, %dma_start3A_101, %dma_start3A_102] : memref<6x1x4096xf32, #tpu.memory_space<vmem>> -> memref<1x1x4096xf32, #tpu.memory_space<vmem>>
    %dma_start3A_104 = tpu.memref_squeeze %dma_start3A_103 : memref<1x1x4096xf32, #tpu.memory_space<vmem>> -> memref<1x4096xf32, #tpu.memory_space<vmem>>
    %dma_start3A_105 = arith.constant 0 : i32
    %dma_start3A_106 = tpu.memref_slice %arg3[%add3A_99, %dma_start3A_105] : memref<2048x4096xf32, #tpu.memory_space<hbm>> -> memref<1x4096xf32, #tpu.memory_space<hbm>>
    %dma_start3A_107 = arith.constant 0 : i32
    %dma_start3A_108 = arith.constant 0 : i32
    %dma_start3A_109 = tpu.memref_slice %arg5[%dma_start3A_100, %dma_start3A_107, %dma_start3A_108] : memref<6x1x4096xf32, #tpu.memory_space<vmem>> -> memref<1x1x4096xf32, #tpu.memory_space<vmem>>
    %dma_start3A_110 = tpu.memref_squeeze %dma_start3A_109 : memref<1x1x4096xf32, #tpu.memory_space<vmem>> -> memref<1x4096xf32, #tpu.memory_space<vmem>>
    %dma_start3A_111 = arith.constant 0 : i32
    %dma_start3A_112 = tpu.memref_slice %arg3[%add3A_99, %dma_start3A_111] : memref<2048x4096xf32, #tpu.memory_space<hbm>> -> memref<1x4096xf32, #tpu.memory_space<hbm>>
    tpu.enqueue_dma source(%dma_start3A_112 : memref<1x4096xf32, #tpu.memory_space<hbm>>) target(%dma_start3A_110 : memref<1x4096xf32, #tpu.memory_space<vmem>>) target_semaphore(%arg10 : memref<!tpu.dma_semaphore, #tpu.memory_space<semaphore_mem>>)
    %dma_start3A_113 = arith.constant 3 : i32
    %dma_start3A_114 = arith.constant 0 : i32
    %dma_start3A_115 = arith.constant 0 : i32
    %dma_start3A_116 = arith.constant 0 : i32
    %dma_start3A_117 = tpu.memref_slice %arg6[%dma_start3A_113, %dma_start3A_114, %dma_start3A_115, %dma_start3A_116] : memref<6x4x1x4096xf32, #tpu.memory_space<vmem>> -> memref<1x4x1x4096xf32, #tpu.memory_space<vmem>>
    %dma_start3A_118 = tpu.memref_squeeze %dma_start3A_117 : memref<1x4x1x4096xf32, #tpu.memory_space<vmem>> -> memref<4x1x4096xf32, #tpu.memory_space<vmem>>
    %dma_start3A_119 = arith.constant 0 : i32
    %dma_start3A_120 = arith.constant 0 : i32
    %dma_start3A_121 = tpu.memref_slice %arg2[%dma_start3A_119, %add3A_99, %dma_start3A_120] : memref<4x2048x4096xf32, #tpu.memory_space<hbm>> -> memref<4x1x4096xf32, #tpu.memory_space<hbm>>
    %dma_start3A_122 = arith.constant 0 : i32
    %dma_start3A_123 = arith.constant 0 : i32
    %dma_start3A_124 = arith.constant 0 : i32
    %dma_start3A_125 = tpu.memref_slice %arg6[%dma_start3A_113, %dma_start3A_122, %dma_start3A_123, %dma_start3A_124] : memref<6x4x1x4096xf32, #tpu.memory_space<vmem>> -> memref<1x4x1x4096xf32, #tpu.memory_space<vmem>>
    %dma_start3A_126 = tpu.memref_squeeze %dma_start3A_125 : memref<1x4x1x4096xf32, #tpu.memory_space<vmem>> -> memref<4x1x4096xf32, #tpu.memory_space<vmem>>
    %dma_start3A_127 = arith.constant 0 : i32
    %dma_start3A_128 = arith.constant 0 : i32
    %dma_start3A_129 = tpu.memref_slice %arg2[%dma_start3A_127, %add3A_99, %dma_start3A_128] : memref<4x2048x4096xf32, #tpu.memory_space<hbm>> -> memref<4x1x4096xf32, #tpu.memory_space<hbm>>
    tpu.enqueue_dma source(%dma_start3A_129 : memref<4x1x4096xf32, #tpu.memory_space<hbm>>) target(%dma_start3A_126 : memref<4x1x4096xf32, #tpu.memory_space<vmem>>) target_semaphore(%arg10 : memref<!tpu.dma_semaphore, #tpu.memory_space<semaphore_mem>>)
    %add3A_130 = arith.constant 4 : i32
    %add3A_131 = arith.addi %mul3A_2, %add3A_130 : i32
    %dma_start3A_132 = arith.constant 4 : i32
    %dma_start3A_133 = arith.constant 0 : i32
    %dma_start3A_134 = arith.constant 0 : i32
    %dma_start3A_135 = tpu.memref_slice %arg5[%dma_start3A_132, %dma_start3A_133, %dma_start3A_134] : memref<6x1x4096xf32, #tpu.memory_space<vmem>> -> memref<1x1x4096xf32, #tpu.memory_space<vmem>>
    %dma_start3A_136 = tpu.memref_squeeze %dma_start3A_135 : memref<1x1x4096xf32, #tpu.memory_space<vmem>> -> memref<1x4096xf32, #tpu.memory_space<vmem>>
    %dma_start3A_137 = arith.constant 0 : i32
    %dma_start3A_138 = tpu.memref_slice %arg3[%add3A_131, %dma_start3A_137] : memref<2048x4096xf32, #tpu.memory_space<hbm>> -> memref<1x4096xf32, #tpu.memory_space<hbm>>
    %dma_start3A_139 = arith.constant 0 : i32
    %dma_start3A_140 = arith.constant 0 : i32
    %dma_start3A_141 = tpu.memref_slice %arg5[%dma_start3A_132, %dma_start3A_139, %dma_start3A_140] : memref<6x1x4096xf32, #tpu.memory_space<vmem>> -> memref<1x1x4096xf32, #tpu.memory_space<vmem>>
    %dma_start3A_142 = tpu.memref_squeeze %dma_start3A_141 : memref<1x1x4096xf32, #tpu.memory_space<vmem>> -> memref<1x4096xf32, #tpu.memory_space<vmem>>
    %dma_start3A_143 = arith.constant 0 : i32
    %dma_start3A_144 = tpu.memref_slice %arg3[%add3A_131, %dma_start3A_143] : memref<2048x4096xf32, #tpu.memory_space<hbm>> -> memref<1x4096xf32, #tpu.memory_space<hbm>>
    tpu.enqueue_dma source(%dma_start3A_144 : memref<1x4096xf32, #tpu.memory_space<hbm>>) target(%dma_start3A_142 : memref<1x4096xf32, #tpu.memory_space<vmem>>) target_semaphore(%arg11 : memref<!tpu.dma_semaphore, #tpu.memory_space<semaphore_mem>>)
    %dma_start3A_145 = arith.constant 4 : i32
    %dma_start3A_146 = arith.constant 0 : i32
    %dma_start3A_147 = arith.constant 0 : i32
    %dma_start3A_148 = arith.constant 0 : i32
    %dma_start3A_149 = tpu.memref_slice %arg6[%dma_start3A_145, %dma_start3A_146, %dma_start3A_147, %dma_start3A_148] : memref<6x4x1x4096xf32, #tpu.memory_space<vmem>> -> memref<1x4x1x4096xf32, #tpu.memory_space<vmem>>
    %dma_start3A_150 = tpu.memref_squeeze %dma_start3A_149 : memref<1x4x1x4096xf32, #tpu.memory_space<vmem>> -> memref<4x1x4096xf32, #tpu.memory_space<vmem>>
    %dma_start3A_151 = arith.constant 0 : i32
    %dma_start3A_152 = arith.constant 0 : i32
    %dma_start3A_153 = tpu.memref_slice %arg2[%dma_start3A_151, %add3A_131, %dma_start3A_152] : memref<4x2048x4096xf32, #tpu.memory_space<hbm>> -> memref<4x1x4096xf32, #tpu.memory_space<hbm>>
    %dma_start3A_154 = arith.constant 0 : i32
    %dma_start3A_155 = arith.constant 0 : i32
    %dma_start3A_156 = arith.constant 0 : i32
    %dma_start3A_157 = tpu.memref_slice %arg6[%dma_start3A_145, %dma_start3A_154, %dma_start3A_155, %dma_start3A_156] : memref<6x4x1x4096xf32, #tpu.memory_space<vmem>> -> memref<1x4x1x4096xf32, #tpu.memory_space<vmem>>
    %dma_start3A_158 = tpu.memref_squeeze %dma_start3A_157 : memref<1x4x1x4096xf32, #tpu.memory_space<vmem>> -> memref<4x1x4096xf32, #tpu.memory_space<vmem>>
    %dma_start3A_159 = arith.constant 0 : i32
    %dma_start3A_160 = arith.constant 0 : i32
    %dma_start3A_161 = tpu.memref_slice %arg2[%dma_start3A_159, %add3A_131, %dma_start3A_160] : memref<4x2048x4096xf32, #tpu.memory_space<hbm>> -> memref<4x1x4096xf32, #tpu.memory_space<hbm>>
    tpu.enqueue_dma source(%dma_start3A_161 : memref<4x1x4096xf32, #tpu.memory_space<hbm>>) target(%dma_start3A_158 : memref<4x1x4096xf32, #tpu.memory_space<vmem>>) target_semaphore(%arg11 : memref<!tpu.dma_semaphore, #tpu.memory_space<semaphore_mem>>)
    %scan3A = arith.constant 0 : i32
    %scan3A_162 = arith.constant 64 : i32
    %scan3A_163 = arith.addi %scan3A, %scan3A_162 : i32
    %scan3A_164 = arith.constant 1 : i32
    scf.for %scan3A_279 = %scan3A to %scan3A_163 step %scan3A_164  : i32 {
      %mul3A_280 = arith.constant 1 : i32
      %mul3A_281 = arith.muli %scan3A_279, %mul3A_280 : i32
      %add3A_282 = arith.constant 0 : i32
      %add3A_283 = arith.addi %add3A_282, %mul3A_281 : i32
      %rem3A = arith.constant 6 : i32
      %rem3A_284 = arith.remsi %add3A_283, %rem3A : i32
      %add3A_285 = arith.constant 5 : i32
      %add3A_286 = arith.addi %add3A_283, %add3A_285 : i32
      %rem3A_287 = arith.constant 6 : i32
      %rem3A_288 = arith.remsi %add3A_286, %rem3A_287 : i32
      %eq3A = arith.constant 0 : i32
      %eq3A_289 = arith.cmpi eq, %rem3A_284, %eq3A : i32
      %convert_element_type3A = arith.extui %eq3A_289 : i1 to i32
      %cond3A = arith.constant 0 : i32
      %cond3A_290 = arith.cmpi ne, %convert_element_type3A, %cond3A : i32
      scf.if %cond3A_290 {
        %dma_wait3A_352 = arith.constant 0 : i32
        %dma_wait3A_353 = arith.constant 0 : i32
        %dma_wait3A_354 = arith.constant 0 : i32
        %dma_wait3A_355 = tpu.memref_slice %arg5[%dma_wait3A_352, %dma_wait3A_353, %dma_wait3A_354] : memref<6x1x4096xf32, #tpu.memory_space<vmem>> -> memref<1x1x4096xf32, #tpu.memory_space<vmem>>
        %dma_wait3A_356 = tpu.memref_squeeze %dma_wait3A_355 : memref<1x1x4096xf32, #tpu.memory_space<vmem>> -> memref<1x4096xf32, #tpu.memory_space<vmem>>
        %dma_wait3A_357 = arith.constant 0 : i32
        %dma_wait3A_358 = arith.constant 0 : i32
        %dma_wait3A_359 = tpu.memref_slice %arg3[%dma_wait3A_357, %dma_wait3A_358] : memref<2048x4096xf32, #tpu.memory_space<hbm>> -> memref<1x4096xf32, #tpu.memory_space<hbm>>
        %dma_wait3A_360 = arith.constant 0 : i32
        %dma_wait3A_361 = arith.constant 0 : i32
        %dma_wait3A_362 = tpu.memref_slice %arg5[%dma_wait3A_352, %dma_wait3A_360, %dma_wait3A_361] : memref<6x1x4096xf32, #tpu.memory_space<vmem>> -> memref<1x1x4096xf32, #tpu.memory_space<vmem>>
        %dma_wait3A_363 = tpu.memref_squeeze %dma_wait3A_362 : memref<1x1x4096xf32, #tpu.memory_space<vmem>> -> memref<1x4096xf32, #tpu.memory_space<vmem>>
        %dma_wait3A_364 = arith.constant 0 : i32
        %dma_wait3A_365 = arith.constant 0 : i32
        %dma_wait3A_366 = tpu.memref_slice %arg3[%dma_wait3A_364, %dma_wait3A_365] : memref<2048x4096xf32, #tpu.memory_space<hbm>> -> memref<1x4096xf32, #tpu.memory_space<hbm>>
        tpu.wait_dma2 semaphore(%arg7 : memref<!tpu.dma_semaphore, #tpu.memory_space<semaphore_mem>>) src(%dma_wait3A_366 : memref<1x4096xf32, #tpu.memory_space<hbm>>) dst(%dma_wait3A_363 : memref<1x4096xf32, #tpu.memory_space<vmem>>)
        %dma_wait3A_367 = arith.constant 0 : i32
        %dma_wait3A_368 = arith.constant 0 : i32
        %dma_wait3A_369 = arith.constant 0 : i32
        %dma_wait3A_370 = arith.constant 0 : i32
        %dma_wait3A_371 = tpu.memref_slice %arg6[%dma_wait3A_367, %dma_wait3A_368, %dma_wait3A_369, %dma_wait3A_370] : memref<6x4x1x4096xf32, #tpu.memory_space<vmem>> -> memref<1x4x1x4096xf32, #tpu.memory_space<vmem>>
        %dma_wait3A_372 = tpu.memref_squeeze %dma_wait3A_371 : memref<1x4x1x4096xf32, #tpu.memory_space<vmem>> -> memref<4x1x4096xf32, #tpu.memory_space<vmem>>
        %dma_wait3A_373 = arith.constant 0 : i32
        %dma_wait3A_374 = arith.constant 0 : i32
        %dma_wait3A_375 = arith.constant 0 : i32
        %dma_wait3A_376 = tpu.memref_slice %arg2[%dma_wait3A_373, %dma_wait3A_374, %dma_wait3A_375] : memref<4x2048x4096xf32, #tpu.memory_space<hbm>> -> memref<4x1x4096xf32, #tpu.memory_space<hbm>>
        %dma_wait3A_377 = arith.constant 0 : i32
        %dma_wait3A_378 = arith.constant 0 : i32
        %dma_wait3A_379 = arith.constant 0 : i32
        %dma_wait3A_380 = tpu.memref_slice %arg6[%dma_wait3A_367, %dma_wait3A_377, %dma_wait3A_378, %dma_wait3A_379] : memref<6x4x1x4096xf32, #tpu.memory_space<vmem>> -> memref<1x4x1x4096xf32, #tpu.memory_space<vmem>>
        %dma_wait3A_381 = tpu.memref_squeeze %dma_wait3A_380 : memref<1x4x1x4096xf32, #tpu.memory_space<vmem>> -> memref<4x1x4096xf32, #tpu.memory_space<vmem>>
        %dma_wait3A_382 = arith.constant 0 : i32
        %dma_wait3A_383 = arith.constant 0 : i32
        %dma_wait3A_384 = arith.constant 0 : i32
        %dma_wait3A_385 = tpu.memref_slice %arg2[%dma_wait3A_382, %dma_wait3A_383, %dma_wait3A_384] : memref<4x2048x4096xf32, #tpu.memory_space<hbm>> -> memref<4x1x4096xf32, #tpu.memory_space<hbm>>
        tpu.wait_dma2 semaphore(%arg7 : memref<!tpu.dma_semaphore, #tpu.memory_space<semaphore_mem>>) src(%dma_wait3A_385 : memref<4x1x4096xf32, #tpu.memory_space<hbm>>) dst(%dma_wait3A_381 : memref<4x1x4096xf32, #tpu.memory_space<vmem>>)
      } else {
      }
      %eq3A_291 = arith.constant 1 : i32
      %eq3A_292 = arith.cmpi eq, %rem3A_284, %eq3A_291 : i32
      %convert_element_type3A_293 = arith.extui %eq3A_292 : i1 to i32
      %cond3A_294 = arith.constant 0 : i32
      %cond3A_295 = arith.cmpi ne, %convert_element_type3A_293, %cond3A_294 : i32
      scf.if %cond3A_295 {
        %dma_wait3A_352 = arith.constant 1 : i32
        %dma_wait3A_353 = arith.constant 0 : i32
        %dma_wait3A_354 = arith.constant 0 : i32
        %dma_wait3A_355 = tpu.memref_slice %arg5[%dma_wait3A_352, %dma_wait3A_353, %dma_wait3A_354] : memref<6x1x4096xf32, #tpu.memory_space<vmem>> -> memref<1x1x4096xf32, #tpu.memory_space<vmem>>
        %dma_wait3A_356 = tpu.memref_squeeze %dma_wait3A_355 : memref<1x1x4096xf32, #tpu.memory_space<vmem>> -> memref<1x4096xf32, #tpu.memory_space<vmem>>
        %dma_wait3A_357 = arith.constant 0 : i32
        %dma_wait3A_358 = arith.constant 0 : i32
        %dma_wait3A_359 = tpu.memref_slice %arg3[%dma_wait3A_357, %dma_wait3A_358] : memref<2048x4096xf32, #tpu.memory_space<hbm>> -> memref<1x4096xf32, #tpu.memory_space<hbm>>
        %dma_wait3A_360 = arith.constant 0 : i32
        %dma_wait3A_361 = arith.constant 0 : i32
        %dma_wait3A_362 = tpu.memref_slice %arg5[%dma_wait3A_352, %dma_wait3A_360, %dma_wait3A_361] : memref<6x1x4096xf32, #tpu.memory_space<vmem>> -> memref<1x1x4096xf32, #tpu.memory_space<vmem>>
        %dma_wait3A_363 = tpu.memref_squeeze %dma_wait3A_362 : memref<1x1x4096xf32, #tpu.memory_space<vmem>> -> memref<1x4096xf32, #tpu.memory_space<vmem>>
        %dma_wait3A_364 = arith.constant 0 : i32
        %dma_wait3A_365 = arith.constant 0 : i32
        %dma_wait3A_366 = tpu.memref_slice %arg3[%dma_wait3A_364, %dma_wait3A_365] : memref<2048x4096xf32, #tpu.memory_space<hbm>> -> memref<1x4096xf32, #tpu.memory_space<hbm>>
        tpu.wait_dma2 semaphore(%arg8 : memref<!tpu.dma_semaphore, #tpu.memory_space<semaphore_mem>>) src(%dma_wait3A_366 : memref<1x4096xf32, #tpu.memory_space<hbm>>) dst(%dma_wait3A_363 : memref<1x4096xf32, #tpu.memory_space<vmem>>)
        %dma_wait3A_367 = arith.constant 1 : i32
        %dma_wait3A_368 = arith.constant 0 : i32
        %dma_wait3A_369 = arith.constant 0 : i32
        %dma_wait3A_370 = arith.constant 0 : i32
        %dma_wait3A_371 = tpu.memref_slice %arg6[%dma_wait3A_367, %dma_wait3A_368, %dma_wait3A_369, %dma_wait3A_370] : memref<6x4x1x4096xf32, #tpu.memory_space<vmem>> -> memref<1x4x1x4096xf32, #tpu.memory_space<vmem>>
        %dma_wait3A_372 = tpu.memref_squeeze %dma_wait3A_371 : memref<1x4x1x4096xf32, #tpu.memory_space<vmem>> -> memref<4x1x4096xf32, #tpu.memory_space<vmem>>
        %dma_wait3A_373 = arith.constant 0 : i32
        %dma_wait3A_374 = arith.constant 0 : i32
        %dma_wait3A_375 = arith.constant 0 : i32
        %dma_wait3A_376 = tpu.memref_slice %arg2[%dma_wait3A_373, %dma_wait3A_374, %dma_wait3A_375] : memref<4x2048x4096xf32, #tpu.memory_space<hbm>> -> memref<4x1x4096xf32, #tpu.memory_space<hbm>>
        %dma_wait3A_377 = arith.constant 0 : i32
        %dma_wait3A_378 = arith.constant 0 : i32
        %dma_wait3A_379 = arith.constant 0 : i32
        %dma_wait3A_380 = tpu.memref_slice %arg6[%dma_wait3A_367, %dma_wait3A_377, %dma_wait3A_378, %dma_wait3A_379] : memref<6x4x1x4096xf32, #tpu.memory_space<vmem>> -> memref<1x4x1x4096xf32, #tpu.memory_space<vmem>>
        %dma_wait3A_381 = tpu.memref_squeeze %dma_wait3A_380 : memref<1x4x1x4096xf32, #tpu.memory_space<vmem>> -> memref<4x1x4096xf32, #tpu.memory_space<vmem>>
        %dma_wait3A_382 = arith.constant 0 : i32
        %dma_wait3A_383 = arith.constant 0 : i32
        %dma_wait3A_384 = arith.constant 0 : i32
        %dma_wait3A_385 = tpu.memref_slice %arg2[%dma_wait3A_382, %dma_wait3A_383, %dma_wait3A_384] : memref<4x2048x4096xf32, #tpu.memory_space<hbm>> -> memref<4x1x4096xf32, #tpu.memory_space<hbm>>
        tpu.wait_dma2 semaphore(%arg8 : memref<!tpu.dma_semaphore, #tpu.memory_space<semaphore_mem>>) src(%dma_wait3A_385 : memref<4x1x4096xf32, #tpu.memory_space<hbm>>) dst(%dma_wait3A_381 : memref<4x1x4096xf32, #tpu.memory_space<vmem>>)
      } else {
      }
      %eq3A_296 = arith.constant 2 : i32
      %eq3A_297 = arith.cmpi eq, %rem3A_284, %eq3A_296 : i32
      %convert_element_type3A_298 = arith.extui %eq3A_297 : i1 to i32
      %cond3A_299 = arith.constant 0 : i32
      %cond3A_300 = arith.cmpi ne, %convert_element_type3A_298, %cond3A_299 : i32
      scf.if %cond3A_300 {
        %dma_wait3A_352 = arith.constant 2 : i32
        %dma_wait3A_353 = arith.constant 0 : i32
        %dma_wait3A_354 = arith.constant 0 : i32
        %dma_wait3A_355 = tpu.memref_slice %arg5[%dma_wait3A_352, %dma_wait3A_353, %dma_wait3A_354] : memref<6x1x4096xf32, #tpu.memory_space<vmem>> -> memref<1x1x4096xf32, #tpu.memory_space<vmem>>
        %dma_wait3A_356 = tpu.memref_squeeze %dma_wait3A_355 : memref<1x1x4096xf32, #tpu.memory_space<vmem>> -> memref<1x4096xf32, #tpu.memory_space<vmem>>
        %dma_wait3A_357 = arith.constant 0 : i32
        %dma_wait3A_358 = arith.constant 0 : i32
        %dma_wait3A_359 = tpu.memref_slice %arg3[%dma_wait3A_357, %dma_wait3A_358] : memref<2048x4096xf32, #tpu.memory_space<hbm>> -> memref<1x4096xf32, #tpu.memory_space<hbm>>
        %dma_wait3A_360 = arith.constant 0 : i32
        %dma_wait3A_361 = arith.constant 0 : i32
        %dma_wait3A_362 = tpu.memref_slice %arg5[%dma_wait3A_352, %dma_wait3A_360, %dma_wait3A_361] : memref<6x1x4096xf32, #tpu.memory_space<vmem>> -> memref<1x1x4096xf32, #tpu.memory_space<vmem>>
        %dma_wait3A_363 = tpu.memref_squeeze %dma_wait3A_362 : memref<1x1x4096xf32, #tpu.memory_space<vmem>> -> memref<1x4096xf32, #tpu.memory_space<vmem>>
        %dma_wait3A_364 = arith.constant 0 : i32
        %dma_wait3A_365 = arith.constant 0 : i32
        %dma_wait3A_366 = tpu.memref_slice %arg3[%dma_wait3A_364, %dma_wait3A_365] : memref<2048x4096xf32, #tpu.memory_space<hbm>> -> memref<1x4096xf32, #tpu.memory_space<hbm>>
        tpu.wait_dma2 semaphore(%arg9 : memref<!tpu.dma_semaphore, #tpu.memory_space<semaphore_mem>>) src(%dma_wait3A_366 : memref<1x4096xf32, #tpu.memory_space<hbm>>) dst(%dma_wait3A_363 : memref<1x4096xf32, #tpu.memory_space<vmem>>)
        %dma_wait3A_367 = arith.constant 2 : i32
        %dma_wait3A_368 = arith.constant 0 : i32
        %dma_wait3A_369 = arith.constant 0 : i32
        %dma_wait3A_370 = arith.constant 0 : i32
        %dma_wait3A_371 = tpu.memref_slice %arg6[%dma_wait3A_367, %dma_wait3A_368, %dma_wait3A_369, %dma_wait3A_370] : memref<6x4x1x4096xf32, #tpu.memory_space<vmem>> -> memref<1x4x1x4096xf32, #tpu.memory_space<vmem>>
        %dma_wait3A_372 = tpu.memref_squeeze %dma_wait3A_371 : memref<1x4x1x4096xf32, #tpu.memory_space<vmem>> -> memref<4x1x4096xf32, #tpu.memory_space<vmem>>
        %dma_wait3A_373 = arith.constant 0 : i32
        %dma_wait3A_374 = arith.constant 0 : i32
        %dma_wait3A_375 = arith.constant 0 : i32
        %dma_wait3A_376 = tpu.memref_slice %arg2[%dma_wait3A_373, %dma_wait3A_374, %dma_wait3A_375] : memref<4x2048x4096xf32, #tpu.memory_space<hbm>> -> memref<4x1x4096xf32, #tpu.memory_space<hbm>>
        %dma_wait3A_377 = arith.constant 0 : i32
        %dma_wait3A_378 = arith.constant 0 : i32
        %dma_wait3A_379 = arith.constant 0 : i32
        %dma_wait3A_380 = tpu.memref_slice %arg6[%dma_wait3A_367, %dma_wait3A_377, %dma_wait3A_378, %dma_wait3A_379] : memref<6x4x1x4096xf32, #tpu.memory_space<vmem>> -> memref<1x4x1x4096xf32, #tpu.memory_space<vmem>>
        %dma_wait3A_381 = tpu.memref_squeeze %dma_wait3A_380 : memref<1x4x1x4096xf32, #tpu.memory_space<vmem>> -> memref<4x1x4096xf32, #tpu.memory_space<vmem>>
        %dma_wait3A_382 = arith.constant 0 : i32
        %dma_wait3A_383 = arith.constant 0 : i32
        %dma_wait3A_384 = arith.constant 0 : i32
        %dma_wait3A_385 = tpu.memref_slice %arg2[%dma_wait3A_382, %dma_wait3A_383, %dma_wait3A_384] : memref<4x2048x4096xf32, #tpu.memory_space<hbm>> -> memref<4x1x4096xf32, #tpu.memory_space<hbm>>
        tpu.wait_dma2 semaphore(%arg9 : memref<!tpu.dma_semaphore, #tpu.memory_space<semaphore_mem>>) src(%dma_wait3A_385 : memref<4x1x4096xf32, #tpu.memory_space<hbm>>) dst(%dma_wait3A_381 : memref<4x1x4096xf32, #tpu.memory_space<vmem>>)
      } else {
      }
      %eq3A_301 = arith.constant 3 : i32
      %eq3A_302 = arith.cmpi eq, %rem3A_284, %eq3A_301 : i32
      %convert_element_type3A_303 = arith.extui %eq3A_302 : i1 to i32
      %cond3A_304 = arith.constant 0 : i32
      %cond3A_305 = arith.cmpi ne, %convert_element_type3A_303, %cond3A_304 : i32
      scf.if %cond3A_305 {
        %dma_wait3A_352 = arith.constant 3 : i32
        %dma_wait3A_353 = arith.constant 0 : i32
        %dma_wait3A_354 = arith.constant 0 : i32
        %dma_wait3A_355 = tpu.memref_slice %arg5[%dma_wait3A_352, %dma_wait3A_353, %dma_wait3A_354] : memref<6x1x4096xf32, #tpu.memory_space<vmem>> -> memref<1x1x4096xf32, #tpu.memory_space<vmem>>
        %dma_wait3A_356 = tpu.memref_squeeze %dma_wait3A_355 : memref<1x1x4096xf32, #tpu.memory_space<vmem>> -> memref<1x4096xf32, #tpu.memory_space<vmem>>
        %dma_wait3A_357 = arith.constant 0 : i32
        %dma_wait3A_358 = arith.constant 0 : i32
        %dma_wait3A_359 = tpu.memref_slice %arg3[%dma_wait3A_357, %dma_wait3A_358] : memref<2048x4096xf32, #tpu.memory_space<hbm>> -> memref<1x4096xf32, #tpu.memory_space<hbm>>
        %dma_wait3A_360 = arith.constant 0 : i32
        %dma_wait3A_361 = arith.constant 0 : i32
        %dma_wait3A_362 = tpu.memref_slice %arg5[%dma_wait3A_352, %dma_wait3A_360, %dma_wait3A_361] : memref<6x1x4096xf32, #tpu.memory_space<vmem>> -> memref<1x1x4096xf32, #tpu.memory_space<vmem>>
        %dma_wait3A_363 = tpu.memref_squeeze %dma_wait3A_362 : memref<1x1x4096xf32, #tpu.memory_space<vmem>> -> memref<1x4096xf32, #tpu.memory_space<vmem>>
        %dma_wait3A_364 = arith.constant 0 : i32
        %dma_wait3A_365 = arith.constant 0 : i32
        %dma_wait3A_366 = tpu.memref_slice %arg3[%dma_wait3A_364, %dma_wait3A_365] : memref<2048x4096xf32, #tpu.memory_space<hbm>> -> memref<1x4096xf32, #tpu.memory_space<hbm>>
        tpu.wait_dma2 semaphore(%arg10 : memref<!tpu.dma_semaphore, #tpu.memory_space<semaphore_mem>>) src(%dma_wait3A_366 : memref<1x4096xf32, #tpu.memory_space<hbm>>) dst(%dma_wait3A_363 : memref<1x4096xf32, #tpu.memory_space<vmem>>)
        %dma_wait3A_367 = arith.constant 3 : i32
        %dma_wait3A_368 = arith.constant 0 : i32
        %dma_wait3A_369 = arith.constant 0 : i32
        %dma_wait3A_370 = arith.constant 0 : i32
        %dma_wait3A_371 = tpu.memref_slice %arg6[%dma_wait3A_367, %dma_wait3A_368, %dma_wait3A_369, %dma_wait3A_370] : memref<6x4x1x4096xf32, #tpu.memory_space<vmem>> -> memref<1x4x1x4096xf32, #tpu.memory_space<vmem>>
        %dma_wait3A_372 = tpu.memref_squeeze %dma_wait3A_371 : memref<1x4x1x4096xf32, #tpu.memory_space<vmem>> -> memref<4x1x4096xf32, #tpu.memory_space<vmem>>
        %dma_wait3A_373 = arith.constant 0 : i32
        %dma_wait3A_374 = arith.constant 0 : i32
        %dma_wait3A_375 = arith.constant 0 : i32
        %dma_wait3A_376 = tpu.memref_slice %arg2[%dma_wait3A_373, %dma_wait3A_374, %dma_wait3A_375] : memref<4x2048x4096xf32, #tpu.memory_space<hbm>> -> memref<4x1x4096xf32, #tpu.memory_space<hbm>>
        %dma_wait3A_377 = arith.constant 0 : i32
        %dma_wait3A_378 = arith.constant 0 : i32
        %dma_wait3A_379 = arith.constant 0 : i32
        %dma_wait3A_380 = tpu.memref_slice %arg6[%dma_wait3A_367, %dma_wait3A_377, %dma_wait3A_378, %dma_wait3A_379] : memref<6x4x1x4096xf32, #tpu.memory_space<vmem>> -> memref<1x4x1x4096xf32, #tpu.memory_space<vmem>>
        %dma_wait3A_381 = tpu.memref_squeeze %dma_wait3A_380 : memref<1x4x1x4096xf32, #tpu.memory_space<vmem>> -> memref<4x1x4096xf32, #tpu.memory_space<vmem>>
        %dma_wait3A_382 = arith.constant 0 : i32
        %dma_wait3A_383 = arith.constant 0 : i32
        %dma_wait3A_384 = arith.constant 0 : i32
        %dma_wait3A_385 = tpu.memref_slice %arg2[%dma_wait3A_382, %dma_wait3A_383, %dma_wait3A_384] : memref<4x2048x4096xf32, #tpu.memory_space<hbm>> -> memref<4x1x4096xf32, #tpu.memory_space<hbm>>
        tpu.wait_dma2 semaphore(%arg10 : memref<!tpu.dma_semaphore, #tpu.memory_space<semaphore_mem>>) src(%dma_wait3A_385 : memref<4x1x4096xf32, #tpu.memory_space<hbm>>) dst(%dma_wait3A_381 : memref<4x1x4096xf32, #tpu.memory_space<vmem>>)
      } else {
      }
      %eq3A_306 = arith.constant 4 : i32
      %eq3A_307 = arith.cmpi eq, %rem3A_284, %eq3A_306 : i32
      %convert_element_type3A_308 = arith.extui %eq3A_307 : i1 to i32
      %cond3A_309 = arith.constant 0 : i32
      %cond3A_310 = arith.cmpi ne, %convert_element_type3A_308, %cond3A_309 : i32
      scf.if %cond3A_310 {
        %dma_wait3A_352 = arith.constant 4 : i32
        %dma_wait3A_353 = arith.constant 0 : i32
        %dma_wait3A_354 = arith.constant 0 : i32
        %dma_wait3A_355 = tpu.memref_slice %arg5[%dma_wait3A_352, %dma_wait3A_353, %dma_wait3A_354] : memref<6x1x4096xf32, #tpu.memory_space<vmem>> -> memref<1x1x4096xf32, #tpu.memory_space<vmem>>
        %dma_wait3A_356 = tpu.memref_squeeze %dma_wait3A_355 : memref<1x1x4096xf32, #tpu.memory_space<vmem>> -> memref<1x4096xf32, #tpu.memory_space<vmem>>
        %dma_wait3A_357 = arith.constant 0 : i32
        %dma_wait3A_358 = arith.constant 0 : i32
        %dma_wait3A_359 = tpu.memref_slice %arg3[%dma_wait3A_357, %dma_wait3A_358] : memref<2048x4096xf32, #tpu.memory_space<hbm>> -> memref<1x4096xf32, #tpu.memory_space<hbm>>
        %dma_wait3A_360 = arith.constant 0 : i32
        %dma_wait3A_361 = arith.constant 0 : i32
        %dma_wait3A_362 = tpu.memref_slice %arg5[%dma_wait3A_352, %dma_wait3A_360, %dma_wait3A_361] : memref<6x1x4096xf32, #tpu.memory_space<vmem>> -> memref<1x1x4096xf32, #tpu.memory_space<vmem>>
        %dma_wait3A_363 = tpu.memref_squeeze %dma_wait3A_362 : memref<1x1x4096xf32, #tpu.memory_space<vmem>> -> memref<1x4096xf32, #tpu.memory_space<vmem>>
        %dma_wait3A_364 = arith.constant 0 : i32
        %dma_wait3A_365 = arith.constant 0 : i32
        %dma_wait3A_366 = tpu.memref_slice %arg3[%dma_wait3A_364, %dma_wait3A_365] : memref<2048x4096xf32, #tpu.memory_space<hbm>> -> memref<1x4096xf32, #tpu.memory_space<hbm>>
        tpu.wait_dma2 semaphore(%arg11 : memref<!tpu.dma_semaphore, #tpu.memory_space<semaphore_mem>>) src(%dma_wait3A_366 : memref<1x4096xf32, #tpu.memory_space<hbm>>) dst(%dma_wait3A_363 : memref<1x4096xf32, #tpu.memory_space<vmem>>)
        %dma_wait3A_367 = arith.constant 4 : i32
        %dma_wait3A_368 = arith.constant 0 : i32
        %dma_wait3A_369 = arith.constant 0 : i32
        %dma_wait3A_370 = arith.constant 0 : i32
        %dma_wait3A_371 = tpu.memref_slice %arg6[%dma_wait3A_367, %dma_wait3A_368, %dma_wait3A_369, %dma_wait3A_370] : memref<6x4x1x4096xf32, #tpu.memory_space<vmem>> -> memref<1x4x1x4096xf32, #tpu.memory_space<vmem>>
        %dma_wait3A_372 = tpu.memref_squeeze %dma_wait3A_371 : memref<1x4x1x4096xf32, #tpu.memory_space<vmem>> -> memref<4x1x4096xf32, #tpu.memory_space<vmem>>
        %dma_wait3A_373 = arith.constant 0 : i32
        %dma_wait3A_374 = arith.constant 0 : i32
        %dma_wait3A_375 = arith.constant 0 : i32
        %dma_wait3A_376 = tpu.memref_slice %arg2[%dma_wait3A_373, %dma_wait3A_374, %dma_wait3A_375] : memref<4x2048x4096xf32, #tpu.memory_space<hbm>> -> memref<4x1x4096xf32, #tpu.memory_space<hbm>>
        %dma_wait3A_377 = arith.constant 0 : i32
        %dma_wait3A_378 = arith.constant 0 : i32
        %dma_wait3A_379 = arith.constant 0 : i32
        %dma_wait3A_380 = tpu.memref_slice %arg6[%dma_wait3A_367, %dma_wait3A_377, %dma_wait3A_378, %dma_wait3A_379] : memref<6x4x1x4096xf32, #tpu.memory_space<vmem>> -> memref<1x4x1x4096xf32, #tpu.memory_space<vmem>>
        %dma_wait3A_381 = tpu.memref_squeeze %dma_wait3A_380 : memref<1x4x1x4096xf32, #tpu.memory_space<vmem>> -> memref<4x1x4096xf32, #tpu.memory_space<vmem>>
        %dma_wait3A_382 = arith.constant 0 : i32
        %dma_wait3A_383 = arith.constant 0 : i32
        %dma_wait3A_384 = arith.constant 0 : i32
        %dma_wait3A_385 = tpu.memref_slice %arg2[%dma_wait3A_382, %dma_wait3A_383, %dma_wait3A_384] : memref<4x2048x4096xf32, #tpu.memory_space<hbm>> -> memref<4x1x4096xf32, #tpu.memory_space<hbm>>
        tpu.wait_dma2 semaphore(%arg11 : memref<!tpu.dma_semaphore, #tpu.memory_space<semaphore_mem>>) src(%dma_wait3A_385 : memref<4x1x4096xf32, #tpu.memory_space<hbm>>) dst(%dma_wait3A_381 : memref<4x1x4096xf32, #tpu.memory_space<vmem>>)
      } else {
      }
      %eq3A_311 = arith.constant 5 : i32
      %eq3A_312 = arith.cmpi eq, %rem3A_284, %eq3A_311 : i32
      %convert_element_type3A_313 = arith.extui %eq3A_312 : i1 to i32
      %cond3A_314 = arith.constant 0 : i32
      %cond3A_315 = arith.cmpi ne, %convert_element_type3A_313, %cond3A_314 : i32
      scf.if %cond3A_315 {
        %dma_wait3A_352 = arith.constant 5 : i32
        %dma_wait3A_353 = arith.constant 0 : i32
        %dma_wait3A_354 = arith.constant 0 : i32
        %dma_wait3A_355 = tpu.memref_slice %arg5[%dma_wait3A_352, %dma_wait3A_353, %dma_wait3A_354] : memref<6x1x4096xf32, #tpu.memory_space<vmem>> -> memref<1x1x4096xf32, #tpu.memory_space<vmem>>
        %dma_wait3A_356 = tpu.memref_squeeze %dma_wait3A_355 : memref<1x1x4096xf32, #tpu.memory_space<vmem>> -> memref<1x4096xf32, #tpu.memory_space<vmem>>
        %dma_wait3A_357 = arith.constant 0 : i32
        %dma_wait3A_358 = arith.constant 0 : i32
        %dma_wait3A_359 = tpu.memref_slice %arg3[%dma_wait3A_357, %dma_wait3A_358] : memref<2048x4096xf32, #tpu.memory_space<hbm>> -> memref<1x4096xf32, #tpu.memory_space<hbm>>
        %dma_wait3A_360 = arith.constant 0 : i32
        %dma_wait3A_361 = arith.constant 0 : i32
        %dma_wait3A_362 = tpu.memref_slice %arg5[%dma_wait3A_352, %dma_wait3A_360, %dma_wait3A_361] : memref<6x1x4096xf32, #tpu.memory_space<vmem>> -> memref<1x1x4096xf32, #tpu.memory_space<vmem>>
        %dma_wait3A_363 = tpu.memref_squeeze %dma_wait3A_362 : memref<1x1x4096xf32, #tpu.memory_space<vmem>> -> memref<1x4096xf32, #tpu.memory_space<vmem>>
        %dma_wait3A_364 = arith.constant 0 : i32
        %dma_wait3A_365 = arith.constant 0 : i32
        %dma_wait3A_366 = tpu.memref_slice %arg3[%dma_wait3A_364, %dma_wait3A_365] : memref<2048x4096xf32, #tpu.memory_space<hbm>> -> memref<1x4096xf32, #tpu.memory_space<hbm>>
        tpu.wait_dma2 semaphore(%arg12 : memref<!tpu.dma_semaphore, #tpu.memory_space<semaphore_mem>>) src(%dma_wait3A_366 : memref<1x4096xf32, #tpu.memory_space<hbm>>) dst(%dma_wait3A_363 : memref<1x4096xf32, #tpu.memory_space<vmem>>)
        %dma_wait3A_367 = arith.constant 5 : i32
        %dma_wait3A_368 = arith.constant 0 : i32
        %dma_wait3A_369 = arith.constant 0 : i32
        %dma_wait3A_370 = arith.constant 0 : i32
        %dma_wait3A_371 = tpu.memref_slice %arg6[%dma_wait3A_367, %dma_wait3A_368, %dma_wait3A_369, %dma_wait3A_370] : memref<6x4x1x4096xf32, #tpu.memory_space<vmem>> -> memref<1x4x1x4096xf32, #tpu.memory_space<vmem>>
        %dma_wait3A_372 = tpu.memref_squeeze %dma_wait3A_371 : memref<1x4x1x4096xf32, #tpu.memory_space<vmem>> -> memref<4x1x4096xf32, #tpu.memory_space<vmem>>
        %dma_wait3A_373 = arith.constant 0 : i32
        %dma_wait3A_374 = arith.constant 0 : i32
        %dma_wait3A_375 = arith.constant 0 : i32
        %dma_wait3A_376 = tpu.memref_slice %arg2[%dma_wait3A_373, %dma_wait3A_374, %dma_wait3A_375] : memref<4x2048x4096xf32, #tpu.memory_space<hbm>> -> memref<4x1x4096xf32, #tpu.memory_space<hbm>>
        %dma_wait3A_377 = arith.constant 0 : i32
        %dma_wait3A_378 = arith.constant 0 : i32
        %dma_wait3A_379 = arith.constant 0 : i32
        %dma_wait3A_380 = tpu.memref_slice %arg6[%dma_wait3A_367, %dma_wait3A_377, %dma_wait3A_378, %dma_wait3A_379] : memref<6x4x1x4096xf32, #tpu.memory_space<vmem>> -> memref<1x4x1x4096xf32, #tpu.memory_space<vmem>>
        %dma_wait3A_381 = tpu.memref_squeeze %dma_wait3A_380 : memref<1x4x1x4096xf32, #tpu.memory_space<vmem>> -> memref<4x1x4096xf32, #tpu.memory_space<vmem>>
        %dma_wait3A_382 = arith.constant 0 : i32
        %dma_wait3A_383 = arith.constant 0 : i32
        %dma_wait3A_384 = arith.constant 0 : i32
        %dma_wait3A_385 = tpu.memref_slice %arg2[%dma_wait3A_382, %dma_wait3A_383, %dma_wait3A_384] : memref<4x2048x4096xf32, #tpu.memory_space<hbm>> -> memref<4x1x4096xf32, #tpu.memory_space<hbm>>
        tpu.wait_dma2 semaphore(%arg12 : memref<!tpu.dma_semaphore, #tpu.memory_space<semaphore_mem>>) src(%dma_wait3A_385 : memref<4x1x4096xf32, #tpu.memory_space<hbm>>) dst(%dma_wait3A_381 : memref<4x1x4096xf32, #tpu.memory_space<vmem>>)
      } else {
      }
      %add3A_316 = arith.constant 5 : i32
      %add3A_317 = arith.addi %add3A_283, %add3A_316 : i32
      %lt3A = arith.constant 64 : i32
      %lt3A_318 = arith.cmpi slt, %add3A_317, %lt3A : i32
      %convert_element_type3A_319 = arith.extui %lt3A_318 : i1 to i32
      %cond3A_320 = arith.constant 0 : i32
      %cond3A_321 = arith.cmpi ne, %convert_element_type3A_319, %cond3A_320 : i32
      scf.if %cond3A_321 {
        %eq3A_352 = arith.constant 0 : i32
        %eq3A_353 = arith.cmpi eq, %rem3A_288, %eq3A_352 : i32
        %convert_element_type3A_354 = arith.extui %eq3A_353 : i1 to i32
        %cond3A_355 = arith.constant 0 : i32
        %cond3A_356 = arith.cmpi ne, %convert_element_type3A_354, %cond3A_355 : i32
        scf.if %cond3A_356 {
          %add3A_382 = arith.constant 5 : i32
          %add3A_383 = arith.addi %add3A_283, %add3A_382 : i32
          %ge3A = arith.constant 6 : i32
          %ge3A_384 = arith.cmpi sge, %add3A_383, %ge3A : i32
          %convert_element_type3A_385 = arith.extui %ge3A_384 : i1 to i32
          %cond3A_386 = arith.constant 0 : i32
          %cond3A_387 = arith.cmpi ne, %convert_element_type3A_385, %cond3A_386 : i32
          scf.if %cond3A_387 {
            %dma_wait3A_423 = arith.constant 0 : i32
            %dma_wait3A_424 = arith.constant 0 : i32
            %dma_wait3A_425 = arith.constant 0 : i32
            %dma_wait3A_426 = arith.constant 0 : i32
            %dma_wait3A_427 = tpu.memref_slice %arg6[%dma_wait3A_423, %dma_wait3A_424, %dma_wait3A_425, %dma_wait3A_426] : memref<6x4x1x4096xf32, #tpu.memory_space<vmem>> -> memref<1x4x1x4096xf32, #tpu.memory_space<vmem>>
            %dma_wait3A_428 = tpu.memref_squeeze %dma_wait3A_427 : memref<1x4x1x4096xf32, #tpu.memory_space<vmem>> -> memref<4x1x4096xf32, #tpu.memory_space<vmem>>
            %dma_wait3A_429 = arith.constant 0 : i32
            %dma_wait3A_430 = arith.constant 0 : i32
            %dma_wait3A_431 = arith.constant 0 : i32
            %dma_wait3A_432 = tpu.memref_slice %arg4[%dma_wait3A_429, %dma_wait3A_430, %dma_wait3A_431] : memref<4x2048x4096xf32, #tpu.memory_space<hbm>> -> memref<4x1x4096xf32, #tpu.memory_space<hbm>>
            %dma_wait3A_433 = arith.constant 0 : i32
            %dma_wait3A_434 = arith.constant 0 : i32
            %dma_wait3A_435 = arith.constant 0 : i32
            %dma_wait3A_436 = tpu.memref_slice %arg4[%dma_wait3A_433, %dma_wait3A_434, %dma_wait3A_435] : memref<4x2048x4096xf32, #tpu.memory_space<hbm>> -> memref<4x1x4096xf32, #tpu.memory_space<hbm>>
            %dma_wait3A_437 = arith.constant 0 : i32
            %dma_wait3A_438 = arith.constant 0 : i32
            %dma_wait3A_439 = arith.constant 0 : i32
            %dma_wait3A_440 = tpu.memref_slice %arg6[%dma_wait3A_423, %dma_wait3A_437, %dma_wait3A_438, %dma_wait3A_439] : memref<6x4x1x4096xf32, #tpu.memory_space<vmem>> -> memref<1x4x1x4096xf32, #tpu.memory_space<vmem>>
            %dma_wait3A_441 = tpu.memref_squeeze %dma_wait3A_440 : memref<1x4x1x4096xf32, #tpu.memory_space<vmem>> -> memref<4x1x4096xf32, #tpu.memory_space<vmem>>
            tpu.wait_dma2 semaphore(%arg13 : memref<!tpu.dma_semaphore, #tpu.memory_space<semaphore_mem>>) src(%dma_wait3A_441 : memref<4x1x4096xf32, #tpu.memory_space<vmem>>) dst(%dma_wait3A_436 : memref<4x1x4096xf32, #tpu.memory_space<hbm>>)
          } else {
          }
          %add3A_388 = arith.constant 5 : i32
          %add3A_389 = arith.addi %add3A_283, %add3A_388 : i32
          %mul3A_390 = arith.constant 1 : i32
          %mul3A_391 = arith.muli %add3A_389, %mul3A_390 : i32
          %add3A_392 = arith.addi %mul3A_2, %mul3A_391 : i32
          %dma_start3A_393 = arith.constant 0 : i32
          %dma_start3A_394 = arith.constant 0 : i32
          %dma_start3A_395 = arith.constant 0 : i32
          %dma_start3A_396 = tpu.memref_slice %arg5[%dma_start3A_393, %dma_start3A_394, %dma_start3A_395] : memref<6x1x4096xf32, #tpu.memory_space<vmem>> -> memref<1x1x4096xf32, #tpu.memory_space<vmem>>
          %dma_start3A_397 = tpu.memref_squeeze %dma_start3A_396 : memref<1x1x4096xf32, #tpu.memory_space<vmem>> -> memref<1x4096xf32, #tpu.memory_space<vmem>>
          %dma_start3A_398 = arith.constant 0 : i32
          %dma_start3A_399 = tpu.memref_slice %arg3[%add3A_392, %dma_start3A_398] : memref<2048x4096xf32, #tpu.memory_space<hbm>> -> memref<1x4096xf32, #tpu.memory_space<hbm>>
          %dma_start3A_400 = arith.constant 0 : i32
          %dma_start3A_401 = arith.constant 0 : i32
          %dma_start3A_402 = tpu.memref_slice %arg5[%dma_start3A_393, %dma_start3A_400, %dma_start3A_401] : memref<6x1x4096xf32, #tpu.memory_space<vmem>> -> memref<1x1x4096xf32, #tpu.memory_space<vmem>>
          %dma_start3A_403 = tpu.memref_squeeze %dma_start3A_402 : memref<1x1x4096xf32, #tpu.memory_space<vmem>> -> memref<1x4096xf32, #tpu.memory_space<vmem>>
          %dma_start3A_404 = arith.constant 0 : i32
          %dma_start3A_405 = tpu.memref_slice %arg3[%add3A_392, %dma_start3A_404] : memref<2048x4096xf32, #tpu.memory_space<hbm>> -> memref<1x4096xf32, #tpu.memory_space<hbm>>
          tpu.enqueue_dma source(%dma_start3A_405 : memref<1x4096xf32, #tpu.memory_space<hbm>>) target(%dma_start3A_403 : memref<1x4096xf32, #tpu.memory_space<vmem>>) target_semaphore(%arg7 : memref<!tpu.dma_semaphore, #tpu.memory_space<semaphore_mem>>)
          %dma_start3A_406 = arith.constant 0 : i32
          %dma_start3A_407 = arith.constant 0 : i32
          %dma_start3A_408 = arith.constant 0 : i32
          %dma_start3A_409 = arith.constant 0 : i32
          %dma_start3A_410 = tpu.memref_slice %arg6[%dma_start3A_406, %dma_start3A_407, %dma_start3A_408, %dma_start3A_409] : memref<6x4x1x4096xf32, #tpu.memory_space<vmem>> -> memref<1x4x1x4096xf32, #tpu.memory_space<vmem>>
          %dma_start3A_411 = tpu.memref_squeeze %dma_start3A_410 : memref<1x4x1x4096xf32, #tpu.memory_space<vmem>> -> memref<4x1x4096xf32, #tpu.memory_space<vmem>>
          %dma_start3A_412 = arith.constant 0 : i32
          %dma_start3A_413 = arith.constant 0 : i32
          %dma_start3A_414 = tpu.memref_slice %arg2[%dma_start3A_412, %add3A_392, %dma_start3A_413] : memref<4x2048x4096xf32, #tpu.memory_space<hbm>> -> memref<4x1x4096xf32, #tpu.memory_space<hbm>>
          %dma_start3A_415 = arith.constant 0 : i32
          %dma_start3A_416 = arith.constant 0 : i32
          %dma_start3A_417 = arith.constant 0 : i32
          %dma_start3A_418 = tpu.memref_slice %arg6[%dma_start3A_406, %dma_start3A_415, %dma_start3A_416, %dma_start3A_417] : memref<6x4x1x4096xf32, #tpu.memory_space<vmem>> -> memref<1x4x1x4096xf32, #tpu.memory_space<vmem>>
          %dma_start3A_419 = tpu.memref_squeeze %dma_start3A_418 : memref<1x4x1x4096xf32, #tpu.memory_space<vmem>> -> memref<4x1x4096xf32, #tpu.memory_space<vmem>>
          %dma_start3A_420 = arith.constant 0 : i32
          %dma_start3A_421 = arith.constant 0 : i32
          %dma_start3A_422 = tpu.memref_slice %arg2[%dma_start3A_420, %add3A_392, %dma_start3A_421] : memref<4x2048x4096xf32, #tpu.memory_space<hbm>> -> memref<4x1x4096xf32, #tpu.memory_space<hbm>>
          tpu.enqueue_dma source(%dma_start3A_422 : memref<4x1x4096xf32, #tpu.memory_space<hbm>>) target(%dma_start3A_419 : memref<4x1x4096xf32, #tpu.memory_space<vmem>>) target_semaphore(%arg7 : memref<!tpu.dma_semaphore, #tpu.memory_space<semaphore_mem>>)
        } else {
        }
        %eq3A_357 = arith.constant 1 : i32
        %eq3A_358 = arith.cmpi eq, %rem3A_288, %eq3A_357 : i32
        %convert_element_type3A_359 = arith.extui %eq3A_358 : i1 to i32
        %cond3A_360 = arith.constant 0 : i32
        %cond3A_361 = arith.cmpi ne, %convert_element_type3A_359, %cond3A_360 : i32
        scf.if %cond3A_361 {
          %add3A_382 = arith.constant 5 : i32
          %add3A_383 = arith.addi %add3A_283, %add3A_382 : i32
          %ge3A = arith.constant 6 : i32
          %ge3A_384 = arith.cmpi sge, %add3A_383, %ge3A : i32
          %convert_element_type3A_385 = arith.extui %ge3A_384 : i1 to i32
          %cond3A_386 = arith.constant 0 : i32
          %cond3A_387 = arith.cmpi ne, %convert_element_type3A_385, %cond3A_386 : i32
          scf.if %cond3A_387 {
            %dma_wait3A_423 = arith.constant 1 : i32
            %dma_wait3A_424 = arith.constant 0 : i32
            %dma_wait3A_425 = arith.constant 0 : i32
            %dma_wait3A_426 = arith.constant 0 : i32
            %dma_wait3A_427 = tpu.memref_slice %arg6[%dma_wait3A_423, %dma_wait3A_424, %dma_wait3A_425, %dma_wait3A_426] : memref<6x4x1x4096xf32, #tpu.memory_space<vmem>> -> memref<1x4x1x4096xf32, #tpu.memory_space<vmem>>
            %dma_wait3A_428 = tpu.memref_squeeze %dma_wait3A_427 : memref<1x4x1x4096xf32, #tpu.memory_space<vmem>> -> memref<4x1x4096xf32, #tpu.memory_space<vmem>>
            %dma_wait3A_429 = arith.constant 0 : i32
            %dma_wait3A_430 = arith.constant 0 : i32
            %dma_wait3A_431 = arith.constant 0 : i32
            %dma_wait3A_432 = tpu.memref_slice %arg4[%dma_wait3A_429, %dma_wait3A_430, %dma_wait3A_431] : memref<4x2048x4096xf32, #tpu.memory_space<hbm>> -> memref<4x1x4096xf32, #tpu.memory_space<hbm>>
            %dma_wait3A_433 = arith.constant 0 : i32
            %dma_wait3A_434 = arith.constant 0 : i32
            %dma_wait3A_435 = arith.constant 0 : i32
            %dma_wait3A_436 = tpu.memref_slice %arg4[%dma_wait3A_433, %dma_wait3A_434, %dma_wait3A_435] : memref<4x2048x4096xf32, #tpu.memory_space<hbm>> -> memref<4x1x4096xf32, #tpu.memory_space<hbm>>
            %dma_wait3A_437 = arith.constant 0 : i32
            %dma_wait3A_438 = arith.constant 0 : i32
            %dma_wait3A_439 = arith.constant 0 : i32
            %dma_wait3A_440 = tpu.memref_slice %arg6[%dma_wait3A_423, %dma_wait3A_437, %dma_wait3A_438, %dma_wait3A_439] : memref<6x4x1x4096xf32, #tpu.memory_space<vmem>> -> memref<1x4x1x4096xf32, #tpu.memory_space<vmem>>
            %dma_wait3A_441 = tpu.memref_squeeze %dma_wait3A_440 : memref<1x4x1x4096xf32, #tpu.memory_space<vmem>> -> memref<4x1x4096xf32, #tpu.memory_space<vmem>>
            tpu.wait_dma2 semaphore(%arg14 : memref<!tpu.dma_semaphore, #tpu.memory_space<semaphore_mem>>) src(%dma_wait3A_441 : memref<4x1x4096xf32, #tpu.memory_space<vmem>>) dst(%dma_wait3A_436 : memref<4x1x4096xf32, #tpu.memory_space<hbm>>)
          } else {
          }
          %add3A_388 = arith.constant 5 : i32
          %add3A_389 = arith.addi %add3A_283, %add3A_388 : i32
          %mul3A_390 = arith.constant 1 : i32
          %mul3A_391 = arith.muli %add3A_389, %mul3A_390 : i32
          %add3A_392 = arith.addi %mul3A_2, %mul3A_391 : i32
          %dma_start3A_393 = arith.constant 1 : i32
          %dma_start3A_394 = arith.constant 0 : i32
          %dma_start3A_395 = arith.constant 0 : i32
          %dma_start3A_396 = tpu.memref_slice %arg5[%dma_start3A_393, %dma_start3A_394, %dma_start3A_395] : memref<6x1x4096xf32, #tpu.memory_space<vmem>> -> memref<1x1x4096xf32, #tpu.memory_space<vmem>>
          %dma_start3A_397 = tpu.memref_squeeze %dma_start3A_396 : memref<1x1x4096xf32, #tpu.memory_space<vmem>> -> memref<1x4096xf32, #tpu.memory_space<vmem>>
          %dma_start3A_398 = arith.constant 0 : i32
          %dma_start3A_399 = tpu.memref_slice %arg3[%add3A_392, %dma_start3A_398] : memref<2048x4096xf32, #tpu.memory_space<hbm>> -> memref<1x4096xf32, #tpu.memory_space<hbm>>
          %dma_start3A_400 = arith.constant 0 : i32
          %dma_start3A_401 = arith.constant 0 : i32
          %dma_start3A_402 = tpu.memref_slice %arg5[%dma_start3A_393, %dma_start3A_400, %dma_start3A_401] : memref<6x1x4096xf32, #tpu.memory_space<vmem>> -> memref<1x1x4096xf32, #tpu.memory_space<vmem>>
          %dma_start3A_403 = tpu.memref_squeeze %dma_start3A_402 : memref<1x1x4096xf32, #tpu.memory_space<vmem>> -> memref<1x4096xf32, #tpu.memory_space<vmem>>
          %dma_start3A_404 = arith.constant 0 : i32
          %dma_start3A_405 = tpu.memref_slice %arg3[%add3A_392, %dma_start3A_404] : memref<2048x4096xf32, #tpu.memory_space<hbm>> -> memref<1x4096xf32, #tpu.memory_space<hbm>>
          tpu.enqueue_dma source(%dma_start3A_405 : memref<1x4096xf32, #tpu.memory_space<hbm>>) target(%dma_start3A_403 : memref<1x4096xf32, #tpu.memory_space<vmem>>) target_semaphore(%arg8 : memref<!tpu.dma_semaphore, #tpu.memory_space<semaphore_mem>>)
          %dma_start3A_406 = arith.constant 1 : i32
          %dma_start3A_407 = arith.constant 0 : i32
          %dma_start3A_408 = arith.constant 0 : i32
          %dma_start3A_409 = arith.constant 0 : i32
          %dma_start3A_410 = tpu.memref_slice %arg6[%dma_start3A_406, %dma_start3A_407, %dma_start3A_408, %dma_start3A_409] : memref<6x4x1x4096xf32, #tpu.memory_space<vmem>> -> memref<1x4x1x4096xf32, #tpu.memory_space<vmem>>
          %dma_start3A_411 = tpu.memref_squeeze %dma_start3A_410 : memref<1x4x1x4096xf32, #tpu.memory_space<vmem>> -> memref<4x1x4096xf32, #tpu.memory_space<vmem>>
          %dma_start3A_412 = arith.constant 0 : i32
          %dma_start3A_413 = arith.constant 0 : i32
          %dma_start3A_414 = tpu.memref_slice %arg2[%dma_start3A_412, %add3A_392, %dma_start3A_413] : memref<4x2048x4096xf32, #tpu.memory_space<hbm>> -> memref<4x1x4096xf32, #tpu.memory_space<hbm>>
          %dma_start3A_415 = arith.constant 0 : i32
          %dma_start3A_416 = arith.constant 0 : i32
          %dma_start3A_417 = arith.constant 0 : i32
          %dma_start3A_418 = tpu.memref_slice %arg6[%dma_start3A_406, %dma_start3A_415, %dma_start3A_416, %dma_start3A_417] : memref<6x4x1x4096xf32, #tpu.memory_space<vmem>> -> memref<1x4x1x4096xf32, #tpu.memory_space<vmem>>
          %dma_start3A_419 = tpu.memref_squeeze %dma_start3A_418 : memref<1x4x1x4096xf32, #tpu.memory_space<vmem>> -> memref<4x1x4096xf32, #tpu.memory_space<vmem>>
          %dma_start3A_420 = arith.constant 0 : i32
          %dma_start3A_421 = arith.constant 0 : i32
          %dma_start3A_422 = tpu.memref_slice %arg2[%dma_start3A_420, %add3A_392, %dma_start3A_421] : memref<4x2048x4096xf32, #tpu.memory_space<hbm>> -> memref<4x1x4096xf32, #tpu.memory_space<hbm>>
          tpu.enqueue_dma source(%dma_start3A_422 : memref<4x1x4096xf32, #tpu.memory_space<hbm>>) target(%dma_start3A_419 : memref<4x1x4096xf32, #tpu.memory_space<vmem>>) target_semaphore(%arg8 : memref<!tpu.dma_semaphore, #tpu.memory_space<semaphore_mem>>)
        } else {
        }
        %eq3A_362 = arith.constant 2 : i32
        %eq3A_363 = arith.cmpi eq, %rem3A_288, %eq3A_362 : i32
        %convert_element_type3A_364 = arith.extui %eq3A_363 : i1 to i32
        %cond3A_365 = arith.constant 0 : i32
        %cond3A_366 = arith.cmpi ne, %convert_element_type3A_364, %cond3A_365 : i32
        scf.if %cond3A_366 {
          %add3A_382 = arith.constant 5 : i32
          %add3A_383 = arith.addi %add3A_283, %add3A_382 : i32
          %ge3A = arith.constant 6 : i32
          %ge3A_384 = arith.cmpi sge, %add3A_383, %ge3A : i32
          %convert_element_type3A_385 = arith.extui %ge3A_384 : i1 to i32
          %cond3A_386 = arith.constant 0 : i32
          %cond3A_387 = arith.cmpi ne, %convert_element_type3A_385, %cond3A_386 : i32
          scf.if %cond3A_387 {
            %dma_wait3A_423 = arith.constant 2 : i32
            %dma_wait3A_424 = arith.constant 0 : i32
            %dma_wait3A_425 = arith.constant 0 : i32
            %dma_wait3A_426 = arith.constant 0 : i32
            %dma_wait3A_427 = tpu.memref_slice %arg6[%dma_wait3A_423, %dma_wait3A_424, %dma_wait3A_425, %dma_wait3A_426] : memref<6x4x1x4096xf32, #tpu.memory_space<vmem>> -> memref<1x4x1x4096xf32, #tpu.memory_space<vmem>>
            %dma_wait3A_428 = tpu.memref_squeeze %dma_wait3A_427 : memref<1x4x1x4096xf32, #tpu.memory_space<vmem>> -> memref<4x1x4096xf32, #tpu.memory_space<vmem>>
            %dma_wait3A_429 = arith.constant 0 : i32
            %dma_wait3A_430 = arith.constant 0 : i32
            %dma_wait3A_431 = arith.constant 0 : i32
            %dma_wait3A_432 = tpu.memref_slice %arg4[%dma_wait3A_429, %dma_wait3A_430, %dma_wait3A_431] : memref<4x2048x4096xf32, #tpu.memory_space<hbm>> -> memref<4x1x4096xf32, #tpu.memory_space<hbm>>
            %dma_wait3A_433 = arith.constant 0 : i32
            %dma_wait3A_434 = arith.constant 0 : i32
            %dma_wait3A_435 = arith.constant 0 : i32
            %dma_wait3A_436 = tpu.memref_slice %arg4[%dma_wait3A_433, %dma_wait3A_434, %dma_wait3A_435] : memref<4x2048x4096xf32, #tpu.memory_space<hbm>> -> memref<4x1x4096xf32, #tpu.memory_space<hbm>>
            %dma_wait3A_437 = arith.constant 0 : i32
            %dma_wait3A_438 = arith.constant 0 : i32
            %dma_wait3A_439 = arith.constant 0 : i32
            %dma_wait3A_440 = tpu.memref_slice %arg6[%dma_wait3A_423, %dma_wait3A_437, %dma_wait3A_438, %dma_wait3A_439] : memref<6x4x1x4096xf32, #tpu.memory_space<vmem>> -> memref<1x4x1x4096xf32, #tpu.memory_space<vmem>>
            %dma_wait3A_441 = tpu.memref_squeeze %dma_wait3A_440 : memref<1x4x1x4096xf32, #tpu.memory_space<vmem>> -> memref<4x1x4096xf32, #tpu.memory_space<vmem>>
            tpu.wait_dma2 semaphore(%arg15 : memref<!tpu.dma_semaphore, #tpu.memory_space<semaphore_mem>>) src(%dma_wait3A_441 : memref<4x1x4096xf32, #tpu.memory_space<vmem>>) dst(%dma_wait3A_436 : memref<4x1x4096xf32, #tpu.memory_space<hbm>>)
          } else {
          }
          %add3A_388 = arith.constant 5 : i32
          %add3A_389 = arith.addi %add3A_283, %add3A_388 : i32
          %mul3A_390 = arith.constant 1 : i32
          %mul3A_391 = arith.muli %add3A_389, %mul3A_390 : i32
          %add3A_392 = arith.addi %mul3A_2, %mul3A_391 : i32
          %dma_start3A_393 = arith.constant 2 : i32
          %dma_start3A_394 = arith.constant 0 : i32
          %dma_start3A_395 = arith.constant 0 : i32
          %dma_start3A_396 = tpu.memref_slice %arg5[%dma_start3A_393, %dma_start3A_394, %dma_start3A_395] : memref<6x1x4096xf32, #tpu.memory_space<vmem>> -> memref<1x1x4096xf32, #tpu.memory_space<vmem>>
          %dma_start3A_397 = tpu.memref_squeeze %dma_start3A_396 : memref<1x1x4096xf32, #tpu.memory_space<vmem>> -> memref<1x4096xf32, #tpu.memory_space<vmem>>
          %dma_start3A_398 = arith.constant 0 : i32
          %dma_start3A_399 = tpu.memref_slice %arg3[%add3A_392, %dma_start3A_398] : memref<2048x4096xf32, #tpu.memory_space<hbm>> -> memref<1x4096xf32, #tpu.memory_space<hbm>>
          %dma_start3A_400 = arith.constant 0 : i32
          %dma_start3A_401 = arith.constant 0 : i32
          %dma_start3A_402 = tpu.memref_slice %arg5[%dma_start3A_393, %dma_start3A_400, %dma_start3A_401] : memref<6x1x4096xf32, #tpu.memory_space<vmem>> -> memref<1x1x4096xf32, #tpu.memory_space<vmem>>
          %dma_start3A_403 = tpu.memref_squeeze %dma_start3A_402 : memref<1x1x4096xf32, #tpu.memory_space<vmem>> -> memref<1x4096xf32, #tpu.memory_space<vmem>>
          %dma_start3A_404 = arith.constant 0 : i32
          %dma_start3A_405 = tpu.memref_slice %arg3[%add3A_392, %dma_start3A_404] : memref<2048x4096xf32, #tpu.memory_space<hbm>> -> memref<1x4096xf32, #tpu.memory_space<hbm>>
          tpu.enqueue_dma source(%dma_start3A_405 : memref<1x4096xf32, #tpu.memory_space<hbm>>) target(%dma_start3A_403 : memref<1x4096xf32, #tpu.memory_space<vmem>>) target_semaphore(%arg9 : memref<!tpu.dma_semaphore, #tpu.memory_space<semaphore_mem>>)
          %dma_start3A_406 = arith.constant 2 : i32
          %dma_start3A_407 = arith.constant 0 : i32
          %dma_start3A_408 = arith.constant 0 : i32
          %dma_start3A_409 = arith.constant 0 : i32
          %dma_start3A_410 = tpu.memref_slice %arg6[%dma_start3A_406, %dma_start3A_407, %dma_start3A_408, %dma_start3A_409] : memref<6x4x1x4096xf32, #tpu.memory_space<vmem>> -> memref<1x4x1x4096xf32, #tpu.memory_space<vmem>>
          %dma_start3A_411 = tpu.memref_squeeze %dma_start3A_410 : memref<1x4x1x4096xf32, #tpu.memory_space<vmem>> -> memref<4x1x4096xf32, #tpu.memory_space<vmem>>
          %dma_start3A_412 = arith.constant 0 : i32
          %dma_start3A_413 = arith.constant 0 : i32
          %dma_start3A_414 = tpu.memref_slice %arg2[%dma_start3A_412, %add3A_392, %dma_start3A_413] : memref<4x2048x4096xf32, #tpu.memory_space<hbm>> -> memref<4x1x4096xf32, #tpu.memory_space<hbm>>
          %dma_start3A_415 = arith.constant 0 : i32
          %dma_start3A_416 = arith.constant 0 : i32
          %dma_start3A_417 = arith.constant 0 : i32
          %dma_start3A_418 = tpu.memref_slice %arg6[%dma_start3A_406, %dma_start3A_415, %dma_start3A_416, %dma_start3A_417] : memref<6x4x1x4096xf32, #tpu.memory_space<vmem>> -> memref<1x4x1x4096xf32, #tpu.memory_space<vmem>>
          %dma_start3A_419 = tpu.memref_squeeze %dma_start3A_418 : memref<1x4x1x4096xf32, #tpu.memory_space<vmem>> -> memref<4x1x4096xf32, #tpu.memory_space<vmem>>
          %dma_start3A_420 = arith.constant 0 : i32
          %dma_start3A_421 = arith.constant 0 : i32
          %dma_start3A_422 = tpu.memref_slice %arg2[%dma_start3A_420, %add3A_392, %dma_start3A_421] : memref<4x2048x4096xf32, #tpu.memory_space<hbm>> -> memref<4x1x4096xf32, #tpu.memory_space<hbm>>
          tpu.enqueue_dma source(%dma_start3A_422 : memref<4x1x4096xf32, #tpu.memory_space<hbm>>) target(%dma_start3A_419 : memref<4x1x4096xf32, #tpu.memory_space<vmem>>) target_semaphore(%arg9 : memref<!tpu.dma_semaphore, #tpu.memory_space<semaphore_mem>>)
        } else {
        }
        %eq3A_367 = arith.constant 3 : i32
        %eq3A_368 = arith.cmpi eq, %rem3A_288, %eq3A_367 : i32
        %convert_element_type3A_369 = arith.extui %eq3A_368 : i1 to i32
        %cond3A_370 = arith.constant 0 : i32
        %cond3A_371 = arith.cmpi ne, %convert_element_type3A_369, %cond3A_370 : i32
        scf.if %cond3A_371 {
          %add3A_382 = arith.constant 5 : i32
          %add3A_383 = arith.addi %add3A_283, %add3A_382 : i32
          %ge3A = arith.constant 6 : i32
          %ge3A_384 = arith.cmpi sge, %add3A_383, %ge3A : i32
          %convert_element_type3A_385 = arith.extui %ge3A_384 : i1 to i32
          %cond3A_386 = arith.constant 0 : i32
          %cond3A_387 = arith.cmpi ne, %convert_element_type3A_385, %cond3A_386 : i32
          scf.if %cond3A_387 {
            %dma_wait3A_423 = arith.constant 3 : i32
            %dma_wait3A_424 = arith.constant 0 : i32
            %dma_wait3A_425 = arith.constant 0 : i32
            %dma_wait3A_426 = arith.constant 0 : i32
            %dma_wait3A_427 = tpu.memref_slice %arg6[%dma_wait3A_423, %dma_wait3A_424, %dma_wait3A_425, %dma_wait3A_426] : memref<6x4x1x4096xf32, #tpu.memory_space<vmem>> -> memref<1x4x1x4096xf32, #tpu.memory_space<vmem>>
            %dma_wait3A_428 = tpu.memref_squeeze %dma_wait3A_427 : memref<1x4x1x4096xf32, #tpu.memory_space<vmem>> -> memref<4x1x4096xf32, #tpu.memory_space<vmem>>
            %dma_wait3A_429 = arith.constant 0 : i32
            %dma_wait3A_430 = arith.constant 0 : i32
            %dma_wait3A_431 = arith.constant 0 : i32
            %dma_wait3A_432 = tpu.memref_slice %arg4[%dma_wait3A_429, %dma_wait3A_430, %dma_wait3A_431] : memref<4x2048x4096xf32, #tpu.memory_space<hbm>> -> memref<4x1x4096xf32, #tpu.memory_space<hbm>>
            %dma_wait3A_433 = arith.constant 0 : i32
            %dma_wait3A_434 = arith.constant 0 : i32
            %dma_wait3A_435 = arith.constant 0 : i32
            %dma_wait3A_436 = tpu.memref_slice %arg4[%dma_wait3A_433, %dma_wait3A_434, %dma_wait3A_435] : memref<4x2048x4096xf32, #tpu.memory_space<hbm>> -> memref<4x1x4096xf32, #tpu.memory_space<hbm>>
            %dma_wait3A_437 = arith.constant 0 : i32
            %dma_wait3A_438 = arith.constant 0 : i32
            %dma_wait3A_439 = arith.constant 0 : i32
            %dma_wait3A_440 = tpu.memref_slice %arg6[%dma_wait3A_423, %dma_wait3A_437, %dma_wait3A_438, %dma_wait3A_439] : memref<6x4x1x4096xf32, #tpu.memory_space<vmem>> -> memref<1x4x1x4096xf32, #tpu.memory_space<vmem>>
            %dma_wait3A_441 = tpu.memref_squeeze %dma_wait3A_440 : memref<1x4x1x4096xf32, #tpu.memory_space<vmem>> -> memref<4x1x4096xf32, #tpu.memory_space<vmem>>
            tpu.wait_dma2 semaphore(%arg16 : memref<!tpu.dma_semaphore, #tpu.memory_space<semaphore_mem>>) src(%dma_wait3A_441 : memref<4x1x4096xf32, #tpu.memory_space<vmem>>) dst(%dma_wait3A_436 : memref<4x1x4096xf32, #tpu.memory_space<hbm>>)
          } else {
          }
          %add3A_388 = arith.constant 5 : i32
          %add3A_389 = arith.addi %add3A_283, %add3A_388 : i32
          %mul3A_390 = arith.constant 1 : i32
          %mul3A_391 = arith.muli %add3A_389, %mul3A_390 : i32
          %add3A_392 = arith.addi %mul3A_2, %mul3A_391 : i32
          %dma_start3A_393 = arith.constant 3 : i32
          %dma_start3A_394 = arith.constant 0 : i32
          %dma_start3A_395 = arith.constant 0 : i32
          %dma_start3A_396 = tpu.memref_slice %arg5[%dma_start3A_393, %dma_start3A_394, %dma_start3A_395] : memref<6x1x4096xf32, #tpu.memory_space<vmem>> -> memref<1x1x4096xf32, #tpu.memory_space<vmem>>
          %dma_start3A_397 = tpu.memref_squeeze %dma_start3A_396 : memref<1x1x4096xf32, #tpu.memory_space<vmem>> -> memref<1x4096xf32, #tpu.memory_space<vmem>>
          %dma_start3A_398 = arith.constant 0 : i32
          %dma_start3A_399 = tpu.memref_slice %arg3[%add3A_392, %dma_start3A_398] : memref<2048x4096xf32, #tpu.memory_space<hbm>> -> memref<1x4096xf32, #tpu.memory_space<hbm>>
          %dma_start3A_400 = arith.constant 0 : i32
          %dma_start3A_401 = arith.constant 0 : i32
          %dma_start3A_402 = tpu.memref_slice %arg5[%dma_start3A_393, %dma_start3A_400, %dma_start3A_401] : memref<6x1x4096xf32, #tpu.memory_space<vmem>> -> memref<1x1x4096xf32, #tpu.memory_space<vmem>>
          %dma_start3A_403 = tpu.memref_squeeze %dma_start3A_402 : memref<1x1x4096xf32, #tpu.memory_space<vmem>> -> memref<1x4096xf32, #tpu.memory_space<vmem>>
          %dma_start3A_404 = arith.constant 0 : i32
          %dma_start3A_405 = tpu.memref_slice %arg3[%add3A_392, %dma_start3A_404] : memref<2048x4096xf32, #tpu.memory_space<hbm>> -> memref<1x4096xf32, #tpu.memory_space<hbm>>
          tpu.enqueue_dma source(%dma_start3A_405 : memref<1x4096xf32, #tpu.memory_space<hbm>>) target(%dma_start3A_403 : memref<1x4096xf32, #tpu.memory_space<vmem>>) target_semaphore(%arg10 : memref<!tpu.dma_semaphore, #tpu.memory_space<semaphore_mem>>)
          %dma_start3A_406 = arith.constant 3 : i32
          %dma_start3A_407 = arith.constant 0 : i32
          %dma_start3A_408 = arith.constant 0 : i32
          %dma_start3A_409 = arith.constant 0 : i32
          %dma_start3A_410 = tpu.memref_slice %arg6[%dma_start3A_406, %dma_start3A_407, %dma_start3A_408, %dma_start3A_409] : memref<6x4x1x4096xf32, #tpu.memory_space<vmem>> -> memref<1x4x1x4096xf32, #tpu.memory_space<vmem>>
          %dma_start3A_411 = tpu.memref_squeeze %dma_start3A_410 : memref<1x4x1x4096xf32, #tpu.memory_space<vmem>> -> memref<4x1x4096xf32, #tpu.memory_space<vmem>>
          %dma_start3A_412 = arith.constant 0 : i32
          %dma_start3A_413 = arith.constant 0 : i32
          %dma_start3A_414 = tpu.memref_slice %arg2[%dma_start3A_412, %add3A_392, %dma_start3A_413] : memref<4x2048x4096xf32, #tpu.memory_space<hbm>> -> memref<4x1x4096xf32, #tpu.memory_space<hbm>>
          %dma_start3A_415 = arith.constant 0 : i32
          %dma_start3A_416 = arith.constant 0 : i32
          %dma_start3A_417 = arith.constant 0 : i32
          %dma_start3A_418 = tpu.memref_slice %arg6[%dma_start3A_406, %dma_start3A_415, %dma_start3A_416, %dma_start3A_417] : memref<6x4x1x4096xf32, #tpu.memory_space<vmem>> -> memref<1x4x1x4096xf32, #tpu.memory_space<vmem>>
          %dma_start3A_419 = tpu.memref_squeeze %dma_start3A_418 : memref<1x4x1x4096xf32, #tpu.memory_space<vmem>> -> memref<4x1x4096xf32, #tpu.memory_space<vmem>>
          %dma_start3A_420 = arith.constant 0 : i32
          %dma_start3A_421 = arith.constant 0 : i32
          %dma_start3A_422 = tpu.memref_slice %arg2[%dma_start3A_420, %add3A_392, %dma_start3A_421] : memref<4x2048x4096xf32, #tpu.memory_space<hbm>> -> memref<4x1x4096xf32, #tpu.memory_space<hbm>>
          tpu.enqueue_dma source(%dma_start3A_422 : memref<4x1x4096xf32, #tpu.memory_space<hbm>>) target(%dma_start3A_419 : memref<4x1x4096xf32, #tpu.memory_space<vmem>>) target_semaphore(%arg10 : memref<!tpu.dma_semaphore, #tpu.memory_space<semaphore_mem>>)
        } else {
        }
        %eq3A_372 = arith.constant 4 : i32
        %eq3A_373 = arith.cmpi eq, %rem3A_288, %eq3A_372 : i32
        %convert_element_type3A_374 = arith.extui %eq3A_373 : i1 to i32
        %cond3A_375 = arith.constant 0 : i32
        %cond3A_376 = arith.cmpi ne, %convert_element_type3A_374, %cond3A_375 : i32
        scf.if %cond3A_376 {
          %add3A_382 = arith.constant 5 : i32
          %add3A_383 = arith.addi %add3A_283, %add3A_382 : i32
          %ge3A = arith.constant 6 : i32
          %ge3A_384 = arith.cmpi sge, %add3A_383, %ge3A : i32
          %convert_element_type3A_385 = arith.extui %ge3A_384 : i1 to i32
          %cond3A_386 = arith.constant 0 : i32
          %cond3A_387 = arith.cmpi ne, %convert_element_type3A_385, %cond3A_386 : i32
          scf.if %cond3A_387 {
            %dma_wait3A_423 = arith.constant 4 : i32
            %dma_wait3A_424 = arith.constant 0 : i32
            %dma_wait3A_425 = arith.constant 0 : i32
            %dma_wait3A_426 = arith.constant 0 : i32
            %dma_wait3A_427 = tpu.memref_slice %arg6[%dma_wait3A_423, %dma_wait3A_424, %dma_wait3A_425, %dma_wait3A_426] : memref<6x4x1x4096xf32, #tpu.memory_space<vmem>> -> memref<1x4x1x4096xf32, #tpu.memory_space<vmem>>
            %dma_wait3A_428 = tpu.memref_squeeze %dma_wait3A_427 : memref<1x4x1x4096xf32, #tpu.memory_space<vmem>> -> memref<4x1x4096xf32, #tpu.memory_space<vmem>>
            %dma_wait3A_429 = arith.constant 0 : i32
            %dma_wait3A_430 = arith.constant 0 : i32
            %dma_wait3A_431 = arith.constant 0 : i32
            %dma_wait3A_432 = tpu.memref_slice %arg4[%dma_wait3A_429, %dma_wait3A_430, %dma_wait3A_431] : memref<4x2048x4096xf32, #tpu.memory_space<hbm>> -> memref<4x1x4096xf32, #tpu.memory_space<hbm>>
            %dma_wait3A_433 = arith.constant 0 : i32
            %dma_wait3A_434 = arith.constant 0 : i32
            %dma_wait3A_435 = arith.constant 0 : i32
            %dma_wait3A_436 = tpu.memref_slice %arg4[%dma_wait3A_433, %dma_wait3A_434, %dma_wait3A_435] : memref<4x2048x4096xf32, #tpu.memory_space<hbm>> -> memref<4x1x4096xf32, #tpu.memory_space<hbm>>
            %dma_wait3A_437 = arith.constant 0 : i32
            %dma_wait3A_438 = arith.constant 0 : i32
            %dma_wait3A_439 = arith.constant 0 : i32
            %dma_wait3A_440 = tpu.memref_slice %arg6[%dma_wait3A_423, %dma_wait3A_437, %dma_wait3A_438, %dma_wait3A_439] : memref<6x4x1x4096xf32, #tpu.memory_space<vmem>> -> memref<1x4x1x4096xf32, #tpu.memory_space<vmem>>
            %dma_wait3A_441 = tpu.memref_squeeze %dma_wait3A_440 : memref<1x4x1x4096xf32, #tpu.memory_space<vmem>> -> memref<4x1x4096xf32, #tpu.memory_space<vmem>>
            tpu.wait_dma2 semaphore(%arg17 : memref<!tpu.dma_semaphore, #tpu.memory_space<semaphore_mem>>) src(%dma_wait3A_441 : memref<4x1x4096xf32, #tpu.memory_space<vmem>>) dst(%dma_wait3A_436 : memref<4x1x4096xf32, #tpu.memory_space<hbm>>)
          } else {
          }
          %add3A_388 = arith.constant 5 : i32
          %add3A_389 = arith.addi %add3A_283, %add3A_388 : i32
          %mul3A_390 = arith.constant 1 : i32
          %mul3A_391 = arith.muli %add3A_389, %mul3A_390 : i32
          %add3A_392 = arith.addi %mul3A_2, %mul3A_391 : i32
          %dma_start3A_393 = arith.constant 4 : i32
          %dma_start3A_394 = arith.constant 0 : i32
          %dma_start3A_395 = arith.constant 0 : i32
          %dma_start3A_396 = tpu.memref_slice %arg5[%dma_start3A_393, %dma_start3A_394, %dma_start3A_395] : memref<6x1x4096xf32, #tpu.memory_space<vmem>> -> memref<1x1x4096xf32, #tpu.memory_space<vmem>>
          %dma_start3A_397 = tpu.memref_squeeze %dma_start3A_396 : memref<1x1x4096xf32, #tpu.memory_space<vmem>> -> memref<1x4096xf32, #tpu.memory_space<vmem>>
          %dma_start3A_398 = arith.constant 0 : i32
          %dma_start3A_399 = tpu.memref_slice %arg3[%add3A_392, %dma_start3A_398] : memref<2048x4096xf32, #tpu.memory_space<hbm>> -> memref<1x4096xf32, #tpu.memory_space<hbm>>
          %dma_start3A_400 = arith.constant 0 : i32
          %dma_start3A_401 = arith.constant 0 : i32
          %dma_start3A_402 = tpu.memref_slice %arg5[%dma_start3A_393, %dma_start3A_400, %dma_start3A_401] : memref<6x1x4096xf32, #tpu.memory_space<vmem>> -> memref<1x1x4096xf32, #tpu.memory_space<vmem>>
          %dma_start3A_403 = tpu.memref_squeeze %dma_start3A_402 : memref<1x1x4096xf32, #tpu.memory_space<vmem>> -> memref<1x4096xf32, #tpu.memory_space<vmem>>
          %dma_start3A_404 = arith.constant 0 : i32
          %dma_start3A_405 = tpu.memref_slice %arg3[%add3A_392, %dma_start3A_404] : memref<2048x4096xf32, #tpu.memory_space<hbm>> -> memref<1x4096xf32, #tpu.memory_space<hbm>>
          tpu.enqueue_dma source(%dma_start3A_405 : memref<1x4096xf32, #tpu.memory_space<hbm>>) target(%dma_start3A_403 : memref<1x4096xf32, #tpu.memory_space<vmem>>) target_semaphore(%arg11 : memref<!tpu.dma_semaphore, #tpu.memory_space<semaphore_mem>>)
          %dma_start3A_406 = arith.constant 4 : i32
          %dma_start3A_407 = arith.constant 0 : i32
          %dma_start3A_408 = arith.constant 0 : i32
          %dma_start3A_409 = arith.constant 0 : i32
          %dma_start3A_410 = tpu.memref_slice %arg6[%dma_start3A_406, %dma_start3A_407, %dma_start3A_408, %dma_start3A_409] : memref<6x4x1x4096xf32, #tpu.memory_space<vmem>> -> memref<1x4x1x4096xf32, #tpu.memory_space<vmem>>
          %dma_start3A_411 = tpu.memref_squeeze %dma_start3A_410 : memref<1x4x1x4096xf32, #tpu.memory_space<vmem>> -> memref<4x1x4096xf32, #tpu.memory_space<vmem>>
          %dma_start3A_412 = arith.constant 0 : i32
          %dma_start3A_413 = arith.constant 0 : i32
          %dma_start3A_414 = tpu.memref_slice %arg2[%dma_start3A_412, %add3A_392, %dma_start3A_413] : memref<4x2048x4096xf32, #tpu.memory_space<hbm>> -> memref<4x1x4096xf32, #tpu.memory_space<hbm>>
          %dma_start3A_415 = arith.constant 0 : i32
          %dma_start3A_416 = arith.constant 0 : i32
          %dma_start3A_417 = arith.constant 0 : i32
          %dma_start3A_418 = tpu.memref_slice %arg6[%dma_start3A_406, %dma_start3A_415, %dma_start3A_416, %dma_start3A_417] : memref<6x4x1x4096xf32, #tpu.memory_space<vmem>> -> memref<1x4x1x4096xf32, #tpu.memory_space<vmem>>
          %dma_start3A_419 = tpu.memref_squeeze %dma_start3A_418 : memref<1x4x1x4096xf32, #tpu.memory_space<vmem>> -> memref<4x1x4096xf32, #tpu.memory_space<vmem>>
          %dma_start3A_420 = arith.constant 0 : i32
          %dma_start3A_421 = arith.constant 0 : i32
          %dma_start3A_422 = tpu.memref_slice %arg2[%dma_start3A_420, %add3A_392, %dma_start3A_421] : memref<4x2048x4096xf32, #tpu.memory_space<hbm>> -> memref<4x1x4096xf32, #tpu.memory_space<hbm>>
          tpu.enqueue_dma source(%dma_start3A_422 : memref<4x1x4096xf32, #tpu.memory_space<hbm>>) target(%dma_start3A_419 : memref<4x1x4096xf32, #tpu.memory_space<vmem>>) target_semaphore(%arg11 : memref<!tpu.dma_semaphore, #tpu.memory_space<semaphore_mem>>)
        } else {
        }
        %eq3A_377 = arith.constant 5 : i32
        %eq3A_378 = arith.cmpi eq, %rem3A_288, %eq3A_377 : i32
        %convert_element_type3A_379 = arith.extui %eq3A_378 : i1 to i32
        %cond3A_380 = arith.constant 0 : i32
        %cond3A_381 = arith.cmpi ne, %convert_element_type3A_379, %cond3A_380 : i32
        scf.if %cond3A_381 {
          %add3A_382 = arith.constant 5 : i32
          %add3A_383 = arith.addi %add3A_283, %add3A_382 : i32
          %ge3A = arith.constant 6 : i32
          %ge3A_384 = arith.cmpi sge, %add3A_383, %ge3A : i32
          %convert_element_type3A_385 = arith.extui %ge3A_384 : i1 to i32
          %cond3A_386 = arith.constant 0 : i32
          %cond3A_387 = arith.cmpi ne, %convert_element_type3A_385, %cond3A_386 : i32
          scf.if %cond3A_387 {
            %dma_wait3A_423 = arith.constant 5 : i32
            %dma_wait3A_424 = arith.constant 0 : i32
            %dma_wait3A_425 = arith.constant 0 : i32
            %dma_wait3A_426 = arith.constant 0 : i32
            %dma_wait3A_427 = tpu.memref_slice %arg6[%dma_wait3A_423, %dma_wait3A_424, %dma_wait3A_425, %dma_wait3A_426] : memref<6x4x1x4096xf32, #tpu.memory_space<vmem>> -> memref<1x4x1x4096xf32, #tpu.memory_space<vmem>>
            %dma_wait3A_428 = tpu.memref_squeeze %dma_wait3A_427 : memref<1x4x1x4096xf32, #tpu.memory_space<vmem>> -> memref<4x1x4096xf32, #tpu.memory_space<vmem>>
            %dma_wait3A_429 = arith.constant 0 : i32
            %dma_wait3A_430 = arith.constant 0 : i32
            %dma_wait3A_431 = arith.constant 0 : i32
            %dma_wait3A_432 = tpu.memref_slice %arg4[%dma_wait3A_429, %dma_wait3A_430, %dma_wait3A_431] : memref<4x2048x4096xf32, #tpu.memory_space<hbm>> -> memref<4x1x4096xf32, #tpu.memory_space<hbm>>
            %dma_wait3A_433 = arith.constant 0 : i32
            %dma_wait3A_434 = arith.constant 0 : i32
            %dma_wait3A_435 = arith.constant 0 : i32
            %dma_wait3A_436 = tpu.memref_slice %arg4[%dma_wait3A_433, %dma_wait3A_434, %dma_wait3A_435] : memref<4x2048x4096xf32, #tpu.memory_space<hbm>> -> memref<4x1x4096xf32, #tpu.memory_space<hbm>>
            %dma_wait3A_437 = arith.constant 0 : i32
            %dma_wait3A_438 = arith.constant 0 : i32
            %dma_wait3A_439 = arith.constant 0 : i32
            %dma_wait3A_440 = tpu.memref_slice %arg6[%dma_wait3A_423, %dma_wait3A_437, %dma_wait3A_438, %dma_wait3A_439] : memref<6x4x1x4096xf32, #tpu.memory_space<vmem>> -> memref<1x4x1x4096xf32, #tpu.memory_space<vmem>>
            %dma_wait3A_441 = tpu.memref_squeeze %dma_wait3A_440 : memref<1x4x1x4096xf32, #tpu.memory_space<vmem>> -> memref<4x1x4096xf32, #tpu.memory_space<vmem>>
            tpu.wait_dma2 semaphore(%arg18 : memref<!tpu.dma_semaphore, #tpu.memory_space<semaphore_mem>>) src(%dma_wait3A_441 : memref<4x1x4096xf32, #tpu.memory_space<vmem>>) dst(%dma_wait3A_436 : memref<4x1x4096xf32, #tpu.memory_space<hbm>>)
          } else {
          }
          %add3A_388 = arith.constant 5 : i32
          %add3A_389 = arith.addi %add3A_283, %add3A_388 : i32
          %mul3A_390 = arith.constant 1 : i32
          %mul3A_391 = arith.muli %add3A_389, %mul3A_390 : i32
          %add3A_392 = arith.addi %mul3A_2, %mul3A_391 : i32
          %dma_start3A_393 = arith.constant 5 : i32
          %dma_start3A_394 = arith.constant 0 : i32
          %dma_start3A_395 = arith.constant 0 : i32
          %dma_start3A_396 = tpu.memref_slice %arg5[%dma_start3A_393, %dma_start3A_394, %dma_start3A_395] : memref<6x1x4096xf32, #tpu.memory_space<vmem>> -> memref<1x1x4096xf32, #tpu.memory_space<vmem>>
          %dma_start3A_397 = tpu.memref_squeeze %dma_start3A_396 : memref<1x1x4096xf32, #tpu.memory_space<vmem>> -> memref<1x4096xf32, #tpu.memory_space<vmem>>
          %dma_start3A_398 = arith.constant 0 : i32
          %dma_start3A_399 = tpu.memref_slice %arg3[%add3A_392, %dma_start3A_398] : memref<2048x4096xf32, #tpu.memory_space<hbm>> -> memref<1x4096xf32, #tpu.memory_space<hbm>>
          %dma_start3A_400 = arith.constant 0 : i32
          %dma_start3A_401 = arith.constant 0 : i32
          %dma_start3A_402 = tpu.memref_slice %arg5[%dma_start3A_393, %dma_start3A_400, %dma_start3A_401] : memref<6x1x4096xf32, #tpu.memory_space<vmem>> -> memref<1x1x4096xf32, #tpu.memory_space<vmem>>
          %dma_start3A_403 = tpu.memref_squeeze %dma_start3A_402 : memref<1x1x4096xf32, #tpu.memory_space<vmem>> -> memref<1x4096xf32, #tpu.memory_space<vmem>>
          %dma_start3A_404 = arith.constant 0 : i32
          %dma_start3A_405 = tpu.memref_slice %arg3[%add3A_392, %dma_start3A_404] : memref<2048x4096xf32, #tpu.memory_space<hbm>> -> memref<1x4096xf32, #tpu.memory_space<hbm>>
          tpu.enqueue_dma source(%dma_start3A_405 : memref<1x4096xf32, #tpu.memory_space<hbm>>) target(%dma_start3A_403 : memref<1x4096xf32, #tpu.memory_space<vmem>>) target_semaphore(%arg12 : memref<!tpu.dma_semaphore, #tpu.memory_space<semaphore_mem>>)
          %dma_start3A_406 = arith.constant 5 : i32
          %dma_start3A_407 = arith.constant 0 : i32
          %dma_start3A_408 = arith.constant 0 : i32
          %dma_start3A_409 = arith.constant 0 : i32
          %dma_start3A_410 = tpu.memref_slice %arg6[%dma_start3A_406, %dma_start3A_407, %dma_start3A_408, %dma_start3A_409] : memref<6x4x1x4096xf32, #tpu.memory_space<vmem>> -> memref<1x4x1x4096xf32, #tpu.memory_space<vmem>>
          %dma_start3A_411 = tpu.memref_squeeze %dma_start3A_410 : memref<1x4x1x4096xf32, #tpu.memory_space<vmem>> -> memref<4x1x4096xf32, #tpu.memory_space<vmem>>
          %dma_start3A_412 = arith.constant 0 : i32
          %dma_start3A_413 = arith.constant 0 : i32
          %dma_start3A_414 = tpu.memref_slice %arg2[%dma_start3A_412, %add3A_392, %dma_start3A_413] : memref<4x2048x4096xf32, #tpu.memory_space<hbm>> -> memref<4x1x4096xf32, #tpu.memory_space<hbm>>
          %dma_start3A_415 = arith.constant 0 : i32
          %dma_start3A_416 = arith.constant 0 : i32
          %dma_start3A_417 = arith.constant 0 : i32
          %dma_start3A_418 = tpu.memref_slice %arg6[%dma_start3A_406, %dma_start3A_415, %dma_start3A_416, %dma_start3A_417] : memref<6x4x1x4096xf32, #tpu.memory_space<vmem>> -> memref<1x4x1x4096xf32, #tpu.memory_space<vmem>>
          %dma_start3A_419 = tpu.memref_squeeze %dma_start3A_418 : memref<1x4x1x4096xf32, #tpu.memory_space<vmem>> -> memref<4x1x4096xf32, #tpu.memory_space<vmem>>
          %dma_start3A_420 = arith.constant 0 : i32
          %dma_start3A_421 = arith.constant 0 : i32
          %dma_start3A_422 = tpu.memref_slice %arg2[%dma_start3A_420, %add3A_392, %dma_start3A_421] : memref<4x2048x4096xf32, #tpu.memory_space<hbm>> -> memref<4x1x4096xf32, #tpu.memory_space<hbm>>
          tpu.enqueue_dma source(%dma_start3A_422 : memref<4x1x4096xf32, #tpu.memory_space<hbm>>) target(%dma_start3A_419 : memref<4x1x4096xf32, #tpu.memory_space<vmem>>) target_semaphore(%arg12 : memref<!tpu.dma_semaphore, #tpu.memory_space<semaphore_mem>>)
        } else {
        }
      } else {
      }
      %eq3A_322 = arith.constant 0 : i32
      %eq3A_323 = arith.cmpi eq, %rem3A_284, %eq3A_322 : i32
      %convert_element_type3A_324 = arith.extui %eq3A_323 : i1 to i32
      %cond3A_325 = arith.constant 0 : i32
      %cond3A_326 = arith.cmpi ne, %convert_element_type3A_324, %cond3A_325 : i32
      scf.if %cond3A_326 {
        %parallel_loop3A = arith.constant 0 : i32
        %parallel_loop3A_352 = arith.constant 256 : i32
        %parallel_loop3A_353 = arith.constant 1 : i32
        scf.for %parallel_loop3A_374 = %parallel_loop3A to %parallel_loop3A_352 step %parallel_loop3A_353  : i32 {
          %parallel_loop3A_375 = arith.constant 16 : i32
          %parallel_loop3A_376 = arith.muli %parallel_loop3A_374, %parallel_loop3A_375 : i32
          %parallel_loop3A_377 = arith.constant 0 : i32
          %parallel_loop3A_378 = arith.constant 0 : i32
          %parallel_loop3A_379 = arith.index_cast %parallel_loop3A_377 : i32 to index
          %parallel_loop3A_380 = arith.index_cast %parallel_loop3A_378 : i32 to index
          %parallel_loop3A_381 = arith.index_cast %parallel_loop3A_376 : i32 to index
          %parallel_loop3A_382 = tpu.vector_load %arg5[%parallel_loop3A_379, %parallel_loop3A_380, %parallel_loop3A_381] {strides = array<i32>} : memref<6x1x4096xf32, #tpu.memory_space<vmem>>, vector<1x1x16xf32>,
          %parallel_loop3A_383 = vector.shape_cast %parallel_loop3A_382 : vector<1x1x16xf32> to vector<16xf32>
          %parallel_loop3A_384 = arith.constant 0 : i32
          %parallel_loop3A_385 = arith.constant 0 : i32
          %parallel_loop3A_386 = arith.constant 0 : i32
          %parallel_loop3A_387 = arith.index_cast %parallel_loop3A_384 : i32 to index
          %parallel_loop3A_388 = arith.index_cast %parallel_loop3A_385 : i32 to index
          %parallel_loop3A_389 = arith.index_cast %parallel_loop3A_386 : i32 to index
          %parallel_loop3A_390 = arith.index_cast %parallel_loop3A_376 : i32 to index
          %parallel_loop3A_391 = tpu.vector_load %arg6[%parallel_loop3A_387, %parallel_loop3A_388, %parallel_loop3A_389, %parallel_loop3A_390] {strides = array<i32>} : memref<6x4x1x4096xf32, #tpu.memory_space<vmem>>, vector<1x1x1x16xf32>,
          %parallel_loop3A_392 = vector.shape_cast %parallel_loop3A_391 : vector<1x1x1x16xf32> to vector<16xf32>
          %parallel_loop3A_393 = arith.addf %parallel_loop3A_392, %parallel_loop3A_383 : vector<16xf32>
          %parallel_loop3A_394 = arith.constant 0 : i32
          %parallel_loop3A_395 = arith.constant 0 : i32
          %parallel_loop3A_396 = arith.constant 0 : i32
          %parallel_loop3A_397 = arith.index_cast %parallel_loop3A_394 : i32 to index
          %parallel_loop3A_398 = arith.index_cast %parallel_loop3A_395 : i32 to index
          %parallel_loop3A_399 = arith.index_cast %parallel_loop3A_396 : i32 to index
          %parallel_loop3A_400 = arith.index_cast %parallel_loop3A_376 : i32 to index
          %parallel_loop3A_401 = tpu.vector_load %arg6[%parallel_loop3A_397, %parallel_loop3A_398, %parallel_loop3A_399, %parallel_loop3A_400] {strides = array<i32>} : memref<6x4x1x4096xf32, #tpu.memory_space<vmem>>, vector<1x1x1x16xf32>,
          %parallel_loop3A_402 = vector.shape_cast %parallel_loop3A_401 : vector<1x1x1x16xf32> to vector<16xf32>
          %parallel_loop3A_403 = vector.shape_cast %parallel_loop3A_393 : vector<16xf32> to vector<1x1x1x16xf32>
          tpu.vector_store %arg6[%parallel_loop3A_397, %parallel_loop3A_398, %parallel_loop3A_399, %parallel_loop3A_400], %parallel_loop3A_403 {strides = array<i32>} : memref<6x4x1x4096xf32, #tpu.memory_space<vmem>>, vector<1x1x1x16xf32>,
          %parallel_loop3A_404 = arith.constant 0 : i32
          %parallel_loop3A_405 = arith.constant 1 : i32
          %parallel_loop3A_406 = arith.constant 0 : i32
          %parallel_loop3A_407 = arith.index_cast %parallel_loop3A_404 : i32 to index
          %parallel_loop3A_408 = arith.index_cast %parallel_loop3A_405 : i32 to index
          %parallel_loop3A_409 = arith.index_cast %parallel_loop3A_406 : i32 to index
          %parallel_loop3A_410 = arith.index_cast %parallel_loop3A_376 : i32 to index
          %parallel_loop3A_411 = tpu.vector_load %arg6[%parallel_loop3A_407, %parallel_loop3A_408, %parallel_loop3A_409, %parallel_loop3A_410] {strides = array<i32>} : memref<6x4x1x4096xf32, #tpu.memory_space<vmem>>, vector<1x1x1x16xf32>,
          %parallel_loop3A_412 = vector.shape_cast %parallel_loop3A_411 : vector<1x1x1x16xf32> to vector<16xf32>
          %parallel_loop3A_413 = arith.addf %parallel_loop3A_412, %parallel_loop3A_383 : vector<16xf32>
          %parallel_loop3A_414 = arith.constant 0 : i32
          %parallel_loop3A_415 = arith.constant 1 : i32
          %parallel_loop3A_416 = arith.constant 0 : i32
          %parallel_loop3A_417 = arith.index_cast %parallel_loop3A_414 : i32 to index
          %parallel_loop3A_418 = arith.index_cast %parallel_loop3A_415 : i32 to index
          %parallel_loop3A_419 = arith.index_cast %parallel_loop3A_416 : i32 to index
          %parallel_loop3A_420 = arith.index_cast %parallel_loop3A_376 : i32 to index
          %parallel_loop3A_421 = tpu.vector_load %arg6[%parallel_loop3A_417, %parallel_loop3A_418, %parallel_loop3A_419, %parallel_loop3A_420] {strides = array<i32>} : memref<6x4x1x4096xf32, #tpu.memory_space<vmem>>, vector<1x1x1x16xf32>,
          %parallel_loop3A_422 = vector.shape_cast %parallel_loop3A_421 : vector<1x1x1x16xf32> to vector<16xf32>
          %parallel_loop3A_423 = vector.shape_cast %parallel_loop3A_413 : vector<16xf32> to vector<1x1x1x16xf32>
          tpu.vector_store %arg6[%parallel_loop3A_417, %parallel_loop3A_418, %parallel_loop3A_419, %parallel_loop3A_420], %parallel_loop3A_423 {strides = array<i32>} : memref<6x4x1x4096xf32, #tpu.memory_space<vmem>>, vector<1x1x1x16xf32>,
          %parallel_loop3A_424 = arith.constant 0 : i32
          %parallel_loop3A_425 = arith.constant 2 : i32
          %parallel_loop3A_426 = arith.constant 0 : i32
          %parallel_loop3A_427 = arith.index_cast %parallel_loop3A_424 : i32 to index
          %parallel_loop3A_428 = arith.index_cast %parallel_loop3A_425 : i32 to index
          %parallel_loop3A_429 = arith.index_cast %parallel_loop3A_426 : i32 to index
          %parallel_loop3A_430 = arith.index_cast %parallel_loop3A_376 : i32 to index
          %parallel_loop3A_431 = tpu.vector_load %arg6[%parallel_loop3A_427, %parallel_loop3A_428, %parallel_loop3A_429, %parallel_loop3A_430] {strides = array<i32>} : memref<6x4x1x4096xf32, #tpu.memory_space<vmem>>, vector<1x1x1x16xf32>,
          %parallel_loop3A_432 = vector.shape_cast %parallel_loop3A_431 : vector<1x1x1x16xf32> to vector<16xf32>
          %parallel_loop3A_433 = arith.addf %parallel_loop3A_432, %parallel_loop3A_383 : vector<16xf32>
          %parallel_loop3A_434 = arith.constant 0 : i32
          %parallel_loop3A_435 = arith.constant 2 : i32
          %parallel_loop3A_436 = arith.constant 0 : i32
          %parallel_loop3A_437 = arith.index_cast %parallel_loop3A_434 : i32 to index
          %parallel_loop3A_438 = arith.index_cast %parallel_loop3A_435 : i32 to index
          %parallel_loop3A_439 = arith.index_cast %parallel_loop3A_436 : i32 to index
          %parallel_loop3A_440 = arith.index_cast %parallel_loop3A_376 : i32 to index
          %parallel_loop3A_441 = tpu.vector_load %arg6[%parallel_loop3A_437, %parallel_loop3A_438, %parallel_loop3A_439, %parallel_loop3A_440] {strides = array<i32>} : memref<6x4x1x4096xf32, #tpu.memory_space<vmem>>, vector<1x1x1x16xf32>,
          %parallel_loop3A_442 = vector.shape_cast %parallel_loop3A_441 : vector<1x1x1x16xf32> to vector<16xf32>
          %parallel_loop3A_443 = vector.shape_cast %parallel_loop3A_433 : vector<16xf32> to vector<1x1x1x16xf32>
          tpu.vector_store %arg6[%parallel_loop3A_437, %parallel_loop3A_438, %parallel_loop3A_439, %parallel_loop3A_440], %parallel_loop3A_443 {strides = array<i32>} : memref<6x4x1x4096xf32, #tpu.memory_space<vmem>>, vector<1x1x1x16xf32>,
          %parallel_loop3A_444 = arith.constant 0 : i32
          %parallel_loop3A_445 = arith.constant 3 : i32
          %parallel_loop3A_446 = arith.constant 0 : i32
          %parallel_loop3A_447 = arith.index_cast %parallel_loop3A_444 : i32 to index
          %parallel_loop3A_448 = arith.index_cast %parallel_loop3A_445 : i32 to index
          %parallel_loop3A_449 = arith.index_cast %parallel_loop3A_446 : i32 to index
          %parallel_loop3A_450 = arith.index_cast %parallel_loop3A_376 : i32 to index
          %parallel_loop3A_451 = tpu.vector_load %arg6[%parallel_loop3A_447, %parallel_loop3A_448, %parallel_loop3A_449, %parallel_loop3A_450] {strides = array<i32>} : memref<6x4x1x4096xf32, #tpu.memory_space<vmem>>, vector<1x1x1x16xf32>,
          %parallel_loop3A_452 = vector.shape_cast %parallel_loop3A_451 : vector<1x1x1x16xf32> to vector<16xf32>
          %parallel_loop3A_453 = arith.addf %parallel_loop3A_452, %parallel_loop3A_383 : vector<16xf32>
          %parallel_loop3A_454 = arith.constant 0 : i32
          %parallel_loop3A_455 = arith.constant 3 : i32
          %parallel_loop3A_456 = arith.constant 0 : i32
          %parallel_loop3A_457 = arith.index_cast %parallel_loop3A_454 : i32 to index
          %parallel_loop3A_458 = arith.index_cast %parallel_loop3A_455 : i32 to index
          %parallel_loop3A_459 = arith.index_cast %parallel_loop3A_456 : i32 to index
          %parallel_loop3A_460 = arith.index_cast %parallel_loop3A_376 : i32 to index
          %parallel_loop3A_461 = tpu.vector_load %arg6[%parallel_loop3A_457, %parallel_loop3A_458, %parallel_loop3A_459, %parallel_loop3A_460] {strides = array<i32>} : memref<6x4x1x4096xf32, #tpu.memory_space<vmem>>, vector<1x1x1x16xf32>,
          %parallel_loop3A_462 = vector.shape_cast %parallel_loop3A_461 : vector<1x1x1x16xf32> to vector<16xf32>
          %parallel_loop3A_463 = vector.shape_cast %parallel_loop3A_453 : vector<16xf32> to vector<1x1x1x16xf32>
          tpu.vector_store %arg6[%parallel_loop3A_457, %parallel_loop3A_458, %parallel_loop3A_459, %parallel_loop3A_460], %parallel_loop3A_463 {strides = array<i32>} : memref<6x4x1x4096xf32, #tpu.memory_space<vmem>>, vector<1x1x1x16xf32>,
        } {sc.loop_unroll_factor = 16 : i64, sc.parallel_access}
        %mul3A_354 = arith.constant 1 : i32
        %mul3A_355 = arith.muli %add3A_283, %mul3A_354 : i32
        %add3A_356 = arith.addi %mul3A_2, %mul3A_355 : i32
        %dma_start3A_357 = arith.constant 0 : i32
        %dma_start3A_358 = arith.constant 0 : i32
        %dma_start3A_359 = arith.constant 0 : i32
        %dma_start3A_360 = arith.constant 0 : i32
        %dma_start3A_361 = tpu.memref_slice %arg6[%dma_start3A_357, %dma_start3A_358, %dma_start3A_359, %dma_start3A_360] : memref<6x4x1x4096xf32, #tpu.memory_space<vmem>> -> memref<1x4x1x4096xf32, #tpu.memory_space<vmem>>
        %dma_start3A_362 = tpu.memref_squeeze %dma_start3A_361 : memref<1x4x1x4096xf32, #tpu.memory_space<vmem>> -> memref<4x1x4096xf32, #tpu.memory_space<vmem>>
        %dma_start3A_363 = arith.constant 0 : i32
        %dma_start3A_364 = arith.constant 0 : i32
        %dma_start3A_365 = tpu.memref_slice %arg4[%dma_start3A_363, %add3A_356, %dma_start3A_364] : memref<4x2048x4096xf32, #tpu.memory_space<hbm>> -> memref<4x1x4096xf32, #tpu.memory_space<hbm>>
        %dma_start3A_366 = arith.constant 0 : i32
        %dma_start3A_367 = arith.constant 0 : i32
        %dma_start3A_368 = tpu.memref_slice %arg4[%dma_start3A_366, %add3A_356, %dma_start3A_367] : memref<4x2048x4096xf32, #tpu.memory_space<hbm>> -> memref<4x1x4096xf32, #tpu.memory_space<hbm>>
        %dma_start3A_369 = arith.constant 0 : i32
        %dma_start3A_370 = arith.constant 0 : i32
        %dma_start3A_371 = arith.constant 0 : i32
        %dma_start3A_372 = tpu.memref_slice %arg6[%dma_start3A_357, %dma_start3A_369, %dma_start3A_370, %dma_start3A_371] : memref<6x4x1x4096xf32, #tpu.memory_space<vmem>> -> memref<1x4x1x4096xf32, #tpu.memory_space<vmem>>
        %dma_start3A_373 = tpu.memref_squeeze %dma_start3A_372 : memref<1x4x1x4096xf32, #tpu.memory_space<vmem>> -> memref<4x1x4096xf32, #tpu.memory_space<vmem>>
        tpu.enqueue_dma source(%dma_start3A_373 : memref<4x1x4096xf32, #tpu.memory_space<vmem>>) target(%dma_start3A_368 : memref<4x1x4096xf32, #tpu.memory_space<hbm>>) target_semaphore(%arg13 : memref<!tpu.dma_semaphore, #tpu.memory_space<semaphore_mem>>)
      } else {
      }
      %eq3A_327 = arith.constant 1 : i32
      %eq3A_328 = arith.cmpi eq, %rem3A_284, %eq3A_327 : i32
      %convert_element_type3A_329 = arith.extui %eq3A_328 : i1 to i32
      %cond3A_330 = arith.constant 0 : i32
      %cond3A_331 = arith.cmpi ne, %convert_element_type3A_329, %cond3A_330 : i32
      scf.if %cond3A_331 {
        %parallel_loop3A = arith.constant 0 : i32
        %parallel_loop3A_352 = arith.constant 256 : i32
        %parallel_loop3A_353 = arith.constant 1 : i32
        scf.for %parallel_loop3A_374 = %parallel_loop3A to %parallel_loop3A_352 step %parallel_loop3A_353  : i32 {
          %parallel_loop3A_375 = arith.constant 16 : i32
          %parallel_loop3A_376 = arith.muli %parallel_loop3A_374, %parallel_loop3A_375 : i32
          %parallel_loop3A_377 = arith.constant 1 : i32
          %parallel_loop3A_378 = arith.constant 0 : i32
          %parallel_loop3A_379 = arith.index_cast %parallel_loop3A_377 : i32 to index
          %parallel_loop3A_380 = arith.index_cast %parallel_loop3A_378 : i32 to index
          %parallel_loop3A_381 = arith.index_cast %parallel_loop3A_376 : i32 to index
          %parallel_loop3A_382 = tpu.vector_load %arg5[%parallel_loop3A_379, %parallel_loop3A_380, %parallel_loop3A_381] {strides = array<i32>} : memref<6x1x4096xf32, #tpu.memory_space<vmem>>, vector<1x1x16xf32>,
          %parallel_loop3A_383 = vector.shape_cast %parallel_loop3A_382 : vector<1x1x16xf32> to vector<16xf32>
          %parallel_loop3A_384 = arith.constant 1 : i32
          %parallel_loop3A_385 = arith.constant 0 : i32
          %parallel_loop3A_386 = arith.constant 0 : i32
          %parallel_loop3A_387 = arith.index_cast %parallel_loop3A_384 : i32 to index
          %parallel_loop3A_388 = arith.index_cast %parallel_loop3A_385 : i32 to index
          %parallel_loop3A_389 = arith.index_cast %parallel_loop3A_386 : i32 to index
          %parallel_loop3A_390 = arith.index_cast %parallel_loop3A_376 : i32 to index
          %parallel_loop3A_391 = tpu.vector_load %arg6[%parallel_loop3A_387, %parallel_loop3A_388, %parallel_loop3A_389, %parallel_loop3A_390] {strides = array<i32>} : memref<6x4x1x4096xf32, #tpu.memory_space<vmem>>, vector<1x1x1x16xf32>,
          %parallel_loop3A_392 = vector.shape_cast %parallel_loop3A_391 : vector<1x1x1x16xf32> to vector<16xf32>
          %parallel_loop3A_393 = arith.addf %parallel_loop3A_392, %parallel_loop3A_383 : vector<16xf32>
          %parallel_loop3A_394 = arith.constant 1 : i32
          %parallel_loop3A_395 = arith.constant 0 : i32
          %parallel_loop3A_396 = arith.constant 0 : i32
          %parallel_loop3A_397 = arith.index_cast %parallel_loop3A_394 : i32 to index
          %parallel_loop3A_398 = arith.index_cast %parallel_loop3A_395 : i32 to index
          %parallel_loop3A_399 = arith.index_cast %parallel_loop3A_396 : i32 to index
          %parallel_loop3A_400 = arith.index_cast %parallel_loop3A_376 : i32 to index
          %parallel_loop3A_401 = tpu.vector_load %arg6[%parallel_loop3A_397, %parallel_loop3A_398, %parallel_loop3A_399, %parallel_loop3A_400] {strides = array<i32>} : memref<6x4x1x4096xf32, #tpu.memory_space<vmem>>, vector<1x1x1x16xf32>,
          %parallel_loop3A_402 = vector.shape_cast %parallel_loop3A_401 : vector<1x1x1x16xf32> to vector<16xf32>
          %parallel_loop3A_403 = vector.shape_cast %parallel_loop3A_393 : vector<16xf32> to vector<1x1x1x16xf32>
          tpu.vector_store %arg6[%parallel_loop3A_397, %parallel_loop3A_398, %parallel_loop3A_399, %parallel_loop3A_400], %parallel_loop3A_403 {strides = array<i32>} : memref<6x4x1x4096xf32, #tpu.memory_space<vmem>>, vector<1x1x1x16xf32>,
          %parallel_loop3A_404 = arith.constant 1 : i32
          %parallel_loop3A_405 = arith.constant 1 : i32
          %parallel_loop3A_406 = arith.constant 0 : i32
          %parallel_loop3A_407 = arith.index_cast %parallel_loop3A_404 : i32 to index
          %parallel_loop3A_408 = arith.index_cast %parallel_loop3A_405 : i32 to index
          %parallel_loop3A_409 = arith.index_cast %parallel_loop3A_406 : i32 to index
          %parallel_loop3A_410 = arith.index_cast %parallel_loop3A_376 : i32 to index
          %parallel_loop3A_411 = tpu.vector_load %arg6[%parallel_loop3A_407, %parallel_loop3A_408, %parallel_loop3A_409, %parallel_loop3A_410] {strides = array<i32>} : memref<6x4x1x4096xf32, #tpu.memory_space<vmem>>, vector<1x1x1x16xf32>,
          %parallel_loop3A_412 = vector.shape_cast %parallel_loop3A_411 : vector<1x1x1x16xf32> to vector<16xf32>
          %parallel_loop3A_413 = arith.addf %parallel_loop3A_412, %parallel_loop3A_383 : vector<16xf32>
          %parallel_loop3A_414 = arith.constant 1 : i32
          %parallel_loop3A_415 = arith.constant 1 : i32
          %parallel_loop3A_416 = arith.constant 0 : i32
          %parallel_loop3A_417 = arith.index_cast %parallel_loop3A_414 : i32 to index
          %parallel_loop3A_418 = arith.index_cast %parallel_loop3A_415 : i32 to index
          %parallel_loop3A_419 = arith.index_cast %parallel_loop3A_416 : i32 to index
          %parallel_loop3A_420 = arith.index_cast %parallel_loop3A_376 : i32 to index
          %parallel_loop3A_421 = tpu.vector_load %arg6[%parallel_loop3A_417, %parallel_loop3A_418, %parallel_loop3A_419, %parallel_loop3A_420] {strides = array<i32>} : memref<6x4x1x4096xf32, #tpu.memory_space<vmem>>, vector<1x1x1x16xf32>,
          %parallel_loop3A_422 = vector.shape_cast %parallel_loop3A_421 : vector<1x1x1x16xf32> to vector<16xf32>
          %parallel_loop3A_423 = vector.shape_cast %parallel_loop3A_413 : vector<16xf32> to vector<1x1x1x16xf32>
          tpu.vector_store %arg6[%parallel_loop3A_417, %parallel_loop3A_418, %parallel_loop3A_419, %parallel_loop3A_420], %parallel_loop3A_423 {strides = array<i32>} : memref<6x4x1x4096xf32, #tpu.memory_space<vmem>>, vector<1x1x1x16xf32>,
          %parallel_loop3A_424 = arith.constant 1 : i32
          %parallel_loop3A_425 = arith.constant 2 : i32
          %parallel_loop3A_426 = arith.constant 0 : i32
          %parallel_loop3A_427 = arith.index_cast %parallel_loop3A_424 : i32 to index
          %parallel_loop3A_428 = arith.index_cast %parallel_loop3A_425 : i32 to index
          %parallel_loop3A_429 = arith.index_cast %parallel_loop3A_426 : i32 to index
          %parallel_loop3A_430 = arith.index_cast %parallel_loop3A_376 : i32 to index
          %parallel_loop3A_431 = tpu.vector_load %arg6[%parallel_loop3A_427, %parallel_loop3A_428, %parallel_loop3A_429, %parallel_loop3A_430] {strides = array<i32>} : memref<6x4x1x4096xf32, #tpu.memory_space<vmem>>, vector<1x1x1x16xf32>,
          %parallel_loop3A_432 = vector.shape_cast %parallel_loop3A_431 : vector<1x1x1x16xf32> to vector<16xf32>
          %parallel_loop3A_433 = arith.addf %parallel_loop3A_432, %parallel_loop3A_383 : vector<16xf32>
          %parallel_loop3A_434 = arith.constant 1 : i32
          %parallel_loop3A_435 = arith.constant 2 : i32
          %parallel_loop3A_436 = arith.constant 0 : i32
          %parallel_loop3A_437 = arith.index_cast %parallel_loop3A_434 : i32 to index
          %parallel_loop3A_438 = arith.index_cast %parallel_loop3A_435 : i32 to index
          %parallel_loop3A_439 = arith.index_cast %parallel_loop3A_436 : i32 to index
          %parallel_loop3A_440 = arith.index_cast %parallel_loop3A_376 : i32 to index
          %parallel_loop3A_441 = tpu.vector_load %arg6[%parallel_loop3A_437, %parallel_loop3A_438, %parallel_loop3A_439, %parallel_loop3A_440] {strides = array<i32>} : memref<6x4x1x4096xf32, #tpu.memory_space<vmem>>, vector<1x1x1x16xf32>,
          %parallel_loop3A_442 = vector.shape_cast %parallel_loop3A_441 : vector<1x1x1x16xf32> to vector<16xf32>
          %parallel_loop3A_443 = vector.shape_cast %parallel_loop3A_433 : vector<16xf32> to vector<1x1x1x16xf32>
          tpu.vector_store %arg6[%parallel_loop3A_437, %parallel_loop3A_438, %parallel_loop3A_439, %parallel_loop3A_440], %parallel_loop3A_443 {strides = array<i32>} : memref<6x4x1x4096xf32, #tpu.memory_space<vmem>>, vector<1x1x1x16xf32>,
          %parallel_loop3A_444 = arith.constant 1 : i32
          %parallel_loop3A_445 = arith.constant 3 : i32
          %parallel_loop3A_446 = arith.constant 0 : i32
          %parallel_loop3A_447 = arith.index_cast %parallel_loop3A_444 : i32 to index
          %parallel_loop3A_448 = arith.index_cast %parallel_loop3A_445 : i32 to index
          %parallel_loop3A_449 = arith.index_cast %parallel_loop3A_446 : i32 to index
          %parallel_loop3A_450 = arith.index_cast %parallel_loop3A_376 : i32 to index
          %parallel_loop3A_451 = tpu.vector_load %arg6[%parallel_loop3A_447, %parallel_loop3A_448, %parallel_loop3A_449, %parallel_loop3A_450] {strides = array<i32>} : memref<6x4x1x4096xf32, #tpu.memory_space<vmem>>, vector<1x1x1x16xf32>,
          %parallel_loop3A_452 = vector.shape_cast %parallel_loop3A_451 : vector<1x1x1x16xf32> to vector<16xf32>
          %parallel_loop3A_453 = arith.addf %parallel_loop3A_452, %parallel_loop3A_383 : vector<16xf32>
          %parallel_loop3A_454 = arith.constant 1 : i32
          %parallel_loop3A_455 = arith.constant 3 : i32
          %parallel_loop3A_456 = arith.constant 0 : i32
          %parallel_loop3A_457 = arith.index_cast %parallel_loop3A_454 : i32 to index
          %parallel_loop3A_458 = arith.index_cast %parallel_loop3A_455 : i32 to index
          %parallel_loop3A_459 = arith.index_cast %parallel_loop3A_456 : i32 to index
          %parallel_loop3A_460 = arith.index_cast %parallel_loop3A_376 : i32 to index
          %parallel_loop3A_461 = tpu.vector_load %arg6[%parallel_loop3A_457, %parallel_loop3A_458, %parallel_loop3A_459, %parallel_loop3A_460] {strides = array<i32>} : memref<6x4x1x4096xf32, #tpu.memory_space<vmem>>, vector<1x1x1x16xf32>,
          %parallel_loop3A_462 = vector.shape_cast %parallel_loop3A_461 : vector<1x1x1x16xf32> to vector<16xf32>
          %parallel_loop3A_463 = vector.shape_cast %parallel_loop3A_453 : vector<16xf32> to vector<1x1x1x16xf32>
          tpu.vector_store %arg6[%parallel_loop3A_457, %parallel_loop3A_458, %parallel_loop3A_459, %parallel_loop3A_460], %parallel_loop3A_463 {strides = array<i32>} : memref<6x4x1x4096xf32, #tpu.memory_space<vmem>>, vector<1x1x1x16xf32>,
        } {sc.loop_unroll_factor = 16 : i64, sc.parallel_access}
        %mul3A_354 = arith.constant 1 : i32
        %mul3A_355 = arith.muli %add3A_283, %mul3A_354 : i32
        %add3A_356 = arith.addi %mul3A_2, %mul3A_355 : i32
        %dma_start3A_357 = arith.constant 1 : i32
        %dma_start3A_358 = arith.constant 0 : i32
        %dma_start3A_359 = arith.constant 0 : i32
        %dma_start3A_360 = arith.constant 0 : i32
        %dma_start3A_361 = tpu.memref_slice %arg6[%dma_start3A_357, %dma_start3A_358, %dma_start3A_359, %dma_start3A_360] : memref<6x4x1x4096xf32, #tpu.memory_space<vmem>> -> memref<1x4x1x4096xf32, #tpu.memory_space<vmem>>
        %dma_start3A_362 = tpu.memref_squeeze %dma_start3A_361 : memref<1x4x1x4096xf32, #tpu.memory_space<vmem>> -> memref<4x1x4096xf32, #tpu.memory_space<vmem>>
        %dma_start3A_363 = arith.constant 0 : i32
        %dma_start3A_364 = arith.constant 0 : i32
        %dma_start3A_365 = tpu.memref_slice %arg4[%dma_start3A_363, %add3A_356, %dma_start3A_364] : memref<4x2048x4096xf32, #tpu.memory_space<hbm>> -> memref<4x1x4096xf32, #tpu.memory_space<hbm>>
        %dma_start3A_366 = arith.constant 0 : i32
        %dma_start3A_367 = arith.constant 0 : i32
        %dma_start3A_368 = tpu.memref_slice %arg4[%dma_start3A_366, %add3A_356, %dma_start3A_367] : memref<4x2048x4096xf32, #tpu.memory_space<hbm>> -> memref<4x1x4096xf32, #tpu.memory_space<hbm>>
        %dma_start3A_369 = arith.constant 0 : i32
        %dma_start3A_370 = arith.constant 0 : i32
        %dma_start3A_371 = arith.constant 0 : i32
        %dma_start3A_372 = tpu.memref_slice %arg6[%dma_start3A_357, %dma_start3A_369, %dma_start3A_370, %dma_start3A_371] : memref<6x4x1x4096xf32, #tpu.memory_space<vmem>> -> memref<1x4x1x4096xf32, #tpu.memory_space<vmem>>
        %dma_start3A_373 = tpu.memref_squeeze %dma_start3A_372 : memref<1x4x1x4096xf32, #tpu.memory_space<vmem>> -> memref<4x1x4096xf32, #tpu.memory_space<vmem>>
        tpu.enqueue_dma source(%dma_start3A_373 : memref<4x1x4096xf32, #tpu.memory_space<vmem>>) target(%dma_start3A_368 : memref<4x1x4096xf32, #tpu.memory_space<hbm>>) target_semaphore(%arg14 : memref<!tpu.dma_semaphore, #tpu.memory_space<semaphore_mem>>)
      } else {
      }
      %eq3A_332 = arith.constant 2 : i32
      %eq3A_333 = arith.cmpi eq, %rem3A_284, %eq3A_332 : i32
      %convert_element_type3A_334 = arith.extui %eq3A_333 : i1 to i32
      %cond3A_335 = arith.constant 0 : i32
      %cond3A_336 = arith.cmpi ne, %convert_element_type3A_334, %cond3A_335 : i32
      scf.if %cond3A_336 {
        %parallel_loop3A = arith.constant 0 : i32
        %parallel_loop3A_352 = arith.constant 256 : i32
        %parallel_loop3A_353 = arith.constant 1 : i32
        scf.for %parallel_loop3A_374 = %parallel_loop3A to %parallel_loop3A_352 step %parallel_loop3A_353  : i32 {
          %parallel_loop3A_375 = arith.constant 16 : i32
          %parallel_loop3A_376 = arith.muli %parallel_loop3A_374, %parallel_loop3A_375 : i32
          %parallel_loop3A_377 = arith.constant 2 : i32
          %parallel_loop3A_378 = arith.constant 0 : i32
          %parallel_loop3A_379 = arith.index_cast %parallel_loop3A_377 : i32 to index
          %parallel_loop3A_380 = arith.index_cast %parallel_loop3A_378 : i32 to index
          %parallel_loop3A_381 = arith.index_cast %parallel_loop3A_376 : i32 to index
          %parallel_loop3A_382 = tpu.vector_load %arg5[%parallel_loop3A_379, %parallel_loop3A_380, %parallel_loop3A_381] {strides = array<i32>} : memref<6x1x4096xf32, #tpu.memory_space<vmem>>, vector<1x1x16xf32>,
          %parallel_loop3A_383 = vector.shape_cast %parallel_loop3A_382 : vector<1x1x16xf32> to vector<16xf32>
          %parallel_loop3A_384 = arith.constant 2 : i32
          %parallel_loop3A_385 = arith.constant 0 : i32
          %parallel_loop3A_386 = arith.constant 0 : i32
          %parallel_loop3A_387 = arith.index_cast %parallel_loop3A_384 : i32 to index
          %parallel_loop3A_388 = arith.index_cast %parallel_loop3A_385 : i32 to index
          %parallel_loop3A_389 = arith.index_cast %parallel_loop3A_386 : i32 to index
          %parallel_loop3A_390 = arith.index_cast %parallel_loop3A_376 : i32 to index
          %parallel_loop3A_391 = tpu.vector_load %arg6[%parallel_loop3A_387, %parallel_loop3A_388, %parallel_loop3A_389, %parallel_loop3A_390] {strides = array<i32>} : memref<6x4x1x4096xf32, #tpu.memory_space<vmem>>, vector<1x1x1x16xf32>,
          %parallel_loop3A_392 = vector.shape_cast %parallel_loop3A_391 : vector<1x1x1x16xf32> to vector<16xf32>
          %parallel_loop3A_393 = arith.addf %parallel_loop3A_392, %parallel_loop3A_383 : vector<16xf32>
          %parallel_loop3A_394 = arith.constant 2 : i32
          %parallel_loop3A_395 = arith.constant 0 : i32
          %parallel_loop3A_396 = arith.constant 0 : i32
          %parallel_loop3A_397 = arith.index_cast %parallel_loop3A_394 : i32 to index
          %parallel_loop3A_398 = arith.index_cast %parallel_loop3A_395 : i32 to index
          %parallel_loop3A_399 = arith.index_cast %parallel_loop3A_396 : i32 to index
          %parallel_loop3A_400 = arith.index_cast %parallel_loop3A_376 : i32 to index
          %parallel_loop3A_401 = tpu.vector_load %arg6[%parallel_loop3A_397, %parallel_loop3A_398, %parallel_loop3A_399, %parallel_loop3A_400] {strides = array<i32>} : memref<6x4x1x4096xf32, #tpu.memory_space<vmem>>, vector<1x1x1x16xf32>,
          %parallel_loop3A_402 = vector.shape_cast %parallel_loop3A_401 : vector<1x1x1x16xf32> to vector<16xf32>
          %parallel_loop3A_403 = vector.shape_cast %parallel_loop3A_393 : vector<16xf32> to vector<1x1x1x16xf32>
          tpu.vector_store %arg6[%parallel_loop3A_397, %parallel_loop3A_398, %parallel_loop3A_399, %parallel_loop3A_400], %parallel_loop3A_403 {strides = array<i32>} : memref<6x4x1x4096xf32, #tpu.memory_space<vmem>>, vector<1x1x1x16xf32>,
          %parallel_loop3A_404 = arith.constant 2 : i32
          %parallel_loop3A_405 = arith.constant 1 : i32
          %parallel_loop3A_406 = arith.constant 0 : i32
          %parallel_loop3A_407 = arith.index_cast %parallel_loop3A_404 : i32 to index
          %parallel_loop3A_408 = arith.index_cast %parallel_loop3A_405 : i32 to index
          %parallel_loop3A_409 = arith.index_cast %parallel_loop3A_406 : i32 to index
          %parallel_loop3A_410 = arith.index_cast %parallel_loop3A_376 : i32 to index
          %parallel_loop3A_411 = tpu.vector_load %arg6[%parallel_loop3A_407, %parallel_loop3A_408, %parallel_loop3A_409, %parallel_loop3A_410] {strides = array<i32>} : memref<6x4x1x4096xf32, #tpu.memory_space<vmem>>, vector<1x1x1x16xf32>,
          %parallel_loop3A_412 = vector.shape_cast %parallel_loop3A_411 : vector<1x1x1x16xf32> to vector<16xf32>
          %parallel_loop3A_413 = arith.addf %parallel_loop3A_412, %parallel_loop3A_383 : vector<16xf32>
          %parallel_loop3A_414 = arith.constant 2 : i32
          %parallel_loop3A_415 = arith.constant 1 : i32
          %parallel_loop3A_416 = arith.constant 0 : i32
          %parallel_loop3A_417 = arith.index_cast %parallel_loop3A_414 : i32 to index
          %parallel_loop3A_418 = arith.index_cast %parallel_loop3A_415 : i32 to index
          %parallel_loop3A_419 = arith.index_cast %parallel_loop3A_416 : i32 to index
          %parallel_loop3A_420 = arith.index_cast %parallel_loop3A_376 : i32 to index
          %parallel_loop3A_421 = tpu.vector_load %arg6[%parallel_loop3A_417, %parallel_loop3A_418, %parallel_loop3A_419, %parallel_loop3A_420] {strides = array<i32>} : memref<6x4x1x4096xf32, #tpu.memory_space<vmem>>, vector<1x1x1x16xf32>,
          %parallel_loop3A_422 = vector.shape_cast %parallel_loop3A_421 : vector<1x1x1x16xf32> to vector<16xf32>
          %parallel_loop3A_423 = vector.shape_cast %parallel_loop3A_413 : vector<16xf32> to vector<1x1x1x16xf32>
          tpu.vector_store %arg6[%parallel_loop3A_417, %parallel_loop3A_418, %parallel_loop3A_419, %parallel_loop3A_420], %parallel_loop3A_423 {strides = array<i32>} : memref<6x4x1x4096xf32, #tpu.memory_space<vmem>>, vector<1x1x1x16xf32>,
          %parallel_loop3A_424 = arith.constant 2 : i32
          %parallel_loop3A_425 = arith.constant 2 : i32
          %parallel_loop3A_426 = arith.constant 0 : i32
          %parallel_loop3A_427 = arith.index_cast %parallel_loop3A_424 : i32 to index
          %parallel_loop3A_428 = arith.index_cast %parallel_loop3A_425 : i32 to index
          %parallel_loop3A_429 = arith.index_cast %parallel_loop3A_426 : i32 to index
          %parallel_loop3A_430 = arith.index_cast %parallel_loop3A_376 : i32 to index
          %parallel_loop3A_431 = tpu.vector_load %arg6[%parallel_loop3A_427, %parallel_loop3A_428, %parallel_loop3A_429, %parallel_loop3A_430] {strides = array<i32>} : memref<6x4x1x4096xf32, #tpu.memory_space<vmem>>, vector<1x1x1x16xf32>,
          %parallel_loop3A_432 = vector.shape_cast %parallel_loop3A_431 : vector<1x1x1x16xf32> to vector<16xf32>
          %parallel_loop3A_433 = arith.addf %parallel_loop3A_432, %parallel_loop3A_383 : vector<16xf32>
          %parallel_loop3A_434 = arith.constant 2 : i32
          %parallel_loop3A_435 = arith.constant 2 : i32
          %parallel_loop3A_436 = arith.constant 0 : i32
          %parallel_loop3A_437 = arith.index_cast %parallel_loop3A_434 : i32 to index
          %parallel_loop3A_438 = arith.index_cast %parallel_loop3A_435 : i32 to index
          %parallel_loop3A_439 = arith.index_cast %parallel_loop3A_436 : i32 to index
          %parallel_loop3A_440 = arith.index_cast %parallel_loop3A_376 : i32 to index
          %parallel_loop3A_441 = tpu.vector_load %arg6[%parallel_loop3A_437, %parallel_loop3A_438, %parallel_loop3A_439, %parallel_loop3A_440] {strides = array<i32>} : memref<6x4x1x4096xf32, #tpu.memory_space<vmem>>, vector<1x1x1x16xf32>,
          %parallel_loop3A_442 = vector.shape_cast %parallel_loop3A_441 : vector<1x1x1x16xf32> to vector<16xf32>
          %parallel_loop3A_443 = vector.shape_cast %parallel_loop3A_433 : vector<16xf32> to vector<1x1x1x16xf32>
          tpu.vector_store %arg6[%parallel_loop3A_437, %parallel_loop3A_438, %parallel_loop3A_439, %parallel_loop3A_440], %parallel_loop3A_443 {strides = array<i32>} : memref<6x4x1x4096xf32, #tpu.memory_space<vmem>>, vector<1x1x1x16xf32>,
          %parallel_loop3A_444 = arith.constant 2 : i32
          %parallel_loop3A_445 = arith.constant 3 : i32
          %parallel_loop3A_446 = arith.constant 0 : i32
          %parallel_loop3A_447 = arith.index_cast %parallel_loop3A_444 : i32 to index
          %parallel_loop3A_448 = arith.index_cast %parallel_loop3A_445 : i32 to index
          %parallel_loop3A_449 = arith.index_cast %parallel_loop3A_446 : i32 to index
          %parallel_loop3A_450 = arith.index_cast %parallel_loop3A_376 : i32 to index
          %parallel_loop3A_451 = tpu.vector_load %arg6[%parallel_loop3A_447, %parallel_loop3A_448, %parallel_loop3A_449, %parallel_loop3A_450] {strides = array<i32>} : memref<6x4x1x4096xf32, #tpu.memory_space<vmem>>, vector<1x1x1x16xf32>,
          %parallel_loop3A_452 = vector.shape_cast %parallel_loop3A_451 : vector<1x1x1x16xf32> to vector<16xf32>
          %parallel_loop3A_453 = arith.addf %parallel_loop3A_452, %parallel_loop3A_383 : vector<16xf32>
          %parallel_loop3A_454 = arith.constant 2 : i32
          %parallel_loop3A_455 = arith.constant 3 : i32
          %parallel_loop3A_456 = arith.constant 0 : i32
          %parallel_loop3A_457 = arith.index_cast %parallel_loop3A_454 : i32 to index
          %parallel_loop3A_458 = arith.index_cast %parallel_loop3A_455 : i32 to index
          %parallel_loop3A_459 = arith.index_cast %parallel_loop3A_456 : i32 to index
          %parallel_loop3A_460 = arith.index_cast %parallel_loop3A_376 : i32 to index
          %parallel_loop3A_461 = tpu.vector_load %arg6[%parallel_loop3A_457, %parallel_loop3A_458, %parallel_loop3A_459, %parallel_loop3A_460] {strides = array<i32>} : memref<6x4x1x4096xf32, #tpu.memory_space<vmem>>, vector<1x1x1x16xf32>,
          %parallel_loop3A_462 = vector.shape_cast %parallel_loop3A_461 : vector<1x1x1x16xf32> to vector<16xf32>
          %parallel_loop3A_463 = vector.shape_cast %parallel_loop3A_453 : vector<16xf32> to vector<1x1x1x16xf32>
          tpu.vector_store %arg6[%parallel_loop3A_457, %parallel_loop3A_458, %parallel_loop3A_459, %parallel_loop3A_460], %parallel_loop3A_463 {strides = array<i32>} : memref<6x4x1x4096xf32, #tpu.memory_space<vmem>>, vector<1x1x1x16xf32>,
        } {sc.loop_unroll_factor = 16 : i64, sc.parallel_access}
        %mul3A_354 = arith.constant 1 : i32
        %mul3A_355 = arith.muli %add3A_283, %mul3A_354 : i32
        %add3A_356 = arith.addi %mul3A_2, %mul3A_355 : i32
        %dma_start3A_357 = arith.constant 2 : i32
        %dma_start3A_358 = arith.constant 0 : i32
        %dma_start3A_359 = arith.constant 0 : i32
        %dma_start3A_360 = arith.constant 0 : i32
        %dma_start3A_361 = tpu.memref_slice %arg6[%dma_start3A_357, %dma_start3A_358, %dma_start3A_359, %dma_start3A_360] : memref<6x4x1x4096xf32, #tpu.memory_space<vmem>> -> memref<1x4x1x4096xf32, #tpu.memory_space<vmem>>
        %dma_start3A_362 = tpu.memref_squeeze %dma_start3A_361 : memref<1x4x1x4096xf32, #tpu.memory_space<vmem>> -> memref<4x1x4096xf32, #tpu.memory_space<vmem>>
        %dma_start3A_363 = arith.constant 0 : i32
        %dma_start3A_364 = arith.constant 0 : i32
        %dma_start3A_365 = tpu.memref_slice %arg4[%dma_start3A_363, %add3A_356, %dma_start3A_364] : memref<4x2048x4096xf32, #tpu.memory_space<hbm>> -> memref<4x1x4096xf32, #tpu.memory_space<hbm>>
        %dma_start3A_366 = arith.constant 0 : i32
        %dma_start3A_367 = arith.constant 0 : i32
        %dma_start3A_368 = tpu.memref_slice %arg4[%dma_start3A_366, %add3A_356, %dma_start3A_367] : memref<4x2048x4096xf32, #tpu.memory_space<hbm>> -> memref<4x1x4096xf32, #tpu.memory_space<hbm>>
        %dma_start3A_369 = arith.constant 0 : i32
        %dma_start3A_370 = arith.constant 0 : i32
        %dma_start3A_371 = arith.constant 0 : i32
        %dma_start3A_372 = tpu.memref_slice %arg6[%dma_start3A_357, %dma_start3A_369, %dma_start3A_370, %dma_start3A_371] : memref<6x4x1x4096xf32, #tpu.memory_space<vmem>> -> memref<1x4x1x4096xf32, #tpu.memory_space<vmem>>
        %dma_start3A_373 = tpu.memref_squeeze %dma_start3A_372 : memref<1x4x1x4096xf32, #tpu.memory_space<vmem>> -> memref<4x1x4096xf32, #tpu.memory_space<vmem>>
        tpu.enqueue_dma source(%dma_start3A_373 : memref<4x1x4096xf32, #tpu.memory_space<vmem>>) target(%dma_start3A_368 : memref<4x1x4096xf32, #tpu.memory_space<hbm>>) target_semaphore(%arg15 : memref<!tpu.dma_semaphore, #tpu.memory_space<semaphore_mem>>)
      } else {
      }
      %eq3A_337 = arith.constant 3 : i32
      %eq3A_338 = arith.cmpi eq, %rem3A_284, %eq3A_337 : i32
      %convert_element_type3A_339 = arith.extui %eq3A_338 : i1 to i32
      %cond3A_340 = arith.constant 0 : i32
      %cond3A_341 = arith.cmpi ne, %convert_element_type3A_339, %cond3A_340 : i32
      scf.if %cond3A_341 {
        %parallel_loop3A = arith.constant 0 : i32
        %parallel_loop3A_352 = arith.constant 256 : i32
        %parallel_loop3A_353 = arith.constant 1 : i32
        scf.for %parallel_loop3A_374 = %parallel_loop3A to %parallel_loop3A_352 step %parallel_loop3A_353  : i32 {
          %parallel_loop3A_375 = arith.constant 16 : i32
          %parallel_loop3A_376 = arith.muli %parallel_loop3A_374, %parallel_loop3A_375 : i32
          %parallel_loop3A_377 = arith.constant 3 : i32
          %parallel_loop3A_378 = arith.constant 0 : i32
          %parallel_loop3A_379 = arith.index_cast %parallel_loop3A_377 : i32 to index
          %parallel_loop3A_380 = arith.index_cast %parallel_loop3A_378 : i32 to index
          %parallel_loop3A_381 = arith.index_cast %parallel_loop3A_376 : i32 to index
          %parallel_loop3A_382 = tpu.vector_load %arg5[%parallel_loop3A_379, %parallel_loop3A_380, %parallel_loop3A_381] {strides = array<i32>} : memref<6x1x4096xf32, #tpu.memory_space<vmem>>, vector<1x1x16xf32>,
          %parallel_loop3A_383 = vector.shape_cast %parallel_loop3A_382 : vector<1x1x16xf32> to vector<16xf32>
          %parallel_loop3A_384 = arith.constant 3 : i32
          %parallel_loop3A_385 = arith.constant 0 : i32
          %parallel_loop3A_386 = arith.constant 0 : i32
          %parallel_loop3A_387 = arith.index_cast %parallel_loop3A_384 : i32 to index
          %parallel_loop3A_388 = arith.index_cast %parallel_loop3A_385 : i32 to index
          %parallel_loop3A_389 = arith.index_cast %parallel_loop3A_386 : i32 to index
          %parallel_loop3A_390 = arith.index_cast %parallel_loop3A_376 : i32 to index
          %parallel_loop3A_391 = tpu.vector_load %arg6[%parallel_loop3A_387, %parallel_loop3A_388, %parallel_loop3A_389, %parallel_loop3A_390] {strides = array<i32>} : memref<6x4x1x4096xf32, #tpu.memory_space<vmem>>, vector<1x1x1x16xf32>,
          %parallel_loop3A_392 = vector.shape_cast %parallel_loop3A_391 : vector<1x1x1x16xf32> to vector<16xf32>
          %parallel_loop3A_393 = arith.addf %parallel_loop3A_392, %parallel_loop3A_383 : vector<16xf32>
          %parallel_loop3A_394 = arith.constant 3 : i32
          %parallel_loop3A_395 = arith.constant 0 : i32
          %parallel_loop3A_396 = arith.constant 0 : i32
          %parallel_loop3A_397 = arith.index_cast %parallel_loop3A_394 : i32 to index
          %parallel_loop3A_398 = arith.index_cast %parallel_loop3A_395 : i32 to index
          %parallel_loop3A_399 = arith.index_cast %parallel_loop3A_396 : i32 to index
          %parallel_loop3A_400 = arith.index_cast %parallel_loop3A_376 : i32 to index
          %parallel_loop3A_401 = tpu.vector_load %arg6[%parallel_loop3A_397, %parallel_loop3A_398, %parallel_loop3A_399, %parallel_loop3A_400] {strides = array<i32>} : memref<6x4x1x4096xf32, #tpu.memory_space<vmem>>, vector<1x1x1x16xf32>,
          %parallel_loop3A_402 = vector.shape_cast %parallel_loop3A_401 : vector<1x1x1x16xf32> to vector<16xf32>
          %parallel_loop3A_403 = vector.shape_cast %parallel_loop3A_393 : vector<16xf32> to vector<1x1x1x16xf32>
          tpu.vector_store %arg6[%parallel_loop3A_397, %parallel_loop3A_398, %parallel_loop3A_399, %parallel_loop3A_400], %parallel_loop3A_403 {strides = array<i32>} : memref<6x4x1x4096xf32, #tpu.memory_space<vmem>>, vector<1x1x1x16xf32>,
          %parallel_loop3A_404 = arith.constant 3 : i32
          %parallel_loop3A_405 = arith.constant 1 : i32
          %parallel_loop3A_406 = arith.constant 0 : i32
          %parallel_loop3A_407 = arith.index_cast %parallel_loop3A_404 : i32 to index
          %parallel_loop3A_408 = arith.index_cast %parallel_loop3A_405 : i32 to index
          %parallel_loop3A_409 = arith.index_cast %parallel_loop3A_406 : i32 to index
          %parallel_loop3A_410 = arith.index_cast %parallel_loop3A_376 : i32 to index
          %parallel_loop3A_411 = tpu.vector_load %arg6[%parallel_loop3A_407, %parallel_loop3A_408, %parallel_loop3A_409, %parallel_loop3A_410] {strides = array<i32>} : memref<6x4x1x4096xf32, #tpu.memory_space<vmem>>, vector<1x1x1x16xf32>,
          %parallel_loop3A_412 = vector.shape_cast %parallel_loop3A_411 : vector<1x1x1x16xf32> to vector<16xf32>
          %parallel_loop3A_413 = arith.addf %parallel_loop3A_412, %parallel_loop3A_383 : vector<16xf32>
          %parallel_loop3A_414 = arith.constant 3 : i32
          %parallel_loop3A_415 = arith.constant 1 : i32
          %parallel_loop3A_416 = arith.constant 0 : i32
          %parallel_loop3A_417 = arith.index_cast %parallel_loop3A_414 : i32 to index
          %parallel_loop3A_418 = arith.index_cast %parallel_loop3A_415 : i32 to index
          %parallel_loop3A_419 = arith.index_cast %parallel_loop3A_416 : i32 to index
          %parallel_loop3A_420 = arith.index_cast %parallel_loop3A_376 : i32 to index
          %parallel_loop3A_421 = tpu.vector_load %arg6[%parallel_loop3A_417, %parallel_loop3A_418, %parallel_loop3A_419, %parallel_loop3A_420] {strides = array<i32>} : memref<6x4x1x4096xf32, #tpu.memory_space<vmem>>, vector<1x1x1x16xf32>,
          %parallel_loop3A_422 = vector.shape_cast %parallel_loop3A_421 : vector<1x1x1x16xf32> to vector<16xf32>
          %parallel_loop3A_423 = vector.shape_cast %parallel_loop3A_413 : vector<16xf32> to vector<1x1x1x16xf32>
          tpu.vector_store %arg6[%parallel_loop3A_417, %parallel_loop3A_418, %parallel_loop3A_419, %parallel_loop3A_420], %parallel_loop3A_423 {strides = array<i32>} : memref<6x4x1x4096xf32, #tpu.memory_space<vmem>>, vector<1x1x1x16xf32>,
          %parallel_loop3A_424 = arith.constant 3 : i32
          %parallel_loop3A_425 = arith.constant 2 : i32
          %parallel_loop3A_426 = arith.constant 0 : i32
          %parallel_loop3A_427 = arith.index_cast %parallel_loop3A_424 : i32 to index
          %parallel_loop3A_428 = arith.index_cast %parallel_loop3A_425 : i32 to index
          %parallel_loop3A_429 = arith.index_cast %parallel_loop3A_426 : i32 to index
          %parallel_loop3A_430 = arith.index_cast %parallel_loop3A_376 : i32 to index
          %parallel_loop3A_431 = tpu.vector_load %arg6[%parallel_loop3A_427, %parallel_loop3A_428, %parallel_loop3A_429, %parallel_loop3A_430] {strides = array<i32>} : memref<6x4x1x4096xf32, #tpu.memory_space<vmem>>, vector<1x1x1x16xf32>,
          %parallel_loop3A_432 = vector.shape_cast %parallel_loop3A_431 : vector<1x1x1x16xf32> to vector<16xf32>
          %parallel_loop3A_433 = arith.addf %parallel_loop3A_432, %parallel_loop3A_383 : vector<16xf32>
          %parallel_loop3A_434 = arith.constant 3 : i32
          %parallel_loop3A_435 = arith.constant 2 : i32
          %parallel_loop3A_436 = arith.constant 0 : i32
          %parallel_loop3A_437 = arith.index_cast %parallel_loop3A_434 : i32 to index
          %parallel_loop3A_438 = arith.index_cast %parallel_loop3A_435 : i32 to index
          %parallel_loop3A_439 = arith.index_cast %parallel_loop3A_436 : i32 to index
          %parallel_loop3A_440 = arith.index_cast %parallel_loop3A_376 : i32 to index
          %parallel_loop3A_441 = tpu.vector_load %arg6[%parallel_loop3A_437, %parallel_loop3A_438, %parallel_loop3A_439, %parallel_loop3A_440] {strides = array<i32>} : memref<6x4x1x4096xf32, #tpu.memory_space<vmem>>, vector<1x1x1x16xf32>,
          %parallel_loop3A_442 = vector.shape_cast %parallel_loop3A_441 : vector<1x1x1x16xf32> to vector<16xf32>
          %parallel_loop3A_443 = vector.shape_cast %parallel_loop3A_433 : vector<16xf32> to vector<1x1x1x16xf32>
          tpu.vector_store %arg6[%parallel_loop3A_437, %parallel_loop3A_438, %parallel_loop3A_439, %parallel_loop3A_440], %parallel_loop3A_443 {strides = array<i32>} : memref<6x4x1x4096xf32, #tpu.memory_space<vmem>>, vector<1x1x1x16xf32>,
          %parallel_loop3A_444 = arith.constant 3 : i32
          %parallel_loop3A_445 = arith.constant 3 : i32
          %parallel_loop3A_446 = arith.constant 0 : i32
          %parallel_loop3A_447 = arith.index_cast %parallel_loop3A_444 : i32 to index
          %parallel_loop3A_448 = arith.index_cast %parallel_loop3A_445 : i32 to index
          %parallel_loop3A_449 = arith.index_cast %parallel_loop3A_446 : i32 to index
          %parallel_loop3A_450 = arith.index_cast %parallel_loop3A_376 : i32 to index
          %parallel_loop3A_451 = tpu.vector_load %arg6[%parallel_loop3A_447, %parallel_loop3A_448, %parallel_loop3A_449, %parallel_loop3A_450] {strides = array<i32>} : memref<6x4x1x4096xf32, #tpu.memory_space<vmem>>, vector<1x1x1x16xf32>,
          %parallel_loop3A_452 = vector.shape_cast %parallel_loop3A_451 : vector<1x1x1x16xf32> to vector<16xf32>
          %parallel_loop3A_453 = arith.addf %parallel_loop3A_452, %parallel_loop3A_383 : vector<16xf32>
          %parallel_loop3A_454 = arith.constant 3 : i32
          %parallel_loop3A_455 = arith.constant 3 : i32
          %parallel_loop3A_456 = arith.constant 0 : i32
          %parallel_loop3A_457 = arith.index_cast %parallel_loop3A_454 : i32 to index
          %parallel_loop3A_458 = arith.index_cast %parallel_loop3A_455 : i32 to index
          %parallel_loop3A_459 = arith.index_cast %parallel_loop3A_456 : i32 to index
          %parallel_loop3A_460 = arith.index_cast %parallel_loop3A_376 : i32 to index
          %parallel_loop3A_461 = tpu.vector_load %arg6[%parallel_loop3A_457, %parallel_loop3A_458, %parallel_loop3A_459, %parallel_loop3A_460] {strides = array<i32>} : memref<6x4x1x4096xf32, #tpu.memory_space<vmem>>, vector<1x1x1x16xf32>,
          %parallel_loop3A_462 = vector.shape_cast %parallel_loop3A_461 : vector<1x1x1x16xf32> to vector<16xf32>
          %parallel_loop3A_463 = vector.shape_cast %parallel_loop3A_453 : vector<16xf32> to vector<1x1x1x16xf32>
          tpu.vector_store %arg6[%parallel_loop3A_457, %parallel_loop3A_458, %parallel_loop3A_459, %parallel_loop3A_460], %parallel_loop3A_463 {strides = array<i32>} : memref<6x4x1x4096xf32, #tpu.memory_space<vmem>>, vector<1x1x1x16xf32>,
        } {sc.loop_unroll_factor = 16 : i64, sc.parallel_access}
        %mul3A_354 = arith.constant 1 : i32
        %mul3A_355 = arith.muli %add3A_283, %mul3A_354 : i32
        %add3A_356 = arith.addi %mul3A_2, %mul3A_355 : i32
        %dma_start3A_357 = arith.constant 3 : i32
        %dma_start3A_358 = arith.constant 0 : i32
        %dma_start3A_359 = arith.constant 0 : i32
        %dma_start3A_360 = arith.constant 0 : i32
        %dma_start3A_361 = tpu.memref_slice %arg6[%dma_start3A_357, %dma_start3A_358, %dma_start3A_359, %dma_start3A_360] : memref<6x4x1x4096xf32, #tpu.memory_space<vmem>> -> memref<1x4x1x4096xf32, #tpu.memory_space<vmem>>
        %dma_start3A_362 = tpu.memref_squeeze %dma_start3A_361 : memref<1x4x1x4096xf32, #tpu.memory_space<vmem>> -> memref<4x1x4096xf32, #tpu.memory_space<vmem>>
        %dma_start3A_363 = arith.constant 0 : i32
        %dma_start3A_364 = arith.constant 0 : i32
        %dma_start3A_365 = tpu.memref_slice %arg4[%dma_start3A_363, %add3A_356, %dma_start3A_364] : memref<4x2048x4096xf32, #tpu.memory_space<hbm>> -> memref<4x1x4096xf32, #tpu.memory_space<hbm>>
        %dma_start3A_366 = arith.constant 0 : i32
        %dma_start3A_367 = arith.constant 0 : i32
        %dma_start3A_368 = tpu.memref_slice %arg4[%dma_start3A_366, %add3A_356, %dma_start3A_367] : memref<4x2048x4096xf32, #tpu.memory_space<hbm>> -> memref<4x1x4096xf32, #tpu.memory_space<hbm>>
        %dma_start3A_369 = arith.constant 0 : i32
        %dma_start3A_370 = arith.constant 0 : i32
        %dma_start3A_371 = arith.constant 0 : i32
        %dma_start3A_372 = tpu.memref_slice %arg6[%dma_start3A_357, %dma_start3A_369, %dma_start3A_370, %dma_start3A_371] : memref<6x4x1x4096xf32, #tpu.memory_space<vmem>> -> memref<1x4x1x4096xf32, #tpu.memory_space<vmem>>
        %dma_start3A_373 = tpu.memref_squeeze %dma_start3A_372 : memref<1x4x1x4096xf32, #tpu.memory_space<vmem>> -> memref<4x1x4096xf32, #tpu.memory_space<vmem>>
        tpu.enqueue_dma source(%dma_start3A_373 : memref<4x1x4096xf32, #tpu.memory_space<vmem>>) target(%dma_start3A_368 : memref<4x1x4096xf32, #tpu.memory_space<hbm>>) target_semaphore(%arg16 : memref<!tpu.dma_semaphore, #tpu.memory_space<semaphore_mem>>)
      } else {
      }
      %eq3A_342 = arith.constant 4 : i32
      %eq3A_343 = arith.cmpi eq, %rem3A_284, %eq3A_342 : i32
      %convert_element_type3A_344 = arith.extui %eq3A_343 : i1 to i32
      %cond3A_345 = arith.constant 0 : i32
      %cond3A_346 = arith.cmpi ne, %convert_element_type3A_344, %cond3A_345 : i32
      scf.if %cond3A_346 {
        %parallel_loop3A = arith.constant 0 : i32
        %parallel_loop3A_352 = arith.constant 256 : i32
        %parallel_loop3A_353 = arith.constant 1 : i32
        scf.for %parallel_loop3A_374 = %parallel_loop3A to %parallel_loop3A_352 step %parallel_loop3A_353  : i32 {
          %parallel_loop3A_375 = arith.constant 16 : i32
          %parallel_loop3A_376 = arith.muli %parallel_loop3A_374, %parallel_loop3A_375 : i32
          %parallel_loop3A_377 = arith.constant 4 : i32
          %parallel_loop3A_378 = arith.constant 0 : i32
          %parallel_loop3A_379 = arith.index_cast %parallel_loop3A_377 : i32 to index
          %parallel_loop3A_380 = arith.index_cast %parallel_loop3A_378 : i32 to index
          %parallel_loop3A_381 = arith.index_cast %parallel_loop3A_376 : i32 to index
          %parallel_loop3A_382 = tpu.vector_load %arg5[%parallel_loop3A_379, %parallel_loop3A_380, %parallel_loop3A_381] {strides = array<i32>} : memref<6x1x4096xf32, #tpu.memory_space<vmem>>, vector<1x1x16xf32>,
          %parallel_loop3A_383 = vector.shape_cast %parallel_loop3A_382 : vector<1x1x16xf32> to vector<16xf32>
          %parallel_loop3A_384 = arith.constant 4 : i32
          %parallel_loop3A_385 = arith.constant 0 : i32
          %parallel_loop3A_386 = arith.constant 0 : i32
          %parallel_loop3A_387 = arith.index_cast %parallel_loop3A_384 : i32 to index
          %parallel_loop3A_388 = arith.index_cast %parallel_loop3A_385 : i32 to index
          %parallel_loop3A_389 = arith.index_cast %parallel_loop3A_386 : i32 to index
          %parallel_loop3A_390 = arith.index_cast %parallel_loop3A_376 : i32 to index
          %parallel_loop3A_391 = tpu.vector_load %arg6[%parallel_loop3A_387, %parallel_loop3A_388, %parallel_loop3A_389, %parallel_loop3A_390] {strides = array<i32>} : memref<6x4x1x4096xf32, #tpu.memory_space<vmem>>, vector<1x1x1x16xf32>,
          %parallel_loop3A_392 = vector.shape_cast %parallel_loop3A_391 : vector<1x1x1x16xf32> to vector<16xf32>
          %parallel_loop3A_393 = arith.addf %parallel_loop3A_392, %parallel_loop3A_383 : vector<16xf32>
          %parallel_loop3A_394 = arith.constant 4 : i32
          %parallel_loop3A_395 = arith.constant 0 : i32
          %parallel_loop3A_396 = arith.constant 0 : i32
          %parallel_loop3A_397 = arith.index_cast %parallel_loop3A_394 : i32 to index
          %parallel_loop3A_398 = arith.index_cast %parallel_loop3A_395 : i32 to index
          %parallel_loop3A_399 = arith.index_cast %parallel_loop3A_396 : i32 to index
          %parallel_loop3A_400 = arith.index_cast %parallel_loop3A_376 : i32 to index
          %parallel_loop3A_401 = tpu.vector_load %arg6[%parallel_loop3A_397, %parallel_loop3A_398, %parallel_loop3A_399, %parallel_loop3A_400] {strides = array<i32>} : memref<6x4x1x4096xf32, #tpu.memory_space<vmem>>, vector<1x1x1x16xf32>,
          %parallel_loop3A_402 = vector.shape_cast %parallel_loop3A_401 : vector<1x1x1x16xf32> to vector<16xf32>
          %parallel_loop3A_403 = vector.shape_cast %parallel_loop3A_393 : vector<16xf32> to vector<1x1x1x16xf32>
          tpu.vector_store %arg6[%parallel_loop3A_397, %parallel_loop3A_398, %parallel_loop3A_399, %parallel_loop3A_400], %parallel_loop3A_403 {strides = array<i32>} : memref<6x4x1x4096xf32, #tpu.memory_space<vmem>>, vector<1x1x1x16xf32>,
          %parallel_loop3A_404 = arith.constant 4 : i32
          %parallel_loop3A_405 = arith.constant 1 : i32
          %parallel_loop3A_406 = arith.constant 0 : i32
          %parallel_loop3A_407 = arith.index_cast %parallel_loop3A_404 : i32 to index
          %parallel_loop3A_408 = arith.index_cast %parallel_loop3A_405 : i32 to index
          %parallel_loop3A_409 = arith.index_cast %parallel_loop3A_406 : i32 to index
          %parallel_loop3A_410 = arith.index_cast %parallel_loop3A_376 : i32 to index
          %parallel_loop3A_411 = tpu.vector_load %arg6[%parallel_loop3A_407, %parallel_loop3A_408, %parallel_loop3A_409, %parallel_loop3A_410] {strides = array<i32>} : memref<6x4x1x4096xf32, #tpu.memory_space<vmem>>, vector<1x1x1x16xf32>,
          %parallel_loop3A_412 = vector.shape_cast %parallel_loop3A_411 : vector<1x1x1x16xf32> to vector<16xf32>
          %parallel_loop3A_413 = arith.addf %parallel_loop3A_412, %parallel_loop3A_383 : vector<16xf32>
          %parallel_loop3A_414 = arith.constant 4 : i32
          %parallel_loop3A_415 = arith.constant 1 : i32
          %parallel_loop3A_416 = arith.constant 0 : i32
          %parallel_loop3A_417 = arith.index_cast %parallel_loop3A_414 : i32 to index
          %parallel_loop3A_418 = arith.index_cast %parallel_loop3A_415 : i32 to index
          %parallel_loop3A_419 = arith.index_cast %parallel_loop3A_416 : i32 to index
          %parallel_loop3A_420 = arith.index_cast %parallel_loop3A_376 : i32 to index
          %parallel_loop3A_421 = tpu.vector_load %arg6[%parallel_loop3A_417, %parallel_loop3A_418, %parallel_loop3A_419, %parallel_loop3A_420] {strides = array<i32>} : memref<6x4x1x4096xf32, #tpu.memory_space<vmem>>, vector<1x1x1x16xf32>,
          %parallel_loop3A_422 = vector.shape_cast %parallel_loop3A_421 : vector<1x1x1x16xf32> to vector<16xf32>
          %parallel_loop3A_423 = vector.shape_cast %parallel_loop3A_413 : vector<16xf32> to vector<1x1x1x16xf32>
          tpu.vector_store %arg6[%parallel_loop3A_417, %parallel_loop3A_418, %parallel_loop3A_419, %parallel_loop3A_420], %parallel_loop3A_423 {strides = array<i32>} : memref<6x4x1x4096xf32, #tpu.memory_space<vmem>>, vector<1x1x1x16xf32>,
          %parallel_loop3A_424 = arith.constant 4 : i32
          %parallel_loop3A_425 = arith.constant 2 : i32
          %parallel_loop3A_426 = arith.constant 0 : i32
          %parallel_loop3A_427 = arith.index_cast %parallel_loop3A_424 : i32 to index
          %parallel_loop3A_428 = arith.index_cast %parallel_loop3A_425 : i32 to index
          %parallel_loop3A_429 = arith.index_cast %parallel_loop3A_426 : i32 to index
          %parallel_loop3A_430 = arith.index_cast %parallel_loop3A_376 : i32 to index
          %parallel_loop3A_431 = tpu.vector_load %arg6[%parallel_loop3A_427, %parallel_loop3A_428, %parallel_loop3A_429, %parallel_loop3A_430] {strides = array<i32>} : memref<6x4x1x4096xf32, #tpu.memory_space<vmem>>, vector<1x1x1x16xf32>,
          %parallel_loop3A_432 = vector.shape_cast %parallel_loop3A_431 : vector<1x1x1x16xf32> to vector<16xf32>
          %parallel_loop3A_433 = arith.addf %parallel_loop3A_432, %parallel_loop3A_383 : vector<16xf32>
          %parallel_loop3A_434 = arith.constant 4 : i32
          %parallel_loop3A_435 = arith.constant 2 : i32
          %parallel_loop3A_436 = arith.constant 0 : i32
          %parallel_loop3A_437 = arith.index_cast %parallel_loop3A_434 : i32 to index
          %parallel_loop3A_438 = arith.index_cast %parallel_loop3A_435 : i32 to index
          %parallel_loop3A_439 = arith.index_cast %parallel_loop3A_436 : i32 to index
          %parallel_loop3A_440 = arith.index_cast %parallel_loop3A_376 : i32 to index
          %parallel_loop3A_441 = tpu.vector_load %arg6[%parallel_loop3A_437, %parallel_loop3A_438, %parallel_loop3A_439, %parallel_loop3A_440] {strides = array<i32>} : memref<6x4x1x4096xf32, #tpu.memory_space<vmem>>, vector<1x1x1x16xf32>,
          %parallel_loop3A_442 = vector.shape_cast %parallel_loop3A_441 : vector<1x1x1x16xf32> to vector<16xf32>
          %parallel_loop3A_443 = vector.shape_cast %parallel_loop3A_433 : vector<16xf32> to vector<1x1x1x16xf32>
          tpu.vector_store %arg6[%parallel_loop3A_437, %parallel_loop3A_438, %parallel_loop3A_439, %parallel_loop3A_440], %parallel_loop3A_443 {strides = array<i32>} : memref<6x4x1x4096xf32, #tpu.memory_space<vmem>>, vector<1x1x1x16xf32>,
          %parallel_loop3A_444 = arith.constant 4 : i32
          %parallel_loop3A_445 = arith.constant 3 : i32
          %parallel_loop3A_446 = arith.constant 0 : i32
          %parallel_loop3A_447 = arith.index_cast %parallel_loop3A_444 : i32 to index
          %parallel_loop3A_448 = arith.index_cast %parallel_loop3A_445 : i32 to index
          %parallel_loop3A_449 = arith.index_cast %parallel_loop3A_446 : i32 to index
          %parallel_loop3A_450 = arith.index_cast %parallel_loop3A_376 : i32 to index
          %parallel_loop3A_451 = tpu.vector_load %arg6[%parallel_loop3A_447, %parallel_loop3A_448, %parallel_loop3A_449, %parallel_loop3A_450] {strides = array<i32>} : memref<6x4x1x4096xf32, #tpu.memory_space<vmem>>, vector<1x1x1x16xf32>,
          %parallel_loop3A_452 = vector.shape_cast %parallel_loop3A_451 : vector<1x1x1x16xf32> to vector<16xf32>
          %parallel_loop3A_453 = arith.addf %parallel_loop3A_452, %parallel_loop3A_383 : vector<16xf32>
          %parallel_loop3A_454 = arith.constant 4 : i32
          %parallel_loop3A_455 = arith.constant 3 : i32
          %parallel_loop3A_456 = arith.constant 0 : i32
          %parallel_loop3A_457 = arith.index_cast %parallel_loop3A_454 : i32 to index
          %parallel_loop3A_458 = arith.index_cast %parallel_loop3A_455 : i32 to index
          %parallel_loop3A_459 = arith.index_cast %parallel_loop3A_456 : i32 to index
          %parallel_loop3A_460 = arith.index_cast %parallel_loop3A_376 : i32 to index
          %parallel_loop3A_461 = tpu.vector_load %arg6[%parallel_loop3A_457, %parallel_loop3A_458, %parallel_loop3A_459, %parallel_loop3A_460] {strides = array<i32>} : memref<6x4x1x4096xf32, #tpu.memory_space<vmem>>, vector<1x1x1x16xf32>,
          %parallel_loop3A_462 = vector.shape_cast %parallel_loop3A_461 : vector<1x1x1x16xf32> to vector<16xf32>
          %parallel_loop3A_463 = vector.shape_cast %parallel_loop3A_453 : vector<16xf32> to vector<1x1x1x16xf32>
          tpu.vector_store %arg6[%parallel_loop3A_457, %parallel_loop3A_458, %parallel_loop3A_459, %parallel_loop3A_460], %parallel_loop3A_463 {strides = array<i32>} : memref<6x4x1x4096xf32, #tpu.memory_space<vmem>>, vector<1x1x1x16xf32>,
        } {sc.loop_unroll_factor = 16 : i64, sc.parallel_access}
        %mul3A_354 = arith.constant 1 : i32
        %mul3A_355 = arith.muli %add3A_283, %mul3A_354 : i32
        %add3A_356 = arith.addi %mul3A_2, %mul3A_355 : i32
        %dma_start3A_357 = arith.constant 4 : i32
        %dma_start3A_358 = arith.constant 0 : i32
        %dma_start3A_359 = arith.constant 0 : i32
        %dma_start3A_360 = arith.constant 0 : i32
        %dma_start3A_361 = tpu.memref_slice %arg6[%dma_start3A_357, %dma_start3A_358, %dma_start3A_359, %dma_start3A_360] : memref<6x4x1x4096xf32, #tpu.memory_space<vmem>> -> memref<1x4x1x4096xf32, #tpu.memory_space<vmem>>
        %dma_start3A_362 = tpu.memref_squeeze %dma_start3A_361 : memref<1x4x1x4096xf32, #tpu.memory_space<vmem>> -> memref<4x1x4096xf32, #tpu.memory_space<vmem>>
        %dma_start3A_363 = arith.constant 0 : i32
        %dma_start3A_364 = arith.constant 0 : i32
        %dma_start3A_365 = tpu.memref_slice %arg4[%dma_start3A_363, %add3A_356, %dma_start3A_364] : memref<4x2048x4096xf32, #tpu.memory_space<hbm>> -> memref<4x1x4096xf32, #tpu.memory_space<hbm>>
        %dma_start3A_366 = arith.constant 0 : i32
        %dma_start3A_367 = arith.constant 0 : i32
        %dma_start3A_368 = tpu.memref_slice %arg4[%dma_start3A_366, %add3A_356, %dma_start3A_367] : memref<4x2048x4096xf32, #tpu.memory_space<hbm>> -> memref<4x1x4096xf32, #tpu.memory_space<hbm>>
        %dma_start3A_369 = arith.constant 0 : i32
        %dma_start3A_370 = arith.constant 0 : i32
        %dma_start3A_371 = arith.constant 0 : i32
        %dma_start3A_372 = tpu.memref_slice %arg6[%dma_start3A_357, %dma_start3A_369, %dma_start3A_370, %dma_start3A_371] : memref<6x4x1x4096xf32, #tpu.memory_space<vmem>> -> memref<1x4x1x4096xf32, #tpu.memory_space<vmem>>
        %dma_start3A_373 = tpu.memref_squeeze %dma_start3A_372 : memref<1x4x1x4096xf32, #tpu.memory_space<vmem>> -> memref<4x1x4096xf32, #tpu.memory_space<vmem>>
        tpu.enqueue_dma source(%dma_start3A_373 : memref<4x1x4096xf32, #tpu.memory_space<vmem>>) target(%dma_start3A_368 : memref<4x1x4096xf32, #tpu.memory_space<hbm>>) target_semaphore(%arg17 : memref<!tpu.dma_semaphore, #tpu.memory_space<semaphore_mem>>)
      } else {
      }
      %eq3A_347 = arith.constant 5 : i32
      %eq3A_348 = arith.cmpi eq, %rem3A_284, %eq3A_347 : i32
      %convert_element_type3A_349 = arith.extui %eq3A_348 : i1 to i32
      %cond3A_350 = arith.constant 0 : i32
      %cond3A_351 = arith.cmpi ne, %convert_element_type3A_349, %cond3A_350 : i32
      scf.if %cond3A_351 {
        %parallel_loop3A = arith.constant 0 : i32
        %parallel_loop3A_352 = arith.constant 256 : i32
        %parallel_loop3A_353 = arith.constant 1 : i32
        scf.for %parallel_loop3A_374 = %parallel_loop3A to %parallel_loop3A_352 step %parallel_loop3A_353  : i32 {
          %parallel_loop3A_375 = arith.constant 16 : i32
          %parallel_loop3A_376 = arith.muli %parallel_loop3A_374, %parallel_loop3A_375 : i32
          %parallel_loop3A_377 = arith.constant 5 : i32
          %parallel_loop3A_378 = arith.constant 0 : i32
          %parallel_loop3A_379 = arith.index_cast %parallel_loop3A_377 : i32 to index
          %parallel_loop3A_380 = arith.index_cast %parallel_loop3A_378 : i32 to index
          %parallel_loop3A_381 = arith.index_cast %parallel_loop3A_376 : i32 to index
          %parallel_loop3A_382 = tpu.vector_load %arg5[%parallel_loop3A_379, %parallel_loop3A_380, %parallel_loop3A_381] {strides = array<i32>} : memref<6x1x4096xf32, #tpu.memory_space<vmem>>, vector<1x1x16xf32>,
          %parallel_loop3A_383 = vector.shape_cast %parallel_loop3A_382 : vector<1x1x16xf32> to vector<16xf32>
          %parallel_loop3A_384 = arith.constant 5 : i32
          %parallel_loop3A_385 = arith.constant 0 : i32
          %parallel_loop3A_386 = arith.constant 0 : i32
          %parallel_loop3A_387 = arith.index_cast %parallel_loop3A_384 : i32 to index
          %parallel_loop3A_388 = arith.index_cast %parallel_loop3A_385 : i32 to index
          %parallel_loop3A_389 = arith.index_cast %parallel_loop3A_386 : i32 to index
          %parallel_loop3A_390 = arith.index_cast %parallel_loop3A_376 : i32 to index
          %parallel_loop3A_391 = tpu.vector_load %arg6[%parallel_loop3A_387, %parallel_loop3A_388, %parallel_loop3A_389, %parallel_loop3A_390] {strides = array<i32>} : memref<6x4x1x4096xf32, #tpu.memory_space<vmem>>, vector<1x1x1x16xf32>,
          %parallel_loop3A_392 = vector.shape_cast %parallel_loop3A_391 : vector<1x1x1x16xf32> to vector<16xf32>
          %parallel_loop3A_393 = arith.addf %parallel_loop3A_392, %parallel_loop3A_383 : vector<16xf32>
          %parallel_loop3A_394 = arith.constant 5 : i32
          %parallel_loop3A_395 = arith.constant 0 : i32
          %parallel_loop3A_396 = arith.constant 0 : i32
          %parallel_loop3A_397 = arith.index_cast %parallel_loop3A_394 : i32 to index
          %parallel_loop3A_398 = arith.index_cast %parallel_loop3A_395 : i32 to index
          %parallel_loop3A_399 = arith.index_cast %parallel_loop3A_396 : i32 to index
          %parallel_loop3A_400 = arith.index_cast %parallel_loop3A_376 : i32 to index
          %parallel_loop3A_401 = tpu.vector_load %arg6[%parallel_loop3A_397, %parallel_loop3A_398, %parallel_loop3A_399, %parallel_loop3A_400] {strides = array<i32>} : memref<6x4x1x4096xf32, #tpu.memory_space<vmem>>, vector<1x1x1x16xf32>,
          %parallel_loop3A_402 = vector.shape_cast %parallel_loop3A_401 : vector<1x1x1x16xf32> to vector<16xf32>
          %parallel_loop3A_403 = vector.shape_cast %parallel_loop3A_393 : vector<16xf32> to vector<1x1x1x16xf32>
          tpu.vector_store %arg6[%parallel_loop3A_397, %parallel_loop3A_398, %parallel_loop3A_399, %parallel_loop3A_400], %parallel_loop3A_403 {strides = array<i32>} : memref<6x4x1x4096xf32, #tpu.memory_space<vmem>>, vector<1x1x1x16xf32>,
          %parallel_loop3A_404 = arith.constant 5 : i32
          %parallel_loop3A_405 = arith.constant 1 : i32
          %parallel_loop3A_406 = arith.constant 0 : i32
          %parallel_loop3A_407 = arith.index_cast %parallel_loop3A_404 : i32 to index
          %parallel_loop3A_408 = arith.index_cast %parallel_loop3A_405 : i32 to index
          %parallel_loop3A_409 = arith.index_cast %parallel_loop3A_406 : i32 to index
          %parallel_loop3A_410 = arith.index_cast %parallel_loop3A_376 : i32 to index
          %parallel_loop3A_411 = tpu.vector_load %arg6[%parallel_loop3A_407, %parallel_loop3A_408, %parallel_loop3A_409, %parallel_loop3A_410] {strides = array<i32>} : memref<6x4x1x4096xf32, #tpu.memory_space<vmem>>, vector<1x1x1x16xf32>,
          %parallel_loop3A_412 = vector.shape_cast %parallel_loop3A_411 : vector<1x1x1x16xf32> to vector<16xf32>
          %parallel_loop3A_413 = arith.addf %parallel_loop3A_412, %parallel_loop3A_383 : vector<16xf32>
          %parallel_loop3A_414 = arith.constant 5 : i32
          %parallel_loop3A_415 = arith.constant 1 : i32
          %parallel_loop3A_416 = arith.constant 0 : i32
          %parallel_loop3A_417 = arith.index_cast %parallel_loop3A_414 : i32 to index
          %parallel_loop3A_418 = arith.index_cast %parallel_loop3A_415 : i32 to index
          %parallel_loop3A_419 = arith.index_cast %parallel_loop3A_416 : i32 to index
          %parallel_loop3A_420 = arith.index_cast %parallel_loop3A_376 : i32 to index
          %parallel_loop3A_421 = tpu.vector_load %arg6[%parallel_loop3A_417, %parallel_loop3A_418, %parallel_loop3A_419, %parallel_loop3A_420] {strides = array<i32>} : memref<6x4x1x4096xf32, #tpu.memory_space<vmem>>, vector<1x1x1x16xf32>,
          %parallel_loop3A_422 = vector.shape_cast %parallel_loop3A_421 : vector<1x1x1x16xf32> to vector<16xf32>
          %parallel_loop3A_423 = vector.shape_cast %parallel_loop3A_413 : vector<16xf32> to vector<1x1x1x16xf32>
          tpu.vector_store %arg6[%parallel_loop3A_417, %parallel_loop3A_418, %parallel_loop3A_419, %parallel_loop3A_420], %parallel_loop3A_423 {strides = array<i32>} : memref<6x4x1x4096xf32, #tpu.memory_space<vmem>>, vector<1x1x1x16xf32>,
          %parallel_loop3A_424 = arith.constant 5 : i32
          %parallel_loop3A_425 = arith.constant 2 : i32
          %parallel_loop3A_426 = arith.constant 0 : i32
          %parallel_loop3A_427 = arith.index_cast %parallel_loop3A_424 : i32 to index
          %parallel_loop3A_428 = arith.index_cast %parallel_loop3A_425 : i32 to index
          %parallel_loop3A_429 = arith.index_cast %parallel_loop3A_426 : i32 to index
          %parallel_loop3A_430 = arith.index_cast %parallel_loop3A_376 : i32 to index
          %parallel_loop3A_431 = tpu.vector_load %arg6[%parallel_loop3A_427, %parallel_loop3A_428, %parallel_loop3A_429, %parallel_loop3A_430] {strides = array<i32>} : memref<6x4x1x4096xf32, #tpu.memory_space<vmem>>, vector<1x1x1x16xf32>,
          %parallel_loop3A_432 = vector.shape_cast %parallel_loop3A_431 : vector<1x1x1x16xf32> to vector<16xf32>
          %parallel_loop3A_433 = arith.addf %parallel_loop3A_432, %parallel_loop3A_383 : vector<16xf32>
          %parallel_loop3A_434 = arith.constant 5 : i32
          %parallel_loop3A_435 = arith.constant 2 : i32
          %parallel_loop3A_436 = arith.constant 0 : i32
          %parallel_loop3A_437 = arith.index_cast %parallel_loop3A_434 : i32 to index
          %parallel_loop3A_438 = arith.index_cast %parallel_loop3A_435 : i32 to index
          %parallel_loop3A_439 = arith.index_cast %parallel_loop3A_436 : i32 to index
          %parallel_loop3A_440 = arith.index_cast %parallel_loop3A_376 : i32 to index
          %parallel_loop3A_441 = tpu.vector_load %arg6[%parallel_loop3A_437, %parallel_loop3A_438, %parallel_loop3A_439, %parallel_loop3A_440] {strides = array<i32>} : memref<6x4x1x4096xf32, #tpu.memory_space<vmem>>, vector<1x1x1x16xf32>,
          %parallel_loop3A_442 = vector.shape_cast %parallel_loop3A_441 : vector<1x1x1x16xf32> to vector<16xf32>
          %parallel_loop3A_443 = vector.shape_cast %parallel_loop3A_433 : vector<16xf32> to vector<1x1x1x16xf32>
          tpu.vector_store %arg6[%parallel_loop3A_437, %parallel_loop3A_438, %parallel_loop3A_439, %parallel_loop3A_440], %parallel_loop3A_443 {strides = array<i32>} : memref<6x4x1x4096xf32, #tpu.memory_space<vmem>>, vector<1x1x1x16xf32>,
          %parallel_loop3A_444 = arith.constant 5 : i32
          %parallel_loop3A_445 = arith.constant 3 : i32
          %parallel_loop3A_446 = arith.constant 0 : i32
          %parallel_loop3A_447 = arith.index_cast %parallel_loop3A_444 : i32 to index
          %parallel_loop3A_448 = arith.index_cast %parallel_loop3A_445 : i32 to index
          %parallel_loop3A_449 = arith.index_cast %parallel_loop3A_446 : i32 to index
          %parallel_loop3A_450 = arith.index_cast %parallel_loop3A_376 : i32 to index
          %parallel_loop3A_451 = tpu.vector_load %arg6[%parallel_loop3A_447, %parallel_loop3A_448, %parallel_loop3A_449, %parallel_loop3A_450] {strides = array<i32>} : memref<6x4x1x4096xf32, #tpu.memory_space<vmem>>, vector<1x1x1x16xf32>,
          %parallel_loop3A_452 = vector.shape_cast %parallel_loop3A_451 : vector<1x1x1x16xf32> to vector<16xf32>
          %parallel_loop3A_453 = arith.addf %parallel_loop3A_452, %parallel_loop3A_383 : vector<16xf32>
          %parallel_loop3A_454 = arith.constant 5 : i32
          %parallel_loop3A_455 = arith.constant 3 : i32
          %parallel_loop3A_456 = arith.constant 0 : i32
          %parallel_loop3A_457 = arith.index_cast %parallel_loop3A_454 : i32 to index
          %parallel_loop3A_458 = arith.index_cast %parallel_loop3A_455 : i32 to index
          %parallel_loop3A_459 = arith.index_cast %parallel_loop3A_456 : i32 to index
          %parallel_loop3A_460 = arith.index_cast %parallel_loop3A_376 : i32 to index
          %parallel_loop3A_461 = tpu.vector_load %arg6[%parallel_loop3A_457, %parallel_loop3A_458, %parallel_loop3A_459, %parallel_loop3A_460] {strides = array<i32>} : memref<6x4x1x4096xf32, #tpu.memory_space<vmem>>, vector<1x1x1x16xf32>,
          %parallel_loop3A_462 = vector.shape_cast %parallel_loop3A_461 : vector<1x1x1x16xf32> to vector<16xf32>
          %parallel_loop3A_463 = vector.shape_cast %parallel_loop3A_453 : vector<16xf32> to vector<1x1x1x16xf32>
          tpu.vector_store %arg6[%parallel_loop3A_457, %parallel_loop3A_458, %parallel_loop3A_459, %parallel_loop3A_460], %parallel_loop3A_463 {strides = array<i32>} : memref<6x4x1x4096xf32, #tpu.memory_space<vmem>>, vector<1x1x1x16xf32>,
        } {sc.loop_unroll_factor = 16 : i64, sc.parallel_access}
        %mul3A_354 = arith.constant 1 : i32
        %mul3A_355 = arith.muli %add3A_283, %mul3A_354 : i32
        %add3A_356 = arith.addi %mul3A_2, %mul3A_355 : i32
        %dma_start3A_357 = arith.constant 5 : i32
        %dma_start3A_358 = arith.constant 0 : i32
        %dma_start3A_359 = arith.constant 0 : i32
        %dma_start3A_360 = arith.constant 0 : i32
        %dma_start3A_361 = tpu.memref_slice %arg6[%dma_start3A_357, %dma_start3A_358, %dma_start3A_359, %dma_start3A_360] : memref<6x4x1x4096xf32, #tpu.memory_space<vmem>> -> memref<1x4x1x4096xf32, #tpu.memory_space<vmem>>
        %dma_start3A_362 = tpu.memref_squeeze %dma_start3A_361 : memref<1x4x1x4096xf32, #tpu.memory_space<vmem>> -> memref<4x1x4096xf32, #tpu.memory_space<vmem>>
        %dma_start3A_363 = arith.constant 0 : i32
        %dma_start3A_364 = arith.constant 0 : i32
        %dma_start3A_365 = tpu.memref_slice %arg4[%dma_start3A_363, %add3A_356, %dma_start3A_364] : memref<4x2048x4096xf32, #tpu.memory_space<hbm>> -> memref<4x1x4096xf32, #tpu.memory_space<hbm>>
        %dma_start3A_366 = arith.constant 0 : i32
        %dma_start3A_367 = arith.constant 0 : i32
        %dma_start3A_368 = tpu.memref_slice %arg4[%dma_start3A_366, %add3A_356, %dma_start3A_367] : memref<4x2048x4096xf32, #tpu.memory_space<hbm>> -> memref<4x1x4096xf32, #tpu.memory_space<hbm>>
        %dma_start3A_369 = arith.constant 0 : i32
        %dma_start3A_370 = arith.constant 0 : i32
        %dma_start3A_371 = arith.constant 0 : i32
        %dma_start3A_372 = tpu.memref_slice %arg6[%dma_start3A_357, %dma_start3A_369, %dma_start3A_370, %dma_start3A_371] : memref<6x4x1x4096xf32, #tpu.memory_space<vmem>> -> memref<1x4x1x4096xf32, #tpu.memory_space<vmem>>
        %dma_start3A_373 = tpu.memref_squeeze %dma_start3A_372 : memref<1x4x1x4096xf32, #tpu.memory_space<vmem>> -> memref<4x1x4096xf32, #tpu.memory_space<vmem>>
        tpu.enqueue_dma source(%dma_start3A_373 : memref<4x1x4096xf32, #tpu.memory_space<vmem>>) target(%dma_start3A_368 : memref<4x1x4096xf32, #tpu.memory_space<hbm>>) target_semaphore(%arg18 : memref<!tpu.dma_semaphore, #tpu.memory_space<semaphore_mem>>)
      } else {
      }
    }
    %scan3A_165 = arith.constant 64 : i32
    %dma_wait3A = arith.constant 0 : i32
    %dma_wait3A_166 = arith.constant 0 : i32
    %dma_wait3A_167 = arith.constant 0 : i32
    %dma_wait3A_168 = arith.constant 0 : i32
    %dma_wait3A_169 = tpu.memref_slice %arg6[%dma_wait3A, %dma_wait3A_166, %dma_wait3A_167, %dma_wait3A_168] : memref<6x4x1x4096xf32, #tpu.memory_space<vmem>> -> memref<1x4x1x4096xf32, #tpu.memory_space<vmem>>
    %dma_wait3A_170 = tpu.memref_squeeze %dma_wait3A_169 : memref<1x4x1x4096xf32, #tpu.memory_space<vmem>> -> memref<4x1x4096xf32, #tpu.memory_space<vmem>>
    %dma_wait3A_171 = arith.constant 0 : i32
    %dma_wait3A_172 = arith.constant 0 : i32
    %dma_wait3A_173 = arith.constant 0 : i32
    %dma_wait3A_174 = tpu.memref_slice %arg4[%dma_wait3A_171, %dma_wait3A_172, %dma_wait3A_173] : memref<4x2048x4096xf32, #tpu.memory_space<hbm>> -> memref<4x1x4096xf32, #tpu.memory_space<hbm>>
    %dma_wait3A_175 = arith.constant 0 : i32
    %dma_wait3A_176 = arith.constant 0 : i32
    %dma_wait3A_177 = arith.constant 0 : i32
    %dma_wait3A_178 = tpu.memref_slice %arg4[%dma_wait3A_175, %dma_wait3A_176, %dma_wait3A_177] : memref<4x2048x4096xf32, #tpu.memory_space<hbm>> -> memref<4x1x4096xf32, #tpu.memory_space<hbm>>
    %dma_wait3A_179 = arith.constant 0 : i32
    %dma_wait3A_180 = arith.constant 0 : i32
    %dma_wait3A_181 = arith.constant 0 : i32
    %dma_wait3A_182 = tpu.memref_slice %arg6[%dma_wait3A, %dma_wait3A_179, %dma_wait3A_180, %dma_wait3A_181] : memref<6x4x1x4096xf32, #tpu.memory_space<vmem>> -> memref<1x4x1x4096xf32, #tpu.memory_space<vmem>>
    %dma_wait3A_183 = tpu.memref_squeeze %dma_wait3A_182 : memref<1x4x1x4096xf32, #tpu.memory_space<vmem>> -> memref<4x1x4096xf32, #tpu.memory_space<vmem>>
    tpu.wait_dma2 semaphore(%arg13 : memref<!tpu.dma_semaphore, #tpu.memory_space<semaphore_mem>>) src(%dma_wait3A_183 : memref<4x1x4096xf32, #tpu.memory_space<vmem>>) dst(%dma_wait3A_178 : memref<4x1x4096xf32, #tpu.memory_space<hbm>>)
    %dma_wait3A_184 = arith.constant 1 : i32
    %dma_wait3A_185 = arith.constant 0 : i32
    %dma_wait3A_186 = arith.constant 0 : i32
    %dma_wait3A_187 = arith.constant 0 : i32
    %dma_wait3A_188 = tpu.memref_slice %arg6[%dma_wait3A_184, %dma_wait3A_185, %dma_wait3A_186, %dma_wait3A_187] : memref<6x4x1x4096xf32, #tpu.memory_space<vmem>> -> memref<1x4x1x4096xf32, #tpu.memory_space<vmem>>
    %dma_wait3A_189 = tpu.memref_squeeze %dma_wait3A_188 : memref<1x4x1x4096xf32, #tpu.memory_space<vmem>> -> memref<4x1x4096xf32, #tpu.memory_space<vmem>>
    %dma_wait3A_190 = arith.constant 0 : i32
    %dma_wait3A_191 = arith.constant 0 : i32
    %dma_wait3A_192 = arith.constant 0 : i32
    %dma_wait3A_193 = tpu.memref_slice %arg4[%dma_wait3A_190, %dma_wait3A_191, %dma_wait3A_192] : memref<4x2048x4096xf32, #tpu.memory_space<hbm>> -> memref<4x1x4096xf32, #tpu.memory_space<hbm>>
    %dma_wait3A_194 = arith.constant 0 : i32
    %dma_wait3A_195 = arith.constant 0 : i32
    %dma_wait3A_196 = arith.constant 0 : i32
    %dma_wait3A_197 = tpu.memref_slice %arg4[%dma_wait3A_194, %dma_wait3A_195, %dma_wait3A_196] : memref<4x2048x4096xf32, #tpu.memory_space<hbm>> -> memref<4x1x4096xf32, #tpu.memory_space<hbm>>
    %dma_wait3A_198 = arith.constant 0 : i32
    %dma_wait3A_199 = arith.constant 0 : i32
    %dma_wait3A_200 = arith.constant 0 : i32
    %dma_wait3A_201 = tpu.memref_slice %arg6[%dma_wait3A_184, %dma_wait3A_198, %dma_wait3A_199, %dma_wait3A_200] : memref<6x4x1x4096xf32, #tpu.memory_space<vmem>> -> memref<1x4x1x4096xf32, #tpu.memory_space<vmem>>
    %dma_wait3A_202 = tpu.memref_squeeze %dma_wait3A_201 : memref<1x4x1x4096xf32, #tpu.memory_space<vmem>> -> memref<4x1x4096xf32, #tpu.memory_space<vmem>>
    tpu.wait_dma2 semaphore(%arg14 : memref<!tpu.dma_semaphore, #tpu.memory_space<semaphore_mem>>) src(%dma_wait3A_202 : memref<4x1x4096xf32, #tpu.memory_space<vmem>>) dst(%dma_wait3A_197 : memref<4x1x4096xf32, #tpu.memory_space<hbm>>)
    %dma_wait3A_203 = arith.constant 2 : i32
    %dma_wait3A_204 = arith.constant 0 : i32
    %dma_wait3A_205 = arith.constant 0 : i32
    %dma_wait3A_206 = arith.constant 0 : i32
    %dma_wait3A_207 = tpu.memref_slice %arg6[%dma_wait3A_203, %dma_wait3A_204, %dma_wait3A_205, %dma_wait3A_206] : memref<6x4x1x4096xf32, #tpu.memory_space<vmem>> -> memref<1x4x1x4096xf32, #tpu.memory_space<vmem>>
    %dma_wait3A_208 = tpu.memref_squeeze %dma_wait3A_207 : memref<1x4x1x4096xf32, #tpu.memory_space<vmem>> -> memref<4x1x4096xf32, #tpu.memory_space<vmem>>
    %dma_wait3A_209 = arith.constant 0 : i32
    %dma_wait3A_210 = arith.constant 0 : i32
    %dma_wait3A_211 = arith.constant 0 : i32
    %dma_wait3A_212 = tpu.memref_slice %arg4[%dma_wait3A_209, %dma_wait3A_210, %dma_wait3A_211] : memref<4x2048x4096xf32, #tpu.memory_space<hbm>> -> memref<4x1x4096xf32, #tpu.memory_space<hbm>>
    %dma_wait3A_213 = arith.constant 0 : i32
    %dma_wait3A_214 = arith.constant 0 : i32
    %dma_wait3A_215 = arith.constant 0 : i32
    %dma_wait3A_216 = tpu.memref_slice %arg4[%dma_wait3A_213, %dma_wait3A_214, %dma_wait3A_215] : memref<4x2048x4096xf32, #tpu.memory_space<hbm>> -> memref<4x1x4096xf32, #tpu.memory_space<hbm>>
    %dma_wait3A_217 = arith.constant 0 : i32
    %dma_wait3A_218 = arith.constant 0 : i32
    %dma_wait3A_219 = arith.constant 0 : i32
    %dma_wait3A_220 = tpu.memref_slice %arg6[%dma_wait3A_203, %dma_wait3A_217, %dma_wait3A_218, %dma_wait3A_219] : memref<6x4x1x4096xf32, #tpu.memory_space<vmem>> -> memref<1x4x1x4096xf32, #tpu.memory_space<vmem>>
    %dma_wait3A_221 = tpu.memref_squeeze %dma_wait3A_220 : memref<1x4x1x4096xf32, #tpu.memory_space<vmem>> -> memref<4x1x4096xf32, #tpu.memory_space<vmem>>
    tpu.wait_dma2 semaphore(%arg15 : memref<!tpu.dma_semaphore, #tpu.memory_space<semaphore_mem>>) src(%dma_wait3A_221 : memref<4x1x4096xf32, #tpu.memory_space<vmem>>) dst(%dma_wait3A_216 : memref<4x1x4096xf32, #tpu.memory_space<hbm>>)
    %dma_wait3A_222 = arith.constant 3 : i32
    %dma_wait3A_223 = arith.constant 0 : i32
    %dma_wait3A_224 = arith.constant 0 : i32
    %dma_wait3A_225 = arith.constant 0 : i32
    %dma_wait3A_226 = tpu.memref_slice %arg6[%dma_wait3A_222, %dma_wait3A_223, %dma_wait3A_224, %dma_wait3A_225] : memref<6x4x1x4096xf32, #tpu.memory_space<vmem>> -> memref<1x4x1x4096xf32, #tpu.memory_space<vmem>>
    %dma_wait3A_227 = tpu.memref_squeeze %dma_wait3A_226 : memref<1x4x1x4096xf32, #tpu.memory_space<vmem>> -> memref<4x1x4096xf32, #tpu.memory_space<vmem>>
    %dma_wait3A_228 = arith.constant 0 : i32
    %dma_wait3A_229 = arith.constant 0 : i32
    %dma_wait3A_230 = arith.constant 0 : i32
    %dma_wait3A_231 = tpu.memref_slice %arg4[%dma_wait3A_228, %dma_wait3A_229, %dma_wait3A_230] : memref<4x2048x4096xf32, #tpu.memory_space<hbm>> -> memref<4x1x4096xf32, #tpu.memory_space<hbm>>
    %dma_wait3A_232 = arith.constant 0 : i32
    %dma_wait3A_233 = arith.constant 0 : i32
    %dma_wait3A_234 = arith.constant 0 : i32
    %dma_wait3A_235 = tpu.memref_slice %arg4[%dma_wait3A_232, %dma_wait3A_233, %dma_wait3A_234] : memref<4x2048x4096xf32, #tpu.memory_space<hbm>> -> memref<4x1x4096xf32, #tpu.memory_space<hbm>>
    %dma_wait3A_236 = arith.constant 0 : i32
    %dma_wait3A_237 = arith.constant 0 : i32
    %dma_wait3A_238 = arith.constant 0 : i32
    %dma_wait3A_239 = tpu.memref_slice %arg6[%dma_wait3A_222, %dma_wait3A_236, %dma_wait3A_237, %dma_wait3A_238] : memref<6x4x1x4096xf32, #tpu.memory_space<vmem>> -> memref<1x4x1x4096xf32, #tpu.memory_space<vmem>>
    %dma_wait3A_240 = tpu.memref_squeeze %dma_wait3A_239 : memref<1x4x1x4096xf32, #tpu.memory_space<vmem>> -> memref<4x1x4096xf32, #tpu.memory_space<vmem>>
    tpu.wait_dma2 semaphore(%arg16 : memref<!tpu.dma_semaphore, #tpu.memory_space<semaphore_mem>>) src(%dma_wait3A_240 : memref<4x1x4096xf32, #tpu.memory_space<vmem>>) dst(%dma_wait3A_235 : memref<4x1x4096xf32, #tpu.memory_space<hbm>>)
    %dma_wait3A_241 = arith.constant 4 : i32
    %dma_wait3A_242 = arith.constant 0 : i32
    %dma_wait3A_243 = arith.constant 0 : i32
    %dma_wait3A_244 = arith.constant 0 : i32
    %dma_wait3A_245 = tpu.memref_slice %arg6[%dma_wait3A_241, %dma_wait3A_242, %dma_wait3A_243, %dma_wait3A_244] : memref<6x4x1x4096xf32, #tpu.memory_space<vmem>> -> memref<1x4x1x4096xf32, #tpu.memory_space<vmem>>
    %dma_wait3A_246 = tpu.memref_squeeze %dma_wait3A_245 : memref<1x4x1x4096xf32, #tpu.memory_space<vmem>> -> memref<4x1x4096xf32, #tpu.memory_space<vmem>>
    %dma_wait3A_247 = arith.constant 0 : i32
    %dma_wait3A_248 = arith.constant 0 : i32
    %dma_wait3A_249 = arith.constant 0 : i32
    %dma_wait3A_250 = tpu.memref_slice %arg4[%dma_wait3A_247, %dma_wait3A_248, %dma_wait3A_249] : memref<4x2048x4096xf32, #tpu.memory_space<hbm>> -> memref<4x1x4096xf32, #tpu.memory_space<hbm>>
    %dma_wait3A_251 = arith.constant 0 : i32
    %dma_wait3A_252 = arith.constant 0 : i32
    %dma_wait3A_253 = arith.constant 0 : i32
    %dma_wait3A_254 = tpu.memref_slice %arg4[%dma_wait3A_251, %dma_wait3A_252, %dma_wait3A_253] : memref<4x2048x4096xf32, #tpu.memory_space<hbm>> -> memref<4x1x4096xf32, #tpu.memory_space<hbm>>
    %dma_wait3A_255 = arith.constant 0 : i32
    %dma_wait3A_256 = arith.constant 0 : i32
    %dma_wait3A_257 = arith.constant 0 : i32
    %dma_wait3A_258 = tpu.memref_slice %arg6[%dma_wait3A_241, %dma_wait3A_255, %dma_wait3A_256, %dma_wait3A_257] : memref<6x4x1x4096xf32, #tpu.memory_space<vmem>> -> memref<1x4x1x4096xf32, #tpu.memory_space<vmem>>
    %dma_wait3A_259 = tpu.memref_squeeze %dma_wait3A_258 : memref<1x4x1x4096xf32, #tpu.memory_space<vmem>> -> memref<4x1x4096xf32, #tpu.memory_space<vmem>>
    tpu.wait_dma2 semaphore(%arg17 : memref<!tpu.dma_semaphore, #tpu.memory_space<semaphore_mem>>) src(%dma_wait3A_259 : memref<4x1x4096xf32, #tpu.memory_space<vmem>>) dst(%dma_wait3A_254 : memref<4x1x4096xf32, #tpu.memory_space<hbm>>)
    %dma_wait3A_260 = arith.constant 5 : i32
    %dma_wait3A_261 = arith.constant 0 : i32
    %dma_wait3A_262 = arith.constant 0 : i32
    %dma_wait3A_263 = arith.constant 0 : i32
    %dma_wait3A_264 = tpu.memref_slice %arg6[%dma_wait3A_260, %dma_wait3A_261, %dma_wait3A_262, %dma_wait3A_263] : memref<6x4x1x4096xf32, #tpu.memory_space<vmem>> -> memref<1x4x1x4096xf32, #tpu.memory_space<vmem>>
    %dma_wait3A_265 = tpu.memref_squeeze %dma_wait3A_264 : memref<1x4x1x4096xf32, #tpu.memory_space<vmem>> -> memref<4x1x4096xf32, #tpu.memory_space<vmem>>
    %dma_wait3A_266 = arith.constant 0 : i32
    %dma_wait3A_267 = arith.constant 0 : i32
    %dma_wait3A_268 = arith.constant 0 : i32
    %dma_wait3A_269 = tpu.memref_slice %arg4[%dma_wait3A_266, %dma_wait3A_267, %dma_wait3A_268] : memref<4x2048x4096xf32, #tpu.memory_space<hbm>> -> memref<4x1x4096xf32, #tpu.memory_space<hbm>>
    %dma_wait3A_270 = arith.constant 0 : i32
    %dma_wait3A_271 = arith.constant 0 : i32
    %dma_wait3A_272 = arith.constant 0 : i32
    %dma_wait3A_273 = tpu.memref_slice %arg4[%dma_wait3A_270, %dma_wait3A_271, %dma_wait3A_272] : memref<4x2048x4096xf32, #tpu.memory_space<hbm>> -> memref<4x1x4096xf32, #tpu.memory_space<hbm>>
    %dma_wait3A_274 = arith.constant 0 : i32
    %dma_wait3A_275 = arith.constant 0 : i32
    %dma_wait3A_276 = arith.constant 0 : i32
    %dma_wait3A_277 = tpu.memref_slice %arg6[%dma_wait3A_260, %dma_wait3A_274, %dma_wait3A_275, %dma_wait3A_276] : memref<6x4x1x4096xf32, #tpu.memory_space<vmem>> -> memref<1x4x1x4096xf32, #tpu.memory_space<vmem>>
    %dma_wait3A_278 = tpu.memref_squeeze %dma_wait3A_277 : memref<1x4x1x4096xf32, #tpu.memory_space<vmem>> -> memref<4x1x4096xf32, #tpu.memory_space<vmem>>
    tpu.wait_dma2 semaphore(%arg18 : memref<!tpu.dma_semaphore, #tpu.memory_space<semaphore_mem>>) src(%dma_wait3A_278 : memref<4x1x4096xf32, #tpu.memory_space<vmem>>) dst(%dma_wait3A_273 : memref<4x1x4096xf32, #tpu.memory_space<hbm>>)
    return
  }
}

</mosaic_0001>

<sc_bundles>
// kernel: kernel.3.cloned.1.call-start
scs
__scs_entry_jumppad:
0x0: {  	(pc) =	sbr.rel $0x88, $3  }
0x1: {  	(tag) =	ssettag $0x0;
	lr =	simm.s32 $0x1  }
0x2: {  	[smem:$0x3F9F] =	sst lr;
	_ =	strace $0xD0000000  }
0x3: {  	_ = 	snop  }
0x4: {  	_ = 	snop  }
0x5: {  	_ = 	snop  }
0x6: {  	_ = 	snop  }
0x7: {  	_ = 	snop  }
__scs_overlays_trampoline_lowered:
0x8: {  	[smem:$0x3FAE] =	sst s0  }
0x9: {  	[smem:$0x3FAF] =	sst s1  }
0xa: {  	[smem:$0x3FB0] =	sst s2  }
0xb: {  	[smem:$0x3FB1] =	sst s3  }
0xc: {  	[smem:$0x3FB2] =	sst s4  }
0xd: {  	[smem:$0x3FB3] =	sst s5  }
0xe: {  	[smem:$0x3FB4] =	sst s6  }
0xf: {  	[smem:$0x3FB5] =	sst s7  }
0x10: {  	[smem:$0x3FB6] =	sst s8  }
0x11: {  	[smem:$0x3FB7] =	sst s9;
	s0 =	simm.s32 @!p0 $0x0  }
0x12: {  	s1 =	sld [smem:$0x3F9D];
	s0 =	simm.s32 @p0 $0x1  }
0x13: {  	[smem:$0x3FB8] =	sst s0;
	s0 =	simm.s32 @!p1 $0x0  }
0x14: {  	s2 =	sld [smem:$0x3F9C];
	s0 =	simm.s32 @p1 $0x1  }
0x15: {  	[smem:$0x3FB9] =	sst s0;
	s0 =	simm.s32 @!p2 $0x0  }
0x16: {  	s3 =	sld [smem:$0x3FDB];
	s0 =	simm.s32 @p2 $0x1  }
0x17: {  	s4 =	simm.s32 $0x1BF5;
	[smem:$0x3FBB] =	sst s0  }
0x18: {  	s0 =	sld [smem:$0x3F9E];
	_ =	swait.ge [sflag:s4], $0x0  }
0x19: {  	s7 =	sld [smem:$0x3F9F]  }
0x1a: {  	s8 =	sadd.s32 $0xFFFFE003, lr  }
0x1b: {  	s9 =	sadd.s32 $0xFFFFFEF7, lr;
	s5 =	simm.s32 $0xFFFFFFFF;
	p2 =	slt.u32 s8, $0xFFFFF086  }
0x1c: {  	p1 =	slt.u32 s9, $0xF7A;
	s5 =	simm.s32 @!p2 $0x0  }
0x1d: {  	s5 =	simm.s32 @p1 $0x1;
	p0 =	seq.s32 s7, s2  }
0x1e: {  	s7 =	smul.u32 @!p0 $0xF7A, s2;
	p2 =	seq.s32 @!p0 s5, $0x0  }
0x1f: {  	s9 =	smul.u32 $0xF7A, s1;
	s8 =	simm.s32 @!p0 $0x1BF5;
	p2 =	por !p2, p0  }
0x20: {  	[sflag:s8] =	ssyncset.s32 @!p0 $0xFFFFF086;
	s6 =	sadd.s32 @!p0 s3, s7;
	s7 =	simm.s32 @!p0 $0x108  }
0x21: {  	s3 =	sadd.s32 s3, s9;
	s6 =	sadd.s32 @!p0 $0x88, s6;
	s7 =	simm.s32 @p2 $0x1082  }
0x22: {  	[simem:s7], [sflag:s8] =	dma.local @!p0 [hbm:s6], $0xF7A  }
0x23: {  	s9 =	sor.u32 $0xD0000000, s2;
	s6 =	simm.s32 $0x108;
	_ =	swait.ge @!p0 [sflag:s8], $0x0  }
0x24: {  	s3 =	sadd.s32 $0x88, s3;
	s6 =	simm.s32 @!p1 $0x1082;
	[sflag:s4] =	ssyncset.s32 $0xFFFFF086  }
0x25: {  	[simem:s6], [sflag:s4] =	dma.local [hbm:s3], $0xF7A  }
0x26: {  	[smem:$0x3F9F] =	sst s1;
	(tag) =	ssettag s2;
	_ =	strace s9  }
0x27: {  	s1 =	sld [smem:$0x3FAF]  }
0x28: {  	s2 =	sld [smem:$0x3FB0]  }
0x29: {  	s4 =	sld [smem:$0x3FB2]  }
0x2a: {  	p0 =	seq.s32 s5, $0x0;
	s5 =	sld [smem:$0x3FB3]  }
0x2b: {  	s6 =	sld [smem:$0x3FB4]  }
0x2c: {  	s7 =	sld [smem:$0x3FB5]  }
0x2d: {  	s3 =	simm.s32 $0x108;
	s8 =	sld [smem:$0x3FB6]  }
0x2e: {  	s3 =	simm.s32 @!p0 $0x1082;
	s9 =	sld [smem:$0x3FB7]  }
0x2f: {  	lr =	sadd.s32 s0, s3;
	s0 =	sld [smem:$0x3FAE]  }
0x30: {  	s3 =	sld [smem:$0x3FB1]  }
0x31: {  	[smem:$0x3FBA] =	sst s10  }
0x32: {  	s10 =	sld [smem:$0x3FB8];
	_ =	sdelay $0x3  }
0x33: {  	p0 =	seq.s32 s10, $0x1;
	s10 =	sld [smem:$0x3FBA];
	_ =	sdelay $0x3  }
0x34: {  	[smem:$0x3FBA] =	sst s10  }
0x35: {  	s10 =	sld [smem:$0x3FB9];
	_ =	sdelay $0x3  }
0x36: {  	p1 =	seq.s32 s10, $0x1;
	s10 =	sld [smem:$0x3FBA];
	_ =	sdelay $0x3  }
0x37: {  	[smem:$0x3FBA] =	sst s10  }
0x38: {  	s10 =	sld [smem:$0x3FBB]  }
0x39: {  	_ = 	snop;
	(pc) =	sbr.ind lr, $3  }
0x3a: {  	_ = 	snop  }
0x3b: {  	_ = 	snop  }
0x3c: {  	p2 =	seq.s32 s10, $0x1;
	s10 =	sld [smem:$0x3FBA]  }
0x3d: {  	_ =	shalt  }
0x3e: {  	_ =	shalt  }
0x3f: {  	_ =	shalt  }
0x40: {  	_ =	shalt  }
0x41: {  	_ =	shalt  }
0x42: {  	_ =	shalt  }
0x43: {  	_ =	shalt  }
0x44: {  	_ =	shalt  }
0x45: {  	_ =	shalt  }
0x46: {  	_ =	shalt  }
0x47: {  	_ =	shalt  }
0x48: {  	_ =	shalt  }
0x49: {  	_ =	shalt  }
0x4a: {  	_ =	shalt  }
0x4b: {  	_ =	shalt  }
0x4c: {  	_ =	shalt  }
0x4d: {  	_ =	shalt  }
0x4e: {  	_ =	shalt  }
0x4f: {  	_ =	shalt  }
0x50: {  	_ =	shalt  }
0x51: {  	_ =	shalt  }
0x52: {  	_ =	shalt  }
0x53: {  	_ =	shalt  }
0x54: {  	_ =	shalt  }
0x55: {  	_ =	shalt  }
0x56: {  	_ =	shalt  }
0x57: {  	_ =	shalt  }
0x58: {  	_ =	shalt  }
0x59: {  	_ =	shalt  }
0x5a: {  	_ =	shalt  }
0x5b: {  	_ =	shalt  }
0x5c: {  	_ =	shalt  }
0x5d: {  	_ =	shalt  }
0x5e: {  	_ =	shalt  }
0x5f: {  	_ =	shalt  }
0x60: {  	_ =	shalt  }
0x61: {  	_ =	shalt  }
0x62: {  	_ =	shalt  }
0x63: {  	_ =	shalt  }
0x64: {  	_ =	shalt  }
0x65: {  	_ =	shalt  }
0x66: {  	_ =	shalt  }
0x67: {  	_ =	shalt  }
0x68: {  	_ =	shalt  }
0x69: {  	_ =	shalt  }
0x6a: {  	_ =	shalt  }
0x6b: {  	_ =	shalt  }
0x6c: {  	_ =	shalt  }
0x6d: {  	_ =	shalt  }
0x6e: {  	_ =	shalt  }
0x6f: {  	_ =	shalt  }
0x70: {  	_ =	shalt  }
0x71: {  	_ =	shalt  }
0x72: {  	_ =	shalt  }
0x73: {  	_ =	shalt  }
0x74: {  	_ =	shalt  }
0x75: {  	_ =	shalt  }
0x76: {  	_ =	shalt  }
0x77: {  	_ =	shalt  }
0x78: {  	_ =	shalt  }
0x79: {  	_ =	shalt  }
0x7a: {  	_ =	shalt  }
0x7b: {  	_ =	shalt  }
0x7c: {  	_ =	shalt  }
0x7d: {  	_ =	shalt  }
0x7e: {  	_ =	shalt  }
0x7f: {  	_ =	shalt  }
0x80: {  	_ =	shalt  }
0x81: {  	_ =	shalt  }
0x82: {  	_ =	shalt  }
0x83: {  	_ =	shalt  }
0x84: {  	_ =	shalt  }
0x85: {  	_ =	shalt  }
0x86: {  	_ =	shalt  }
0x87: {  	_ =	shalt  }
.Lfunc_end0:
.L_simem_size_0:
called_computation_lowered:
.L_overlay_start_0:
0x88: {  	s2 =	sld [smem:$0x3FD9]  }
0x89: {  	s3 =	sld [smem:$0x3FFE];
	_ =	sdelay $0x1  }
0x8a: {  	s1 =	srdreg.scid  }
0x8b: {  	s0 =	sand.u32 $0x1, s1  }
0x8c: {  	s18 =	sshll.u32 s0, $0xA;
	s2 =	sadd.s32 s3, s2  }
0x8d: {  	s2 =	sadd.s32 s2, s18  }
0x8e: {  	[smem:$0x3FC6] =	sst s2  }
0x8f: {  	_ = 	snop  }
0x90: {  	s2 =	sld [smem:$0x3FC9]  }
0x91: {  	s19 =	sld [smem:$0x3FC8]  }
0x92: {  	s4 =	sld [smem:$0x3FD0];
	(tm) =	ssettm $0x1  }
0x93: {  	s5 =	sld [smem:$0x3FFB];
	_ =	sdelay $0x3  }
0x94: {  	_ =	strace s5  }
0x95: {  	s5 =	sld [smem:$0x3FFC];
	_ =	sdelay $0x3  }
0x96: {  	_ =	strace s5  }
0x97: {  	s5 =	sld [smem:$0x3FFD];
	_ =	sdelay $0x3  }
0x98: {  	_ =	strace s5  }
0x99: {  	_ =	strace $0x8FFFFFFF  }
0x9a: {  	s20 =	sld [smem:$0x3FDB];
	_ =	sdelay $0x1  }
0x9b: {  	s6 =	simm.s32 $_scs_section_size  }
0x9c: {  	s7 =	simm.s32 $_size__tile_overlayer_lowered;
	s8 =	simm.s32 $_tile_overlayer_lowered  }
0x9d: {  	s23 =	simm.s32 $0x1BFF;
	s22 =	sshll.u32 s8, $0x1;
	s5 =	sadd.s32 s6, s20  }
0x9e: {  	s9 =	simm.s32 $0x0;
	s21 =	sshll.u32 s7, $0x1;
	s7 =	sadd.s32 s22, s5  }
0x9f: {  	[timem:s9], [sflag:s23] =	dma.local [hbm:s7], s21  }
0xa0: {  	_ =	swait.ge [sflag:s23], s21  }
0xa1: {  	s6 =	ssub.s32 $0x0, s21;
	[sflag:s23] =	ssyncset.done $0x0  }
0xa2: {  	[sflag:s23] =	ssyncadd.s32 s6;
	_ =	sdelay $0x1  }
0xa3: {  	s24 =	simm.s32 $0x1B8B  }
0xa4: {  	_ =	swait.ge [sflag:s24], $0x1  }
0xa5: {  	[sflag:s24] =	ssyncset.done $0x0  }
0xa6: {  	s25 =	simm.s32 $0x1B8E;
	[sflag:s24] =	ssyncadd.s32 $0xFFFFFFFF  }
0xa7: {  	s26 =	simm.s32 $execute0_lowered;
	[smem:$0x3FD2] =	sst s25  }
0xa8: {  	s6 =	sshll.u32 s26, $0x1;
	_ =	strace $0x80000046;
	[dreg:$0x1] =	wrdreg $0xFFFFFFFF  }
0xa9: {  	s28 =	simm.s32 $_size_execute0_lowered;
	s5 =	sadd.s32 s5, s6;
	[dreg:$0x0] =	wrdreg $0x0  }
0xaa: {  	s6 =	sshll.u32 s28, $0x1;
	[dreg:$0x2] =	wrdreg s5  }
0xab: {  	[dreg:$0x3] =	wrdreg s6  }
0xac: {  	[dreg:$0x4] =	wrdreg $0xC0  }
0xad: {  	_ =	task [dreg:s9], $0x5FFFF  }
0xae: {  	[dreg:$0x1] =	wrdreg $0xFFFFFFFF  }
0xaf: {  	[dreg:$0x0] =	wrdreg $0x60  }
0xb0: {  	[dreg:$0x2] =	wrdreg s2  }
0xb1: {  	[dreg:$0x3] =	wrdreg s19  }
0xb2: {  	[dreg:$0x4] =	wrdreg s4  }
0xb3: {  	[dreg:$0x5] =	wrdreg $0x9  }
0xb4: {  	_ =	task.clear_ibuf [dreg:s9], $0x6FFFF;
	_ =	strace $0x90000046  }
0xb5: {  	s29 =	simm.s32 $0x9;
	_ =	strace $0x80000048  }
0xb6: {  	_ =	swait.ge [sflag:s29], $0x1  }
0xb7: {  	[sflag:s29] =	ssyncadd.s32 $0xFFFFFFFF  }
0xb8: {  	_ =	strace $0x90000048  }
0xb9: {  	_ =	sfence  }
0xba: {  	s30 =	sld [smem:$0x0];
	_ =	sdelay $0x2  }
0xbb: {  	s31 =	sshll.u32 s1, $0xD;
	s1 =	sshrl.u32 s1, $0x2  }
0xbc: {  	s3 =	sand.u32 $0x4000, s31;
	s1 =	sadd.s32 s1, s30  }
0xbd: {  	s0 =	sor.u32 s3, s0;
	s1 =	sshll.u32 s1, $0x11  }
0xbe: {  	s0 =	sor.u32 s1, s0  }
0xbf: {  	s0 =	sadd.s32 $0x8F2B, s0  }
0xc0: {  	[sflag:s0] =	ssyncadd.remote.s32 $0x1  }
0xc1: {  	_ =	sfence.sel $0xFFFF  }
0xc2: {  	[dreg:$0x0] =	wrdreg $0xFFFFFFFF;
	(pc) =	sbr.abs _section_cstart, $3  }
0xc3: {  	[dreg:$0x1] =	wrdreg $0xFFFFFFFF  }
0xc4: {  	_ =	task.clear_ibuf [dreg:s9], $0x2FFFF;
	_ =	strace $0x9FFFFFFF  }
0xc5: {  	(tm) =	ssettm $0x7FFFFFFF  }
tec
execute0_lowered:
.L_overlay_start_1:
0x0: {  	(tag) =	ssettag $0x1  }
0x1: {  	s0 =	srdreg.scid  }
0x2: {  	s2 =	rddreg [dreg:$0x0];
	s1 =	stileid.u32;
	s0 =	sand.u32 $0x1, s0  }
0x3: {  	s3 =	rddreg [dreg:$0x1];
	s1 =	sshll.u32 s1, $0x7;
	s5 =	sshll.u32 s0, $0x6  }
0x4: {  	s4 =	rddreg [dreg:$0x2];
	s0 =	ssub.s32 $0x2, s0;
	s6 =	sor.u32 s5, s1  }
0x5: {  	s7 =	simm.s32 $0x0;
	s20 =	sshrl.u32 s0, $0x1;
	s5 =	sshll.u32 s6, $0x9  }
0x6: {  	[smem:$0x7FF] =	sst s7;
	s0 =	ssub.s32 s0, s20;
	s21 =	sadd.s32 s3, s5  }
0x7: {  	_ =	strace $0x80000047;
	s0 =	smax.u32 s0, $0x1;
	[dreg:$0x4] =	wrdreg s21  }
0x8: {  	s8 =	sadd.s32 s2, s5;
	s22 =	sor.u32 $0x10, s5;
	[dreg:$0xe] =	wrdreg s0  }
0x9: {  	s23 =	sor.u32 $0x20, s5;
	s9 =	sadd.s32 s3, s22;
	[dreg:$0x5] =	wrdreg s8  }
0xa: {  	s26 =	sor.u32 $0x30, s5;
	s25 =	sadd.s32 s3, s23;
	[dreg:$0x6] =	wrdreg s9  }
0xb: {  	s5 =	sor.u32 $0x40, s5;
	s10 =	sadd.s32 s3, s26;
	[dreg:$0x8] =	wrdreg s25  }
0xc: {  	s11 =	sadd.s32 s3, s5;
	[dreg:$0xa] =	wrdreg s10  }
0xd: {  	s12 =	sadd.s32 $0x100000, s8;
	[dreg:$0xc] =	wrdreg s11  }
0xe: {  	s13 =	sadd.s32 $0x200000, s8;
	[dreg:$0xf] =	wrdreg s12  }
0xf: {  	s14 =	sadd.s32 $0x300000, s8;
	[dreg:$0x10] =	wrdreg s13  }
0x10: {  	s24 =	sadd.s32 s2, s22;
	[dreg:$0x11] =	wrdreg s14  }
0x11: {  	s7 =	sadd.s32 s2, s23;
	[dreg:$0x7] =	wrdreg s24  }
0x12: {  	s1 =	sadd.s32 s2, s26;
	[dreg:$0x9] =	wrdreg s7  }
0x13: {  	s28 =	simm.s32 $0x12000;
	s5 =	sadd.s32 s2, s5;
	[dreg:$0xb] =	wrdreg s1  }
0x14: {  	s29 =	simm.s32 $0x13000;
	s15 =	sadd.s32 $0x100000, s24;
	[dreg:$0xd] =	wrdreg s5  }
0x15: {  	s30 =	simm.s32 $0x14000;
	s16 =	sadd.s32 $0x200000, s24;
	[dreg:$0x12] =	wrdreg s15  }
0x16: {  	s31 =	simm.s32 $0x15000;
	s17 =	sadd.s32 $0x300000, s24;
	[dreg:$0x13] =	wrdreg s16  }
0x17: {  	s0 =	simm.s32 $0x16000;
	s18 =	sadd.s32 $0x100000, s7;
	[dreg:$0x14] =	wrdreg s17  }
0x18: {  	s8 =	simm.s32 $0x18000;
	s19 =	sadd.s32 $0x200000, s7;
	[dreg:$0x15] =	wrdreg s18  }
0x19: {  	s20 =	sadd.s32 $0x300000, s7;
	s21 =	sadd.s32 $0x100000, s1;
	[dreg:$0x16] =	wrdreg s19  }
0x1a: {  	s22 =	sadd.s32 $0x200000, s1;
	s23 =	sadd.s32 $0x300000, s1;
	[dreg:$0x17] =	wrdreg s20  }
0x1b: {  	s24 =	sadd.s32 $0x100000, s5;
	s25 =	sadd.s32 $0x200000, s5;
	[dreg:$0x18] =	wrdreg s21  }
0x1c: {  	s26 =	sadd.s32 $0x300000, s5;
	s7 =	simm.s32 $0x80;
	[dreg:$0x19] =	wrdreg s22  }
0x1d: {  	s9 =	simm.s32 $0x400;
	s1 =	simm.s32 $0x17000;
	[dreg:$0x1a] =	wrdreg s23  }
.Ltmp0:
0x1e: {  	s10 =	simm.s32 $0x19000;
	[dreg:$0x1b] =	wrdreg s24;
	(pc) =	sbr.rel .LBB2_1-.Ltmp0, $4  }
0x1f: {  	s5 =	simm.s32 $0x1D000;
	s13 =	simm.s32 $0x0;
	[dreg:$0x1c] =	wrdreg s25  }
0x20: {  	[dreg:$0x1d] =	wrdreg s26;
	s18 =	simm.s32 $0xA000;
	s19 =	simm.s32 $0xB000  }
0x21: {  	s20 =	simm.s32 $0xC000;
	s21 =	simm.s32 $0xD000;
	s22 =	simm.s32 $0xE000  }
0x22: {  	s23 =	simm.s32 $0xF000;
	s24 =	simm.s32 $0x10000;
	s25 =	simm.s32 $0x11000  }
.LBB2_47:
0x23: {  	s11 =	simm.s32 $0x7  }
0x24: {  	_ =	swait.ge [sflag:s11], $0x4000  }
0x25: {  	[sflag:s11] =	ssyncset.done $0x0  }
0x26: {  	s14 =	simm.s32 $0x8;
	[sflag:s11] =	ssyncadd.s32 $0xFFFFC000  }
0x27: {  	_ =	swait.ge [sflag:s14], $0x4000  }
0x28: {  	[sflag:s14] =	ssyncset.done $0x0  }
0x29: {  	s15 =	simm.s32 $0x9;
	[sflag:s14] =	ssyncadd.s32 $0xFFFFC000  }
0x2a: {  	_ =	swait.ge [sflag:s15], $0x4000  }
0x2b: {  	[sflag:s15] =	ssyncset.done $0x0  }
0x2c: {  	s16 =	simm.s32 $0xA;
	[sflag:s15] =	ssyncadd.s32 $0xFFFFC000  }
0x2d: {  	_ =	swait.ge [sflag:s16], $0x4000  }
0x2e: {  	[sflag:s16] =	ssyncset.done $0x0  }
0x2f: {  	s17 =	simm.s32 $0xB;
	[sflag:s16] =	ssyncadd.s32 $0xFFFFC000  }
0x30: {  	_ =	swait.ge [sflag:s17], $0x4000  }
0x31: {  	[sflag:s17] =	ssyncset.done $0x0  }
0x32: {  	s12 =	simm.s32 $0xC;
	[sflag:s17] =	ssyncadd.s32 $0xFFFFC000  }
0x33: {  	_ =	swait.ge [sflag:s12], $0x4000  }
0x34: {  	s13 =	rddreg [dreg:$0x1e]  }
0x35: {  	s26 =	rddreg [dreg:$0xe];
	s13 =	sadd.s32 $0x1, s13  }
0x36: {  	p0 =	sne.s32 s13, s26  }
.Ltmp1:
0x37: {  	_ = 	snop;
	(pc) =	sbr.rel @!p0 .LBB2_48-.Ltmp1, $3  }
0x38: {  	_ =	sdelay $0x1  }
0x39: {  	[sflag:s12] =	ssyncset.done $0x0  }
0x3a: {  	[sflag:s12] =	ssyncadd.s32 $0xFFFFC000  }
.LBB2_1:
0x3b: {  	[dreg:$0x1e] =	wrdreg s13  }
0x3c: {  	s11 =	simm.s32 $0x0;
	s12 =	rddreg [dreg:$0x4]  }
0x3d: {  	[tilespmem:s11], [sflag:$0x1] =	stream.strided.gather [hbm4b:s12+s7], $0x1000, s9, s7, $0x38;
	[tilespmem:$0x1E000] =	vst v63  }
0x3e: {  	s15 =	rddreg [dreg:$0x5];
	s16 =	simm.s32 $0x6000  }
0x3f: {  	[tilespmem:s16], [sflag:$0x1] =	stream.strided.gather [hbm4b:s15+s7], $0x1000, s9, s7, $0x38;
	[tilespmem:$0x1E000] =	vst v63  }
0x40: {  	s17 =	rddreg [dreg:$0xf];
	s26 =	simm.s32 $0x7000  }
0x41: {  	[tilespmem:s26], [sflag:$0x1] =	stream.strided.gather [hbm4b:s17+s7], $0x1000, s9, s7, $0x38;
	[tilespmem:$0x1E000] =	vst v63  }
0x42: {  	s13 =	simm.s32 $0x8000;
	s12 =	rddreg [dreg:$0x10]  }
0x43: {  	[tilespmem:s13], [sflag:$0x1] =	stream.strided.gather [hbm4b:s12+s7], $0x1000, s9, s7, $0x38;
	[tilespmem:$0x1E000] =	vst v63  }
0x44: {  	s14 =	rddreg [dreg:$0x11];
	s15 =	simm.s32 $0x9000  }
0x45: {  	[tilespmem:s15], [sflag:$0x1] =	stream.strided.gather [hbm4b:s14+s7], $0x1000, s9, s7, $0x38;
	[tilespmem:$0x1E000] =	vst v63  }
0x46: {  	s16 =	rddreg [dreg:$0x6];
	s17 =	simm.s32 $0x1000  }
0x47: {  	[tilespmem:s17], [sflag:$0x2] =	stream.strided.gather [hbm4b:s16+s7], $0x1000, s9, s7, $0x38;
	[tilespmem:$0x1E000] =	vst v63  }
0x48: {  	s26 =	rddreg [dreg:$0x7]  }
0x49: {  	[tilespmem:s18], [sflag:$0x2] =	stream.strided.gather [hbm4b:s26+s7], $0x1000, s9, s7, $0x38;
	[tilespmem:$0x1E000] =	vst v63  }
0x4a: {  	s12 =	rddreg [dreg:$0x12]  }
0x4b: {  	[tilespmem:s19], [sflag:$0x2] =	stream.strided.gather [hbm4b:s12+s7], $0x1000, s9, s7, $0x38;
	[tilespmem:$0x1E000] =	vst v63  }
0x4c: {  	s13 =	rddreg [dreg:$0x13]  }
0x4d: {  	[tilespmem:s20], [sflag:$0x2] =	stream.strided.gather [hbm4b:s13+s7], $0x1000, s9, s7, $0x38;
	[tilespmem:$0x1E000] =	vst v63  }
0x4e: {  	s14 =	rddreg [dreg:$0x14]  }
0x4f: {  	[tilespmem:s21], [sflag:$0x2] =	stream.strided.gather [hbm4b:s14+s7], $0x1000, s9, s7, $0x38;
	[tilespmem:$0x1E000] =	vst v63  }
0x50: {  	s15 =	rddreg [dreg:$0x8];
	s16 =	simm.s32 $0x2000  }
0x51: {  	[tilespmem:s16], [sflag:$0x3] =	stream.strided.gather [hbm4b:s15+s7], $0x1000, s9, s7, $0x38;
	[tilespmem:$0x1E000] =	vst v63  }
0x52: {  	s17 =	rddreg [dreg:$0x9]  }
0x53: {  	[tilespmem:s22], [sflag:$0x3] =	stream.strided.gather [hbm4b:s17+s7], $0x1000, s9, s7, $0x38;
	[tilespmem:$0x1E000] =	vst v63  }
0x54: {  	s26 =	rddreg [dreg:$0x15]  }
0x55: {  	[tilespmem:s23], [sflag:$0x3] =	stream.strided.gather [hbm4b:s26+s7], $0x1000, s9, s7, $0x38;
	[tilespmem:$0x1E000] =	vst v63  }
0x56: {  	s12 =	rddreg [dreg:$0x16]  }
0x57: {  	[tilespmem:s24], [sflag:$0x3] =	stream.strided.gather [hbm4b:s12+s7], $0x1000, s9, s7, $0x38;
	[tilespmem:$0x1E000] =	vst v63  }
0x58: {  	s13 =	rddreg [dreg:$0x17]  }
0x59: {  	[tilespmem:s25], [sflag:$0x3] =	stream.strided.gather [hbm4b:s13+s7], $0x1000, s9, s7, $0x38;
	[tilespmem:$0x1E000] =	vst v63  }
0x5a: {  	s14 =	rddreg [dreg:$0xa];
	s15 =	simm.s32 $0x3000  }
0x5b: {  	[tilespmem:s15], [sflag:$0x4] =	stream.strided.gather [hbm4b:s14+s7], $0x1000, s9, s7, $0x38;
	[tilespmem:$0x1E000] =	vst v63  }
0x5c: {  	s16 =	rddreg [dreg:$0xb]  }
0x5d: {  	[tilespmem:s28], [sflag:$0x4] =	stream.strided.gather [hbm4b:s16+s7], $0x1000, s9, s7, $0x38;
	[tilespmem:$0x1E000] =	vst v63  }
0x5e: {  	s17 =	rddreg [dreg:$0x18]  }
0x5f: {  	[tilespmem:s29], [sflag:$0x4] =	stream.strided.gather [hbm4b:s17+s7], $0x1000, s9, s7, $0x38;
	[tilespmem:$0x1E000] =	vst v63  }
0x60: {  	s26 =	rddreg [dreg:$0x19]  }
0x61: {  	[tilespmem:s30], [sflag:$0x4] =	stream.strided.gather [hbm4b:s26+s7], $0x1000, s9, s7, $0x38;
	[tilespmem:$0x1E000] =	vst v63  }
0x62: {  	s12 =	rddreg [dreg:$0x1a]  }
0x63: {  	[tilespmem:s31], [sflag:$0x4] =	stream.strided.gather [hbm4b:s12+s7], $0x1000, s9, s7, $0x38;
	[tilespmem:$0x1E000] =	vst v63  }
0x64: {  	s13 =	rddreg [dreg:$0xc];
	s14 =	simm.s32 $0x4000  }
0x65: {  	[tilespmem:s14], [sflag:$0x5] =	stream.strided.gather [hbm4b:s13+s7], $0x1000, s9, s7, $0x38;
	[tilespmem:$0x1E000] =	vst v63  }
0x66: {  	s15 =	rddreg [dreg:$0xd]  }
0x67: {  	[tilespmem:s0], [sflag:$0x5] =	stream.strided.gather [hbm4b:s15+s7], $0x1000, s9, s7, $0x38;
	[tilespmem:$0x1E000] =	vst v63  }
0x68: {  	s16 =	rddreg [dreg:$0x1b]  }
0x69: {  	[tilespmem:s1], [sflag:$0x5] =	stream.strided.gather [hbm4b:s16+s7], $0x1000, s9, s7, $0x38;
	[tilespmem:$0x1E000] =	vst v63  }
.Ltmp2:
0x6a: {  	s17 =	rddreg [dreg:$0x1c];
	(pc) =	sbr.rel .LBB2_2-.Ltmp2, $4  }
0x6b: {  	[tilespmem:s8], [sflag:$0x5] =	stream.strided.gather [hbm4b:s17+s7], $0x1000, s9, s7, $0x38;
	[tilespmem:$0x1E000] =	vst v63  }
0x6c: {  	s26 =	rddreg [dreg:$0x1d]  }
0x6d: {  	[tilespmem:s10], [sflag:$0x5] =	stream.strided.gather [hbm4b:s26+s7], $0x1000, s9, s7, $0x38;
	[tilespmem:$0x1E000] =	vst v63  }
0x6e: {  	s26 =	simm.s32 $0x0  }
.LBB2_46:
0x6f: {  	s26 =	sadd.s32 $0x1, s26  }
0x70: {  	p0 =	sne.s32 s26, $0x40  }
.Ltmp3:
0x71: {  	_ = 	snop;
	(pc) =	sbr.rel @!p0 .LBB2_47-.Ltmp3, $1  }
0x72: {  	_ =	sdelay $0x3  }
.LBB2_2:
0x73: {  	s13 =	smul.u32 $0xAB, s26;
	_ =	sdelay $0x1  }
0x74: {  	s11 =	sshrl.u32 s13, $0xA  }
0x75: {  	s11 =	sand.u32 $0x3F, s11  }
0x76: {  	s11 =	smul.u32 $0x6, s11;
	_ =	sdelay $0x1  }
0x77: {  	s11 =	ssub.s32 s26, s11  }
0x78: {  	s11 =	sand.u32 $0xFF, s11  }
0x79: {  	p0 =	seq.s32 s11, $0x0  }
.Ltmp4:
0x7a: {  	_ = 	snop;
	(pc) =	sbr.rel @p0 .LBB2_3-.Ltmp4, $2  }
0x7b: {  	_ =	sdelay $0x2  }
0x7c: {  	p1 =	por $0x0, $0x0  }
0x7d: {  	p0 =	sgt.s32 s11, $0x2  }
.Ltmp5:
0x7e: {  	_ = 	snop;
	(pc) =	sbr.rel @p0 .LBB2_7-.Ltmp5, $1  }
0x7f: {  	_ =	sdelay $0x3  }
0x80: {  	p0 =	seq.s32 s11, $0x1  }
.Ltmp6:
0x81: {  	_ = 	snop;
	(pc) =	sbr.rel @p0 .LBB2_6-.Ltmp6, $1  }
0x82: {  	_ =	sdelay $0x3  }
0x83: {  	p0 =	seq.s32 s11, $0x2  }
.Ltmp7:
0x84: {  	_ = 	snop;
	(pc) =	sbr.rel @!p0 .LBB2_13-.Ltmp7, $1  }
0x85: {  	_ =	sdelay $0x3  }
.Ltmp8:
0x86: {  	(pc) =	sbr.rel .LBB2_14-.Ltmp8, $3  }
0x87: {  	_ =	sdelay $0x1  }
0x88: {  	p3 =	por $0x1, $0x1;
	s15 =	simm.s32 $0x3  }
0x89: {  	p0 =	por $0x0, $0x0;
	p2 =	por $0x0, $0x0;
	p4 =	por $0x0, $0x0  }
.LBB2_3:
.Ltmp9:
0x8a: {  	(pc) =	sbr.rel .LBB2_14-.Ltmp9, $3  }
0x8b: {  	_ =	sdelay $0x1  }
0x8c: {  	s15 =	simm.s32 $0x1;
	p0 =	por $0x0, $0x0  }
0x8d: {  	p2 =	por $0x0, $0x0;
	p4 =	por $0x0, $0x0;
	p3 =	por $0x0, $0x0  }
.LBB2_7:
0x8e: {  	p0 =	seq.s32 s11, $0x3  }
.Ltmp10:
0x8f: {  	_ = 	snop;
	(pc) =	sbr.rel @p0 .LBB2_11-.Ltmp10, $1  }
0x90: {  	_ =	sdelay $0x3  }
0x91: {  	p0 =	seq.s32 s11, $0x4  }
.Ltmp11:
0x92: {  	_ = 	snop;
	(pc) =	sbr.rel @!p0 .LBB2_13-.Ltmp11, $1  }
0x93: {  	_ =	sdelay $0x3  }
.Ltmp12:
0x94: {  	(pc) =	sbr.rel .LBB2_14-.Ltmp12, $3  }
0x95: {  	_ =	sdelay $0x1  }
0x96: {  	p1 =	por $0x1, $0x1;
	s15 =	simm.s32 $0x5;
	p0 =	por $0x0, $0x0  }
0x97: {  	p2 =	por $0x0, $0x0;
	p4 =	por $0x0, $0x0;
	p3 =	por $0x0, $0x0  }
.LBB2_13:
.Ltmp13:
0x98: {  	(pc) =	sbr.rel .LBB2_14-.Ltmp13, $3  }
0x99: {  	_ =	sdelay $0x1  }
0x9a: {  	p0 =	por $0x1, $0x1;
	s15 =	simm.s32 $0x6  }
0x9b: {  	p2 =	por $0x0, $0x0;
	p4 =	por $0x0, $0x0;
	p3 =	por $0x0, $0x0  }
.LBB2_6:
.Ltmp14:
0x9c: {  	(pc) =	sbr.rel .LBB2_14-.Ltmp14, $3  }
0x9d: {  	_ =	sdelay $0x1  }
0x9e: {  	p4 =	por $0x1, $0x1;
	s15 =	simm.s32 $0x2  }
0x9f: {  	p0 =	por $0x0, $0x0;
	p2 =	por $0x0, $0x0;
	p3 =	por $0x0, $0x0  }
.LBB2_11:
0xa0: {  	p2 =	por $0x1, $0x1;
	s15 =	simm.s32 $0x4  }
0xa1: {  	p0 =	por $0x0, $0x0;
	p4 =	por $0x0, $0x0;
	p3 =	por $0x0, $0x0  }
.LBB2_14:
0xa2: {  	_ =	swait.ge [sflag:s15], $0x1000;
	p5 =	sgt.u32 s26, $0x3A  }
.Ltmp15:
0xa3: {  	[sflag:s15] =	ssyncset.done $0x0;
	(pc) =	sbr.rel @p5 .LBB2_22-.Ltmp15, $4  }
0xa4: {  	[sflag:s15] =	ssyncadd.s32 $0xFFFFF000  }
0xa5: {  	_ =	swait.ge [sflag:s15], $0x4000  }
0xa6: {  	[sflag:s15] =	ssyncset.done $0x0  }
0xa7: {  	[sflag:s15] =	ssyncadd.s32 $0xFFFFC000  }
0xa8: {  	s13 =	sadd.s32 $0x357, s13  }
0xa9: {  	s13 =	sshrl.u32 s13, $0xA  }
0xaa: {  	s13 =	sand.u32 $0x3F, s13  }
0xab: {  	s15 =	smul.u32 $0x6, s13  }
0xac: {  	s13 =	sadd.s32 $0x5, s26  }
0xad: {  	s15 =	ssub.s32 s13, s15  }
0xae: {  	s15 =	sand.u32 $0xFF, s15  }
0xaf: {  	p5 =	sgt.s32 s15, $0x2  }
.Ltmp16:
0xb0: {  	_ = 	snop;
	(pc) =	sbr.rel @p5 .LBB2_18-.Ltmp16, $1  }
0xb1: {  	_ =	sdelay $0x3  }
0xb2: {  	p5 =	seq.s32 s15, $0x0  }
.Ltmp17:
0xb3: {  	_ = 	snop;
	(pc) =	sbr.rel @p5 .LBB2_20-.Ltmp17, $1  }
0xb4: {  	_ =	sdelay $0x3  }
0xb5: {  	p5 =	seq.s32 s15, $0x1  }
0xb6: {  	p6 =	seq.s32 @p5 s26, $0x0  }
0xb7: {  	s15 =	sadd.s32 @p5 s6, s13;
	s12 =	sshll.u32 @p5 s13, $0x4;
	p6 =	por p6, !p5  }
0xb8: {  	s14 =	simm.s32 @p5 $0x400;
	s15 =	sshll.u32 @p5 s15, $0x9;
	s17 =	simm.s32 @!p6 $0x8  }
0xb9: {  	s12 =	sand.u32 @p5 $0x70, s12;
	s15 =	sand.u32 @p5 $0x1FF000, s15;
	_ =	swait.ge @!p6 [sflag:s17], $0x4000  }
0xba: {  	s16 =	simm.s32 @p5 $0x1000;
	s12 =	sor.u32 @p5 s12, s15;
	[sflag:s17] =	ssyncset.done @!p6 $0x0  }
0xbb: {  	s15 =	sadd.s32 @p5 s3, s12;
	[sflag:s17] =	ssyncadd.s32 @!p6 $0xFFFFC000;
	s17 =	simm.s32 @p5 $0x80  }
0xbc: {  	[tilespmem:s16], [sflag:$0x2] =	stream.strided.gather @p5 [hbm4b:s15+s17], $0x1000, s14, s17, $0x38;
	[tilespmem:$0x1E000] =	vst v63  }
0xbd: {  	s12 =	sadd.s32 @p5 s2, s12;
	s15 =	simm.s32 @p5 $0xA000  }
0xbe: {  	[tilespmem:s15], [sflag:$0x2] =	stream.strided.gather @p5 [hbm4b:s12+s17], $0x1000, s14, s17, $0x38;
	[tilespmem:$0x1E000] =	vst v63  }
0xbf: {  	s16 =	simm.s32 @p5 $0xB000;
	s15 =	sadd.s32 @p5 $0x100000, s12  }
0xc0: {  	[tilespmem:s16], [sflag:$0x2] =	stream.strided.gather @p5 [hbm4b:s15+s17], $0x1000, s14, s17, $0x38;
	[tilespmem:$0x1E000] =	vst v63  }
0xc1: {  	s15 =	sadd.s32 @p5 $0x200000, s12;
	s16 =	simm.s32 @p5 $0xC000  }
0xc2: {  	[tilespmem:s16], [sflag:$0x2] =	stream.strided.gather @p5 [hbm4b:s15+s17], $0x1000, s14, s17, $0x38;
	[tilespmem:$0x1E000] =	vst v63  }
0xc3: {  	p6 =	seq.s32 @!p5 s26, $0x0;
	s12 =	sadd.s32 @p5 $0x300000, s12;
	s15 =	simm.s32 @p5 $0xD000  }
0xc4: {  	[tilespmem:s15], [sflag:$0x2] =	stream.strided.gather @p5 [hbm4b:s12+s17], $0x1000, s14, s17, $0x38;
	[tilespmem:$0x1E000] =	vst v63  }
0xc5: {  	p6 =	por p6, p5;
	s16 =	simm.s32 @!p5 $0x2000;
	s12 =	sadd.s32 @!p5 s6, s13  }
0xc6: {  	s14 =	simm.s32 @!p6 $0x9;
	s13 =	sshll.u32 @!p5 s13, $0x4;
	s12 =	sshll.u32 @!p5 s12, $0x9  }
0xc7: {  	_ =	swait.ge @!p6 [sflag:s14], $0x4000;
	s13 =	sand.u32 @!p5 $0x70, s13;
	s12 =	sand.u32 @!p5 $0x1FF000, s12  }
0xc8: {  	s15 =	simm.s32 @!p5 $0x400;
	[sflag:s14] =	ssyncset.done @!p6 $0x0;
	s12 =	sor.u32 @!p5 s13, s12  }
0xc9: {  	[sflag:s14] =	ssyncadd.s32 @!p6 $0xFFFFC000;
	s14 =	simm.s32 @!p5 $0x80;
	s13 =	sadd.s32 @!p5 s3, s12  }
0xca: {  	[tilespmem:s16], [sflag:$0x3] =	stream.strided.gather @!p5 [hbm4b:s13+s14], $0x1000, s15, s14, $0x38;
	[tilespmem:$0x1E000] =	vst v63  }
0xcb: {  	s12 =	sadd.s32 @!p5 s2, s12;
	s13 =	simm.s32 @!p5 $0xE000  }
0xcc: {  	[tilespmem:s13], [sflag:$0x3] =	stream.strided.gather @!p5 [hbm4b:s12+s14], $0x1000, s15, s14, $0x38;
	[tilespmem:$0x1E000] =	vst v63  }
0xcd: {  	s16 =	simm.s32 @!p5 $0xF000;
	s13 =	sadd.s32 @!p5 $0x100000, s12  }
0xce: {  	[tilespmem:s16], [sflag:$0x3] =	stream.strided.gather @!p5 [hbm4b:s13+s14], $0x1000, s15, s14, $0x38;
	[tilespmem:$0x1E000] =	vst v63  }
.Ltmp18:
0xcf: {  	_ = 	snop;
	(pc) =	sbr.rel .LBB2_22-.Ltmp18, $4  }
0xd0: {  	s13 =	sadd.s32 @!p5 $0x200000, s12;
	s16 =	simm.s32 @!p5 $0x10000  }
0xd1: {  	[tilespmem:s16], [sflag:$0x3] =	stream.strided.gather @!p5 [hbm4b:s13+s14], $0x1000, s15, s14, $0x38;
	[tilespmem:$0x1E000] =	vst v63  }
0xd2: {  	s12 =	sadd.s32 @!p5 $0x300000, s12;
	s13 =	simm.s32 @!p5 $0x11000  }
0xd3: {  	[tilespmem:s13], [sflag:$0x3] =	stream.strided.gather @!p5 [hbm4b:s12+s14], $0x1000, s15, s14, $0x38;
	[tilespmem:$0x1E000] =	vst v63  }
.LBB2_18:
0xd4: {  	p5 =	seq.s32 s15, $0x3  }
.Ltmp19:
0xd5: {  	_ = 	snop;
	(pc) =	sbr.rel @p5 .LBB2_21-.Ltmp19, $1  }
0xd6: {  	_ =	sdelay $0x3  }
0xd7: {  	p5 =	seq.s32 s15, $0x4  }
0xd8: {  	p6 =	seq.s32 @p5 s26, $0x0  }
0xd9: {  	s12 =	sadd.s32 @p5 s6, s13;
	s15 =	sshll.u32 @p5 s13, $0x4;
	p6 =	por p6, !p5  }
0xda: {  	s16 =	simm.s32 @p5 $0x400;
	s12 =	sshll.u32 @p5 s12, $0x9;
	s14 =	simm.s32 @!p6 $0xB  }
0xdb: {  	s15 =	sand.u32 @p5 $0x70, s15;
	s12 =	sand.u32 @p5 $0x1FF000, s12;
	_ =	swait.ge @!p6 [sflag:s14], $0x4000  }
0xdc: {  	s17 =	simm.s32 @p5 $0x4000;
	s12 =	sor.u32 @p5 s15, s12;
	[sflag:s14] =	ssyncset.done @!p6 $0x0  }
0xdd: {  	s15 =	simm.s32 @p5 $0x80;
	[sflag:s14] =	ssyncadd.s32 @!p6 $0xFFFFC000;
	s14 =	sadd.s32 @p5 s3, s12  }
0xde: {  	[tilespmem:s17], [sflag:$0x5] =	stream.strided.gather @p5 [hbm4b:s14+s15], $0x1000, s16, s15, $0x38;
	[tilespmem:$0x1E000] =	vst v63  }
0xdf: {  	s12 =	sadd.s32 @p5 s2, s12;
	s14 =	simm.s32 @p5 $0x16000  }
0xe0: {  	[tilespmem:s14], [sflag:$0x5] =	stream.strided.gather @p5 [hbm4b:s12+s15], $0x1000, s16, s15, $0x38;
	[tilespmem:$0x1E000] =	vst v63  }
0xe1: {  	s17 =	simm.s32 @p5 $0x17000;
	s14 =	sadd.s32 @p5 $0x100000, s12  }
0xe2: {  	[tilespmem:s17], [sflag:$0x5] =	stream.strided.gather @p5 [hbm4b:s14+s15], $0x1000, s16, s15, $0x38;
	[tilespmem:$0x1E000] =	vst v63  }
0xe3: {  	p6 =	seq.s32 @!p5 s26, $0x0;
	s14 =	sadd.s32 @p5 $0x200000, s12;
	s17 =	simm.s32 @p5 $0x18000  }
0xe4: {  	[tilespmem:s17], [sflag:$0x5] =	stream.strided.gather @p5 [hbm4b:s14+s15], $0x1000, s16, s15, $0x38;
	[tilespmem:$0x1E000] =	vst v63  }
0xe5: {  	p6 =	por p6, p5;
	s12 =	sadd.s32 @p5 $0x300000, s12;
	s14 =	simm.s32 @p5 $0x19000  }
0xe6: {  	[tilespmem:s14], [sflag:$0x5] =	stream.strided.gather @p5 [hbm4b:s12+s15], $0x1000, s16, s15, $0x38;
	[tilespmem:$0x1E000] =	vst v63  }
0xe7: {  	s12 =	sadd.s32 @!p5 s6, s13;
	s14 =	simm.s32 @!p6 $0xC  }
0xe8: {  	s13 =	sshll.u32 @!p5 s13, $0x4;
	s15 =	simm.s32 @!p5 $0x400;
	s12 =	sshll.u32 @!p5 s12, $0x9  }
0xe9: {  	_ =	swait.ge @!p6 [sflag:s14], $0x4000;
	s13 =	sand.u32 @!p5 $0x70, s13;
	s12 =	sand.u32 @!p5 $0x1FF000, s12  }
0xea: {  	s16 =	simm.s32 @!p5 $0x5000;
	[sflag:s14] =	ssyncset.done @!p6 $0x0;
	s12 =	sor.u32 @!p5 s13, s12  }
0xeb: {  	[sflag:s14] =	ssyncadd.s32 @!p6 $0xFFFFC000;
	s14 =	simm.s32 @!p5 $0x80;
	s13 =	sadd.s32 @!p5 s3, s12  }
0xec: {  	[tilespmem:s16], [sflag:$0x6] =	stream.strided.gather @!p5 [hbm4b:s13+s14], $0x1000, s15, s14, $0x38;
	[tilespmem:$0x1E000] =	vst v63  }
0xed: {  	s12 =	sadd.s32 @!p5 s2, s12;
	s13 =	simm.s32 @!p5 $0x1A000  }
0xee: {  	[tilespmem:s13], [sflag:$0x6] =	stream.strided.gather @!p5 [hbm4b:s12+s14], $0x1000, s15, s14, $0x38;
	[tilespmem:$0x1E000] =	vst v63  }
0xef: {  	s16 =	simm.s32 @!p5 $0x1B000;
	s13 =	sadd.s32 @!p5 $0x100000, s12  }
0xf0: {  	[tilespmem:s16], [sflag:$0x6] =	stream.strided.gather @!p5 [hbm4b:s13+s14], $0x1000, s15, s14, $0x38;
	[tilespmem:$0x1E000] =	vst v63  }
.Ltmp20:
0xf1: {  	_ = 	snop;
	(pc) =	sbr.rel .LBB2_22-.Ltmp20, $4  }
0xf2: {  	s13 =	sadd.s32 @!p5 $0x200000, s12;
	s16 =	simm.s32 @!p5 $0x1C000  }
0xf3: {  	[tilespmem:s16], [sflag:$0x6] =	stream.strided.gather @!p5 [hbm4b:s13+s14], $0x1000, s15, s14, $0x38;
	[tilespmem:$0x1E000] =	vst v63  }
0xf4: {  	s12 =	sadd.s32 @!p5 $0x300000, s12;
	s13 =	simm.s32 @!p5 $0x1D000  }
0xf5: {  	[tilespmem:s13], [sflag:$0x6] =	stream.strided.gather @!p5 [hbm4b:s12+s14], $0x1000, s15, s14, $0x38;
	[tilespmem:$0x1E000] =	vst v63  }
.LBB2_20:
0xf6: {  	p5 =	seq.s32 s26, $0x0;
	s12 =	sadd.s32 s6, s13  }
0xf7: {  	s16 =	sshll.u32 s13, $0x4;
	s14 =	simm.s32 @!p5 $0x7;
	s12 =	sshll.u32 s12, $0x9  }
0xf8: {  	s13 =	sand.u32 $0x70, s16;
	_ =	swait.ge @!p5 [sflag:s14], $0x4000;
	s12 =	sand.u32 $0x1FF000, s12  }
0xf9: {  	s12 =	sor.u32 s13, s12;
	[sflag:s14] =	ssyncset.done @!p5 $0x0  }
0xfa: {  	s17 =	simm.s32 $0x0;
	[sflag:s14] =	ssyncadd.s32 @!p5 $0xFFFFC000;
	s13 =	sadd.s32 s3, s12  }
0xfb: {  	[tilespmem:s17], [sflag:$0x1] =	stream.strided.gather [hbm4b:s13+s7], $0x1000, s9, s7, $0x38;
	[tilespmem:$0x1E000] =	vst v63  }
0xfc: {  	s15 =	simm.s32 $0x6000;
	s12 =	sadd.s32 s2, s12  }
0xfd: {  	[tilespmem:s15], [sflag:$0x1] =	stream.strided.gather [hbm4b:s12+s7], $0x1000, s9, s7, $0x38;
	[tilespmem:$0x1E000] =	vst v63  }
0xfe: {  	s16 =	sadd.s32 $0x100000, s12;
	s17 =	simm.s32 $0x7000  }
0xff: {  	[tilespmem:s17], [sflag:$0x1] =	stream.strided.gather [hbm4b:s16+s7], $0x1000, s9, s7, $0x38;
	[tilespmem:$0x1E000] =	vst v63  }
.Ltmp21:
0x100: {  	_ = 	snop;
	(pc) =	sbr.rel .LBB2_22-.Ltmp21, $4  }
0x101: {  	s15 =	sadd.s32 $0x200000, s12;
	s16 =	simm.s32 $0x8000  }
0x102: {  	[tilespmem:s16], [sflag:$0x1] =	stream.strided.gather [hbm4b:s15+s7], $0x1000, s9, s7, $0x38;
	[tilespmem:$0x1E000] =	vst v63  }
0x103: {  	s12 =	sadd.s32 $0x300000, s12;
	s17 =	simm.s32 $0x9000  }
0x104: {  	[tilespmem:s17], [sflag:$0x1] =	stream.strided.gather [hbm4b:s12+s7], $0x1000, s9, s7, $0x38;
	[tilespmem:$0x1E000] =	vst v63  }
.LBB2_21:
0x105: {  	p5 =	seq.s32 s26, $0x0;
	s12 =	sadd.s32 s6, s13  }
0x106: {  	s17 =	sshll.u32 s13, $0x4;
	s14 =	simm.s32 @!p5 $0xA;
	s12 =	sshll.u32 s12, $0x9  }
0x107: {  	s13 =	sand.u32 $0x70, s17;
	_ =	swait.ge @!p5 [sflag:s14], $0x4000;
	s12 =	sand.u32 $0x1FF000, s12  }
0x108: {  	s12 =	sor.u32 s13, s12;
	[sflag:s14] =	ssyncset.done @!p5 $0x0  }
0x109: {  	s15 =	simm.s32 $0x3000;
	[sflag:s14] =	ssyncadd.s32 @!p5 $0xFFFFC000;
	s13 =	sadd.s32 s3, s12  }
0x10a: {  	[tilespmem:s15], [sflag:$0x4] =	stream.strided.gather [hbm4b:s13+s7], $0x1000, s9, s7, $0x38;
	[tilespmem:$0x1E000] =	vst v63  }
0x10b: {  	s12 =	sadd.s32 s2, s12  }
0x10c: {  	[tilespmem:s28], [sflag:$0x4] =	stream.strided.gather [hbm4b:s12+s7], $0x1000, s9, s7, $0x38;
	[tilespmem:$0x1E000] =	vst v63  }
0x10d: {  	s16 =	sadd.s32 $0x100000, s12  }
0x10e: {  	[tilespmem:s29], [sflag:$0x4] =	stream.strided.gather [hbm4b:s16+s7], $0x1000, s9, s7, $0x38;
	[tilespmem:$0x1E000] =	vst v63  }
0x10f: {  	s17 =	sadd.s32 $0x200000, s12  }
0x110: {  	[tilespmem:s30], [sflag:$0x4] =	stream.strided.gather [hbm4b:s17+s7], $0x1000, s9, s7, $0x38;
	[tilespmem:$0x1E000] =	vst v63  }
0x111: {  	s12 =	sadd.s32 $0x300000, s12  }
0x112: {  	[tilespmem:s31], [sflag:$0x4] =	stream.strided.gather [hbm4b:s12+s7], $0x1000, s9, s7, $0x38;
	[tilespmem:$0x1E000] =	vst v63  }
.LBB2_22:
0x113: {  	p5 =	sne.s32 s11, $0x0  }
.Ltmp22:
0x114: {  	_ = 	snop;
	(pc) =	sbr.rel @p5 .LBB2_26-.Ltmp22, $1  }
0x115: {  	_ =	sdelay $0x3  }
0x116: {  	s15 =	simm.s32 $0x80  }
0x117: {  	s11 =	simm.s32 $0x8000;
	v1 =	vld [tilespmem:s15+$0x70]  }
0x118: {  	v5 =	vld [tilespmem:s11+$0x10F0]  }
0x119: {  	v2 =	vld [tilespmem:s11+$0xFFFFE000]  }
0x11a: {  	v3 =	vld [tilespmem:s11+$0xFFFFF000]  }
0x11b: {  	v4 =	vld [tilespmem:s11+$0x0]  }
0x11c: {  	v0 =	vld [tilespmem:s11+$0x1000]  }
0x11d: {  	v6 =	vld [tilespmem:s15+$0xFFFFFF90]  }
0x11e: {  	v7 =	vld [tilespmem:s11+$0xFFFFE010]  }
0x11f: {  	v8 =	vld [tilespmem:s11+$0xFFFFF010]  }
0x120: {  	v9 =	vld [tilespmem:s11+$0x10]  }
0x121: {  	v10 =	vld [tilespmem:s11+$0x1010]  }
0x122: {  	v11 =	vld [tilespmem:s15+$0xFFFFFFA0]  }
0x123: {  	v12 =	vld [tilespmem:s11+$0xFFFFE020]  }
0x124: {  	v13 =	vld [tilespmem:s11+$0xFFFFF020]  }
0x125: {  	v14 =	vld [tilespmem:s11+$0x20]  }
0x126: {  	v15 =	vld [tilespmem:s11+$0x1020]  }
0x127: {  	v16 =	vld [tilespmem:s15+$0xFFFFFFB0]  }
0x128: {  	v17 =	vld [tilespmem:s11+$0xFFFFE030]  }
0x129: {  	v18 =	vld [tilespmem:s11+$0xFFFFF030]  }
0x12a: {  	v19 =	vld [tilespmem:s11+$0x30]  }
0x12b: {  	v20 =	vld [tilespmem:s11+$0x1030]  }
0x12c: {  	v21 =	vld [tilespmem:s15+$0xFFFFFFC0]  }
0x12d: {  	v22 =	vld [tilespmem:s11+$0xFFFFE040]  }
0x12e: {  	v23 =	vld [tilespmem:s11+$0xFFFFF040];
	v5 =	vadd.f32 v5, v1  }
0x12f: {  	v24 =	vld [tilespmem:s11+$0x40];
	v7 =	vadd.f32 v7, v6  }
0x130: {  	v25 =	vld [tilespmem:s11+$0x1040];
	[tilespmem:s11+$0x10F0] =	vst v5;
	v5 =	vadd.f32 v8, v6  }
0x131: {  	v55 =	vld [tilespmem:s11+$0x1060];
	[tilespmem:s11+$0xFFFFE010] =	vst v7;
	v7 =	vadd.f32 v9, v6  }
0x132: {  	v56 =	vld [tilespmem:s15+$0xFFFFFFF0];
	[tilespmem:s11+$0xFFFFF010] =	vst v5;
	v5 =	vadd.f32 v10, v6  }
0x133: {  	v57 =	vld [tilespmem:s11+$0xFFFFE070];
	[tilespmem:s11+$0x10] =	vst v7;
	v7 =	vadd.f32 v12, v11  }
0x134: {  	v58 =	vld [tilespmem:s11+$0xFFFFF070];
	[tilespmem:s11+$0x1010] =	vst v5;
	v5 =	vadd.f32 v13, v11  }
0x135: {  	v59 =	vld [tilespmem:s11+$0x70];
	[tilespmem:s11+$0xFFFFE020] =	vst v7;
	v7 =	vadd.f32 v14, v11  }
0x136: {  	v60 =	vld [tilespmem:s11+$0x1070];
	[tilespmem:s11+$0xFFFFF020] =	vst v5;
	v5 =	vadd.f32 v15, v11  }
0x137: {  	v8 =	vld [tilespmem:s15+$0xFFFFFFD0];
	[tilespmem:s11+$0x20] =	vst v7;
	v7 =	vadd.f32 v17, v16  }
0x138: {  	v9 =	vld [tilespmem:s11+$0xFFFFE050];
	[tilespmem:s11+$0x1020] =	vst v5;
	v5 =	vadd.f32 v18, v16  }
0x139: {  	v6 =	vld [tilespmem:s11+$0xFFFFF050];
	[tilespmem:s11+$0xFFFFE030] =	vst v7;
	v7 =	vadd.f32 v19, v16  }
0x13a: {  	v10 =	vld [tilespmem:s11+$0x50];
	[tilespmem:s11+$0xFFFFF030] =	vst v5;
	v5 =	vadd.f32 v20, v16  }
0x13b: {  	v12 =	vld [tilespmem:s11+$0x1050];
	[tilespmem:s11+$0x30] =	vst v7;
	v7 =	vadd.f32 v22, v21  }
0x13c: {  	v13 =	vld [tilespmem:s15+$0xFFFFFFE0];
	[tilespmem:s11+$0x1030] =	vst v5;
	v5 =	vadd.f32 v23, v21  }
0x13d: {  	v14 =	vld [tilespmem:s11+$0xFFFFF060];
	[tilespmem:s11+$0xFFFFE040] =	vst v7;
	v7 =	vadd.f32 v24, v21  }
0x13e: {  	v11 =	vld [tilespmem:s11+$0xFFFFE060];
	[tilespmem:s11+$0xFFFFF040] =	vst v5;
	v5 =	vadd.f32 v25, v21  }
0x13f: {  	v15 =	vld [tilespmem:s11+$0x60];
	[tilespmem:s11+$0x40] =	vst v7;
	v7 =	vadd.f32 v9, v8  }
0x140: {  	v9 =	vld [tilespmem:s15+$0x0];
	[tilespmem:s11+$0x1040] =	vst v5;
	v5 =	vadd.f32 v6, v8  }
0x141: {  	v6 =	vld [tilespmem:s11+$0xFFFFE080];
	[tilespmem:s11+$0xFFFFE050] =	vst v7;
	v7 =	vadd.f32 v10, v8  }
0x142: {  	v61 =	vld [tilespmem:s11+$0x1090];
	[tilespmem:s11+$0xFFFFF050] =	vst v5;
	v5 =	vadd.f32 v12, v8  }
0x143: {  	v62 =	vld [tilespmem:s15+$0x20];
	[tilespmem:s11+$0x50] =	vst v7;
	v7 =	vadd.f32 v11, v13  }
0x144: {  	v63 =	vld [tilespmem:s11+$0xFFFFE0A0];
	[tilespmem:s11+$0x1050] =	vst v5;
	v5 =	vadd.f32 v14, v13  }
0x145: {  	v8 =	vld [tilespmem:s11+$0x80];
	[tilespmem:s11+$0xFFFFE060] =	vst v7;
	v7 =	vadd.f32 v15, v13  }
0x146: {  	v12 =	vld [tilespmem:s15+$0x10];
	v6 =	vadd.f32 v6, v9;
	[tilespmem:s11+$0xFFFFF060] =	vst v5  }
0x147: {  	v14 =	vld [tilespmem:s11+$0xFFFFE090];
	v5 =	vadd.f32 v55, v13;
	[tilespmem:s11+$0x60] =	vst v7  }
0x148: {  	v10 =	vld [tilespmem:s11+$0xFFFFF080];
	v7 =	vadd.f32 v57, v56;
	[tilespmem:s11+$0xFFFFE080] =	vst v6  }
0x149: {  	v11 =	vld [tilespmem:s11+$0x1080];
	[tilespmem:s11+$0x1060] =	vst v5;
	v5 =	vadd.f32 v58, v56  }
0x14a: {  	v15 =	vld [tilespmem:s11+$0x90];
	v6 =	vadd.f32 v8, v9;
	[tilespmem:s11+$0xFFFFE070] =	vst v7  }
0x14b: {  	v13 =	vld [tilespmem:s11+$0xFFFFF090];
	[tilespmem:s11+$0xFFFFF070] =	vst v5;
	v5 =	vadd.f32 v60, v56  }
0x14c: {  	v8 =	vld [tilespmem:s11+$0x10A0];
	[tilespmem:s11+$0x80] =	vst v6;
	v6 =	vadd.f32 v14, v12  }
0x14d: {  	v14 =	vld [tilespmem:s11+$0xB0];
	[tilespmem:s11+$0x1070] =	vst v5;
	v5 =	vadd.f32 v10, v9  }
0x14e: {  	v7 =	vadd.f32 v59, v56;
	[tilespmem:s11+$0xFFFFE090] =	vst v6;
	v10 =	vld [tilespmem:s11+$0xA0]  }
0x14f: {  	v6 =	vadd.f32 v15, v12;
	[tilespmem:s11+$0xFFFFF080] =	vst v5;
	v5 =	vadd.f32 v11, v9;
	v9 =	vld [tilespmem:s15+$0x30]  }
0x150: {  	[tilespmem:s11+$0x70] =	vst v7;
	v11 =	vld [tilespmem:s11+$0xFFFFE0B0]  }
0x151: {  	v7 =	vld [tilespmem:s11+$0xFFFFF0A0];
	[tilespmem:s11+$0x90] =	vst v6;
	v6 =	vadd.f32 v63, v62  }
0x152: {  	v15 =	vld [tilespmem:s15+$0x40];
	[tilespmem:s11+$0x1080] =	vst v5;
	v5 =	vadd.f32 v13, v12  }
0x153: {  	[tilespmem:s11+$0xFFFFE0A0] =	vst v6;
	v13 =	vld [tilespmem:s11+$0xFFFFF0B0];
	v6 =	vadd.f32 v10, v62  }
0x154: {  	v10 =	vld [tilespmem:s11+$0xFFFFF0C0];
	[tilespmem:s11+$0xFFFFF090] =	vst v5;
	v5 =	vadd.f32 v61, v12  }
0x155: {  	v12 =	vld [tilespmem:s11+$0x10B0];
	[tilespmem:s11+$0xA0] =	vst v6;
	v6 =	vadd.f32 v11, v9  }
0x156: {  	[tilespmem:s11+$0x1090] =	vst v5;
	v5 =	vadd.f32 v7, v62;
	v7 =	vld [tilespmem:s11+$0xFFFFE0C0]  }
0x157: {  	v11 =	vld [tilespmem:s11+$0x10C0];
	[tilespmem:s11+$0xFFFFE0B0] =	vst v6  }
0x158: {  	v6 =	vadd.f32 v14, v9;
	v14 =	vld [tilespmem:s11+$0xFFFFE0D0];
	[tilespmem:s11+$0xFFFFF0A0] =	vst v5;
	v5 =	vadd.f32 v8, v62  }
0x159: {  	v8 =	vld [tilespmem:s11+$0xC0]  }
0x15a: {  	[tilespmem:s11+$0x10A0] =	vst v5;
	v5 =	vadd.f32 v13, v9;
	v13 =	vld [tilespmem:s15+$0x50]  }
0x15b: {  	v10 =	vadd.f32 v10, v15;
	[tilespmem:s11+$0xB0] =	vst v6;
	v6 =	vadd.f32 v7, v15;
	v7 =	vld [tilespmem:s11+$0xD0]  }
0x15c: {  	[tilespmem:s11+$0xFFFFF0B0] =	vst v5;
	v5 =	vadd.f32 v12, v9;
	v9 =	vld [tilespmem:s11+$0xFFFFF0D0]  }
0x15d: {  	[tilespmem:s11+$0xFFFFF0C0] =	vst v10;
	v12 =	vld [tilespmem:s11+$0x10D0]  }
0x15e: {  	[tilespmem:s11+$0xFFFFE0C0] =	vst v6;
	v6 =	vadd.f32 v8, v15;
	v8 =	vadd.f32 v11, v15;
	v11 =	vld [tilespmem:s11+$0xFFFFE0E0]  }
0x15f: {  	[tilespmem:s11+$0x10B0] =	vst v5;
	v5 =	vld [tilespmem:s15+$0x60]  }
0x160: {  	[tilespmem:s11+$0xC0] =	vst v6;
	v6 =	vadd.f32 v14, v13;
	v14 =	vld [tilespmem:s11+$0xFFFFF0E0]  }
0x161: {  	v15 =	vld [tilespmem:s11+$0xE0];
	[tilespmem:s11+$0x10C0] =	vst v8;
	v8 =	vadd.f32 v9, v13  }
0x162: {  	v10 =	vld [tilespmem:s11+$0x10E0];
	[tilespmem:s11+$0xFFFFE0D0] =	vst v6;
	v6 =	vadd.f32 v7, v13  }
0x163: {  	v7 =	vadd.f32 v12, v13;
	[tilespmem:s11+$0xFFFFF0D0] =	vst v8;
	v8 =	vld [tilespmem:s11+$0xFFFFE0F0]  }
0x164: {  	v9 =	vld [tilespmem:s11+$0xFFFFF0F0];
	[tilespmem:s11+$0xD0] =	vst v6;
	v12 =	vadd.f32 v11, v5  }
0x165: {  	[tilespmem:s11+$0x10D0] =	vst v7;
	v7 =	vld [tilespmem:s11+$0xF0];
	v11 =	vadd.f32 v14, v5  }
0x166: {  	s13 =	simm.s32 $0x0;
	s17 =	simm.s32 $0x8000;
	v6 =	vld [tilespmem:s15+$0xFFFFFF80];
	s15 =	simm.s32 $0x180;
	[tilespmem:s11+$0xFFFFE0E0] =	vst v12;
	v12 =	vadd.f32 v15, v5  }
.LBB2_24:
0x167: {  	v13 =	vld [tilespmem:s15+$0x70];
	[tilespmem:s11+$0xFFFFF0E0] =	vst v11;
	v5 =	vadd.f32 v10, v5;
	s17 =	sadd.s32 $0x100, s17  }
0x168: {  	s13 =	sadd.s32 $0x10, s13;
	v10 =	vld [tilespmem:s17+$0x10F0];
	[tilespmem:s11+$0xE0] =	vst v12;
	v8 =	vadd.f32 v8, v1  }
0x169: {  	p5 =	slt.u32 s13, $0xF0;
	v11 =	vld [tilespmem:s17+$0xFFFFE000];
	[tilespmem:s11+$0x10E0] =	vst v5;
	v5 =	vadd.f32 v9, v1  }
0x16a: {  	v9 =	vld [tilespmem:s17+$0xFFFFF000];
	[tilespmem:s11+$0xFFFFE0F0] =	vst v8;
	v8 =	vadd.f32 v7, v1  }
0x16b: {  	v7 =	vld [tilespmem:s17+$0x0];
	v12 =	vadd.f32 v2, v6;
	v3 =	vadd.f32 v3, v6;
	[tilespmem:s11+$0xFFFFF0F0] =	vst v5  }
0x16c: {  	v4 =	vadd.f32 v4, v6;
	v5 =	vadd.f32 v0, v6;
	v0 =	vld [tilespmem:s17+$0x1000];
	[tilespmem:s11+$0xF0] =	vst v8;
	v1 =	vmov v13  }
0x16d: {  	v6 =	vld [tilespmem:s15+$0xFFFFFF90];
	v8 =	vadd.f32 v10, v1;
	[tilespmem:s11+$0xFFFFE000] =	vst v12  }
0x16e: {  	v10 =	vld [tilespmem:s17+$0xFFFFE010];
	[tilespmem:s11+$0xFFFFF000] =	vst v3;
	v2 =	vmov v11  }
0x16f: {  	v11 =	vld [tilespmem:s17+$0xFFFFF010];
	[tilespmem:s17+$0x10F0] =	vst v8;
	v3 =	vmov v9  }
0x170: {  	v8 =	vld [tilespmem:s17+$0x10];
	[tilespmem:s11+$0x0] =	vst v4;
	v4 =	vmov v7  }
0x171: {  	v7 =	vld [tilespmem:s17+$0x1010];
	[tilespmem:s11+$0x1000] =	vst v5;
	s11 =	smov.u32 s17  }
0x172: {  	v5 =	vld [tilespmem:s15+$0xFFFFFFA0]  }
0x173: {  	v9 =	vadd.f32 v10, v6;
	v10 =	vld [tilespmem:s17+$0xFFFFE020]  }
0x174: {  	v11 =	vadd.f32 v11, v6;
	v12 =	vld [tilespmem:s17+$0xFFFFF020]  }
0x175: {  	[tilespmem:s17+$0xFFFFE010] =	vst v9;
	v8 =	vadd.f32 v8, v6;
	v9 =	vld [tilespmem:s17+$0x20]  }
0x176: {  	[tilespmem:s17+$0xFFFFF010] =	vst v11;
	v6 =	vadd.f32 v7, v6;
	v7 =	vld [tilespmem:s17+$0x1020]  }
0x177: {  	[tilespmem:s17+$0x10] =	vst v8;
	v8 =	vld [tilespmem:s15+$0xFFFFFFB0]  }
0x178: {  	[tilespmem:s17+$0x1010] =	vst v6;
	v6 =	vadd.f32 v10, v5;
	v10 =	vld [tilespmem:s17+$0xFFFFE030]  }
0x179: {  	v11 =	vadd.f32 v12, v5;
	v12 =	vld [tilespmem:s17+$0xFFFFF030]  }
0x17a: {  	[tilespmem:s17+$0xFFFFE020] =	vst v6;
	v6 =	vadd.f32 v9, v5;
	v9 =	vld [tilespmem:s17+$0x30]  }
0x17b: {  	[tilespmem:s17+$0xFFFFF020] =	vst v11;
	v5 =	vadd.f32 v7, v5;
	v7 =	vld [tilespmem:s17+$0x1030]  }
0x17c: {  	[tilespmem:s17+$0x20] =	vst v6;
	v6 =	vld [tilespmem:s15+$0xFFFFFFC0]  }
0x17d: {  	[tilespmem:s17+$0x1020] =	vst v5;
	v5 =	vadd.f32 v10, v8;
	v10 =	vld [tilespmem:s17+$0xFFFFE040]  }
0x17e: {  	v11 =	vadd.f32 v12, v8;
	v12 =	vld [tilespmem:s17+$0xFFFFF040]  }
0x17f: {  	[tilespmem:s17+$0xFFFFE030] =	vst v5;
	v5 =	vadd.f32 v9, v8;
	v9 =	vld [tilespmem:s17+$0x40]  }
0x180: {  	[tilespmem:s17+$0xFFFFF030] =	vst v11;
	v7 =	vadd.f32 v7, v8;
	v8 =	vld [tilespmem:s17+$0x1040]  }
0x181: {  	[tilespmem:s17+$0x30] =	vst v5;
	v5 =	vld [tilespmem:s15+$0xFFFFFFD0]  }
0x182: {  	[tilespmem:s17+$0x1030] =	vst v7;
	v7 =	vadd.f32 v10, v6;
	v10 =	vld [tilespmem:s17+$0xFFFFE050]  }
0x183: {  	v11 =	vadd.f32 v12, v6;
	v12 =	vld [tilespmem:s17+$0xFFFFF050]  }
0x184: {  	[tilespmem:s17+$0xFFFFE040] =	vst v7;
	v7 =	vadd.f32 v9, v6;
	v9 =	vld [tilespmem:s17+$0x50]  }
0x185: {  	[tilespmem:s17+$0xFFFFF040] =	vst v11;
	v6 =	vadd.f32 v8, v6;
	v8 =	vld [tilespmem:s17+$0x1050]  }
0x186: {  	[tilespmem:s17+$0x40] =	vst v7;
	v7 =	vld [tilespmem:s15+$0xFFFFFFE0]  }
0x187: {  	[tilespmem:s17+$0x1040] =	vst v6;
	v6 =	vadd.f32 v10, v5;
	v10 =	vld [tilespmem:s17+$0xFFFFE060]  }
0x188: {  	v11 =	vadd.f32 v12, v5;
	v12 =	vld [tilespmem:s17+$0xFFFFF060]  }
0x189: {  	[tilespmem:s17+$0xFFFFE050] =	vst v6;
	v6 =	vadd.f32 v9, v5;
	v9 =	vld [tilespmem:s17+$0x60]  }
0x18a: {  	[tilespmem:s17+$0xFFFFF050] =	vst v11;
	v5 =	vadd.f32 v8, v5;
	v8 =	vld [tilespmem:s17+$0x1060]  }
0x18b: {  	[tilespmem:s17+$0x50] =	vst v6;
	v6 =	vld [tilespmem:s15+$0xFFFFFFF0]  }
0x18c: {  	[tilespmem:s17+$0x1050] =	vst v5;
	v5 =	vadd.f32 v10, v7;
	v10 =	vld [tilespmem:s17+$0xFFFFE070]  }
0x18d: {  	v11 =	vadd.f32 v12, v7;
	v12 =	vld [tilespmem:s17+$0xFFFFF070]  }
0x18e: {  	[tilespmem:s17+$0xFFFFE060] =	vst v5;
	v5 =	vadd.f32 v9, v7;
	v9 =	vld [tilespmem:s17+$0x70]  }
0x18f: {  	[tilespmem:s17+$0xFFFFF060] =	vst v11;
	v7 =	vadd.f32 v8, v7;
	v8 =	vld [tilespmem:s17+$0x1070]  }
0x190: {  	[tilespmem:s17+$0x60] =	vst v5;
	v5 =	vld [tilespmem:s15+$0x0]  }
0x191: {  	[tilespmem:s17+$0x1060] =	vst v7;
	v7 =	vadd.f32 v10, v6;
	v10 =	vld [tilespmem:s17+$0xFFFFE080]  }
0x192: {  	v11 =	vadd.f32 v12, v6;
	v12 =	vld [tilespmem:s17+$0xFFFFF080]  }
0x193: {  	[tilespmem:s17+$0xFFFFE070] =	vst v7;
	v7 =	vadd.f32 v9, v6;
	v9 =	vld [tilespmem:s17+$0x80]  }
0x194: {  	[tilespmem:s17+$0xFFFFF070] =	vst v11;
	v6 =	vadd.f32 v8, v6;
	v8 =	vld [tilespmem:s17+$0x1080]  }
0x195: {  	[tilespmem:s17+$0x70] =	vst v7;
	v7 =	vld [tilespmem:s15+$0x10]  }
0x196: {  	[tilespmem:s17+$0x1070] =	vst v6;
	v6 =	vadd.f32 v10, v5;
	v10 =	vld [tilespmem:s17+$0xFFFFE090]  }
0x197: {  	v11 =	vadd.f32 v12, v5;
	v12 =	vld [tilespmem:s17+$0xFFFFF090]  }
0x198: {  	[tilespmem:s17+$0xFFFFE080] =	vst v6;
	v6 =	vadd.f32 v9, v5;
	v9 =	vld [tilespmem:s17+$0x90]  }
0x199: {  	[tilespmem:s17+$0xFFFFF080] =	vst v11;
	v5 =	vadd.f32 v8, v5;
	v8 =	vld [tilespmem:s17+$0x1090]  }
0x19a: {  	[tilespmem:s17+$0x80] =	vst v6;
	v6 =	vld [tilespmem:s15+$0x20]  }
0x19b: {  	[tilespmem:s17+$0x1080] =	vst v5;
	v5 =	vadd.f32 v10, v7;
	v10 =	vld [tilespmem:s17+$0xFFFFE0A0]  }
0x19c: {  	v11 =	vadd.f32 v12, v7;
	v12 =	vld [tilespmem:s17+$0xFFFFF0A0]  }
0x19d: {  	[tilespmem:s17+$0xFFFFE090] =	vst v5;
	v5 =	vadd.f32 v9, v7;
	v9 =	vld [tilespmem:s17+$0xA0]  }
0x19e: {  	[tilespmem:s17+$0xFFFFF090] =	vst v11;
	v7 =	vadd.f32 v8, v7;
	v8 =	vld [tilespmem:s17+$0x10A0]  }
0x19f: {  	[tilespmem:s17+$0x90] =	vst v5;
	v5 =	vld [tilespmem:s15+$0x30]  }
0x1a0: {  	[tilespmem:s17+$0x1090] =	vst v7;
	v7 =	vadd.f32 v10, v6;
	v10 =	vld [tilespmem:s17+$0xFFFFE0B0]  }
0x1a1: {  	v11 =	vadd.f32 v12, v6;
	v12 =	vld [tilespmem:s17+$0xFFFFF0B0]  }
0x1a2: {  	[tilespmem:s17+$0xFFFFE0A0] =	vst v7;
	v7 =	vadd.f32 v9, v6;
	v9 =	vld [tilespmem:s17+$0xB0]  }
0x1a3: {  	[tilespmem:s17+$0xFFFFF0A0] =	vst v11;
	v6 =	vadd.f32 v8, v6;
	v8 =	vld [tilespmem:s17+$0x10B0]  }
0x1a4: {  	[tilespmem:s17+$0xA0] =	vst v7;
	v7 =	vld [tilespmem:s15+$0x40]  }
0x1a5: {  	[tilespmem:s17+$0x10A0] =	vst v6;
	v6 =	vadd.f32 v10, v5;
	v10 =	vld [tilespmem:s17+$0xFFFFE0C0]  }
0x1a6: {  	v11 =	vadd.f32 v12, v5;
	v12 =	vld [tilespmem:s17+$0xFFFFF0C0]  }
0x1a7: {  	[tilespmem:s17+$0xFFFFE0B0] =	vst v6;
	v6 =	vadd.f32 v9, v5;
	v9 =	vld [tilespmem:s17+$0xC0]  }
0x1a8: {  	[tilespmem:s17+$0xFFFFF0B0] =	vst v11;
	v5 =	vadd.f32 v8, v5;
	v8 =	vld [tilespmem:s17+$0x10C0]  }
0x1a9: {  	[tilespmem:s17+$0xB0] =	vst v6;
	v6 =	vld [tilespmem:s15+$0x50]  }
0x1aa: {  	[tilespmem:s17+$0x10B0] =	vst v5;
	v5 =	vadd.f32 v10, v7;
	v10 =	vld [tilespmem:s17+$0xFFFFE0D0]  }
0x1ab: {  	v11 =	vadd.f32 v12, v7;
	v12 =	vld [tilespmem:s17+$0xFFFFF0D0]  }
0x1ac: {  	[tilespmem:s17+$0xFFFFE0C0] =	vst v5;
	v5 =	vadd.f32 v9, v7;
	v9 =	vld [tilespmem:s17+$0xD0]  }
0x1ad: {  	[tilespmem:s17+$0xFFFFF0C0] =	vst v11;
	v7 =	vadd.f32 v8, v7;
	v8 =	vld [tilespmem:s17+$0x10D0]  }
0x1ae: {  	[tilespmem:s17+$0xC0] =	vst v5;
	v5 =	vld [tilespmem:s15+$0x60]  }
0x1af: {  	[tilespmem:s17+$0x10C0] =	vst v7;
	v7 =	vadd.f32 v10, v6;
	v11 =	vld [tilespmem:s17+$0xFFFFE0E0]  }
0x1b0: {  	v10 =	vadd.f32 v12, v6;
	v12 =	vld [tilespmem:s17+$0xFFFFF0E0]  }
0x1b1: {  	[tilespmem:s17+$0xFFFFE0D0] =	vst v7;
	v7 =	vadd.f32 v9, v6;
	v13 =	vld [tilespmem:s17+$0xE0]  }
.Ltmp23:
0x1b2: {  	[tilespmem:s17+$0xFFFFF0D0] =	vst v10;
	v6 =	vadd.f32 v8, v6;
	v10 =	vld [tilespmem:s17+$0x10E0];
	(pc) =	sbr.rel @p5 .LBB2_24-.Ltmp23, $4  }
0x1b3: {  	[tilespmem:s17+$0xD0] =	vst v7;
	v8 =	vld [tilespmem:s17+$0xFFFFE0F0]  }
0x1b4: {  	[tilespmem:s17+$0x10D0] =	vst v6;
	v14 =	vadd.f32 v11, v5;
	v9 =	vld [tilespmem:s17+$0xFFFFF0F0]  }
0x1b5: {  	v11 =	vadd.f32 v12, v5;
	v7 =	vld [tilespmem:s17+$0xF0]  }
0x1b6: {  	v6 =	vld [tilespmem:s15+$0xFFFFFF80];
	[tilespmem:s17+$0xFFFFE0E0] =	vst v14;
	v12 =	vadd.f32 v13, v5;
	s15 =	sadd.s32 $0x100, s15  }
0x1b7: {  	[tilespmem:s11+$0xFFFFF0E0] =	vst v11;
	v5 =	vadd.f32 v10, v5  }
0x1b8: {  	[tilespmem:s11+$0xE0] =	vst v12;
	v8 =	vadd.f32 v8, v1  }
0x1b9: {  	[tilespmem:s11+$0x10E0] =	vst v5;
	v61 =	vadd.f32 v9, v1  }
0x1ba: {  	[tilespmem:s11+$0xFFFFE0F0] =	vst v8;
	v62 =	vadd.f32 v7, v1  }
0x1bb: {  	v2 =	vadd.f32 v2, v6;
	[tilespmem:s11+$0xFFFFF0F0] =	vst v61  }
0x1bc: {  	v3 =	vadd.f32 v3, v6;
	[tilespmem:s11+$0xF0] =	vst v62  }
0x1bd: {  	s12 =	sadd.s32 s6, s26;
	s13 =	sshll.u32 s26, $0x4;
	v63 =	vadd.f32 v4, v6;
	[tilespmem:s11+$0xFFFFE000] =	vst v2  }
0x1be: {  	s12 =	sshll.u32 s12, $0x9;
	s13 =	sand.u32 $0x70, s13;
	v0 =	vadd.f32 v0, v6;
	[tilespmem:s11+$0xFFFFF000] =	vst v3  }
0x1bf: {  	s12 =	sand.u32 $0xFF000, s12;
	s13 =	sadd.s32 s4, s13;
	[tilespmem:s11+$0x0] =	vst v63  }
0x1c0: {  	s17 =	simm.s32 $0x6000;
	[tilespmem:s11+$0x1000] =	vst v0;
	s11 =	sadd.s32 s12, s13  }
0x1c1: {  	[hbm4b:s11+s7] =	stream.strided.scatter [tilespmem:s17], [sflag:$0x7], $0x1000, s9, s7, $0x38;
	[tilespmem:$0x1E000] =	vst v63  }
0x1c2: {  	s14 =	simm.s32 $0x7000;
	s13 =	sadd.s32 $0x100000, s11  }
0x1c3: {  	[hbm4b:s13+s7] =	stream.strided.scatter [tilespmem:s14], [sflag:$0x7], $0x1000, s9, s7, $0x38;
	[tilespmem:$0x1E000] =	vst v63  }
0x1c4: {  	s16 =	simm.s32 $0x8000;
	s15 =	sadd.s32 $0x200000, s11  }
0x1c5: {  	[hbm4b:s15+s7] =	stream.strided.scatter [tilespmem:s16], [sflag:$0x7], $0x1000, s9, s7, $0x38;
	[tilespmem:$0x1E000] =	vst v63  }
0x1c6: {  	s11 =	sadd.s32 $0x300000, s11;
	s17 =	simm.s32 $0x9000  }
0x1c7: {  	[hbm4b:s11+s7] =	stream.strided.scatter [tilespmem:s17], [sflag:$0x7], $0x1000, s9, s7, $0x38;
	[tilespmem:$0x1E000] =	vst v63  }
.LBB2_26:
.Ltmp24:
0x1c8: {  	(pc) =	sbr.rel @!p4 .LBB2_30-.Ltmp24, $1  }
0x1c9: {  	_ =	sdelay $0x3  }
0x1ca: {  	s11 =	simm.s32 $0x0  }
0x1cb: {  	v0 =	vld [tilespmem:s11+$0x10F0]  }
0x1cc: {  	v1 =	vld [tilespmem:s11+$0xD0F0]  }
0x1cd: {  	v2 =	vld [tilespmem:s11+$0x1000]  }
0x1ce: {  	v3 =	vld [tilespmem:s11+$0xA000]  }
0x1cf: {  	v4 =	vld [tilespmem:s11+$0xB000]  }
0x1d0: {  	v5 =	vld [tilespmem:s11+$0xC000]  }
0x1d1: {  	v6 =	vld [tilespmem:s11+$0xD000]  }
0x1d2: {  	v7 =	vld [tilespmem:s11+$0x1010]  }
0x1d3: {  	v8 =	vld [tilespmem:s11+$0xA010]  }
0x1d4: {  	v9 =	vld [tilespmem:s11+$0xB010]  }
0x1d5: {  	v10 =	vld [tilespmem:s11+$0xC010]  }
0x1d6: {  	v11 =	vld [tilespmem:s11+$0xD010]  }
0x1d7: {  	v12 =	vld [tilespmem:s11+$0x1020]  }
0x1d8: {  	v13 =	vld [tilespmem:s11+$0xA020]  }
0x1d9: {  	v14 =	vld [tilespmem:s11+$0xB020]  }
0x1da: {  	v15 =	vld [tilespmem:s11+$0xC020]  }
0x1db: {  	v16 =	vld [tilespmem:s11+$0xD020]  }
0x1dc: {  	v17 =	vld [tilespmem:s11+$0x1030]  }
0x1dd: {  	v18 =	vld [tilespmem:s11+$0xA030]  }
0x1de: {  	v19 =	vld [tilespmem:s11+$0xB030];
	v1 =	vadd.f32 v1, v0  }
0x1df: {  	v20 =	vld [tilespmem:s11+$0xC030];
	v3 =	vadd.f32 v3, v2  }
0x1e0: {  	v21 =	vld [tilespmem:s11+$0xD030];
	[tilespmem:s11+$0xD0F0] =	vst v1;
	v1 =	vadd.f32 v4, v2  }
0x1e1: {  	v43 =	vld [tilespmem:s11+$0x1050];
	[tilespmem:s11+$0xA000] =	vst v3;
	v3 =	vadd.f32 v5, v2  }
0x1e2: {  	v44 =	vld [tilespmem:s11+$0xB050];
	[tilespmem:s11+$0xB000] =	vst v1;
	v1 =	vadd.f32 v6, v2  }
0x1e3: {  	v45 =	vld [tilespmem:s11+$0xC050];
	[tilespmem:s11+$0xC000] =	vst v3;
	v3 =	vadd.f32 v8, v7  }
0x1e4: {  	v46 =	vld [tilespmem:s11+$0xD050];
	[tilespmem:s11+$0xD000] =	vst v1;
	v1 =	vadd.f32 v9, v7  }
0x1e5: {  	v47 =	vld [tilespmem:s11+$0x1060];
	[tilespmem:s11+$0xA010] =	vst v3;
	v3 =	vadd.f32 v10, v7  }
0x1e6: {  	v48 =	vld [tilespmem:s11+$0xA060];
	[tilespmem:s11+$0xB010] =	vst v1;
	v1 =	vadd.f32 v11, v7  }
0x1e7: {  	v49 =	vld [tilespmem:s11+$0xB060];
	[tilespmem:s11+$0xC010] =	vst v3;
	v3 =	vadd.f32 v13, v12  }
0x1e8: {  	v50 =	vld [tilespmem:s11+$0xC060];
	[tilespmem:s11+$0xD010] =	vst v1;
	v1 =	vadd.f32 v14, v12  }
0x1e9: {  	v4 =	vld [tilespmem:s11+$0x1040];
	[tilespmem:s11+$0xA020] =	vst v3;
	v3 =	vadd.f32 v15, v12  }
0x1ea: {  	v5 =	vld [tilespmem:s11+$0xA040];
	[tilespmem:s11+$0xB020] =	vst v1;
	v1 =	vadd.f32 v16, v12  }
0x1eb: {  	v2 =	vld [tilespmem:s11+$0xB040];
	[tilespmem:s11+$0xC020] =	vst v3;
	v3 =	vadd.f32 v18, v17  }
0x1ec: {  	v6 =	vld [tilespmem:s11+$0xC040];
	[tilespmem:s11+$0xD020] =	vst v1;
	v1 =	vadd.f32 v19, v17  }
0x1ed: {  	v8 =	vld [tilespmem:s11+$0xD040];
	[tilespmem:s11+$0xA030] =	vst v3;
	v3 =	vadd.f32 v20, v17  }
0x1ee: {  	v7 =	vld [tilespmem:s11+$0xA050];
	[tilespmem:s11+$0xB030] =	vst v1;
	v1 =	vadd.f32 v21, v17  }
0x1ef: {  	v51 =	vld [tilespmem:s11+$0xD060];
	[tilespmem:s11+$0xC030] =	vst v3;
	v3 =	vadd.f32 v5, v4  }
0x1f0: {  	v5 =	vld [tilespmem:s11+$0x1070];
	[tilespmem:s11+$0xD030] =	vst v1;
	v1 =	vadd.f32 v2, v4  }
0x1f1: {  	v2 =	vld [tilespmem:s11+$0xA070];
	[tilespmem:s11+$0xA040] =	vst v3;
	v3 =	vadd.f32 v6, v4  }
0x1f2: {  	v52 =	vld [tilespmem:s11+$0xA080];
	[tilespmem:s11+$0xB040] =	vst v1;
	v1 =	vadd.f32 v8, v4  }
0x1f3: {  	v53 =	vld [tilespmem:s11+$0xB080];
	[tilespmem:s11+$0xC040] =	vst v3;
	v3 =	vadd.f32 v7, v43  }
0x1f4: {  	v54 =	vld [tilespmem:s11+$0xC080];
	[tilespmem:s11+$0xD040] =	vst v1;
	v1 =	vadd.f32 v44, v43  }
0x1f5: {  	v4 =	vld [tilespmem:s11+$0xC070];
	[tilespmem:s11+$0xA050] =	vst v3;
	v3 =	vadd.f32 v45, v43  }
0x1f6: {  	v55 =	vld [tilespmem:s11+$0xD080];
	v2 =	vadd.f32 v2, v5;
	[tilespmem:s11+$0xB050] =	vst v1  }
0x1f7: {  	v56 =	vld [tilespmem:s11+$0x1090];
	v1 =	vadd.f32 v46, v43;
	[tilespmem:s11+$0xC050] =	vst v3  }
0x1f8: {  	v6 =	vld [tilespmem:s11+$0xB070];
	v3 =	vadd.f32 v48, v47;
	[tilespmem:s11+$0xA070] =	vst v2  }
0x1f9: {  	v8 =	vld [tilespmem:s11+$0x1080];
	[tilespmem:s11+$0xD050] =	vst v1;
	v1 =	vadd.f32 v49, v47  }
0x1fa: {  	v7 =	vld [tilespmem:s11+$0xD070];
	v2 =	vadd.f32 v4, v5;
	[tilespmem:s11+$0xA060] =	vst v3  }
0x1fb: {  	v57 =	vld [tilespmem:s11+$0xA090];
	[tilespmem:s11+$0xB060] =	vst v1;
	v1 =	vadd.f32 v51, v47  }
0x1fc: {  	v58 =	vld [tilespmem:s11+$0xB0A0];
	v3 =	vadd.f32 v50, v47;
	[tilespmem:s11+$0xC070] =	vst v2  }
0x1fd: {  	v59 =	vld [tilespmem:s11+$0xC0A0];
	[tilespmem:s11+$0xD060] =	vst v1;
	v1 =	vadd.f32 v6, v5  }
0x1fe: {  	v2 =	vadd.f32 v52, v8;
	[tilespmem:s11+$0xC060] =	vst v3;
	v3 =	vld [tilespmem:s11+$0xB090]  }
0x1ff: {  	v6 =	vld [tilespmem:s11+$0xC090];
	[tilespmem:s11+$0xB070] =	vst v1;
	v1 =	vadd.f32 v7, v5  }
0x200: {  	[tilespmem:s11+$0xA080] =	vst v2;
	v2 =	vadd.f32 v54, v8;
	v5 =	vld [tilespmem:s11+$0x10A0]  }
0x201: {  	v7 =	vld [tilespmem:s11+$0xA0A0];
	[tilespmem:s11+$0xD070] =	vst v1;
	v1 =	vadd.f32 v53, v8  }
0x202: {  	v4 =	vld [tilespmem:s11+$0xD090];
	[tilespmem:s11+$0xC080] =	vst v2;
	v2 =	vadd.f32 v57, v56  }
0x203: {  	v60 =	vld [tilespmem:s11+$0x10B0];
	[tilespmem:s11+$0xB080] =	vst v1;
	v1 =	vadd.f32 v55, v8  }
0x204: {  	v61 =	vld [tilespmem:s11+$0x10C0];
	[tilespmem:s11+$0xA090] =	vst v2;
	v2 =	vadd.f32 v6, v56  }
0x205: {  	[tilespmem:s11+$0xD080] =	vst v1;
	v1 =	vadd.f32 v3, v56;
	v3 =	vld [tilespmem:s11+$0xA0B0]  }
0x206: {  	v8 =	vld [tilespmem:s11+$0xD0A0];
	[tilespmem:s11+$0xC090] =	vst v2;
	v2 =	vadd.f32 v7, v5  }
0x207: {  	v6 =	vld [tilespmem:s11+$0xB0B0];
	[tilespmem:s11+$0xB090] =	vst v1;
	v1 =	vadd.f32 v4, v56  }
0x208: {  	[tilespmem:s11+$0xA0A0] =	vst v2;
	v2 =	vadd.f32 v59, v5;
	v4 =	vld [tilespmem:s11+$0xC0B0]  }
0x209: {  	v62 =	vld [tilespmem:s11+$0xA0C0];
	[tilespmem:s11+$0xD090] =	vst v1;
	v1 =	vadd.f32 v58, v5  }
0x20a: {  	v7 =	vld [tilespmem:s11+$0xD0B0];
	[tilespmem:s11+$0xC0A0] =	vst v2;
	v2 =	vadd.f32 v3, v60  }
0x20b: {  	v3 =	vld [tilespmem:s11+$0xC0C0];
	[tilespmem:s11+$0xB0A0] =	vst v1;
	v1 =	vadd.f32 v8, v5  }
0x20c: {  	v5 =	vld [tilespmem:s11+$0xB0C0];
	[tilespmem:s11+$0xA0B0] =	vst v2  }
0x20d: {  	v2 =	vadd.f32 v4, v60;
	v4 =	vld [tilespmem:s11+$0x10D0];
	[tilespmem:s11+$0xD0A0] =	vst v1;
	v1 =	vadd.f32 v6, v60  }
0x20e: {  	v6 =	vld [tilespmem:s11+$0xD0C0]  }
0x20f: {  	[tilespmem:s11+$0xB0B0] =	vst v1;
	v1 =	vadd.f32 v7, v60;
	v7 =	vld [tilespmem:s11+$0xA0D0]  }
0x210: {  	v8 =	vld [tilespmem:s11+$0xB0D0];
	[tilespmem:s11+$0xC0B0] =	vst v2;
	v2 =	vadd.f32 v62, v61  }
0x211: {  	[tilespmem:s11+$0xD0B0] =	vst v1;
	v1 =	vadd.f32 v5, v61;
	v5 =	vld [tilespmem:s11+$0xC0D0]  }
0x212: {  	v63 =	vld [tilespmem:s11+$0xD0D0];
	[tilespmem:s11+$0xA0C0] =	vst v2;
	v2 =	vadd.f32 v3, v61  }
0x213: {  	v3 =	vadd.f32 v6, v61;
	[tilespmem:s11+$0xB0C0] =	vst v1;
	v1 =	vld [tilespmem:s11+$0x10E0]  }
0x214: {  	[tilespmem:s11+$0xC0C0] =	vst v2;
	v2 =	vadd.f32 v7, v4;
	v7 =	vld [tilespmem:s11+$0xA0E0]  }
0x215: {  	v8 =	vadd.f32 v8, v4;
	v6 =	vld [tilespmem:s11+$0xB0E0];
	[tilespmem:s11+$0xD0C0] =	vst v3  }
0x216: {  	v3 =	vld [tilespmem:s11+$0xC0E0];
	[tilespmem:s11+$0xA0D0] =	vst v2;
	v2 =	vadd.f32 v5, v4  }
0x217: {  	[tilespmem:s11+$0xB0D0] =	vst v8;
	v5 =	vadd.f32 v63, v4;
	v4 =	vld [tilespmem:s11+$0xD0E0]  }
0x218: {  	[tilespmem:s11+$0xC0D0] =	vst v2;
	v2 =	vld [tilespmem:s11+$0xA0F0]  }
0x219: {  	s13 =	simm.s32 $0x0;
	s15 =	simm.s32 $0x400;
	[tilespmem:s11+$0xD0D0] =	vst v5;
	v5 =	vld [tilespmem:s11+$0xB0F0];
	v7 =	vadd.f32 v7, v1  }
.LBB2_28:
0x21a: {  	s12 =	sshra.s32 s15, $0x2;
	v6 =	vadd.f32 v6, v1;
	v8 =	vld [tilespmem:s11+$0xC0F0]  }
0x21b: {  	s13 =	sadd.s32 $0x10, s13;
	v9 =	vld [tilespmem:s12+$0x10F0];
	[tilespmem:s11+$0xA0E0] =	vst v7;
	v3 =	vadd.f32 v3, v1  }
0x21c: {  	p4 =	slt.u32 s13, $0xF0;
	v7 =	vld [tilespmem:s12+$0xD0F0];
	[tilespmem:s11+$0xB0E0] =	vst v6;
	v1 =	vadd.f32 v4, v1  }
0x21d: {  	v4 =	vld [tilespmem:s12+$0x1000];
	[tilespmem:s11+$0xC0E0] =	vst v3;
	v2 =	vadd.f32 v2, v0  }
0x21e: {  	v3 =	vld [tilespmem:s12+$0xA000];
	[tilespmem:s11+$0xD0E0] =	vst v1;
	v1 =	vadd.f32 v5, v0  }
0x21f: {  	v5 =	vld [tilespmem:s12+$0xB000];
	[tilespmem:s11+$0xA0F0] =	vst v2;
	v2 =	vadd.f32 v8, v0  }
0x220: {  	v6 =	vld [tilespmem:s12+$0xC000];
	[tilespmem:s11+$0xB0F0] =	vst v1;
	v0 =	vmov v9  }
0x221: {  	v1 =	vld [tilespmem:s12+$0xD000];
	v7 =	vadd.f32 v7, v0;
	[tilespmem:s11+$0xC0F0] =	vst v2;
	s11 =	smov.u32 s12  }
0x222: {  	v2 =	vld [tilespmem:s11+$0x1010]  }
0x223: {  	v3 =	vadd.f32 v3, v4;
	v8 =	vld [tilespmem:s11+$0xA010];
	[tilespmem:s11+$0xD0F0] =	vst v7  }
0x224: {  	v5 =	vadd.f32 v5, v4;
	v7 =	vld [tilespmem:s11+$0xB010]  }
0x225: {  	[tilespmem:s11+$0xA000] =	vst v3;
	v3 =	vadd.f32 v6, v4;
	v6 =	vld [tilespmem:s11+$0xC010]  }
0x226: {  	[tilespmem:s11+$0xB000] =	vst v5;
	v1 =	vadd.f32 v1, v4;
	v4 =	vld [tilespmem:s11+$0xD010]  }
0x227: {  	[tilespmem:s11+$0xC000] =	vst v3;
	v3 =	vld [tilespmem:s11+$0x1020]  }
0x228: {  	[tilespmem:s11+$0xD000] =	vst v1;
	v1 =	vadd.f32 v8, v2;
	v5 =	vld [tilespmem:s11+$0xA020]  }
0x229: {  	v7 =	vadd.f32 v7, v2;
	v8 =	vld [tilespmem:s11+$0xB020]  }
0x22a: {  	[tilespmem:s11+$0xA010] =	vst v1;
	v1 =	vadd.f32 v6, v2;
	v6 =	vld [tilespmem:s11+$0xC020]  }
0x22b: {  	[tilespmem:s11+$0xB010] =	vst v7;
	v2 =	vadd.f32 v4, v2;
	v4 =	vld [tilespmem:s11+$0xD020]  }
0x22c: {  	[tilespmem:s11+$0xC010] =	vst v1;
	v1 =	vld [tilespmem:s11+$0x1030]  }
0x22d: {  	[tilespmem:s11+$0xD010] =	vst v2;
	v2 =	vadd.f32 v5, v3;
	v5 =	vld [tilespmem:s11+$0xA030]  }
0x22e: {  	v7 =	vadd.f32 v8, v3;
	v8 =	vld [tilespmem:s11+$0xB030]  }
0x22f: {  	[tilespmem:s11+$0xA020] =	vst v2;
	v2 =	vadd.f32 v6, v3;
	v6 =	vld [tilespmem:s11+$0xC030]  }
0x230: {  	[tilespmem:s11+$0xB020] =	vst v7;
	v3 =	vadd.f32 v4, v3;
	v4 =	vld [tilespmem:s11+$0xD030]  }
0x231: {  	[tilespmem:s11+$0xC020] =	vst v2;
	v2 =	vld [tilespmem:s11+$0x1040]  }
0x232: {  	[tilespmem:s11+$0xD020] =	vst v3;
	v3 =	vadd.f32 v5, v1;
	v5 =	vld [tilespmem:s11+$0xA040]  }
0x233: {  	v7 =	vadd.f32 v8, v1;
	v8 =	vld [tilespmem:s11+$0xB040]  }
0x234: {  	[tilespmem:s11+$0xA030] =	vst v3;
	v3 =	vadd.f32 v6, v1;
	v6 =	vld [tilespmem:s11+$0xC040]  }
0x235: {  	[tilespmem:s11+$0xB030] =	vst v7;
	v1 =	vadd.f32 v4, v1;
	v4 =	vld [tilespmem:s11+$0xD040]  }
0x236: {  	[tilespmem:s11+$0xC030] =	vst v3;
	v3 =	vld [tilespmem:s11+$0x1050]  }
0x237: {  	[tilespmem:s11+$0xD030] =	vst v1;
	v1 =	vadd.f32 v5, v2;
	v5 =	vld [tilespmem:s11+$0xA050]  }
0x238: {  	v7 =	vadd.f32 v8, v2;
	v8 =	vld [tilespmem:s11+$0xB050]  }
0x239: {  	[tilespmem:s11+$0xA040] =	vst v1;
	v1 =	vadd.f32 v6, v2;
	v6 =	vld [tilespmem:s11+$0xC050]  }
0x23a: {  	[tilespmem:s11+$0xB040] =	vst v7;
	v2 =	vadd.f32 v4, v2;
	v4 =	vld [tilespmem:s11+$0xD050]  }
0x23b: {  	[tilespmem:s11+$0xC040] =	vst v1;
	v1 =	vld [tilespmem:s11+$0x1060]  }
0x23c: {  	[tilespmem:s11+$0xD040] =	vst v2;
	v2 =	vadd.f32 v5, v3;
	v5 =	vld [tilespmem:s11+$0xA060]  }
0x23d: {  	v7 =	vadd.f32 v8, v3;
	v8 =	vld [tilespmem:s11+$0xB060]  }
0x23e: {  	[tilespmem:s11+$0xA050] =	vst v2;
	v2 =	vadd.f32 v6, v3;
	v6 =	vld [tilespmem:s11+$0xC060]  }
0x23f: {  	[tilespmem:s11+$0xB050] =	vst v7;
	v3 =	vadd.f32 v4, v3;
	v4 =	vld [tilespmem:s11+$0xD060]  }
0x240: {  	[tilespmem:s11+$0xC050] =	vst v2;
	v2 =	vld [tilespmem:s11+$0x1070]  }
0x241: {  	[tilespmem:s11+$0xD050] =	vst v3;
	v3 =	vadd.f32 v5, v1;
	v5 =	vld [tilespmem:s11+$0xA070]  }
0x242: {  	v7 =	vadd.f32 v8, v1;
	v8 =	vld [tilespmem:s11+$0xB070]  }
0x243: {  	[tilespmem:s11+$0xA060] =	vst v3;
	v3 =	vadd.f32 v6, v1;
	v6 =	vld [tilespmem:s11+$0xC070]  }
0x244: {  	[tilespmem:s11+$0xB060] =	vst v7;
	v1 =	vadd.f32 v4, v1;
	v4 =	vld [tilespmem:s11+$0xD070]  }
0x245: {  	[tilespmem:s11+$0xC060] =	vst v3;
	v3 =	vld [tilespmem:s11+$0x1080]  }
0x246: {  	[tilespmem:s11+$0xD060] =	vst v1;
	v1 =	vadd.f32 v5, v2;
	v5 =	vld [tilespmem:s11+$0xA080]  }
0x247: {  	v7 =	vadd.f32 v8, v2;
	v8 =	vld [tilespmem:s11+$0xB080]  }
0x248: {  	[tilespmem:s11+$0xA070] =	vst v1;
	v1 =	vadd.f32 v6, v2;
	v6 =	vld [tilespmem:s11+$0xC080]  }
0x249: {  	[tilespmem:s11+$0xB070] =	vst v7;
	v2 =	vadd.f32 v4, v2;
	v4 =	vld [tilespmem:s11+$0xD080]  }
0x24a: {  	[tilespmem:s11+$0xC070] =	vst v1;
	v1 =	vld [tilespmem:s11+$0x1090]  }
0x24b: {  	[tilespmem:s11+$0xD070] =	vst v2;
	v2 =	vadd.f32 v5, v3;
	v5 =	vld [tilespmem:s11+$0xA090]  }
0x24c: {  	v7 =	vadd.f32 v8, v3;
	v8 =	vld [tilespmem:s11+$0xB090]  }
0x24d: {  	[tilespmem:s11+$0xA080] =	vst v2;
	v2 =	vadd.f32 v6, v3;
	v6 =	vld [tilespmem:s11+$0xC090]  }
0x24e: {  	[tilespmem:s11+$0xB080] =	vst v7;
	v3 =	vadd.f32 v4, v3;
	v4 =	vld [tilespmem:s11+$0xD090]  }
0x24f: {  	[tilespmem:s11+$0xC080] =	vst v2;
	v2 =	vld [tilespmem:s11+$0x10A0]  }
0x250: {  	[tilespmem:s11+$0xD080] =	vst v3;
	v3 =	vadd.f32 v5, v1;
	v5 =	vld [tilespmem:s11+$0xA0A0]  }
0x251: {  	v7 =	vadd.f32 v8, v1;
	v8 =	vld [tilespmem:s11+$0xB0A0]  }
0x252: {  	[tilespmem:s11+$0xA090] =	vst v3;
	v3 =	vadd.f32 v6, v1;
	v6 =	vld [tilespmem:s11+$0xC0A0]  }
0x253: {  	[tilespmem:s11+$0xB090] =	vst v7;
	v1 =	vadd.f32 v4, v1;
	v4 =	vld [tilespmem:s11+$0xD0A0]  }
0x254: {  	[tilespmem:s11+$0xC090] =	vst v3;
	v3 =	vld [tilespmem:s11+$0x10B0]  }
0x255: {  	[tilespmem:s11+$0xD090] =	vst v1;
	v1 =	vadd.f32 v5, v2;
	v5 =	vld [tilespmem:s11+$0xA0B0]  }
0x256: {  	v7 =	vadd.f32 v8, v2;
	v8 =	vld [tilespmem:s11+$0xB0B0]  }
0x257: {  	[tilespmem:s11+$0xA0A0] =	vst v1;
	v1 =	vadd.f32 v6, v2;
	v6 =	vld [tilespmem:s11+$0xC0B0]  }
0x258: {  	[tilespmem:s11+$0xB0A0] =	vst v7;
	v2 =	vadd.f32 v4, v2;
	v4 =	vld [tilespmem:s11+$0xD0B0]  }
0x259: {  	[tilespmem:s11+$0xC0A0] =	vst v1;
	v1 =	vld [tilespmem:s11+$0x10C0]  }
0x25a: {  	[tilespmem:s11+$0xD0A0] =	vst v2;
	v2 =	vadd.f32 v5, v3;
	v5 =	vld [tilespmem:s11+$0xA0C0]  }
0x25b: {  	v7 =	vadd.f32 v8, v3;
	v8 =	vld [tilespmem:s11+$0xB0C0]  }
0x25c: {  	[tilespmem:s11+$0xA0B0] =	vst v2;
	v2 =	vadd.f32 v6, v3;
	v6 =	vld [tilespmem:s11+$0xC0C0]  }
0x25d: {  	[tilespmem:s11+$0xB0B0] =	vst v7;
	v3 =	vadd.f32 v4, v3;
	v4 =	vld [tilespmem:s11+$0xD0C0]  }
0x25e: {  	[tilespmem:s11+$0xC0B0] =	vst v2;
	v2 =	vld [tilespmem:s11+$0x10D0]  }
0x25f: {  	[tilespmem:s11+$0xD0B0] =	vst v3;
	v3 =	vadd.f32 v5, v1;
	v5 =	vld [tilespmem:s11+$0xA0D0]  }
0x260: {  	v7 =	vadd.f32 v8, v1;
	v8 =	vld [tilespmem:s11+$0xB0D0]  }
0x261: {  	[tilespmem:s11+$0xA0C0] =	vst v3;
	v3 =	vadd.f32 v6, v1;
	v9 =	vld [tilespmem:s11+$0xC0D0]  }
0x262: {  	[tilespmem:s11+$0xB0C0] =	vst v7;
	v4 =	vadd.f32 v4, v1;
	v7 =	vld [tilespmem:s11+$0xD0D0]  }
0x263: {  	[tilespmem:s11+$0xC0C0] =	vst v3;
	v1 =	vld [tilespmem:s11+$0x10E0]  }
0x264: {  	[tilespmem:s11+$0xD0C0] =	vst v4;
	v3 =	vadd.f32 v5, v2;
	v5 =	vld [tilespmem:s11+$0xA0E0]  }
.Ltmp25:
0x265: {  	v4 =	vadd.f32 v8, v2;
	v6 =	vld [tilespmem:s11+$0xB0E0];
	(pc) =	sbr.rel @p4 .LBB2_28-.Ltmp25, $4  }
0x266: {  	[tilespmem:s11+$0xA0D0] =	vst v3;
	v8 =	vadd.f32 v9, v2;
	v3 =	vld [tilespmem:s11+$0xC0E0]  }
0x267: {  	[tilespmem:s11+$0xB0D0] =	vst v4;
	v7 =	vadd.f32 v7, v2;
	v4 =	vld [tilespmem:s11+$0xD0E0]  }
0x268: {  	[tilespmem:s11+$0xC0D0] =	vst v8;
	v2 =	vld [tilespmem:s11+$0xA0F0]  }
0x269: {  	s15 =	sadd.s32 $0x400, s15;
	[tilespmem:s11+$0xD0D0] =	vst v7;
	v7 =	vadd.f32 v5, v1;
	v5 =	vld [tilespmem:s11+$0xB0F0]  }
0x26a: {  	v6 =	vadd.f32 v6, v1;
	v8 =	vld [tilespmem:s11+$0xC0F0]  }
0x26b: {  	[tilespmem:s11+$0xA0E0] =	vst v7;
	v3 =	vadd.f32 v3, v1  }
0x26c: {  	[tilespmem:s11+$0xB0E0] =	vst v6;
	v61 =	vadd.f32 v4, v1  }
0x26d: {  	[tilespmem:s11+$0xC0E0] =	vst v3;
	v2 =	vadd.f32 v2, v0  }
0x26e: {  	s12 =	sadd.s32 s6, s26;
	s13 =	sshll.u32 s26, $0x4;
	[tilespmem:s11+$0xD0E0] =	vst v61;
	v62 =	vadd.f32 v5, v0  }
0x26f: {  	s12 =	sshll.u32 s12, $0x9;
	s13 =	sand.u32 $0x70, s13;
	[tilespmem:s11+$0xA0F0] =	vst v2;
	v63 =	vadd.f32 v8, v0  }
0x270: {  	s12 =	sand.u32 $0xFF000, s12;
	s13 =	sadd.s32 s4, s13;
	[tilespmem:s11+$0xB0F0] =	vst v62  }
0x271: {  	s16 =	sadd.s32 s12, s13;
	[tilespmem:s11+$0xC0F0] =	vst v63  }
0x272: {  	[hbm4b:s16+s7] =	stream.strided.scatter [tilespmem:s18], [sflag:$0x8], $0x1000, s9, s7, $0x38;
	[tilespmem:$0x1E000] =	vst v63  }
0x273: {  	s12 =	sadd.s32 $0x100000, s16  }
0x274: {  	[hbm4b:s12+s7] =	stream.strided.scatter [tilespmem:s19], [sflag:$0x8], $0x1000, s9, s7, $0x38;
	[tilespmem:$0x1E000] =	vst v63  }
0x275: {  	s17 =	sadd.s32 $0x200000, s16  }
0x276: {  	[hbm4b:s17+s7] =	stream.strided.scatter [tilespmem:s20], [sflag:$0x8], $0x1000, s9, s7, $0x38;
	[tilespmem:$0x1E000] =	vst v63  }
0x277: {  	s11 =	sadd.s32 $0x300000, s16  }
0x278: {  	[hbm4b:s11+s7] =	stream.strided.scatter [tilespmem:s21], [sflag:$0x8], $0x1000, s9, s7, $0x38;
	[tilespmem:$0x1E000] =	vst v63  }
.LBB2_30:
.Ltmp26:
0x279: {  	(pc) =	sbr.rel @!p3 .LBB2_34-.Ltmp26, $1  }
0x27a: {  	_ =	sdelay $0x3  }
0x27b: {  	s11 =	simm.s32 $0x0  }
0x27c: {  	v0 =	vld [tilespmem:s11+$0x20F0]  }
0x27d: {  	v1 =	vld [tilespmem:s11+$0x110F0]  }
0x27e: {  	v2 =	vld [tilespmem:s11+$0x2000]  }
0x27f: {  	v3 =	vld [tilespmem:s11+$0xE000]  }
0x280: {  	v4 =	vld [tilespmem:s11+$0xF000]  }
0x281: {  	v5 =	vld [tilespmem:s11+$0x10000]  }
0x282: {  	v6 =	vld [tilespmem:s11+$0x11000]  }
0x283: {  	v7 =	vld [tilespmem:s11+$0x2010]  }
0x284: {  	v8 =	vld [tilespmem:s11+$0xE010]  }
0x285: {  	v9 =	vld [tilespmem:s11+$0xF010]  }
0x286: {  	v10 =	vld [tilespmem:s11+$0x10010]  }
0x287: {  	v11 =	vld [tilespmem:s11+$0x11010]  }
0x288: {  	v12 =	vld [tilespmem:s11+$0x2020]  }
0x289: {  	v13 =	vld [tilespmem:s11+$0xE020]  }
0x28a: {  	v14 =	vld [tilespmem:s11+$0xF020]  }
0x28b: {  	v15 =	vld [tilespmem:s11+$0x10020]  }
0x28c: {  	v16 =	vld [tilespmem:s11+$0x11020]  }
0x28d: {  	v17 =	vld [tilespmem:s11+$0x2030]  }
0x28e: {  	v18 =	vld [tilespmem:s11+$0xE030]  }
0x28f: {  	v19 =	vld [tilespmem:s11+$0xF030];
	v1 =	vadd.f32 v1, v0  }
0x290: {  	v20 =	vld [tilespmem:s11+$0x10030];
	v3 =	vadd.f32 v3, v2  }
0x291: {  	v21 =	vld [tilespmem:s11+$0x11030];
	[tilespmem:s11+$0x110F0] =	vst v1;
	v1 =	vadd.f32 v4, v2  }
0x292: {  	v43 =	vld [tilespmem:s11+$0x2050];
	[tilespmem:s11+$0xE000] =	vst v3;
	v3 =	vadd.f32 v5, v2  }
0x293: {  	v44 =	vld [tilespmem:s11+$0xF050];
	[tilespmem:s11+$0xF000] =	vst v1;
	v1 =	vadd.f32 v6, v2  }
0x294: {  	v45 =	vld [tilespmem:s11+$0x10050];
	[tilespmem:s11+$0x10000] =	vst v3;
	v3 =	vadd.f32 v8, v7  }
0x295: {  	v46 =	vld [tilespmem:s11+$0x11050];
	[tilespmem:s11+$0x11000] =	vst v1;
	v1 =	vadd.f32 v9, v7  }
0x296: {  	v47 =	vld [tilespmem:s11+$0x2060];
	[tilespmem:s11+$0xE010] =	vst v3;
	v3 =	vadd.f32 v10, v7  }
0x297: {  	v48 =	vld [tilespmem:s11+$0xE060];
	[tilespmem:s11+$0xF010] =	vst v1;
	v1 =	vadd.f32 v11, v7  }
0x298: {  	v49 =	vld [tilespmem:s11+$0xF060];
	[tilespmem:s11+$0x10010] =	vst v3;
	v3 =	vadd.f32 v13, v12  }
0x299: {  	v50 =	vld [tilespmem:s11+$0x10060];
	[tilespmem:s11+$0x11010] =	vst v1;
	v1 =	vadd.f32 v14, v12  }
0x29a: {  	v4 =	vld [tilespmem:s11+$0x2040];
	[tilespmem:s11+$0xE020] =	vst v3;
	v3 =	vadd.f32 v15, v12  }
0x29b: {  	v5 =	vld [tilespmem:s11+$0xE040];
	[tilespmem:s11+$0xF020] =	vst v1;
	v1 =	vadd.f32 v16, v12  }
0x29c: {  	v2 =	vld [tilespmem:s11+$0xF040];
	[tilespmem:s11+$0x10020] =	vst v3;
	v3 =	vadd.f32 v18, v17  }
0x29d: {  	v6 =	vld [tilespmem:s11+$0x10040];
	[tilespmem:s11+$0x11020] =	vst v1;
	v1 =	vadd.f32 v19, v17  }
0x29e: {  	v8 =	vld [tilespmem:s11+$0x11040];
	[tilespmem:s11+$0xE030] =	vst v3;
	v3 =	vadd.f32 v20, v17  }
0x29f: {  	v7 =	vld [tilespmem:s11+$0xE050];
	[tilespmem:s11+$0xF030] =	vst v1;
	v1 =	vadd.f32 v21, v17  }
0x2a0: {  	v51 =	vld [tilespmem:s11+$0x11060];
	[tilespmem:s11+$0x10030] =	vst v3;
	v3 =	vadd.f32 v5, v4  }
0x2a1: {  	v5 =	vld [tilespmem:s11+$0x2070];
	[tilespmem:s11+$0x11030] =	vst v1;
	v1 =	vadd.f32 v2, v4  }
0x2a2: {  	v2 =	vld [tilespmem:s11+$0xE070];
	[tilespmem:s11+$0xE040] =	vst v3;
	v3 =	vadd.f32 v6, v4  }
0x2a3: {  	v52 =	vld [tilespmem:s11+$0xE080];
	[tilespmem:s11+$0xF040] =	vst v1;
	v1 =	vadd.f32 v8, v4  }
0x2a4: {  	v53 =	vld [tilespmem:s11+$0xF080];
	[tilespmem:s11+$0x10040] =	vst v3;
	v3 =	vadd.f32 v7, v43  }
0x2a5: {  	v54 =	vld [tilespmem:s11+$0x10080];
	[tilespmem:s11+$0x11040] =	vst v1;
	v1 =	vadd.f32 v44, v43  }
0x2a6: {  	v4 =	vld [tilespmem:s11+$0x10070];
	[tilespmem:s11+$0xE050] =	vst v3;
	v3 =	vadd.f32 v45, v43  }
0x2a7: {  	v55 =	vld [tilespmem:s11+$0x11080];
	v2 =	vadd.f32 v2, v5;
	[tilespmem:s11+$0xF050] =	vst v1  }
0x2a8: {  	v56 =	vld [tilespmem:s11+$0x2090];
	v1 =	vadd.f32 v46, v43;
	[tilespmem:s11+$0x10050] =	vst v3  }
0x2a9: {  	v6 =	vld [tilespmem:s11+$0xF070];
	v3 =	vadd.f32 v48, v47;
	[tilespmem:s11+$0xE070] =	vst v2  }
0x2aa: {  	v8 =	vld [tilespmem:s11+$0x2080];
	[tilespmem:s11+$0x11050] =	vst v1;
	v1 =	vadd.f32 v49, v47  }
0x2ab: {  	v7 =	vld [tilespmem:s11+$0x11070];
	v2 =	vadd.f32 v4, v5;
	[tilespmem:s11+$0xE060] =	vst v3  }
0x2ac: {  	v57 =	vld [tilespmem:s11+$0xE090];
	[tilespmem:s11+$0xF060] =	vst v1;
	v1 =	vadd.f32 v51, v47  }
0x2ad: {  	v58 =	vld [tilespmem:s11+$0xF0A0];
	v3 =	vadd.f32 v50, v47;
	[tilespmem:s11+$0x10070] =	vst v2  }
0x2ae: {  	v59 =	vld [tilespmem:s11+$0x100A0];
	[tilespmem:s11+$0x11060] =	vst v1;
	v1 =	vadd.f32 v6, v5  }
0x2af: {  	v2 =	vadd.f32 v52, v8;
	[tilespmem:s11+$0x10060] =	vst v3;
	v3 =	vld [tilespmem:s11+$0xF090]  }
0x2b0: {  	v6 =	vld [tilespmem:s11+$0x10090];
	[tilespmem:s11+$0xF070] =	vst v1;
	v1 =	vadd.f32 v7, v5  }
0x2b1: {  	[tilespmem:s11+$0xE080] =	vst v2;
	v2 =	vadd.f32 v54, v8;
	v5 =	vld [tilespmem:s11+$0x20A0]  }
0x2b2: {  	v7 =	vld [tilespmem:s11+$0xE0A0];
	[tilespmem:s11+$0x11070] =	vst v1;
	v1 =	vadd.f32 v53, v8  }
0x2b3: {  	v4 =	vld [tilespmem:s11+$0x11090];
	[tilespmem:s11+$0x10080] =	vst v2;
	v2 =	vadd.f32 v57, v56  }
0x2b4: {  	v60 =	vld [tilespmem:s11+$0x20B0];
	[tilespmem:s11+$0xF080] =	vst v1;
	v1 =	vadd.f32 v55, v8  }
0x2b5: {  	v61 =	vld [tilespmem:s11+$0x20C0];
	[tilespmem:s11+$0xE090] =	vst v2;
	v2 =	vadd.f32 v6, v56  }
0x2b6: {  	[tilespmem:s11+$0x11080] =	vst v1;
	v1 =	vadd.f32 v3, v56;
	v3 =	vld [tilespmem:s11+$0xE0B0]  }
0x2b7: {  	v8 =	vld [tilespmem:s11+$0x110A0];
	[tilespmem:s11+$0x10090] =	vst v2;
	v2 =	vadd.f32 v7, v5  }
0x2b8: {  	v6 =	vld [tilespmem:s11+$0xF0B0];
	[tilespmem:s11+$0xF090] =	vst v1;
	v1 =	vadd.f32 v4, v56  }
0x2b9: {  	[tilespmem:s11+$0xE0A0] =	vst v2;
	v2 =	vadd.f32 v59, v5;
	v4 =	vld [tilespmem:s11+$0x100B0]  }
0x2ba: {  	v62 =	vld [tilespmem:s11+$0xE0C0];
	[tilespmem:s11+$0x11090] =	vst v1;
	v1 =	vadd.f32 v58, v5  }
0x2bb: {  	v7 =	vld [tilespmem:s11+$0x110B0];
	[tilespmem:s11+$0x100A0] =	vst v2;
	v2 =	vadd.f32 v3, v60  }
0x2bc: {  	v3 =	vld [tilespmem:s11+$0x100C0];
	[tilespmem:s11+$0xF0A0] =	vst v1;
	v1 =	vadd.f32 v8, v5  }
0x2bd: {  	v5 =	vld [tilespmem:s11+$0xF0C0];
	[tilespmem:s11+$0xE0B0] =	vst v2  }
0x2be: {  	v2 =	vadd.f32 v4, v60;
	v4 =	vld [tilespmem:s11+$0x20D0];
	[tilespmem:s11+$0x110A0] =	vst v1;
	v1 =	vadd.f32 v6, v60  }
0x2bf: {  	v6 =	vld [tilespmem:s11+$0x110C0]  }
0x2c0: {  	[tilespmem:s11+$0xF0B0] =	vst v1;
	v1 =	vadd.f32 v7, v60;
	v7 =	vld [tilespmem:s11+$0xE0D0]  }
0x2c1: {  	v8 =	vld [tilespmem:s11+$0xF0D0];
	[tilespmem:s11+$0x100B0] =	vst v2;
	v2 =	vadd.f32 v62, v61  }
0x2c2: {  	[tilespmem:s11+$0x110B0] =	vst v1;
	v1 =	vadd.f32 v5, v61;
	v5 =	vld [tilespmem:s11+$0x100D0]  }
0x2c3: {  	v63 =	vld [tilespmem:s11+$0x110D0];
	[tilespmem:s11+$0xE0C0] =	vst v2;
	v2 =	vadd.f32 v3, v61  }
0x2c4: {  	v3 =	vadd.f32 v6, v61;
	[tilespmem:s11+$0xF0C0] =	vst v1;
	v1 =	vld [tilespmem:s11+$0x20E0]  }
0x2c5: {  	[tilespmem:s11+$0x100C0] =	vst v2;
	v2 =	vadd.f32 v7, v4;
	v7 =	vld [tilespmem:s11+$0xE0E0]  }
0x2c6: {  	v8 =	vadd.f32 v8, v4;
	v6 =	vld [tilespmem:s11+$0xF0E0];
	[tilespmem:s11+$0x110C0] =	vst v3  }
0x2c7: {  	v3 =	vld [tilespmem:s11+$0x100E0];
	[tilespmem:s11+$0xE0D0] =	vst v2;
	v2 =	vadd.f32 v5, v4  }
0x2c8: {  	[tilespmem:s11+$0xF0D0] =	vst v8;
	v5 =	vadd.f32 v63, v4;
	v4 =	vld [tilespmem:s11+$0x110E0]  }
0x2c9: {  	[tilespmem:s11+$0x100D0] =	vst v2;
	v2 =	vld [tilespmem:s11+$0xE0F0]  }
0x2ca: {  	s13 =	simm.s32 $0x0;
	s15 =	simm.s32 $0x400;
	[tilespmem:s11+$0x110D0] =	vst v5;
	v5 =	vld [tilespmem:s11+$0xF0F0];
	v7 =	vadd.f32 v7, v1  }
.LBB2_32:
0x2cb: {  	s12 =	sshra.s32 s15, $0x2;
	v6 =	vadd.f32 v6, v1;
	v8 =	vld [tilespmem:s11+$0x100F0]  }
0x2cc: {  	s13 =	sadd.s32 $0x10, s13;
	v9 =	vld [tilespmem:s12+$0x20F0];
	[tilespmem:s11+$0xE0E0] =	vst v7;
	v3 =	vadd.f32 v3, v1  }
0x2cd: {  	p3 =	slt.u32 s13, $0xF0;
	v7 =	vld [tilespmem:s12+$0x110F0];
	[tilespmem:s11+$0xF0E0] =	vst v6;
	v1 =	vadd.f32 v4, v1  }
0x2ce: {  	v4 =	vld [tilespmem:s12+$0x2000];
	[tilespmem:s11+$0x100E0] =	vst v3;
	v2 =	vadd.f32 v2, v0  }
0x2cf: {  	v3 =	vld [tilespmem:s12+$0xE000];
	[tilespmem:s11+$0x110E0] =	vst v1;
	v1 =	vadd.f32 v5, v0  }
0x2d0: {  	v5 =	vld [tilespmem:s12+$0xF000];
	[tilespmem:s11+$0xE0F0] =	vst v2;
	v2 =	vadd.f32 v8, v0  }
0x2d1: {  	v6 =	vld [tilespmem:s12+$0x10000];
	[tilespmem:s11+$0xF0F0] =	vst v1;
	v0 =	vmov v9  }
0x2d2: {  	v1 =	vld [tilespmem:s12+$0x11000];
	v7 =	vadd.f32 v7, v0;
	[tilespmem:s11+$0x100F0] =	vst v2;
	s11 =	smov.u32 s12  }
0x2d3: {  	v2 =	vld [tilespmem:s11+$0x2010]  }
0x2d4: {  	v3 =	vadd.f32 v3, v4;
	v8 =	vld [tilespmem:s11+$0xE010];
	[tilespmem:s11+$0x110F0] =	vst v7  }
0x2d5: {  	v5 =	vadd.f32 v5, v4;
	v7 =	vld [tilespmem:s11+$0xF010]  }
0x2d6: {  	[tilespmem:s11+$0xE000] =	vst v3;
	v3 =	vadd.f32 v6, v4;
	v6 =	vld [tilespmem:s11+$0x10010]  }
0x2d7: {  	[tilespmem:s11+$0xF000] =	vst v5;
	v1 =	vadd.f32 v1, v4;
	v4 =	vld [tilespmem:s11+$0x11010]  }
0x2d8: {  	[tilespmem:s11+$0x10000] =	vst v3;
	v3 =	vld [tilespmem:s11+$0x2020]  }
0x2d9: {  	[tilespmem:s11+$0x11000] =	vst v1;
	v1 =	vadd.f32 v8, v2;
	v5 =	vld [tilespmem:s11+$0xE020]  }
0x2da: {  	v7 =	vadd.f32 v7, v2;
	v8 =	vld [tilespmem:s11+$0xF020]  }
0x2db: {  	[tilespmem:s11+$0xE010] =	vst v1;
	v1 =	vadd.f32 v6, v2;
	v6 =	vld [tilespmem:s11+$0x10020]  }
0x2dc: {  	[tilespmem:s11+$0xF010] =	vst v7;
	v2 =	vadd.f32 v4, v2;
	v4 =	vld [tilespmem:s11+$0x11020]  }
0x2dd: {  	[tilespmem:s11+$0x10010] =	vst v1;
	v1 =	vld [tilespmem:s11+$0x2030]  }
0x2de: {  	[tilespmem:s11+$0x11010] =	vst v2;
	v2 =	vadd.f32 v5, v3;
	v5 =	vld [tilespmem:s11+$0xE030]  }
0x2df: {  	v7 =	vadd.f32 v8, v3;
	v8 =	vld [tilespmem:s11+$0xF030]  }
0x2e0: {  	[tilespmem:s11+$0xE020] =	vst v2;
	v2 =	vadd.f32 v6, v3;
	v6 =	vld [tilespmem:s11+$0x10030]  }
0x2e1: {  	[tilespmem:s11+$0xF020] =	vst v7;
	v3 =	vadd.f32 v4, v3;
	v4 =	vld [tilespmem:s11+$0x11030]  }
0x2e2: {  	[tilespmem:s11+$0x10020] =	vst v2;
	v2 =	vld [tilespmem:s11+$0x2040]  }
0x2e3: {  	[tilespmem:s11+$0x11020] =	vst v3;
	v3 =	vadd.f32 v5, v1;
	v5 =	vld [tilespmem:s11+$0xE040]  }
0x2e4: {  	v7 =	vadd.f32 v8, v1;
	v8 =	vld [tilespmem:s11+$0xF040]  }
0x2e5: {  	[tilespmem:s11+$0xE030] =	vst v3;
	v3 =	vadd.f32 v6, v1;
	v6 =	vld [tilespmem:s11+$0x10040]  }
0x2e6: {  	[tilespmem:s11+$0xF030] =	vst v7;
	v1 =	vadd.f32 v4, v1;
	v4 =	vld [tilespmem:s11+$0x11040]  }
0x2e7: {  	[tilespmem:s11+$0x10030] =	vst v3;
	v3 =	vld [tilespmem:s11+$0x2050]  }
0x2e8: {  	[tilespmem:s11+$0x11030] =	vst v1;
	v1 =	vadd.f32 v5, v2;
	v5 =	vld [tilespmem:s11+$0xE050]  }
0x2e9: {  	v7 =	vadd.f32 v8, v2;
	v8 =	vld [tilespmem:s11+$0xF050]  }
0x2ea: {  	[tilespmem:s11+$0xE040] =	vst v1;
	v1 =	vadd.f32 v6, v2;
	v6 =	vld [tilespmem:s11+$0x10050]  }
0x2eb: {  	[tilespmem:s11+$0xF040] =	vst v7;
	v2 =	vadd.f32 v4, v2;
	v4 =	vld [tilespmem:s11+$0x11050]  }
0x2ec: {  	[tilespmem:s11+$0x10040] =	vst v1;
	v1 =	vld [tilespmem:s11+$0x2060]  }
0x2ed: {  	[tilespmem:s11+$0x11040] =	vst v2;
	v2 =	vadd.f32 v5, v3;
	v5 =	vld [tilespmem:s11+$0xE060]  }
0x2ee: {  	v7 =	vadd.f32 v8, v3;
	v8 =	vld [tilespmem:s11+$0xF060]  }
0x2ef: {  	[tilespmem:s11+$0xE050] =	vst v2;
	v2 =	vadd.f32 v6, v3;
	v6 =	vld [tilespmem:s11+$0x10060]  }
0x2f0: {  	[tilespmem:s11+$0xF050] =	vst v7;
	v3 =	vadd.f32 v4, v3;
	v4 =	vld [tilespmem:s11+$0x11060]  }
0x2f1: {  	[tilespmem:s11+$0x10050] =	vst v2;
	v2 =	vld [tilespmem:s11+$0x2070]  }
0x2f2: {  	[tilespmem:s11+$0x11050] =	vst v3;
	v3 =	vadd.f32 v5, v1;
	v5 =	vld [tilespmem:s11+$0xE070]  }
0x2f3: {  	v7 =	vadd.f32 v8, v1;
	v8 =	vld [tilespmem:s11+$0xF070]  }
0x2f4: {  	[tilespmem:s11+$0xE060] =	vst v3;
	v3 =	vadd.f32 v6, v1;
	v6 =	vld [tilespmem:s11+$0x10070]  }
0x2f5: {  	[tilespmem:s11+$0xF060] =	vst v7;
	v1 =	vadd.f32 v4, v1;
	v4 =	vld [tilespmem:s11+$0x11070]  }
0x2f6: {  	[tilespmem:s11+$0x10060] =	vst v3;
	v3 =	vld [tilespmem:s11+$0x2080]  }
0x2f7: {  	[tilespmem:s11+$0x11060] =	vst v1;
	v1 =	vadd.f32 v5, v2;
	v5 =	vld [tilespmem:s11+$0xE080]  }
0x2f8: {  	v7 =	vadd.f32 v8, v2;
	v8 =	vld [tilespmem:s11+$0xF080]  }
0x2f9: {  	[tilespmem:s11+$0xE070] =	vst v1;
	v1 =	vadd.f32 v6, v2;
	v6 =	vld [tilespmem:s11+$0x10080]  }
0x2fa: {  	[tilespmem:s11+$0xF070] =	vst v7;
	v2 =	vadd.f32 v4, v2;
	v4 =	vld [tilespmem:s11+$0x11080]  }
0x2fb: {  	[tilespmem:s11+$0x10070] =	vst v1;
	v1 =	vld [tilespmem:s11+$0x2090]  }
0x2fc: {  	[tilespmem:s11+$0x11070] =	vst v2;
	v2 =	vadd.f32 v5, v3;
	v5 =	vld [tilespmem:s11+$0xE090]  }
0x2fd: {  	v7 =	vadd.f32 v8, v3;
	v8 =	vld [tilespmem:s11+$0xF090]  }
0x2fe: {  	[tilespmem:s11+$0xE080] =	vst v2;
	v2 =	vadd.f32 v6, v3;
	v6 =	vld [tilespmem:s11+$0x10090]  }
0x2ff: {  	[tilespmem:s11+$0xF080] =	vst v7;
	v3 =	vadd.f32 v4, v3;
	v4 =	vld [tilespmem:s11+$0x11090]  }
0x300: {  	[tilespmem:s11+$0x10080] =	vst v2;
	v2 =	vld [tilespmem:s11+$0x20A0]  }
0x301: {  	[tilespmem:s11+$0x11080] =	vst v3;
	v3 =	vadd.f32 v5, v1;
	v5 =	vld [tilespmem:s11+$0xE0A0]  }
0x302: {  	v7 =	vadd.f32 v8, v1;
	v8 =	vld [tilespmem:s11+$0xF0A0]  }
0x303: {  	[tilespmem:s11+$0xE090] =	vst v3;
	v3 =	vadd.f32 v6, v1;
	v6 =	vld [tilespmem:s11+$0x100A0]  }
0x304: {  	[tilespmem:s11+$0xF090] =	vst v7;
	v1 =	vadd.f32 v4, v1;
	v4 =	vld [tilespmem:s11+$0x110A0]  }
0x305: {  	[tilespmem:s11+$0x10090] =	vst v3;
	v3 =	vld [tilespmem:s11+$0x20B0]  }
0x306: {  	[tilespmem:s11+$0x11090] =	vst v1;
	v1 =	vadd.f32 v5, v2;
	v5 =	vld [tilespmem:s11+$0xE0B0]  }
0x307: {  	v7 =	vadd.f32 v8, v2;
	v8 =	vld [tilespmem:s11+$0xF0B0]  }
0x308: {  	[tilespmem:s11+$0xE0A0] =	vst v1;
	v1 =	vadd.f32 v6, v2;
	v6 =	vld [tilespmem:s11+$0x100B0]  }
0x309: {  	[tilespmem:s11+$0xF0A0] =	vst v7;
	v2 =	vadd.f32 v4, v2;
	v4 =	vld [tilespmem:s11+$0x110B0]  }
0x30a: {  	[tilespmem:s11+$0x100A0] =	vst v1;
	v1 =	vld [tilespmem:s11+$0x20C0]  }
0x30b: {  	[tilespmem:s11+$0x110A0] =	vst v2;
	v2 =	vadd.f32 v5, v3;
	v5 =	vld [tilespmem:s11+$0xE0C0]  }
0x30c: {  	v7 =	vadd.f32 v8, v3;
	v8 =	vld [tilespmem:s11+$0xF0C0]  }
0x30d: {  	[tilespmem:s11+$0xE0B0] =	vst v2;
	v2 =	vadd.f32 v6, v3;
	v6 =	vld [tilespmem:s11+$0x100C0]  }
0x30e: {  	[tilespmem:s11+$0xF0B0] =	vst v7;
	v3 =	vadd.f32 v4, v3;
	v4 =	vld [tilespmem:s11+$0x110C0]  }
0x30f: {  	[tilespmem:s11+$0x100B0] =	vst v2;
	v2 =	vld [tilespmem:s11+$0x20D0]  }
0x310: {  	[tilespmem:s11+$0x110B0] =	vst v3;
	v3 =	vadd.f32 v5, v1;
	v5 =	vld [tilespmem:s11+$0xE0D0]  }
0x311: {  	v7 =	vadd.f32 v8, v1;
	v8 =	vld [tilespmem:s11+$0xF0D0]  }
0x312: {  	[tilespmem:s11+$0xE0C0] =	vst v3;
	v3 =	vadd.f32 v6, v1;
	v9 =	vld [tilespmem:s11+$0x100D0]  }
0x313: {  	[tilespmem:s11+$0xF0C0] =	vst v7;
	v4 =	vadd.f32 v4, v1;
	v7 =	vld [tilespmem:s11+$0x110D0]  }
0x314: {  	[tilespmem:s11+$0x100C0] =	vst v3;
	v1 =	vld [tilespmem:s11+$0x20E0]  }
0x315: {  	[tilespmem:s11+$0x110C0] =	vst v4;
	v3 =	vadd.f32 v5, v2;
	v5 =	vld [tilespmem:s11+$0xE0E0]  }
.Ltmp27:
0x316: {  	v4 =	vadd.f32 v8, v2;
	v6 =	vld [tilespmem:s11+$0xF0E0];
	(pc) =	sbr.rel @p3 .LBB2_32-.Ltmp27, $4  }
0x317: {  	[tilespmem:s11+$0xE0D0] =	vst v3;
	v8 =	vadd.f32 v9, v2;
	v3 =	vld [tilespmem:s11+$0x100E0]  }
0x318: {  	[tilespmem:s11+$0xF0D0] =	vst v4;
	v7 =	vadd.f32 v7, v2;
	v4 =	vld [tilespmem:s11+$0x110E0]  }
0x319: {  	[tilespmem:s11+$0x100D0] =	vst v8;
	v2 =	vld [tilespmem:s11+$0xE0F0]  }
0x31a: {  	s15 =	sadd.s32 $0x400, s15;
	[tilespmem:s11+$0x110D0] =	vst v7;
	v7 =	vadd.f32 v5, v1;
	v5 =	vld [tilespmem:s11+$0xF0F0]  }
0x31b: {  	v6 =	vadd.f32 v6, v1;
	v8 =	vld [tilespmem:s11+$0x100F0]  }
0x31c: {  	[tilespmem:s11+$0xE0E0] =	vst v7;
	v3 =	vadd.f32 v3, v1  }
0x31d: {  	[tilespmem:s11+$0xF0E0] =	vst v6;
	v61 =	vadd.f32 v4, v1  }
0x31e: {  	[tilespmem:s11+$0x100E0] =	vst v3;
	v2 =	vadd.f32 v2, v0  }
0x31f: {  	s12 =	sadd.s32 s6, s26;
	s13 =	sshll.u32 s26, $0x4;
	[tilespmem:s11+$0x110E0] =	vst v61;
	v62 =	vadd.f32 v5, v0  }
0x320: {  	s12 =	sshll.u32 s12, $0x9;
	s13 =	sand.u32 $0x70, s13;
	[tilespmem:s11+$0xE0F0] =	vst v2;
	v63 =	vadd.f32 v8, v0  }
0x321: {  	s12 =	sand.u32 $0xFF000, s12;
	s13 =	sadd.s32 s4, s13;
	[tilespmem:s11+$0xF0F0] =	vst v62  }
0x322: {  	s16 =	sadd.s32 s12, s13;
	[tilespmem:s11+$0x100F0] =	vst v63  }
0x323: {  	[hbm4b:s16+s7] =	stream.strided.scatter [tilespmem:s22], [sflag:$0x9], $0x1000, s9, s7, $0x38;
	[tilespmem:$0x1E000] =	vst v63  }
0x324: {  	s12 =	sadd.s32 $0x100000, s16  }
0x325: {  	[hbm4b:s12+s7] =	stream.strided.scatter [tilespmem:s23], [sflag:$0x9], $0x1000, s9, s7, $0x38;
	[tilespmem:$0x1E000] =	vst v63  }
0x326: {  	s17 =	sadd.s32 $0x200000, s16  }
0x327: {  	[hbm4b:s17+s7] =	stream.strided.scatter [tilespmem:s24], [sflag:$0x9], $0x1000, s9, s7, $0x38;
	[tilespmem:$0x1E000] =	vst v63  }
0x328: {  	s11 =	sadd.s32 $0x300000, s16  }
0x329: {  	[hbm4b:s11+s7] =	stream.strided.scatter [tilespmem:s25], [sflag:$0x9], $0x1000, s9, s7, $0x38;
	[tilespmem:$0x1E000] =	vst v63  }
.LBB2_34:
.Ltmp28:
0x32a: {  	(pc) =	sbr.rel @!p2 .LBB2_38-.Ltmp28, $1  }
0x32b: {  	_ =	sdelay $0x3  }
0x32c: {  	s11 =	simm.s32 $0x0  }
0x32d: {  	v0 =	vld [tilespmem:s11+$0x30F0]  }
0x32e: {  	v1 =	vld [tilespmem:s11+$0x150F0]  }
0x32f: {  	v2 =	vld [tilespmem:s11+$0x3000]  }
0x330: {  	v3 =	vld [tilespmem:s11+$0x12000]  }
0x331: {  	v4 =	vld [tilespmem:s11+$0x13000]  }
0x332: {  	v5 =	vld [tilespmem:s11+$0x14000]  }
0x333: {  	v6 =	vld [tilespmem:s11+$0x15000]  }
0x334: {  	v7 =	vld [tilespmem:s11+$0x3010]  }
0x335: {  	v8 =	vld [tilespmem:s11+$0x12010]  }
0x336: {  	v9 =	vld [tilespmem:s11+$0x13010]  }
0x337: {  	v10 =	vld [tilespmem:s11+$0x14010]  }
0x338: {  	v11 =	vld [tilespmem:s11+$0x15010]  }
0x339: {  	v12 =	vld [tilespmem:s11+$0x3020]  }
0x33a: {  	v13 =	vld [tilespmem:s11+$0x12020]  }
0x33b: {  	v14 =	vld [tilespmem:s11+$0x13020]  }
0x33c: {  	v15 =	vld [tilespmem:s11+$0x14020]  }
0x33d: {  	v16 =	vld [tilespmem:s11+$0x15020]  }
0x33e: {  	v17 =	vld [tilespmem:s11+$0x3030]  }
0x33f: {  	v18 =	vld [tilespmem:s11+$0x12030]  }
0x340: {  	v19 =	vld [tilespmem:s11+$0x13030];
	v1 =	vadd.f32 v1, v0  }
0x341: {  	v20 =	vld [tilespmem:s11+$0x14030];
	v3 =	vadd.f32 v3, v2  }
0x342: {  	v21 =	vld [tilespmem:s11+$0x15030];
	[tilespmem:s11+$0x150F0] =	vst v1;
	v1 =	vadd.f32 v4, v2  }
0x343: {  	v43 =	vld [tilespmem:s11+$0x3050];
	[tilespmem:s11+$0x12000] =	vst v3;
	v3 =	vadd.f32 v5, v2  }
0x344: {  	v44 =	vld [tilespmem:s11+$0x13050];
	[tilespmem:s11+$0x13000] =	vst v1;
	v1 =	vadd.f32 v6, v2  }
0x345: {  	v45 =	vld [tilespmem:s11+$0x14050];
	[tilespmem:s11+$0x14000] =	vst v3;
	v3 =	vadd.f32 v8, v7  }
0x346: {  	v46 =	vld [tilespmem:s11+$0x15050];
	[tilespmem:s11+$0x15000] =	vst v1;
	v1 =	vadd.f32 v9, v7  }
0x347: {  	v47 =	vld [tilespmem:s11+$0x3060];
	[tilespmem:s11+$0x12010] =	vst v3;
	v3 =	vadd.f32 v10, v7  }
0x348: {  	v48 =	vld [tilespmem:s11+$0x12060];
	[tilespmem:s11+$0x13010] =	vst v1;
	v1 =	vadd.f32 v11, v7  }
0x349: {  	v49 =	vld [tilespmem:s11+$0x13060];
	[tilespmem:s11+$0x14010] =	vst v3;
	v3 =	vadd.f32 v13, v12  }
0x34a: {  	v50 =	vld [tilespmem:s11+$0x14060];
	[tilespmem:s11+$0x15010] =	vst v1;
	v1 =	vadd.f32 v14, v12  }
0x34b: {  	v4 =	vld [tilespmem:s11+$0x3040];
	[tilespmem:s11+$0x12020] =	vst v3;
	v3 =	vadd.f32 v15, v12  }
0x34c: {  	v5 =	vld [tilespmem:s11+$0x12040];
	[tilespmem:s11+$0x13020] =	vst v1;
	v1 =	vadd.f32 v16, v12  }
0x34d: {  	v2 =	vld [tilespmem:s11+$0x13040];
	[tilespmem:s11+$0x14020] =	vst v3;
	v3 =	vadd.f32 v18, v17  }
0x34e: {  	v6 =	vld [tilespmem:s11+$0x14040];
	[tilespmem:s11+$0x15020] =	vst v1;
	v1 =	vadd.f32 v19, v17  }
0x34f: {  	v8 =	vld [tilespmem:s11+$0x15040];
	[tilespmem:s11+$0x12030] =	vst v3;
	v3 =	vadd.f32 v20, v17  }
0x350: {  	v7 =	vld [tilespmem:s11+$0x12050];
	[tilespmem:s11+$0x13030] =	vst v1;
	v1 =	vadd.f32 v21, v17  }
0x351: {  	v51 =	vld [tilespmem:s11+$0x15060];
	[tilespmem:s11+$0x14030] =	vst v3;
	v3 =	vadd.f32 v5, v4  }
0x352: {  	v5 =	vld [tilespmem:s11+$0x3070];
	[tilespmem:s11+$0x15030] =	vst v1;
	v1 =	vadd.f32 v2, v4  }
0x353: {  	v2 =	vld [tilespmem:s11+$0x12070];
	[tilespmem:s11+$0x12040] =	vst v3;
	v3 =	vadd.f32 v6, v4  }
0x354: {  	v52 =	vld [tilespmem:s11+$0x12080];
	[tilespmem:s11+$0x13040] =	vst v1;
	v1 =	vadd.f32 v8, v4  }
0x355: {  	v53 =	vld [tilespmem:s11+$0x13080];
	[tilespmem:s11+$0x14040] =	vst v3;
	v3 =	vadd.f32 v7, v43  }
0x356: {  	v54 =	vld [tilespmem:s11+$0x14080];
	[tilespmem:s11+$0x15040] =	vst v1;
	v1 =	vadd.f32 v44, v43  }
0x357: {  	v4 =	vld [tilespmem:s11+$0x14070];
	[tilespmem:s11+$0x12050] =	vst v3;
	v3 =	vadd.f32 v45, v43  }
0x358: {  	v55 =	vld [tilespmem:s11+$0x15080];
	v2 =	vadd.f32 v2, v5;
	[tilespmem:s11+$0x13050] =	vst v1  }
0x359: {  	v56 =	vld [tilespmem:s11+$0x3090];
	v1 =	vadd.f32 v46, v43;
	[tilespmem:s11+$0x14050] =	vst v3  }
0x35a: {  	v6 =	vld [tilespmem:s11+$0x13070];
	v3 =	vadd.f32 v48, v47;
	[tilespmem:s11+$0x12070] =	vst v2  }
0x35b: {  	v8 =	vld [tilespmem:s11+$0x3080];
	[tilespmem:s11+$0x15050] =	vst v1;
	v1 =	vadd.f32 v49, v47  }
0x35c: {  	v7 =	vld [tilespmem:s11+$0x15070];
	v2 =	vadd.f32 v4, v5;
	[tilespmem:s11+$0x12060] =	vst v3  }
0x35d: {  	v57 =	vld [tilespmem:s11+$0x12090];
	[tilespmem:s11+$0x13060] =	vst v1;
	v1 =	vadd.f32 v51, v47  }
0x35e: {  	v58 =	vld [tilespmem:s11+$0x130A0];
	v3 =	vadd.f32 v50, v47;
	[tilespmem:s11+$0x14070] =	vst v2  }
0x35f: {  	v59 =	vld [tilespmem:s11+$0x140A0];
	[tilespmem:s11+$0x15060] =	vst v1;
	v1 =	vadd.f32 v6, v5  }
0x360: {  	v2 =	vadd.f32 v52, v8;
	[tilespmem:s11+$0x14060] =	vst v3;
	v3 =	vld [tilespmem:s11+$0x13090]  }
0x361: {  	v6 =	vld [tilespmem:s11+$0x14090];
	[tilespmem:s11+$0x13070] =	vst v1;
	v1 =	vadd.f32 v7, v5  }
0x362: {  	[tilespmem:s11+$0x12080] =	vst v2;
	v2 =	vadd.f32 v54, v8;
	v5 =	vld [tilespmem:s11+$0x30A0]  }
0x363: {  	v7 =	vld [tilespmem:s11+$0x120A0];
	[tilespmem:s11+$0x15070] =	vst v1;
	v1 =	vadd.f32 v53, v8  }
0x364: {  	v4 =	vld [tilespmem:s11+$0x15090];
	[tilespmem:s11+$0x14080] =	vst v2;
	v2 =	vadd.f32 v57, v56  }
0x365: {  	v60 =	vld [tilespmem:s11+$0x30B0];
	[tilespmem:s11+$0x13080] =	vst v1;
	v1 =	vadd.f32 v55, v8  }
0x366: {  	v61 =	vld [tilespmem:s11+$0x30C0];
	[tilespmem:s11+$0x12090] =	vst v2;
	v2 =	vadd.f32 v6, v56  }
0x367: {  	[tilespmem:s11+$0x15080] =	vst v1;
	v1 =	vadd.f32 v3, v56;
	v3 =	vld [tilespmem:s11+$0x120B0]  }
0x368: {  	v8 =	vld [tilespmem:s11+$0x150A0];
	[tilespmem:s11+$0x14090] =	vst v2;
	v2 =	vadd.f32 v7, v5  }
0x369: {  	v6 =	vld [tilespmem:s11+$0x130B0];
	[tilespmem:s11+$0x13090] =	vst v1;
	v1 =	vadd.f32 v4, v56  }
0x36a: {  	[tilespmem:s11+$0x120A0] =	vst v2;
	v2 =	vadd.f32 v59, v5;
	v4 =	vld [tilespmem:s11+$0x140B0]  }
0x36b: {  	v62 =	vld [tilespmem:s11+$0x120C0];
	[tilespmem:s11+$0x15090] =	vst v1;
	v1 =	vadd.f32 v58, v5  }
0x36c: {  	v7 =	vld [tilespmem:s11+$0x150B0];
	[tilespmem:s11+$0x140A0] =	vst v2;
	v2 =	vadd.f32 v3, v60  }
0x36d: {  	v3 =	vld [tilespmem:s11+$0x140C0];
	[tilespmem:s11+$0x130A0] =	vst v1;
	v1 =	vadd.f32 v8, v5  }
0x36e: {  	v5 =	vld [tilespmem:s11+$0x130C0];
	[tilespmem:s11+$0x120B0] =	vst v2  }
0x36f: {  	v2 =	vadd.f32 v4, v60;
	v4 =	vld [tilespmem:s11+$0x30D0];
	[tilespmem:s11+$0x150A0] =	vst v1;
	v1 =	vadd.f32 v6, v60  }
0x370: {  	v6 =	vld [tilespmem:s11+$0x150C0]  }
0x371: {  	[tilespmem:s11+$0x130B0] =	vst v1;
	v1 =	vadd.f32 v7, v60;
	v7 =	vld [tilespmem:s11+$0x120D0]  }
0x372: {  	v8 =	vld [tilespmem:s11+$0x130D0];
	[tilespmem:s11+$0x140B0] =	vst v2;
	v2 =	vadd.f32 v62, v61  }
0x373: {  	[tilespmem:s11+$0x150B0] =	vst v1;
	v1 =	vadd.f32 v5, v61;
	v5 =	vld [tilespmem:s11+$0x140D0]  }
0x374: {  	v63 =	vld [tilespmem:s11+$0x150D0];
	[tilespmem:s11+$0x120C0] =	vst v2;
	v2 =	vadd.f32 v3, v61  }
0x375: {  	v3 =	vadd.f32 v6, v61;
	[tilespmem:s11+$0x130C0] =	vst v1;
	v1 =	vld [tilespmem:s11+$0x30E0]  }
0x376: {  	[tilespmem:s11+$0x140C0] =	vst v2;
	v2 =	vadd.f32 v7, v4;
	v7 =	vld [tilespmem:s11+$0x120E0]  }
0x377: {  	v8 =	vadd.f32 v8, v4;
	v6 =	vld [tilespmem:s11+$0x130E0];
	[tilespmem:s11+$0x150C0] =	vst v3  }
0x378: {  	v3 =	vld [tilespmem:s11+$0x140E0];
	[tilespmem:s11+$0x120D0] =	vst v2;
	v2 =	vadd.f32 v5, v4  }
0x379: {  	[tilespmem:s11+$0x130D0] =	vst v8;
	v5 =	vadd.f32 v63, v4;
	v4 =	vld [tilespmem:s11+$0x150E0]  }
0x37a: {  	[tilespmem:s11+$0x140D0] =	vst v2;
	v2 =	vld [tilespmem:s11+$0x120F0]  }
0x37b: {  	s13 =	simm.s32 $0x0;
	s15 =	simm.s32 $0x400;
	[tilespmem:s11+$0x150D0] =	vst v5;
	v5 =	vld [tilespmem:s11+$0x130F0];
	v7 =	vadd.f32 v7, v1  }
.LBB2_36:
0x37c: {  	s12 =	sshra.s32 s15, $0x2;
	v6 =	vadd.f32 v6, v1;
	v8 =	vld [tilespmem:s11+$0x140F0]  }
0x37d: {  	s13 =	sadd.s32 $0x10, s13;
	v9 =	vld [tilespmem:s12+$0x30F0];
	[tilespmem:s11+$0x120E0] =	vst v7;
	v3 =	vadd.f32 v3, v1  }
0x37e: {  	p2 =	slt.u32 s13, $0xF0;
	v7 =	vld [tilespmem:s12+$0x150F0];
	[tilespmem:s11+$0x130E0] =	vst v6;
	v1 =	vadd.f32 v4, v1  }
0x37f: {  	v4 =	vld [tilespmem:s12+$0x3000];
	[tilespmem:s11+$0x140E0] =	vst v3;
	v2 =	vadd.f32 v2, v0  }
0x380: {  	v3 =	vld [tilespmem:s12+$0x12000];
	[tilespmem:s11+$0x150E0] =	vst v1;
	v1 =	vadd.f32 v5, v0  }
0x381: {  	v5 =	vld [tilespmem:s12+$0x13000];
	[tilespmem:s11+$0x120F0] =	vst v2;
	v2 =	vadd.f32 v8, v0  }
0x382: {  	v6 =	vld [tilespmem:s12+$0x14000];
	[tilespmem:s11+$0x130F0] =	vst v1;
	v0 =	vmov v9  }
0x383: {  	v1 =	vld [tilespmem:s12+$0x15000];
	v7 =	vadd.f32 v7, v0;
	[tilespmem:s11+$0x140F0] =	vst v2;
	s11 =	smov.u32 s12  }
0x384: {  	v2 =	vld [tilespmem:s11+$0x3010]  }
0x385: {  	v3 =	vadd.f32 v3, v4;
	v8 =	vld [tilespmem:s11+$0x12010];
	[tilespmem:s11+$0x150F0] =	vst v7  }
0x386: {  	v5 =	vadd.f32 v5, v4;
	v7 =	vld [tilespmem:s11+$0x13010]  }
0x387: {  	[tilespmem:s11+$0x12000] =	vst v3;
	v3 =	vadd.f32 v6, v4;
	v6 =	vld [tilespmem:s11+$0x14010]  }
0x388: {  	[tilespmem:s11+$0x13000] =	vst v5;
	v1 =	vadd.f32 v1, v4;
	v4 =	vld [tilespmem:s11+$0x15010]  }
0x389: {  	[tilespmem:s11+$0x14000] =	vst v3;
	v3 =	vld [tilespmem:s11+$0x3020]  }
0x38a: {  	[tilespmem:s11+$0x15000] =	vst v1;
	v1 =	vadd.f32 v8, v2;
	v5 =	vld [tilespmem:s11+$0x12020]  }
0x38b: {  	v7 =	vadd.f32 v7, v2;
	v8 =	vld [tilespmem:s11+$0x13020]  }
0x38c: {  	[tilespmem:s11+$0x12010] =	vst v1;
	v1 =	vadd.f32 v6, v2;
	v6 =	vld [tilespmem:s11+$0x14020]  }
0x38d: {  	[tilespmem:s11+$0x13010] =	vst v7;
	v2 =	vadd.f32 v4, v2;
	v4 =	vld [tilespmem:s11+$0x15020]  }
0x38e: {  	[tilespmem:s11+$0x14010] =	vst v1;
	v1 =	vld [tilespmem:s11+$0x3030]  }
0x38f: {  	[tilespmem:s11+$0x15010] =	vst v2;
	v2 =	vadd.f32 v5, v3;
	v5 =	vld [tilespmem:s11+$0x12030]  }
0x390: {  	v7 =	vadd.f32 v8, v3;
	v8 =	vld [tilespmem:s11+$0x13030]  }
0x391: {  	[tilespmem:s11+$0x12020] =	vst v2;
	v2 =	vadd.f32 v6, v3;
	v6 =	vld [tilespmem:s11+$0x14030]  }
0x392: {  	[tilespmem:s11+$0x13020] =	vst v7;
	v3 =	vadd.f32 v4, v3;
	v4 =	vld [tilespmem:s11+$0x15030]  }
0x393: {  	[tilespmem:s11+$0x14020] =	vst v2;
	v2 =	vld [tilespmem:s11+$0x3040]  }
0x394: {  	[tilespmem:s11+$0x15020] =	vst v3;
	v3 =	vadd.f32 v5, v1;
	v5 =	vld [tilespmem:s11+$0x12040]  }
0x395: {  	v7 =	vadd.f32 v8, v1;
	v8 =	vld [tilespmem:s11+$0x13040]  }
0x396: {  	[tilespmem:s11+$0x12030] =	vst v3;
	v3 =	vadd.f32 v6, v1;
	v6 =	vld [tilespmem:s11+$0x14040]  }
0x397: {  	[tilespmem:s11+$0x13030] =	vst v7;
	v1 =	vadd.f32 v4, v1;
	v4 =	vld [tilespmem:s11+$0x15040]  }
0x398: {  	[tilespmem:s11+$0x14030] =	vst v3;
	v3 =	vld [tilespmem:s11+$0x3050]  }
0x399: {  	[tilespmem:s11+$0x15030] =	vst v1;
	v1 =	vadd.f32 v5, v2;
	v5 =	vld [tilespmem:s11+$0x12050]  }
0x39a: {  	v7 =	vadd.f32 v8, v2;
	v8 =	vld [tilespmem:s11+$0x13050]  }
0x39b: {  	[tilespmem:s11+$0x12040] =	vst v1;
	v1 =	vadd.f32 v6, v2;
	v6 =	vld [tilespmem:s11+$0x14050]  }
0x39c: {  	[tilespmem:s11+$0x13040] =	vst v7;
	v2 =	vadd.f32 v4, v2;
	v4 =	vld [tilespmem:s11+$0x15050]  }
0x39d: {  	[tilespmem:s11+$0x14040] =	vst v1;
	v1 =	vld [tilespmem:s11+$0x3060]  }
0x39e: {  	[tilespmem:s11+$0x15040] =	vst v2;
	v2 =	vadd.f32 v5, v3;
	v5 =	vld [tilespmem:s11+$0x12060]  }
0x39f: {  	v7 =	vadd.f32 v8, v3;
	v8 =	vld [tilespmem:s11+$0x13060]  }
0x3a0: {  	[tilespmem:s11+$0x12050] =	vst v2;
	v2 =	vadd.f32 v6, v3;
	v6 =	vld [tilespmem:s11+$0x14060]  }
0x3a1: {  	[tilespmem:s11+$0x13050] =	vst v7;
	v3 =	vadd.f32 v4, v3;
	v4 =	vld [tilespmem:s11+$0x15060]  }
0x3a2: {  	[tilespmem:s11+$0x14050] =	vst v2;
	v2 =	vld [tilespmem:s11+$0x3070]  }
0x3a3: {  	[tilespmem:s11+$0x15050] =	vst v3;
	v3 =	vadd.f32 v5, v1;
	v5 =	vld [tilespmem:s11+$0x12070]  }
0x3a4: {  	v7 =	vadd.f32 v8, v1;
	v8 =	vld [tilespmem:s11+$0x13070]  }
0x3a5: {  	[tilespmem:s11+$0x12060] =	vst v3;
	v3 =	vadd.f32 v6, v1;
	v6 =	vld [tilespmem:s11+$0x14070]  }
0x3a6: {  	[tilespmem:s11+$0x13060] =	vst v7;
	v1 =	vadd.f32 v4, v1;
	v4 =	vld [tilespmem:s11+$0x15070]  }
0x3a7: {  	[tilespmem:s11+$0x14060] =	vst v3;
	v3 =	vld [tilespmem:s11+$0x3080]  }
0x3a8: {  	[tilespmem:s11+$0x15060] =	vst v1;
	v1 =	vadd.f32 v5, v2;
	v5 =	vld [tilespmem:s11+$0x12080]  }
0x3a9: {  	v7 =	vadd.f32 v8, v2;
	v8 =	vld [tilespmem:s11+$0x13080]  }
0x3aa: {  	[tilespmem:s11+$0x12070] =	vst v1;
	v1 =	vadd.f32 v6, v2;
	v6 =	vld [tilespmem:s11+$0x14080]  }
0x3ab: {  	[tilespmem:s11+$0x13070] =	vst v7;
	v2 =	vadd.f32 v4, v2;
	v4 =	vld [tilespmem:s11+$0x15080]  }
0x3ac: {  	[tilespmem:s11+$0x14070] =	vst v1;
	v1 =	vld [tilespmem:s11+$0x3090]  }
0x3ad: {  	[tilespmem:s11+$0x15070] =	vst v2;
	v2 =	vadd.f32 v5, v3;
	v5 =	vld [tilespmem:s11+$0x12090]  }
0x3ae: {  	v7 =	vadd.f32 v8, v3;
	v8 =	vld [tilespmem:s11+$0x13090]  }
0x3af: {  	[tilespmem:s11+$0x12080] =	vst v2;
	v2 =	vadd.f32 v6, v3;
	v6 =	vld [tilespmem:s11+$0x14090]  }
0x3b0: {  	[tilespmem:s11+$0x13080] =	vst v7;
	v3 =	vadd.f32 v4, v3;
	v4 =	vld [tilespmem:s11+$0x15090]  }
0x3b1: {  	[tilespmem:s11+$0x14080] =	vst v2;
	v2 =	vld [tilespmem:s11+$0x30A0]  }
0x3b2: {  	[tilespmem:s11+$0x15080] =	vst v3;
	v3 =	vadd.f32 v5, v1;
	v5 =	vld [tilespmem:s11+$0x120A0]  }
0x3b3: {  	v7 =	vadd.f32 v8, v1;
	v8 =	vld [tilespmem:s11+$0x130A0]  }
0x3b4: {  	[tilespmem:s11+$0x12090] =	vst v3;
	v3 =	vadd.f32 v6, v1;
	v6 =	vld [tilespmem:s11+$0x140A0]  }
0x3b5: {  	[tilespmem:s11+$0x13090] =	vst v7;
	v1 =	vadd.f32 v4, v1;
	v4 =	vld [tilespmem:s11+$0x150A0]  }
0x3b6: {  	[tilespmem:s11+$0x14090] =	vst v3;
	v3 =	vld [tilespmem:s11+$0x30B0]  }
0x3b7: {  	[tilespmem:s11+$0x15090] =	vst v1;
	v1 =	vadd.f32 v5, v2;
	v5 =	vld [tilespmem:s11+$0x120B0]  }
0x3b8: {  	v7 =	vadd.f32 v8, v2;
	v8 =	vld [tilespmem:s11+$0x130B0]  }
0x3b9: {  	[tilespmem:s11+$0x120A0] =	vst v1;
	v1 =	vadd.f32 v6, v2;
	v6 =	vld [tilespmem:s11+$0x140B0]  }
0x3ba: {  	[tilespmem:s11+$0x130A0] =	vst v7;
	v2 =	vadd.f32 v4, v2;
	v4 =	vld [tilespmem:s11+$0x150B0]  }
0x3bb: {  	[tilespmem:s11+$0x140A0] =	vst v1;
	v1 =	vld [tilespmem:s11+$0x30C0]  }
0x3bc: {  	[tilespmem:s11+$0x150A0] =	vst v2;
	v2 =	vadd.f32 v5, v3;
	v5 =	vld [tilespmem:s11+$0x120C0]  }
0x3bd: {  	v7 =	vadd.f32 v8, v3;
	v8 =	vld [tilespmem:s11+$0x130C0]  }
0x3be: {  	[tilespmem:s11+$0x120B0] =	vst v2;
	v2 =	vadd.f32 v6, v3;
	v6 =	vld [tilespmem:s11+$0x140C0]  }
0x3bf: {  	[tilespmem:s11+$0x130B0] =	vst v7;
	v3 =	vadd.f32 v4, v3;
	v4 =	vld [tilespmem:s11+$0x150C0]  }
0x3c0: {  	[tilespmem:s11+$0x140B0] =	vst v2;
	v2 =	vld [tilespmem:s11+$0x30D0]  }
0x3c1: {  	[tilespmem:s11+$0x150B0] =	vst v3;
	v3 =	vadd.f32 v5, v1;
	v5 =	vld [tilespmem:s11+$0x120D0]  }
0x3c2: {  	v7 =	vadd.f32 v8, v1;
	v8 =	vld [tilespmem:s11+$0x130D0]  }
0x3c3: {  	[tilespmem:s11+$0x120C0] =	vst v3;
	v3 =	vadd.f32 v6, v1;
	v9 =	vld [tilespmem:s11+$0x140D0]  }
0x3c4: {  	[tilespmem:s11+$0x130C0] =	vst v7;
	v4 =	vadd.f32 v4, v1;
	v7 =	vld [tilespmem:s11+$0x150D0]  }
0x3c5: {  	[tilespmem:s11+$0x140C0] =	vst v3;
	v1 =	vld [tilespmem:s11+$0x30E0]  }
0x3c6: {  	[tilespmem:s11+$0x150C0] =	vst v4;
	v3 =	vadd.f32 v5, v2;
	v5 =	vld [tilespmem:s11+$0x120E0]  }
.Ltmp29:
0x3c7: {  	v4 =	vadd.f32 v8, v2;
	v6 =	vld [tilespmem:s11+$0x130E0];
	(pc) =	sbr.rel @p2 .LBB2_36-.Ltmp29, $4  }
0x3c8: {  	[tilespmem:s11+$0x120D0] =	vst v3;
	v8 =	vadd.f32 v9, v2;
	v3 =	vld [tilespmem:s11+$0x140E0]  }
0x3c9: {  	[tilespmem:s11+$0x130D0] =	vst v4;
	v7 =	vadd.f32 v7, v2;
	v4 =	vld [tilespmem:s11+$0x150E0]  }
0x3ca: {  	[tilespmem:s11+$0x140D0] =	vst v8;
	v2 =	vld [tilespmem:s11+$0x120F0]  }
0x3cb: {  	s15 =	sadd.s32 $0x400, s15;
	[tilespmem:s11+$0x150D0] =	vst v7;
	v7 =	vadd.f32 v5, v1;
	v5 =	vld [tilespmem:s11+$0x130F0]  }
0x3cc: {  	v6 =	vadd.f32 v6, v1;
	v8 =	vld [tilespmem:s11+$0x140F0]  }
0x3cd: {  	[tilespmem:s11+$0x120E0] =	vst v7;
	v3 =	vadd.f32 v3, v1  }
0x3ce: {  	[tilespmem:s11+$0x130E0] =	vst v6;
	v61 =	vadd.f32 v4, v1  }
0x3cf: {  	[tilespmem:s11+$0x140E0] =	vst v3;
	v2 =	vadd.f32 v2, v0  }
0x3d0: {  	s12 =	sadd.s32 s6, s26;
	s13 =	sshll.u32 s26, $0x4;
	[tilespmem:s11+$0x150E0] =	vst v61;
	v62 =	vadd.f32 v5, v0  }
0x3d1: {  	s12 =	sshll.u32 s12, $0x9;
	s13 =	sand.u32 $0x70, s13;
	[tilespmem:s11+$0x120F0] =	vst v2;
	v63 =	vadd.f32 v8, v0  }
0x3d2: {  	s12 =	sand.u32 $0xFF000, s12;
	s13 =	sadd.s32 s4, s13;
	[tilespmem:s11+$0x130F0] =	vst v62  }
0x3d3: {  	s16 =	sadd.s32 s12, s13;
	[tilespmem:s11+$0x140F0] =	vst v63  }
0x3d4: {  	[hbm4b:s16+s7] =	stream.strided.scatter [tilespmem:s28], [sflag:$0xA], $0x1000, s9, s7, $0x38;
	[tilespmem:$0x1E000] =	vst v63  }
0x3d5: {  	s12 =	sadd.s32 $0x100000, s16  }
0x3d6: {  	[hbm4b:s12+s7] =	stream.strided.scatter [tilespmem:s29], [sflag:$0xA], $0x1000, s9, s7, $0x38;
	[tilespmem:$0x1E000] =	vst v63  }
0x3d7: {  	s17 =	sadd.s32 $0x200000, s16  }
0x3d8: {  	[hbm4b:s17+s7] =	stream.strided.scatter [tilespmem:s30], [sflag:$0xA], $0x1000, s9, s7, $0x38;
	[tilespmem:$0x1E000] =	vst v63  }
0x3d9: {  	s11 =	sadd.s32 $0x300000, s16  }
0x3da: {  	[hbm4b:s11+s7] =	stream.strided.scatter [tilespmem:s31], [sflag:$0xA], $0x1000, s9, s7, $0x38;
	[tilespmem:$0x1E000] =	vst v63  }
.LBB2_38:
.Ltmp30:
0x3db: {  	(pc) =	sbr.rel @!p1 .LBB2_42-.Ltmp30, $1  }
0x3dc: {  	_ =	sdelay $0x3  }
0x3dd: {  	s11 =	simm.s32 $0x0  }
0x3de: {  	v0 =	vld [tilespmem:s11+$0x40F0]  }
0x3df: {  	v1 =	vld [tilespmem:s11+$0x190F0]  }
0x3e0: {  	v2 =	vld [tilespmem:s11+$0x4000]  }
0x3e1: {  	v3 =	vld [tilespmem:s11+$0x16000]  }
0x3e2: {  	v4 =	vld [tilespmem:s11+$0x17000]  }
0x3e3: {  	v5 =	vld [tilespmem:s11+$0x18000]  }
0x3e4: {  	v6 =	vld [tilespmem:s11+$0x19000]  }
0x3e5: {  	v7 =	vld [tilespmem:s11+$0x4010]  }
0x3e6: {  	v8 =	vld [tilespmem:s11+$0x16010]  }
0x3e7: {  	v9 =	vld [tilespmem:s11+$0x17010]  }
0x3e8: {  	v10 =	vld [tilespmem:s11+$0x18010]  }
0x3e9: {  	v11 =	vld [tilespmem:s11+$0x19010]  }
0x3ea: {  	v12 =	vld [tilespmem:s11+$0x4020]  }
0x3eb: {  	v13 =	vld [tilespmem:s11+$0x16020]  }
0x3ec: {  	v14 =	vld [tilespmem:s11+$0x17020]  }
0x3ed: {  	v15 =	vld [tilespmem:s11+$0x18020]  }
0x3ee: {  	v16 =	vld [tilespmem:s11+$0x19020]  }
0x3ef: {  	v17 =	vld [tilespmem:s11+$0x4030]  }
0x3f0: {  	v18 =	vld [tilespmem:s11+$0x16030]  }
0x3f1: {  	v19 =	vld [tilespmem:s11+$0x17030];
	v1 =	vadd.f32 v1, v0  }
0x3f2: {  	v20 =	vld [tilespmem:s11+$0x18030];
	v3 =	vadd.f32 v3, v2  }
0x3f3: {  	v21 =	vld [tilespmem:s11+$0x19030];
	[tilespmem:s11+$0x190F0] =	vst v1;
	v1 =	vadd.f32 v4, v2  }
0x3f4: {  	v43 =	vld [tilespmem:s11+$0x4050];
	[tilespmem:s11+$0x16000] =	vst v3;
	v3 =	vadd.f32 v5, v2  }
0x3f5: {  	v44 =	vld [tilespmem:s11+$0x17050];
	[tilespmem:s11+$0x17000] =	vst v1;
	v1 =	vadd.f32 v6, v2  }
0x3f6: {  	v45 =	vld [tilespmem:s11+$0x18050];
	[tilespmem:s11+$0x18000] =	vst v3;
	v3 =	vadd.f32 v8, v7  }
0x3f7: {  	v46 =	vld [tilespmem:s11+$0x19050];
	[tilespmem:s11+$0x19000] =	vst v1;
	v1 =	vadd.f32 v9, v7  }
0x3f8: {  	v47 =	vld [tilespmem:s11+$0x4060];
	[tilespmem:s11+$0x16010] =	vst v3;
	v3 =	vadd.f32 v10, v7  }
0x3f9: {  	v48 =	vld [tilespmem:s11+$0x16060];
	[tilespmem:s11+$0x17010] =	vst v1;
	v1 =	vadd.f32 v11, v7  }
0x3fa: {  	v49 =	vld [tilespmem:s11+$0x17060];
	[tilespmem:s11+$0x18010] =	vst v3;
	v3 =	vadd.f32 v13, v12  }
0x3fb: {  	v50 =	vld [tilespmem:s11+$0x18060];
	[tilespmem:s11+$0x19010] =	vst v1;
	v1 =	vadd.f32 v14, v12  }
0x3fc: {  	v4 =	vld [tilespmem:s11+$0x4040];
	[tilespmem:s11+$0x16020] =	vst v3;
	v3 =	vadd.f32 v15, v12  }
0x3fd: {  	v5 =	vld [tilespmem:s11+$0x16040];
	[tilespmem:s11+$0x17020] =	vst v1;
	v1 =	vadd.f32 v16, v12  }
0x3fe: {  	v2 =	vld [tilespmem:s11+$0x17040];
	[tilespmem:s11+$0x18020] =	vst v3;
	v3 =	vadd.f32 v18, v17  }
0x3ff: {  	v6 =	vld [tilespmem:s11+$0x18040];
	[tilespmem:s11+$0x19020] =	vst v1;
	v1 =	vadd.f32 v19, v17  }
0x400: {  	v8 =	vld [tilespmem:s11+$0x19040];
	[tilespmem:s11+$0x16030] =	vst v3;
	v3 =	vadd.f32 v20, v17  }
0x401: {  	v7 =	vld [tilespmem:s11+$0x16050];
	[tilespmem:s11+$0x17030] =	vst v1;
	v1 =	vadd.f32 v21, v17  }
0x402: {  	v51 =	vld [tilespmem:s11+$0x19060];
	[tilespmem:s11+$0x18030] =	vst v3;
	v3 =	vadd.f32 v5, v4  }
0x403: {  	v5 =	vld [tilespmem:s11+$0x4070];
	[tilespmem:s11+$0x19030] =	vst v1;
	v1 =	vadd.f32 v2, v4  }
0x404: {  	v2 =	vld [tilespmem:s11+$0x16070];
	[tilespmem:s11+$0x16040] =	vst v3;
	v3 =	vadd.f32 v6, v4  }
0x405: {  	v52 =	vld [tilespmem:s11+$0x16080];
	[tilespmem:s11+$0x17040] =	vst v1;
	v1 =	vadd.f32 v8, v4  }
0x406: {  	v53 =	vld [tilespmem:s11+$0x17080];
	[tilespmem:s11+$0x18040] =	vst v3;
	v3 =	vadd.f32 v7, v43  }
0x407: {  	v54 =	vld [tilespmem:s11+$0x18080];
	[tilespmem:s11+$0x19040] =	vst v1;
	v1 =	vadd.f32 v44, v43  }
0x408: {  	v4 =	vld [tilespmem:s11+$0x18070];
	[tilespmem:s11+$0x16050] =	vst v3;
	v3 =	vadd.f32 v45, v43  }
0x409: {  	v55 =	vld [tilespmem:s11+$0x19080];
	v2 =	vadd.f32 v2, v5;
	[tilespmem:s11+$0x17050] =	vst v1  }
0x40a: {  	v56 =	vld [tilespmem:s11+$0x4090];
	v1 =	vadd.f32 v46, v43;
	[tilespmem:s11+$0x18050] =	vst v3  }
0x40b: {  	v6 =	vld [tilespmem:s11+$0x17070];
	v3 =	vadd.f32 v48, v47;
	[tilespmem:s11+$0x16070] =	vst v2  }
0x40c: {  	v8 =	vld [tilespmem:s11+$0x4080];
	[tilespmem:s11+$0x19050] =	vst v1;
	v1 =	vadd.f32 v49, v47  }
0x40d: {  	v7 =	vld [tilespmem:s11+$0x19070];
	v2 =	vadd.f32 v4, v5;
	[tilespmem:s11+$0x16060] =	vst v3  }
0x40e: {  	v57 =	vld [tilespmem:s11+$0x16090];
	[tilespmem:s11+$0x17060] =	vst v1;
	v1 =	vadd.f32 v51, v47  }
0x40f: {  	v58 =	vld [tilespmem:s11+$0x170A0];
	v3 =	vadd.f32 v50, v47;
	[tilespmem:s11+$0x18070] =	vst v2  }
0x410: {  	v59 =	vld [tilespmem:s11+$0x180A0];
	[tilespmem:s11+$0x19060] =	vst v1;
	v1 =	vadd.f32 v6, v5  }
0x411: {  	v2 =	vadd.f32 v52, v8;
	[tilespmem:s11+$0x18060] =	vst v3;
	v3 =	vld [tilespmem:s11+$0x17090]  }
0x412: {  	v6 =	vld [tilespmem:s11+$0x18090];
	[tilespmem:s11+$0x17070] =	vst v1;
	v1 =	vadd.f32 v7, v5  }
0x413: {  	[tilespmem:s11+$0x16080] =	vst v2;
	v2 =	vadd.f32 v54, v8;
	v5 =	vld [tilespmem:s11+$0x40A0]  }
0x414: {  	v7 =	vld [tilespmem:s11+$0x160A0];
	[tilespmem:s11+$0x19070] =	vst v1;
	v1 =	vadd.f32 v53, v8  }
0x415: {  	v4 =	vld [tilespmem:s11+$0x19090];
	[tilespmem:s11+$0x18080] =	vst v2;
	v2 =	vadd.f32 v57, v56  }
0x416: {  	v60 =	vld [tilespmem:s11+$0x40B0];
	[tilespmem:s11+$0x17080] =	vst v1;
	v1 =	vadd.f32 v55, v8  }
0x417: {  	v61 =	vld [tilespmem:s11+$0x40C0];
	[tilespmem:s11+$0x16090] =	vst v2;
	v2 =	vadd.f32 v6, v56  }
0x418: {  	[tilespmem:s11+$0x19080] =	vst v1;
	v1 =	vadd.f32 v3, v56;
	v3 =	vld [tilespmem:s11+$0x160B0]  }
0x419: {  	v8 =	vld [tilespmem:s11+$0x190A0];
	[tilespmem:s11+$0x18090] =	vst v2;
	v2 =	vadd.f32 v7, v5  }
0x41a: {  	v6 =	vld [tilespmem:s11+$0x170B0];
	[tilespmem:s11+$0x17090] =	vst v1;
	v1 =	vadd.f32 v4, v56  }
0x41b: {  	[tilespmem:s11+$0x160A0] =	vst v2;
	v2 =	vadd.f32 v59, v5;
	v4 =	vld [tilespmem:s11+$0x180B0]  }
0x41c: {  	v62 =	vld [tilespmem:s11+$0x160C0];
	[tilespmem:s11+$0x19090] =	vst v1;
	v1 =	vadd.f32 v58, v5  }
0x41d: {  	v7 =	vld [tilespmem:s11+$0x190B0];
	[tilespmem:s11+$0x180A0] =	vst v2;
	v2 =	vadd.f32 v3, v60  }
0x41e: {  	v3 =	vld [tilespmem:s11+$0x180C0];
	[tilespmem:s11+$0x170A0] =	vst v1;
	v1 =	vadd.f32 v8, v5  }
0x41f: {  	v5 =	vld [tilespmem:s11+$0x170C0];
	[tilespmem:s11+$0x160B0] =	vst v2  }
0x420: {  	v2 =	vadd.f32 v4, v60;
	v4 =	vld [tilespmem:s11+$0x40D0];
	[tilespmem:s11+$0x190A0] =	vst v1;
	v1 =	vadd.f32 v6, v60  }
0x421: {  	v6 =	vld [tilespmem:s11+$0x190C0]  }
0x422: {  	[tilespmem:s11+$0x170B0] =	vst v1;
	v1 =	vadd.f32 v7, v60;
	v7 =	vld [tilespmem:s11+$0x160D0]  }
0x423: {  	v8 =	vld [tilespmem:s11+$0x170D0];
	[tilespmem:s11+$0x180B0] =	vst v2;
	v2 =	vadd.f32 v62, v61  }
0x424: {  	[tilespmem:s11+$0x190B0] =	vst v1;
	v1 =	vadd.f32 v5, v61;
	v5 =	vld [tilespmem:s11+$0x180D0]  }
0x425: {  	v63 =	vld [tilespmem:s11+$0x190D0];
	[tilespmem:s11+$0x160C0] =	vst v2;
	v2 =	vadd.f32 v3, v61  }
0x426: {  	v3 =	vadd.f32 v6, v61;
	[tilespmem:s11+$0x170C0] =	vst v1;
	v1 =	vld [tilespmem:s11+$0x40E0]  }
0x427: {  	[tilespmem:s11+$0x180C0] =	vst v2;
	v2 =	vadd.f32 v7, v4;
	v7 =	vld [tilespmem:s11+$0x160E0]  }
0x428: {  	v8 =	vadd.f32 v8, v4;
	v6 =	vld [tilespmem:s11+$0x170E0];
	[tilespmem:s11+$0x190C0] =	vst v3  }
0x429: {  	v3 =	vld [tilespmem:s11+$0x180E0];
	[tilespmem:s11+$0x160D0] =	vst v2;
	v2 =	vadd.f32 v5, v4  }
0x42a: {  	[tilespmem:s11+$0x170D0] =	vst v8;
	v5 =	vadd.f32 v63, v4;
	v4 =	vld [tilespmem:s11+$0x190E0]  }
0x42b: {  	[tilespmem:s11+$0x180D0] =	vst v2;
	v2 =	vld [tilespmem:s11+$0x160F0]  }
0x42c: {  	s13 =	simm.s32 $0x0;
	s15 =	simm.s32 $0x400;
	[tilespmem:s11+$0x190D0] =	vst v5;
	v5 =	vld [tilespmem:s11+$0x170F0];
	v7 =	vadd.f32 v7, v1  }
.LBB2_40:
0x42d: {  	s12 =	sshra.s32 s15, $0x2;
	v6 =	vadd.f32 v6, v1;
	v8 =	vld [tilespmem:s11+$0x180F0]  }
0x42e: {  	s13 =	sadd.s32 $0x10, s13;
	v9 =	vld [tilespmem:s12+$0x40F0];
	[tilespmem:s11+$0x160E0] =	vst v7;
	v3 =	vadd.f32 v3, v1  }
0x42f: {  	p1 =	slt.u32 s13, $0xF0;
	v7 =	vld [tilespmem:s12+$0x190F0];
	[tilespmem:s11+$0x170E0] =	vst v6;
	v1 =	vadd.f32 v4, v1  }
0x430: {  	v4 =	vld [tilespmem:s12+$0x4000];
	[tilespmem:s11+$0x180E0] =	vst v3;
	v2 =	vadd.f32 v2, v0  }
0x431: {  	v3 =	vld [tilespmem:s12+$0x16000];
	[tilespmem:s11+$0x190E0] =	vst v1;
	v1 =	vadd.f32 v5, v0  }
0x432: {  	v5 =	vld [tilespmem:s12+$0x17000];
	[tilespmem:s11+$0x160F0] =	vst v2;
	v2 =	vadd.f32 v8, v0  }
0x433: {  	v6 =	vld [tilespmem:s12+$0x18000];
	[tilespmem:s11+$0x170F0] =	vst v1;
	v0 =	vmov v9  }
0x434: {  	v1 =	vld [tilespmem:s12+$0x19000];
	v7 =	vadd.f32 v7, v0;
	[tilespmem:s11+$0x180F0] =	vst v2;
	s11 =	smov.u32 s12  }
0x435: {  	v2 =	vld [tilespmem:s11+$0x4010]  }
0x436: {  	v3 =	vadd.f32 v3, v4;
	v8 =	vld [tilespmem:s11+$0x16010];
	[tilespmem:s11+$0x190F0] =	vst v7  }
0x437: {  	v5 =	vadd.f32 v5, v4;
	v7 =	vld [tilespmem:s11+$0x17010]  }
0x438: {  	[tilespmem:s11+$0x16000] =	vst v3;
	v3 =	vadd.f32 v6, v4;
	v6 =	vld [tilespmem:s11+$0x18010]  }
0x439: {  	[tilespmem:s11+$0x17000] =	vst v5;
	v1 =	vadd.f32 v1, v4;
	v4 =	vld [tilespmem:s11+$0x19010]  }
0x43a: {  	[tilespmem:s11+$0x18000] =	vst v3;
	v3 =	vld [tilespmem:s11+$0x4020]  }
0x43b: {  	[tilespmem:s11+$0x19000] =	vst v1;
	v1 =	vadd.f32 v8, v2;
	v5 =	vld [tilespmem:s11+$0x16020]  }
0x43c: {  	v7 =	vadd.f32 v7, v2;
	v8 =	vld [tilespmem:s11+$0x17020]  }
0x43d: {  	[tilespmem:s11+$0x16010] =	vst v1;
	v1 =	vadd.f32 v6, v2;
	v6 =	vld [tilespmem:s11+$0x18020]  }
0x43e: {  	[tilespmem:s11+$0x17010] =	vst v7;
	v2 =	vadd.f32 v4, v2;
	v4 =	vld [tilespmem:s11+$0x19020]  }
0x43f: {  	[tilespmem:s11+$0x18010] =	vst v1;
	v1 =	vld [tilespmem:s11+$0x4030]  }
0x440: {  	[tilespmem:s11+$0x19010] =	vst v2;
	v2 =	vadd.f32 v5, v3;
	v5 =	vld [tilespmem:s11+$0x16030]  }
0x441: {  	v7 =	vadd.f32 v8, v3;
	v8 =	vld [tilespmem:s11+$0x17030]  }
0x442: {  	[tilespmem:s11+$0x16020] =	vst v2;
	v2 =	vadd.f32 v6, v3;
	v6 =	vld [tilespmem:s11+$0x18030]  }
0x443: {  	[tilespmem:s11+$0x17020] =	vst v7;
	v3 =	vadd.f32 v4, v3;
	v4 =	vld [tilespmem:s11+$0x19030]  }
0x444: {  	[tilespmem:s11+$0x18020] =	vst v2;
	v2 =	vld [tilespmem:s11+$0x4040]  }
0x445: {  	[tilespmem:s11+$0x19020] =	vst v3;
	v3 =	vadd.f32 v5, v1;
	v5 =	vld [tilespmem:s11+$0x16040]  }
0x446: {  	v7 =	vadd.f32 v8, v1;
	v8 =	vld [tilespmem:s11+$0x17040]  }
0x447: {  	[tilespmem:s11+$0x16030] =	vst v3;
	v3 =	vadd.f32 v6, v1;
	v6 =	vld [tilespmem:s11+$0x18040]  }
0x448: {  	[tilespmem:s11+$0x17030] =	vst v7;
	v1 =	vadd.f32 v4, v1;
	v4 =	vld [tilespmem:s11+$0x19040]  }
0x449: {  	[tilespmem:s11+$0x18030] =	vst v3;
	v3 =	vld [tilespmem:s11+$0x4050]  }
0x44a: {  	[tilespmem:s11+$0x19030] =	vst v1;
	v1 =	vadd.f32 v5, v2;
	v5 =	vld [tilespmem:s11+$0x16050]  }
0x44b: {  	v7 =	vadd.f32 v8, v2;
	v8 =	vld [tilespmem:s11+$0x17050]  }
0x44c: {  	[tilespmem:s11+$0x16040] =	vst v1;
	v1 =	vadd.f32 v6, v2;
	v6 =	vld [tilespmem:s11+$0x18050]  }
0x44d: {  	[tilespmem:s11+$0x17040] =	vst v7;
	v2 =	vadd.f32 v4, v2;
	v4 =	vld [tilespmem:s11+$0x19050]  }
0x44e: {  	[tilespmem:s11+$0x18040] =	vst v1;
	v1 =	vld [tilespmem:s11+$0x4060]  }
0x44f: {  	[tilespmem:s11+$0x19040] =	vst v2;
	v2 =	vadd.f32 v5, v3;
	v5 =	vld [tilespmem:s11+$0x16060]  }
0x450: {  	v7 =	vadd.f32 v8, v3;
	v8 =	vld [tilespmem:s11+$0x17060]  }
0x451: {  	[tilespmem:s11+$0x16050] =	vst v2;
	v2 =	vadd.f32 v6, v3;
	v6 =	vld [tilespmem:s11+$0x18060]  }
0x452: {  	[tilespmem:s11+$0x17050] =	vst v7;
	v3 =	vadd.f32 v4, v3;
	v4 =	vld [tilespmem:s11+$0x19060]  }
0x453: {  	[tilespmem:s11+$0x18050] =	vst v2;
	v2 =	vld [tilespmem:s11+$0x4070]  }
0x454: {  	[tilespmem:s11+$0x19050] =	vst v3;
	v3 =	vadd.f32 v5, v1;
	v5 =	vld [tilespmem:s11+$0x16070]  }
0x455: {  	v7 =	vadd.f32 v8, v1;
	v8 =	vld [tilespmem:s11+$0x17070]  }
0x456: {  	[tilespmem:s11+$0x16060] =	vst v3;
	v3 =	vadd.f32 v6, v1;
	v6 =	vld [tilespmem:s11+$0x18070]  }
0x457: {  	[tilespmem:s11+$0x17060] =	vst v7;
	v1 =	vadd.f32 v4, v1;
	v4 =	vld [tilespmem:s11+$0x19070]  }
0x458: {  	[tilespmem:s11+$0x18060] =	vst v3;
	v3 =	vld [tilespmem:s11+$0x4080]  }
0x459: {  	[tilespmem:s11+$0x19060] =	vst v1;
	v1 =	vadd.f32 v5, v2;
	v5 =	vld [tilespmem:s11+$0x16080]  }
0x45a: {  	v7 =	vadd.f32 v8, v2;
	v8 =	vld [tilespmem:s11+$0x17080]  }
0x45b: {  	[tilespmem:s11+$0x16070] =	vst v1;
	v1 =	vadd.f32 v6, v2;
	v6 =	vld [tilespmem:s11+$0x18080]  }
0x45c: {  	[tilespmem:s11+$0x17070] =	vst v7;
	v2 =	vadd.f32 v4, v2;
	v4 =	vld [tilespmem:s11+$0x19080]  }
0x45d: {  	[tilespmem:s11+$0x18070] =	vst v1;
	v1 =	vld [tilespmem:s11+$0x4090]  }
0x45e: {  	[tilespmem:s11+$0x19070] =	vst v2;
	v2 =	vadd.f32 v5, v3;
	v5 =	vld [tilespmem:s11+$0x16090]  }
0x45f: {  	v7 =	vadd.f32 v8, v3;
	v8 =	vld [tilespmem:s11+$0x17090]  }
0x460: {  	[tilespmem:s11+$0x16080] =	vst v2;
	v2 =	vadd.f32 v6, v3;
	v6 =	vld [tilespmem:s11+$0x18090]  }
0x461: {  	[tilespmem:s11+$0x17080] =	vst v7;
	v3 =	vadd.f32 v4, v3;
	v4 =	vld [tilespmem:s11+$0x19090]  }
0x462: {  	[tilespmem:s11+$0x18080] =	vst v2;
	v2 =	vld [tilespmem:s11+$0x40A0]  }
0x463: {  	[tilespmem:s11+$0x19080] =	vst v3;
	v3 =	vadd.f32 v5, v1;
	v5 =	vld [tilespmem:s11+$0x160A0]  }
0x464: {  	v7 =	vadd.f32 v8, v1;
	v8 =	vld [tilespmem:s11+$0x170A0]  }
0x465: {  	[tilespmem:s11+$0x16090] =	vst v3;
	v3 =	vadd.f32 v6, v1;
	v6 =	vld [tilespmem:s11+$0x180A0]  }
0x466: {  	[tilespmem:s11+$0x17090] =	vst v7;
	v1 =	vadd.f32 v4, v1;
	v4 =	vld [tilespmem:s11+$0x190A0]  }
0x467: {  	[tilespmem:s11+$0x18090] =	vst v3;
	v3 =	vld [tilespmem:s11+$0x40B0]  }
0x468: {  	[tilespmem:s11+$0x19090] =	vst v1;
	v1 =	vadd.f32 v5, v2;
	v5 =	vld [tilespmem:s11+$0x160B0]  }
0x469: {  	v7 =	vadd.f32 v8, v2;
	v8 =	vld [tilespmem:s11+$0x170B0]  }
0x46a: {  	[tilespmem:s11+$0x160A0] =	vst v1;
	v1 =	vadd.f32 v6, v2;
	v6 =	vld [tilespmem:s11+$0x180B0]  }
0x46b: {  	[tilespmem:s11+$0x170A0] =	vst v7;
	v2 =	vadd.f32 v4, v2;
	v4 =	vld [tilespmem:s11+$0x190B0]  }
0x46c: {  	[tilespmem:s11+$0x180A0] =	vst v1;
	v1 =	vld [tilespmem:s11+$0x40C0]  }
0x46d: {  	[tilespmem:s11+$0x190A0] =	vst v2;
	v2 =	vadd.f32 v5, v3;
	v5 =	vld [tilespmem:s11+$0x160C0]  }
0x46e: {  	v7 =	vadd.f32 v8, v3;
	v8 =	vld [tilespmem:s11+$0x170C0]  }
0x46f: {  	[tilespmem:s11+$0x160B0] =	vst v2;
	v2 =	vadd.f32 v6, v3;
	v6 =	vld [tilespmem:s11+$0x180C0]  }
0x470: {  	[tilespmem:s11+$0x170B0] =	vst v7;
	v3 =	vadd.f32 v4, v3;
	v4 =	vld [tilespmem:s11+$0x190C0]  }
0x471: {  	[tilespmem:s11+$0x180B0] =	vst v2;
	v2 =	vld [tilespmem:s11+$0x40D0]  }
0x472: {  	[tilespmem:s11+$0x190B0] =	vst v3;
	v3 =	vadd.f32 v5, v1;
	v5 =	vld [tilespmem:s11+$0x160D0]  }
0x473: {  	v7 =	vadd.f32 v8, v1;
	v8 =	vld [tilespmem:s11+$0x170D0]  }
0x474: {  	[tilespmem:s11+$0x160C0] =	vst v3;
	v3 =	vadd.f32 v6, v1;
	v9 =	vld [tilespmem:s11+$0x180D0]  }
0x475: {  	[tilespmem:s11+$0x170C0] =	vst v7;
	v4 =	vadd.f32 v4, v1;
	v7 =	vld [tilespmem:s11+$0x190D0]  }
0x476: {  	[tilespmem:s11+$0x180C0] =	vst v3;
	v1 =	vld [tilespmem:s11+$0x40E0]  }
0x477: {  	[tilespmem:s11+$0x190C0] =	vst v4;
	v3 =	vadd.f32 v5, v2;
	v5 =	vld [tilespmem:s11+$0x160E0]  }
.Ltmp31:
0x478: {  	v4 =	vadd.f32 v8, v2;
	v6 =	vld [tilespmem:s11+$0x170E0];
	(pc) =	sbr.rel @p1 .LBB2_40-.Ltmp31, $4  }
0x479: {  	[tilespmem:s11+$0x160D0] =	vst v3;
	v8 =	vadd.f32 v9, v2;
	v3 =	vld [tilespmem:s11+$0x180E0]  }
0x47a: {  	[tilespmem:s11+$0x170D0] =	vst v4;
	v7 =	vadd.f32 v7, v2;
	v4 =	vld [tilespmem:s11+$0x190E0]  }
0x47b: {  	[tilespmem:s11+$0x180D0] =	vst v8;
	v2 =	vld [tilespmem:s11+$0x160F0]  }
0x47c: {  	s15 =	sadd.s32 $0x400, s15;
	[tilespmem:s11+$0x190D0] =	vst v7;
	v7 =	vadd.f32 v5, v1;
	v5 =	vld [tilespmem:s11+$0x170F0]  }
0x47d: {  	v6 =	vadd.f32 v6, v1;
	v8 =	vld [tilespmem:s11+$0x180F0]  }
0x47e: {  	[tilespmem:s11+$0x160E0] =	vst v7;
	v3 =	vadd.f32 v3, v1  }
0x47f: {  	[tilespmem:s11+$0x170E0] =	vst v6;
	v61 =	vadd.f32 v4, v1  }
0x480: {  	[tilespmem:s11+$0x180E0] =	vst v3;
	v2 =	vadd.f32 v2, v0  }
0x481: {  	s12 =	sadd.s32 s6, s26;
	s13 =	sshll.u32 s26, $0x4;
	[tilespmem:s11+$0x190E0] =	vst v61;
	v62 =	vadd.f32 v5, v0  }
0x482: {  	s12 =	sshll.u32 s12, $0x9;
	s13 =	sand.u32 $0x70, s13;
	[tilespmem:s11+$0x160F0] =	vst v2;
	v63 =	vadd.f32 v8, v0  }
0x483: {  	s12 =	sand.u32 $0xFF000, s12;
	s13 =	sadd.s32 s4, s13;
	[tilespmem:s11+$0x170F0] =	vst v62  }
0x484: {  	s16 =	sadd.s32 s12, s13;
	[tilespmem:s11+$0x180F0] =	vst v63  }
0x485: {  	[hbm4b:s16+s7] =	stream.strided.scatter [tilespmem:s0], [sflag:$0xB], $0x1000, s9, s7, $0x38;
	[tilespmem:$0x1E000] =	vst v63  }
0x486: {  	s12 =	sadd.s32 $0x100000, s16  }
0x487: {  	[hbm4b:s12+s7] =	stream.strided.scatter [tilespmem:s1], [sflag:$0xB], $0x1000, s9, s7, $0x38;
	[tilespmem:$0x1E000] =	vst v63  }
0x488: {  	s17 =	sadd.s32 $0x200000, s16  }
0x489: {  	[hbm4b:s17+s7] =	stream.strided.scatter [tilespmem:s8], [sflag:$0xB], $0x1000, s9, s7, $0x38;
	[tilespmem:$0x1E000] =	vst v63  }
0x48a: {  	s11 =	sadd.s32 $0x300000, s16  }
0x48b: {  	[hbm4b:s11+s7] =	stream.strided.scatter [tilespmem:s10], [sflag:$0xB], $0x1000, s9, s7, $0x38;
	[tilespmem:$0x1E000] =	vst v63  }
.LBB2_42:
.Ltmp32:
0x48c: {  	(pc) =	sbr.rel @!p0 .LBB2_46-.Ltmp32, $1  }
0x48d: {  	_ =	sdelay $0x3  }
0x48e: {  	s11 =	simm.s32 $0x0  }
0x48f: {  	v0 =	vld [tilespmem:s11+$0x50F0]  }
0x490: {  	v1 =	vld [tilespmem:s11+$0x1D0F0]  }
0x491: {  	v2 =	vld [tilespmem:s11+$0x5000]  }
0x492: {  	v3 =	vld [tilespmem:s11+$0x1A000]  }
0x493: {  	v4 =	vld [tilespmem:s11+$0x1B000]  }
0x494: {  	v5 =	vld [tilespmem:s11+$0x1C000]  }
0x495: {  	v6 =	vld [tilespmem:s11+$0x1D000]  }
0x496: {  	v7 =	vld [tilespmem:s11+$0x5010]  }
0x497: {  	v8 =	vld [tilespmem:s11+$0x1A010]  }
0x498: {  	v9 =	vld [tilespmem:s11+$0x1B010]  }
0x499: {  	v10 =	vld [tilespmem:s11+$0x1C010]  }
0x49a: {  	v11 =	vld [tilespmem:s11+$0x1D010]  }
0x49b: {  	v12 =	vld [tilespmem:s11+$0x5020]  }
0x49c: {  	v13 =	vld [tilespmem:s11+$0x1A020]  }
0x49d: {  	v14 =	vld [tilespmem:s11+$0x1B020]  }
0x49e: {  	v15 =	vld [tilespmem:s11+$0x1C020]  }
0x49f: {  	v16 =	vld [tilespmem:s11+$0x1D020]  }
0x4a0: {  	v17 =	vld [tilespmem:s11+$0x5030]  }
0x4a1: {  	v18 =	vld [tilespmem:s11+$0x1A030]  }
0x4a2: {  	v19 =	vld [tilespmem:s11+$0x1B030];
	v1 =	vadd.f32 v1, v0  }
0x4a3: {  	v20 =	vld [tilespmem:s11+$0x1C030];
	v3 =	vadd.f32 v3, v2  }
0x4a4: {  	v21 =	vld [tilespmem:s11+$0x1D030];
	[tilespmem:s11+$0x1D0F0] =	vst v1;
	v1 =	vadd.f32 v4, v2  }
0x4a5: {  	v43 =	vld [tilespmem:s11+$0x5050];
	[tilespmem:s11+$0x1A000] =	vst v3;
	v3 =	vadd.f32 v5, v2  }
0x4a6: {  	v44 =	vld [tilespmem:s11+$0x1B050];
	[tilespmem:s11+$0x1B000] =	vst v1;
	v1 =	vadd.f32 v6, v2  }
0x4a7: {  	v45 =	vld [tilespmem:s11+$0x1C050];
	[tilespmem:s11+$0x1C000] =	vst v3;
	v3 =	vadd.f32 v8, v7  }
0x4a8: {  	v46 =	vld [tilespmem:s11+$0x1D050];
	[tilespmem:s11+$0x1D000] =	vst v1;
	v1 =	vadd.f32 v9, v7  }
0x4a9: {  	v47 =	vld [tilespmem:s11+$0x5060];
	[tilespmem:s11+$0x1A010] =	vst v3;
	v3 =	vadd.f32 v10, v7  }
0x4aa: {  	v48 =	vld [tilespmem:s11+$0x1A060];
	[tilespmem:s11+$0x1B010] =	vst v1;
	v1 =	vadd.f32 v11, v7  }
0x4ab: {  	v49 =	vld [tilespmem:s11+$0x1B060];
	[tilespmem:s11+$0x1C010] =	vst v3;
	v3 =	vadd.f32 v13, v12  }
0x4ac: {  	v50 =	vld [tilespmem:s11+$0x1C060];
	[tilespmem:s11+$0x1D010] =	vst v1;
	v1 =	vadd.f32 v14, v12  }
0x4ad: {  	v4 =	vld [tilespmem:s11+$0x5040];
	[tilespmem:s11+$0x1A020] =	vst v3;
	v3 =	vadd.f32 v15, v12  }
0x4ae: {  	v5 =	vld [tilespmem:s11+$0x1A040];
	[tilespmem:s11+$0x1B020] =	vst v1;
	v1 =	vadd.f32 v16, v12  }
0x4af: {  	v2 =	vld [tilespmem:s11+$0x1B040];
	[tilespmem:s11+$0x1C020] =	vst v3;
	v3 =	vadd.f32 v18, v17  }
0x4b0: {  	v6 =	vld [tilespmem:s11+$0x1C040];
	[tilespmem:s11+$0x1D020] =	vst v1;
	v1 =	vadd.f32 v19, v17  }
0x4b1: {  	v8 =	vld [tilespmem:s11+$0x1D040];
	[tilespmem:s11+$0x1A030] =	vst v3;
	v3 =	vadd.f32 v20, v17  }
0x4b2: {  	v7 =	vld [tilespmem:s11+$0x1A050];
	[tilespmem:s11+$0x1B030] =	vst v1;
	v1 =	vadd.f32 v21, v17  }
0x4b3: {  	v51 =	vld [tilespmem:s11+$0x1D060];
	[tilespmem:s11+$0x1C030] =	vst v3;
	v3 =	vadd.f32 v5, v4  }
0x4b4: {  	v5 =	vld [tilespmem:s11+$0x5070];
	[tilespmem:s11+$0x1D030] =	vst v1;
	v1 =	vadd.f32 v2, v4  }
0x4b5: {  	v2 =	vld [tilespmem:s11+$0x1A070];
	[tilespmem:s11+$0x1A040] =	vst v3;
	v3 =	vadd.f32 v6, v4  }
0x4b6: {  	v52 =	vld [tilespmem:s11+$0x1A080];
	[tilespmem:s11+$0x1B040] =	vst v1;
	v1 =	vadd.f32 v8, v4  }
0x4b7: {  	v53 =	vld [tilespmem:s11+$0x1B080];
	[tilespmem:s11+$0x1C040] =	vst v3;
	v3 =	vadd.f32 v7, v43  }
0x4b8: {  	v54 =	vld [tilespmem:s11+$0x1C080];
	[tilespmem:s11+$0x1D040] =	vst v1;
	v1 =	vadd.f32 v44, v43  }
0x4b9: {  	v4 =	vld [tilespmem:s11+$0x1C070];
	[tilespmem:s11+$0x1A050] =	vst v3;
	v3 =	vadd.f32 v45, v43  }
0x4ba: {  	v55 =	vld [tilespmem:s11+$0x1D080];
	v2 =	vadd.f32 v2, v5;
	[tilespmem:s11+$0x1B050] =	vst v1  }
0x4bb: {  	v56 =	vld [tilespmem:s11+$0x5090];
	v1 =	vadd.f32 v46, v43;
	[tilespmem:s11+$0x1C050] =	vst v3  }
0x4bc: {  	v6 =	vld [tilespmem:s11+$0x1B070];
	v3 =	vadd.f32 v48, v47;
	[tilespmem:s11+$0x1A070] =	vst v2  }
0x4bd: {  	v8 =	vld [tilespmem:s11+$0x5080];
	[tilespmem:s11+$0x1D050] =	vst v1;
	v1 =	vadd.f32 v49, v47  }
0x4be: {  	v7 =	vld [tilespmem:s11+$0x1D070];
	v2 =	vadd.f32 v4, v5;
	[tilespmem:s11+$0x1A060] =	vst v3  }
0x4bf: {  	v57 =	vld [tilespmem:s11+$0x1A090];
	[tilespmem:s11+$0x1B060] =	vst v1;
	v1 =	vadd.f32 v51, v47  }
0x4c0: {  	v58 =	vld [tilespmem:s11+$0x1B0A0];
	v3 =	vadd.f32 v50, v47;
	[tilespmem:s11+$0x1C070] =	vst v2  }
0x4c1: {  	v59 =	vld [tilespmem:s11+$0x1C0A0];
	[tilespmem:s11+$0x1D060] =	vst v1;
	v1 =	vadd.f32 v6, v5  }
0x4c2: {  	v2 =	vadd.f32 v52, v8;
	[tilespmem:s11+$0x1C060] =	vst v3;
	v3 =	vld [tilespmem:s11+$0x1B090]  }
0x4c3: {  	v6 =	vld [tilespmem:s11+$0x1C090];
	[tilespmem:s11+$0x1B070] =	vst v1;
	v1 =	vadd.f32 v7, v5  }
0x4c4: {  	[tilespmem:s11+$0x1A080] =	vst v2;
	v2 =	vadd.f32 v54, v8;
	v5 =	vld [tilespmem:s11+$0x50A0]  }
0x4c5: {  	v7 =	vld [tilespmem:s11+$0x1A0A0];
	[tilespmem:s11+$0x1D070] =	vst v1;
	v1 =	vadd.f32 v53, v8  }
0x4c6: {  	v4 =	vld [tilespmem:s11+$0x1D090];
	[tilespmem:s11+$0x1C080] =	vst v2;
	v2 =	vadd.f32 v57, v56  }
0x4c7: {  	v60 =	vld [tilespmem:s11+$0x50B0];
	[tilespmem:s11+$0x1B080] =	vst v1;
	v1 =	vadd.f32 v55, v8  }
0x4c8: {  	v61 =	vld [tilespmem:s11+$0x50C0];
	[tilespmem:s11+$0x1A090] =	vst v2;
	v2 =	vadd.f32 v6, v56  }
0x4c9: {  	[tilespmem:s11+$0x1D080] =	vst v1;
	v1 =	vadd.f32 v3, v56;
	v3 =	vld [tilespmem:s11+$0x1A0B0]  }
0x4ca: {  	v8 =	vld [tilespmem:s11+$0x1D0A0];
	[tilespmem:s11+$0x1C090] =	vst v2;
	v2 =	vadd.f32 v7, v5  }
0x4cb: {  	v6 =	vld [tilespmem:s11+$0x1B0B0];
	[tilespmem:s11+$0x1B090] =	vst v1;
	v1 =	vadd.f32 v4, v56  }
0x4cc: {  	[tilespmem:s11+$0x1A0A0] =	vst v2;
	v2 =	vadd.f32 v59, v5;
	v4 =	vld [tilespmem:s11+$0x1C0B0]  }
0x4cd: {  	v62 =	vld [tilespmem:s11+$0x1A0C0];
	[tilespmem:s11+$0x1D090] =	vst v1;
	v1 =	vadd.f32 v58, v5  }
0x4ce: {  	v7 =	vld [tilespmem:s11+$0x1D0B0];
	[tilespmem:s11+$0x1C0A0] =	vst v2;
	v2 =	vadd.f32 v3, v60  }
0x4cf: {  	v3 =	vld [tilespmem:s11+$0x1C0C0];
	[tilespmem:s11+$0x1B0A0] =	vst v1;
	v1 =	vadd.f32 v8, v5  }
0x4d0: {  	v5 =	vld [tilespmem:s11+$0x1B0C0];
	[tilespmem:s11+$0x1A0B0] =	vst v2  }
0x4d1: {  	v2 =	vadd.f32 v4, v60;
	v4 =	vld [tilespmem:s11+$0x50D0];
	[tilespmem:s11+$0x1D0A0] =	vst v1;
	v1 =	vadd.f32 v6, v60  }
0x4d2: {  	v6 =	vld [tilespmem:s11+$0x1D0C0]  }
0x4d3: {  	[tilespmem:s11+$0x1B0B0] =	vst v1;
	v1 =	vadd.f32 v7, v60;
	v7 =	vld [tilespmem:s11+$0x1A0D0]  }
0x4d4: {  	v8 =	vld [tilespmem:s11+$0x1B0D0];
	[tilespmem:s11+$0x1C0B0] =	vst v2;
	v2 =	vadd.f32 v62, v61  }
0x4d5: {  	[tilespmem:s11+$0x1D0B0] =	vst v1;
	v1 =	vadd.f32 v5, v61;
	v5 =	vld [tilespmem:s11+$0x1C0D0]  }
0x4d6: {  	v63 =	vld [tilespmem:s11+$0x1D0D0];
	[tilespmem:s11+$0x1A0C0] =	vst v2;
	v2 =	vadd.f32 v3, v61  }
0x4d7: {  	v3 =	vadd.f32 v6, v61;
	[tilespmem:s11+$0x1B0C0] =	vst v1;
	v1 =	vld [tilespmem:s11+$0x50E0]  }
0x4d8: {  	[tilespmem:s11+$0x1C0C0] =	vst v2;
	v2 =	vadd.f32 v7, v4;
	v7 =	vld [tilespmem:s11+$0x1A0E0]  }
0x4d9: {  	v8 =	vadd.f32 v8, v4;
	v6 =	vld [tilespmem:s11+$0x1B0E0];
	[tilespmem:s11+$0x1D0C0] =	vst v3  }
0x4da: {  	v3 =	vld [tilespmem:s11+$0x1C0E0];
	[tilespmem:s11+$0x1A0D0] =	vst v2;
	v2 =	vadd.f32 v5, v4  }
0x4db: {  	[tilespmem:s11+$0x1B0D0] =	vst v8;
	v5 =	vadd.f32 v63, v4;
	v4 =	vld [tilespmem:s11+$0x1D0E0]  }
0x4dc: {  	[tilespmem:s11+$0x1C0D0] =	vst v2;
	v2 =	vld [tilespmem:s11+$0x1A0F0]  }
0x4dd: {  	s13 =	simm.s32 $0x0;
	s15 =	simm.s32 $0x400;
	[tilespmem:s11+$0x1D0D0] =	vst v5;
	v5 =	vld [tilespmem:s11+$0x1B0F0];
	v7 =	vadd.f32 v7, v1  }
.LBB2_44:
0x4de: {  	s12 =	sshra.s32 s15, $0x2;
	v6 =	vadd.f32 v6, v1;
	v8 =	vld [tilespmem:s11+$0x1C0F0]  }
0x4df: {  	s13 =	sadd.s32 $0x10, s13;
	v9 =	vld [tilespmem:s12+$0x50F0];
	[tilespmem:s11+$0x1A0E0] =	vst v7;
	v3 =	vadd.f32 v3, v1  }
0x4e0: {  	p0 =	slt.u32 s13, $0xF0;
	v7 =	vld [tilespmem:s12+$0x1D0F0];
	[tilespmem:s11+$0x1B0E0] =	vst v6;
	v1 =	vadd.f32 v4, v1  }
0x4e1: {  	v4 =	vld [tilespmem:s12+$0x5000];
	[tilespmem:s11+$0x1C0E0] =	vst v3;
	v2 =	vadd.f32 v2, v0  }
0x4e2: {  	v3 =	vld [tilespmem:s12+$0x1A000];
	[tilespmem:s11+$0x1D0E0] =	vst v1;
	v1 =	vadd.f32 v5, v0  }
0x4e3: {  	v5 =	vld [tilespmem:s12+$0x1B000];
	[tilespmem:s11+$0x1A0F0] =	vst v2;
	v2 =	vadd.f32 v8, v0  }
0x4e4: {  	v6 =	vld [tilespmem:s12+$0x1C000];
	[tilespmem:s11+$0x1B0F0] =	vst v1;
	v0 =	vmov v9  }
0x4e5: {  	v1 =	vld [tilespmem:s12+$0x1D000];
	v7 =	vadd.f32 v7, v0;
	[tilespmem:s11+$0x1C0F0] =	vst v2;
	s11 =	smov.u32 s12  }
0x4e6: {  	v2 =	vld [tilespmem:s11+$0x5010]  }
0x4e7: {  	v3 =	vadd.f32 v3, v4;
	v8 =	vld [tilespmem:s11+$0x1A010];
	[tilespmem:s11+$0x1D0F0] =	vst v7  }
0x4e8: {  	v5 =	vadd.f32 v5, v4;
	v7 =	vld [tilespmem:s11+$0x1B010]  }
0x4e9: {  	[tilespmem:s11+$0x1A000] =	vst v3;
	v3 =	vadd.f32 v6, v4;
	v6 =	vld [tilespmem:s11+$0x1C010]  }
0x4ea: {  	[tilespmem:s11+$0x1B000] =	vst v5;
	v1 =	vadd.f32 v1, v4;
	v4 =	vld [tilespmem:s11+$0x1D010]  }
0x4eb: {  	[tilespmem:s11+$0x1C000] =	vst v3;
	v3 =	vld [tilespmem:s11+$0x5020]  }
0x4ec: {  	[tilespmem:s11+$0x1D000] =	vst v1;
	v1 =	vadd.f32 v8, v2;
	v5 =	vld [tilespmem:s11+$0x1A020]  }
0x4ed: {  	v7 =	vadd.f32 v7, v2;
	v8 =	vld [tilespmem:s11+$0x1B020]  }
0x4ee: {  	[tilespmem:s11+$0x1A010] =	vst v1;
	v1 =	vadd.f32 v6, v2;
	v6 =	vld [tilespmem:s11+$0x1C020]  }
0x4ef: {  	[tilespmem:s11+$0x1B010] =	vst v7;
	v2 =	vadd.f32 v4, v2;
	v4 =	vld [tilespmem:s11+$0x1D020]  }
0x4f0: {  	[tilespmem:s11+$0x1C010] =	vst v1;
	v1 =	vld [tilespmem:s11+$0x5030]  }
0x4f1: {  	[tilespmem:s11+$0x1D010] =	vst v2;
	v2 =	vadd.f32 v5, v3;
	v5 =	vld [tilespmem:s11+$0x1A030]  }
0x4f2: {  	v7 =	vadd.f32 v8, v3;
	v8 =	vld [tilespmem:s11+$0x1B030]  }
0x4f3: {  	[tilespmem:s11+$0x1A020] =	vst v2;
	v2 =	vadd.f32 v6, v3;
	v6 =	vld [tilespmem:s11+$0x1C030]  }
0x4f4: {  	[tilespmem:s11+$0x1B020] =	vst v7;
	v3 =	vadd.f32 v4, v3;
	v4 =	vld [tilespmem:s11+$0x1D030]  }
0x4f5: {  	[tilespmem:s11+$0x1C020] =	vst v2;
	v2 =	vld [tilespmem:s11+$0x5040]  }
0x4f6: {  	[tilespmem:s11+$0x1D020] =	vst v3;
	v3 =	vadd.f32 v5, v1;
	v5 =	vld [tilespmem:s11+$0x1A040]  }
0x4f7: {  	v7 =	vadd.f32 v8, v1;
	v8 =	vld [tilespmem:s11+$0x1B040]  }
0x4f8: {  	[tilespmem:s11+$0x1A030] =	vst v3;
	v3 =	vadd.f32 v6, v1;
	v6 =	vld [tilespmem:s11+$0x1C040]  }
0x4f9: {  	[tilespmem:s11+$0x1B030] =	vst v7;
	v1 =	vadd.f32 v4, v1;
	v4 =	vld [tilespmem:s11+$0x1D040]  }
0x4fa: {  	[tilespmem:s11+$0x1C030] =	vst v3;
	v3 =	vld [tilespmem:s11+$0x5050]  }
0x4fb: {  	[tilespmem:s11+$0x1D030] =	vst v1;
	v1 =	vadd.f32 v5, v2;
	v5 =	vld [tilespmem:s11+$0x1A050]  }
0x4fc: {  	v7 =	vadd.f32 v8, v2;
	v8 =	vld [tilespmem:s11+$0x1B050]  }
0x4fd: {  	[tilespmem:s11+$0x1A040] =	vst v1;
	v1 =	vadd.f32 v6, v2;
	v6 =	vld [tilespmem:s11+$0x1C050]  }
0x4fe: {  	[tilespmem:s11+$0x1B040] =	vst v7;
	v2 =	vadd.f32 v4, v2;
	v4 =	vld [tilespmem:s11+$0x1D050]  }
0x4ff: {  	[tilespmem:s11+$0x1C040] =	vst v1;
	v1 =	vld [tilespmem:s11+$0x5060]  }
0x500: {  	[tilespmem:s11+$0x1D040] =	vst v2;
	v2 =	vadd.f32 v5, v3;
	v5 =	vld [tilespmem:s11+$0x1A060]  }
0x501: {  	v7 =	vadd.f32 v8, v3;
	v8 =	vld [tilespmem:s11+$0x1B060]  }
0x502: {  	[tilespmem:s11+$0x1A050] =	vst v2;
	v2 =	vadd.f32 v6, v3;
	v6 =	vld [tilespmem:s11+$0x1C060]  }
0x503: {  	[tilespmem:s11+$0x1B050] =	vst v7;
	v3 =	vadd.f32 v4, v3;
	v4 =	vld [tilespmem:s11+$0x1D060]  }
0x504: {  	[tilespmem:s11+$0x1C050] =	vst v2;
	v2 =	vld [tilespmem:s11+$0x5070]  }
0x505: {  	[tilespmem:s11+$0x1D050] =	vst v3;
	v3 =	vadd.f32 v5, v1;
	v5 =	vld [tilespmem:s11+$0x1A070]  }
0x506: {  	v7 =	vadd.f32 v8, v1;
	v8 =	vld [tilespmem:s11+$0x1B070]  }
0x507: {  	[tilespmem:s11+$0x1A060] =	vst v3;
	v3 =	vadd.f32 v6, v1;
	v6 =	vld [tilespmem:s11+$0x1C070]  }
0x508: {  	[tilespmem:s11+$0x1B060] =	vst v7;
	v1 =	vadd.f32 v4, v1;
	v4 =	vld [tilespmem:s11+$0x1D070]  }
0x509: {  	[tilespmem:s11+$0x1C060] =	vst v3;
	v3 =	vld [tilespmem:s11+$0x5080]  }
0x50a: {  	[tilespmem:s11+$0x1D060] =	vst v1;
	v1 =	vadd.f32 v5, v2;
	v5 =	vld [tilespmem:s11+$0x1A080]  }
0x50b: {  	v7 =	vadd.f32 v8, v2;
	v8 =	vld [tilespmem:s11+$0x1B080]  }
0x50c: {  	[tilespmem:s11+$0x1A070] =	vst v1;
	v1 =	vadd.f32 v6, v2;
	v6 =	vld [tilespmem:s11+$0x1C080]  }
0x50d: {  	[tilespmem:s11+$0x1B070] =	vst v7;
	v2 =	vadd.f32 v4, v2;
	v4 =	vld [tilespmem:s11+$0x1D080]  }
0x50e: {  	[tilespmem:s11+$0x1C070] =	vst v1;
	v1 =	vld [tilespmem:s11+$0x5090]  }
0x50f: {  	[tilespmem:s11+$0x1D070] =	vst v2;
	v2 =	vadd.f32 v5, v3;
	v5 =	vld [tilespmem:s11+$0x1A090]  }
0x510: {  	v7 =	vadd.f32 v8, v3;
	v8 =	vld [tilespmem:s11+$0x1B090]  }
0x511: {  	[tilespmem:s11+$0x1A080] =	vst v2;
	v2 =	vadd.f32 v6, v3;
	v6 =	vld [tilespmem:s11+$0x1C090]  }
0x512: {  	[tilespmem:s11+$0x1B080] =	vst v7;
	v3 =	vadd.f32 v4, v3;
	v4 =	vld [tilespmem:s11+$0x1D090]  }
0x513: {  	[tilespmem:s11+$0x1C080] =	vst v2;
	v2 =	vld [tilespmem:s11+$0x50A0]  }
0x514: {  	[tilespmem:s11+$0x1D080] =	vst v3;
	v3 =	vadd.f32 v5, v1;
	v5 =	vld [tilespmem:s11+$0x1A0A0]  }
0x515: {  	v7 =	vadd.f32 v8, v1;
	v8 =	vld [tilespmem:s11+$0x1B0A0]  }
0x516: {  	[tilespmem:s11+$0x1A090] =	vst v3;
	v3 =	vadd.f32 v6, v1;
	v6 =	vld [tilespmem:s11+$0x1C0A0]  }
0x517: {  	[tilespmem:s11+$0x1B090] =	vst v7;
	v1 =	vadd.f32 v4, v1;
	v4 =	vld [tilespmem:s11+$0x1D0A0]  }
0x518: {  	[tilespmem:s11+$0x1C090] =	vst v3;
	v3 =	vld [tilespmem:s11+$0x50B0]  }
0x519: {  	[tilespmem:s11+$0x1D090] =	vst v1;
	v1 =	vadd.f32 v5, v2;
	v5 =	vld [tilespmem:s11+$0x1A0B0]  }
0x51a: {  	v7 =	vadd.f32 v8, v2;
	v8 =	vld [tilespmem:s11+$0x1B0B0]  }
0x51b: {  	[tilespmem:s11+$0x1A0A0] =	vst v1;
	v1 =	vadd.f32 v6, v2;
	v6 =	vld [tilespmem:s11+$0x1C0B0]  }
0x51c: {  	[tilespmem:s11+$0x1B0A0] =	vst v7;
	v2 =	vadd.f32 v4, v2;
	v4 =	vld [tilespmem:s11+$0x1D0B0]  }
0x51d: {  	[tilespmem:s11+$0x1C0A0] =	vst v1;
	v1 =	vld [tilespmem:s11+$0x50C0]  }
0x51e: {  	[tilespmem:s11+$0x1D0A0] =	vst v2;
	v2 =	vadd.f32 v5, v3;
	v5 =	vld [tilespmem:s11+$0x1A0C0]  }
0x51f: {  	v7 =	vadd.f32 v8, v3;
	v8 =	vld [tilespmem:s11+$0x1B0C0]  }
0x520: {  	[tilespmem:s11+$0x1A0B0] =	vst v2;
	v2 =	vadd.f32 v6, v3;
	v6 =	vld [tilespmem:s11+$0x1C0C0]  }
0x521: {  	[tilespmem:s11+$0x1B0B0] =	vst v7;
	v3 =	vadd.f32 v4, v3;
	v4 =	vld [tilespmem:s11+$0x1D0C0]  }
0x522: {  	[tilespmem:s11+$0x1C0B0] =	vst v2;
	v2 =	vld [tilespmem:s11+$0x50D0]  }
0x523: {  	[tilespmem:s11+$0x1D0B0] =	vst v3;
	v3 =	vadd.f32 v5, v1;
	v5 =	vld [tilespmem:s11+$0x1A0D0]  }
0x524: {  	v7 =	vadd.f32 v8, v1;
	v8 =	vld [tilespmem:s11+$0x1B0D0]  }
0x525: {  	[tilespmem:s11+$0x1A0C0] =	vst v3;
	v3 =	vadd.f32 v6, v1;
	v9 =	vld [tilespmem:s11+$0x1C0D0]  }
0x526: {  	[tilespmem:s11+$0x1B0C0] =	vst v7;
	v4 =	vadd.f32 v4, v1;
	v7 =	vld [tilespmem:s11+$0x1D0D0]  }
0x527: {  	[tilespmem:s11+$0x1C0C0] =	vst v3;
	v1 =	vld [tilespmem:s11+$0x50E0]  }
0x528: {  	[tilespmem:s11+$0x1D0C0] =	vst v4;
	v3 =	vadd.f32 v5, v2;
	v5 =	vld [tilespmem:s11+$0x1A0E0]  }
.Ltmp33:
0x529: {  	v4 =	vadd.f32 v8, v2;
	v6 =	vld [tilespmem:s11+$0x1B0E0];
	(pc) =	sbr.rel @p0 .LBB2_44-.Ltmp33, $4  }
0x52a: {  	[tilespmem:s11+$0x1A0D0] =	vst v3;
	v8 =	vadd.f32 v9, v2;
	v3 =	vld [tilespmem:s11+$0x1C0E0]  }
0x52b: {  	[tilespmem:s11+$0x1B0D0] =	vst v4;
	v7 =	vadd.f32 v7, v2;
	v4 =	vld [tilespmem:s11+$0x1D0E0]  }
0x52c: {  	[tilespmem:s11+$0x1C0D0] =	vst v8;
	v2 =	vld [tilespmem:s11+$0x1A0F0]  }
0x52d: {  	s15 =	sadd.s32 $0x400, s15;
	[tilespmem:s11+$0x1D0D0] =	vst v7;
	v7 =	vadd.f32 v5, v1;
	v5 =	vld [tilespmem:s11+$0x1B0F0]  }
0x52e: {  	v6 =	vadd.f32 v6, v1;
	v8 =	vld [tilespmem:s11+$0x1C0F0]  }
0x52f: {  	[tilespmem:s11+$0x1A0E0] =	vst v7;
	v3 =	vadd.f32 v3, v1  }
0x530: {  	[tilespmem:s11+$0x1B0E0] =	vst v6;
	v61 =	vadd.f32 v4, v1  }
0x531: {  	[tilespmem:s11+$0x1C0E0] =	vst v3;
	v2 =	vadd.f32 v2, v0  }
0x532: {  	s12 =	sadd.s32 s6, s26;
	s13 =	sshll.u32 s26, $0x4;
	[tilespmem:s11+$0x1D0E0] =	vst v61;
	v62 =	vadd.f32 v5, v0  }
0x533: {  	s12 =	sshll.u32 s12, $0x9;
	s13 =	sand.u32 $0x70, s13;
	[tilespmem:s11+$0x1A0F0] =	vst v2;
	v63 =	vadd.f32 v8, v0  }
0x534: {  	s12 =	sand.u32 $0xFF000, s12;
	s13 =	sadd.s32 s4, s13;
	[tilespmem:s11+$0x1B0F0] =	vst v62  }
0x535: {  	[tilespmem:s11+$0x1C0F0] =	vst v63;
	s11 =	sadd.s32 s12, s13;
	s13 =	simm.s32 $0x1A000  }
0x536: {  	[hbm4b:s11+s7] =	stream.strided.scatter [tilespmem:s13], [sflag:$0xC], $0x1000, s9, s7, $0x38;
	[tilespmem:$0x1E000] =	vst v63  }
0x537: {  	s15 =	simm.s32 $0x1B000;
	s14 =	sadd.s32 $0x100000, s11  }
0x538: {  	[hbm4b:s14+s7] =	stream.strided.scatter [tilespmem:s15], [sflag:$0xC], $0x1000, s9, s7, $0x38;
	[tilespmem:$0x1E000] =	vst v63  }
.Ltmp34:
0x539: {  	_ = 	snop;
	(pc) =	sbr.rel .LBB2_46-.Ltmp34, $4  }
0x53a: {  	s17 =	simm.s32 $0x1C000;
	s16 =	sadd.s32 $0x200000, s11  }
0x53b: {  	[hbm4b:s16+s7] =	stream.strided.scatter [tilespmem:s17], [sflag:$0xC], $0x1000, s9, s7, $0x38;
	[tilespmem:$0x1E000] =	vst v63  }
0x53c: {  	s11 =	sadd.s32 $0x300000, s11  }
0x53d: {  	[hbm4b:s11+s7] =	stream.strided.scatter [tilespmem:s5], [sflag:$0xC], $0x1000, s9, s7, $0x38;
	[tilespmem:$0x1E000] =	vst v63  }
.LBB2_48:
0x53e: {  	_ =	sfence.sel $0x180000  }
0x53f: {  	[bflag:$0x0] =	sbarrier.arrive $0xFFFF  }
0x540: {  	_ =	strace $0x90000047  }
0x541: {  	s0 =	stileid.u32;
	[bflag:$0x2] =	sbarrier.arrive $0xFFFF  }
0x542: {  	p0 =	sne.s32 s0, $0x0;
	s0 =	rddreg [dreg:$0x3]  }
0x543: {  	s0 =	sadd.s32 @!p0 $0x100000, s0  }
0x544: {  	[sflag:s0] =	ssyncadd.tile.s32 @!p0 $0x1;
	_ =	shalt  }
.Lfunc_end2:
_tile_overlayer_lowered:
.L_overlay_start_2:
0x545: {  	(tag) =	ssettag $0x2  }
0x546: {  	s0 =	rddreg [dreg:$0x0];
	s2 =	stileid.u32  }
0x547: {  	s1 =	rddreg [dreg:$0x1];
	p0 =	sne.s32 s2, $0x0  }
0x548: {  	s3 =	rddreg [dreg:$0x2];
	[bflag:$0x3] =	sbarrier.arrive $0xFFFF;
	s2 =	simm.s32 @!p0 $0x1C0D  }
0x549: {  	[timem:s3], [sflag:s2] =	dma.local @!p0 [hbm:s0], s1  }
0x54a: {  	s0 =	simm.s32 @!p0 $0xD  }
0x54b: {  	_ =	swait.ge @!p0 [sflag:s0], s1  }
0x54c: {  	s1 =	ssub.s32 @!p0 $0x0, s1;
	[sflag:s0] =	ssyncset.done @!p0 $0x0  }
0x54d: {  	[sflag:s0] =	ssyncadd.s32 @!p0 s1  }
0x54e: {  	[bflag:$0x3] =	sbarrier.arrive $0xFFFF  }
0x54f: {  	_ =	shalt  }

</sc_bundles>
